<compile_context>
chip_gen: v7x
topology: tpu7x:2x2x1
jax: 0.10.2.dev20260603
libtpu: 0.0.44.dev20260713+nightly
codegen_flags: <defaults>
</compile_context>

<pallas_src>
import functools

import jax
import jax.numpy as jnp
from jax import lax
from jax.experimental import pallas as pl
from jax.experimental.pallas import tpu as pltpu
from jax.experimental.pallas import tpu_sc as plsc

N = 10000
NP = 10240
E = 160000
D_IN = 256
F = 16
NCLS = 7

NC = 2
NS = 16
L = 16
NW = NC * NS
RPT = NP // NS
BM = 1024


def _sc_mesh():
    return plsc.VectorSubcoreMesh(core_axis_name="c", subcore_axis_name="s",
                                  num_cores=NC, num_subcores=NS)


_SC_PARAMS = pltpu.CompilerParams(needs_layout_passes=False,
                                  use_tc_tiling_on_sc=False)


KE16 = E // L


def _make_aggregate(FW, CHG):
    G = NS // FW
    SPLIT = NC * G
    KEQ = KE16 // SPLIT
    NCH = KEQ // CHG
    assert KEQ % CHG == 0 and NS % FW == 0 and KE16 % SPLIT == 0

    @functools.partial(
        pl.kernel,
        mesh=_sc_mesh(),
        compiler_params=_SC_PARAMS,
        out_type=jax.ShapeDtypeStruct((SPLIT, FW, NP), jnp.float32),
        scratch_types=[
            pltpu.VMEM((2, CHG, L), jnp.int32),
            pltpu.VMEM((2, CHG, L), jnp.int32),
            pltpu.VMEM((NP,), jnp.float32),
            pltpu.VMEM((NP,), jnp.float32),
            pltpu.SemaphoreType.DMA,
            pltpu.SemaphoreType.DMA,
            pltpu.SemaphoreType.DMA,
            pltpu.SemaphoreType.DMA,
        ],
    )
    def k(u_hbm, src_hbm, dst_hbm, out_hbm, src_v, dst_v, u_v, acc_v,
          sem_s0, sem_s1, sem_d0, sem_d1):
        c = lax.axis_index("c")
        s = lax.axis_index("s")
        col = s % FW
        q = c * G + s // FW

        ssems = (sem_s0, sem_s1)
        dsems = (sem_d0, sem_d1)

        def start(t, slot):
            pltpu.async_copy(src_hbm.at[q, pl.ds(t * CHG, CHG)],
                             src_v.at[slot], ssems[slot])
            pltpu.async_copy(dst_hbm.at[q, pl.ds(t * CHG, CHG)],
                             dst_v.at[slot], dsems[slot])

        def wait(t, slot):
            pltpu.make_async_copy(src_hbm.at[q, pl.ds(t * CHG, CHG)],
                                  src_v.at[slot], ssems[slot]).wait()
            pltpu.make_async_copy(dst_hbm.at[q, pl.ds(t * CHG, CHG)],
                                  dst_v.at[slot], dsems[slot]).wait()

        start(0, 0)
        pltpu.sync_copy(u_hbm.at[col], u_v)

        z16 = jnp.zeros((L,), jnp.float32)

        @plsc.parallel_loop(0, NP // L, unroll=4)
        def _(i):
            acc_v[pl.ds(i * L, L)] = z16

        for t in range(NCH):
            slot = t % 2
            if t + 1 < NCH:
                start(t + 1, (t + 1) % 2)
            wait(t, slot)

            @plsc.parallel_loop(0, CHG, unroll=4)
            def _(gf):
                sidx = src_v[slot, gf, :]
                didx = dst_v[slot, gf, :]
                vals = plsc.load_gather(u_v, [sidx])
                plsc.addupdate_scatter(acc_v, [didx], vals)

        pltpu.sync_copy(acc_v, out_hbm.at[q, col])

    return k


_agg8 = _make_aggregate(8, 500)

GPC = KE16 // NS
CH1 = 500
NCH1 = (KE16 // NC) // CH1


def _agg16_deg(uT, src2, dst2):

    @functools.partial(
        pl.kernel,
        mesh=_sc_mesh(),
        compiler_params=_SC_PARAMS,
        out_type=[
            jax.ShapeDtypeStruct((NC, F, NP), jnp.float32),
            jax.ShapeDtypeStruct((1, NP), jnp.float32),
        ],
        scratch_types=[
            pltpu.VMEM((2, CH1, L), jnp.int32),
            pltpu.VMEM((2, CH1, L), jnp.int32),
            pltpu.VMEM((GPC, L), jnp.int32),
            pltpu.VMEM((NP,), jnp.float32),
            pltpu.VMEM((NS, RPT), jnp.float32),
            pltpu.VMEM((NP,), jnp.float32),
            pltpu.VMEM((NP,), jnp.float32),
            pltpu.VMEM((NP,), jnp.float32),
            pltpu.VMEM_SHARED((NS, NP), jnp.float32),
            pltpu.VMEM_SHARED((NP,), jnp.float32),
            pltpu.SemaphoreType.DMA,
            pltpu.SemaphoreType.DMA,
            pltpu.SemaphoreType.DMA,
            pltpu.SemaphoreType.DMA,
            pltpu.SemaphoreType.DMA,
            pltpu.SemaphoreType.DMA,
        ],
    )
    def k(u_hbm, src_hbm, dst_hbm, out_hbm, dinv_hbm,
          src_v, dst_v, hist_v, deg_v, red_v, dinv_v, u_v, acc_v,
          deg_sh, dinv_sh, sem_s0, sem_s1, sem_d0, sem_d1, sem_h, sem_u):
        c = lax.axis_index("c")
        s = lax.axis_index("s")

        ssems = (sem_s0, sem_s1)
        dsems = (sem_d0, sem_d1)

        def start(t, slot):
            pltpu.async_copy(src_hbm.at[c, pl.ds(t * CH1, CH1)],
                             src_v.at[slot], ssems[slot])
            pltpu.async_copy(dst_hbm.at[c, pl.ds(t * CH1, CH1)],
                             dst_v.at[slot], dsems[slot])

        def wait(t, slot):
            pltpu.make_async_copy(src_hbm.at[c, pl.ds(t * CH1, CH1)],
                                  src_v.at[slot], ssems[slot]).wait()
            pltpu.make_async_copy(dst_hbm.at[c, pl.ds(t * CH1, CH1)],
                                  dst_v.at[slot], dsems[slot]).wait()

        hc = s // (NS // NC)
        hr = s % (NS // NC)
        pltpu.async_copy(dst_hbm.at[hc, pl.ds(hr * GPC, GPC)], hist_v, sem_h)
        pltpu.async_copy(u_hbm.at[s], u_v, sem_u)
        start(0, 0)

        z16 = jnp.zeros((L,), jnp.float32)

        @plsc.parallel_loop(0, NP // L, unroll=4)
        def _(i):
            deg_v[pl.ds(i * L, L)] = z16
            acc_v[pl.ds(i * L, L)] = z16

        pltpu.make_async_copy(dst_hbm.at[hc, pl.ds(hr * GPC, GPC)],
                              hist_v, sem_h).wait()
        ones16 = jnp.ones((L,), jnp.float32)

        @plsc.parallel_loop(0, GPC, unroll=4)
        def _(g):
            plsc.addupdate_scatter(deg_v, [hist_v[g, :]], ones16)

        pltpu.sync_copy(deg_v, deg_sh.at[s])
        plsc.subcore_barrier()

        for r in range(NS):
            pltpu.async_copy(deg_sh.at[r, pl.ds(s * RPT, RPT)],
                             red_v.at[r], sem_h)
        for r in range(NS):
            pltpu.make_async_copy(deg_sh.at[r, pl.ds(s * RPT, RPT)],
                                  red_v.at[r], sem_h).wait()

        half = jnp.full((L,), 0.5, jnp.float32)
        three_half = jnp.full((L,), 1.5, jnp.float32)
        magic = jnp.full((L,), 0x5F3759DF, jnp.int32)

        @plsc.parallel_loop(0, RPT // L, unroll=2)
        def _(t):
            d = red_v[0, pl.ds(t * L, L)]
            for r in range(1, NS):
                d = d + red_v[r, pl.ds(t * L, L)]
            d = d + 1.0
            yi = magic - lax.shift_right_arithmetic(plsc.bitcast(d, jnp.int32),
                                                    jnp.full((L,), 1, jnp.int32))
            y = plsc.bitcast(yi, jnp.float32)
            hd = d * half
            for _ in range(3):
                y = y * (three_half - hd * y * y)
            deg_v[pl.ds(t * L, L)] = y

        pltpu.sync_copy(deg_v.at[pl.ds(0, RPT)],
                        dinv_sh.at[pl.ds(s * RPT, RPT)])

        @pl.when(c == 0)
        def _():
            pltpu.sync_copy(deg_v.at[pl.ds(0, RPT)],
                            dinv_hbm.at[0, pl.ds(s * RPT, RPT)])

        plsc.subcore_barrier()
        pltpu.sync_copy(dinv_sh, dinv_v)
        pltpu.make_async_copy(u_hbm.at[s], u_v, sem_u).wait()

        @plsc.parallel_loop(0, NP // L, unroll=4)
        def _(i):
            u_v[pl.ds(i * L, L)] = u_v[pl.ds(i * L, L)] * dinv_v[pl.ds(i * L, L)]

        for t in range(NCH1):
            slot = t % 2
            if t + 1 < NCH1:
                start(t + 1, (t + 1) % 2)
            wait(t, slot)

            @plsc.parallel_loop(0, CH1, unroll=4)
            def _(gf):
                sidx = src_v[slot, gf, :]
                didx = dst_v[slot, gf, :]
                vals = plsc.load_gather(u_v, [sidx])
                plsc.addupdate_scatter(acc_v, [didx], vals)

        pltpu.sync_copy(acc_v, out_hbm.at[c, s])

    return k(uT, src2, dst2)


def _tc1(x, W1):

    def body(x_ref, w_ref, u_ref):
        u_ref[...] = lax.dot_general(w_ref[...], x_ref[...],
                                     (((0,), (1,)), ((), ())),
                                     preferred_element_type=jnp.float32)

    return pl.pallas_call(
        body,
        grid=(NP // BM,),
        in_specs=[
            pl.BlockSpec((BM, D_IN), lambda i: (i, 0)),
            pl.BlockSpec((D_IN, F), lambda i: (0, 0)),
        ],
        out_specs=pl.BlockSpec((F, BM), lambda i: (0, i)),
        out_shape=jax.ShapeDtypeStruct((F, NP), jnp.float32),
    )(x, W1)


F8 = 8


def _tc2(u1T, p1, dinvT, b1c, W2):

    def body(u_ref, p_ref, dinv_ref, b_ref, w_ref, u2_ref):
        tot = u_ref[...] * dinv_ref[...] + p_ref[0] + p_ref[1]
        h = jnp.maximum(tot * dinv_ref[...] + b_ref[...], 0.0)
        u2 = lax.dot_general(w_ref[...], h, (((0,), (0,)), ((), ())),
                             preferred_element_type=jnp.float32)
        u2_ref[0:NCLS, :] = u2 * dinv_ref[...]
        u2_ref[NCLS:F8, :] = jnp.zeros((F8 - NCLS, BM), jnp.float32)

    return pl.pallas_call(
        body,
        grid=(NP // BM,),
        in_specs=[
            pl.BlockSpec((F, BM), lambda i: (0, i)),
            pl.BlockSpec((NC, F, BM), lambda i: (0, 0, i)),
            pl.BlockSpec((1, BM), lambda i: (0, i)),
            pl.BlockSpec((F, 1), lambda i: (0, 0)),
            pl.BlockSpec((F, NCLS), lambda i: (0, 0)),
        ],
        out_specs=pl.BlockSpec((F8, BM), lambda i: (0, i)),
        out_shape=jax.ShapeDtypeStruct((F8, NP), jnp.float32),
    )(u1T, p1, dinvT, b1c, W2)


def _tc3(u2T, p2, dinvT, b2c):

    def body(u_ref, p_ref, dinv_ref, b_ref, o_ref):
        tot = (u_ref[...] + p_ref[0] + p_ref[1] + p_ref[2] + p_ref[3])
        tot = tot * dinv_ref[...]
        z = tot[:NCLS, :] + b_ref[...]
        m = jnp.max(z, axis=0, keepdims=True)
        lse = jnp.log(jnp.sum(jnp.exp(z - m), axis=0, keepdims=True)) + m
        o_ref[...] = (z - lse).T

    return pl.pallas_call(
        body,
        grid=(NP // BM,),
        in_specs=[
            pl.BlockSpec((F8, BM), lambda i: (0, i)),
            pl.BlockSpec((4, F8, BM), lambda i: (0, 0, i)),
            pl.BlockSpec((1, BM), lambda i: (0, i)),
            pl.BlockSpec((NCLS, 1), lambda i: (0, 0)),
        ],
        out_specs=pl.BlockSpec((BM, NCLS), lambda i: (i, 0)),
        out_shape=jax.ShapeDtypeStruct((N, NCLS), jnp.float32),
    )(u2T, p2, dinvT, b2c)


def kernel(x, edge_index, W1, b1, W2, b2):
    src = edge_index[0]
    dst = edge_index[1]
    srcQ1 = src.reshape(NC, KE16 // NC, L)
    dstQ1 = dst.reshape(NC, KE16 // NC, L)
    srcQ2 = src.reshape(4, KE16 // 4, L)
    dstQ2 = dst.reshape(4, KE16 // 4, L)

    u1T = _tc1(x, W1)
    p1, dinvT = _agg16_deg(u1T, srcQ1, dstQ1)
    u2T = _tc2(u1T, p1, dinvT, b1.reshape(F, 1), W2)
    p2 = _agg8(u2T, srcQ2, dstQ2)
    return _tc3(u2T, p2, dinvT, b2.reshape(NCLS, 1))

# --- scband reference (transcript-rebuilt; emitter-appended) ---
"""Pipeline reference for scband-gcn-52690658787376 (READ-ONLY COPY).

The authoritative reference and input builder live on the scoring server;
editing this copy changes nothing except your own understanding.
"""

import jax, jax.numpy as jnp
import numpy as np

N = 10000
E = 160000
D_IN = 256
HID = 16
NCLS = 7


def setup_inputs(seed: int = 0) -> dict:
    key = jax.random.key(seed)
    k1, k2, k3, k4, k5, k6 = jax.random.split(key, 6)
    x = jax.random.normal(k1, (N, D_IN), dtype=jnp.float32)
    edge_index = jax.random.randint(k2, (2, E), 0, N, dtype=jnp.int32)
    # Glorot-style init for GCNConv weights, zeros for biases (PyG default)
    W1 = jax.random.normal(k3, (D_IN, HID), dtype=jnp.float32) * np.sqrt(2.0 / (D_IN + HID))
    b1 = jnp.zeros((HID,), dtype=jnp.float32)
    W2 = jax.random.normal(k4, (HID, NCLS), dtype=jnp.float32) * np.sqrt(2.0 / (HID + NCLS))
    b2 = jnp.zeros((NCLS,), dtype=jnp.float32)
    return {"x": x, "edge_index": edge_index, "W1": W1, "b1": b1, "W2": W2, "b2": b2}


def _gcn_conv(x, edge_index, W, b):
    # x' = D^{-1/2} (A + I) D^{-1/2} X W + b  (PyG GCNConv with add_self_loops=True)
    h = x @ W
    loops = jnp.arange(N, dtype=edge_index.dtype)
    src = jnp.concatenate([edge_index[0], loops])
    dst = jnp.concatenate([edge_index[1], loops])
    deg = jax.ops.segment_sum(jnp.ones_like(src, dtype=h.dtype), dst, num_segments=N)
    dinv = jnp.where(deg > 0, 1.0 / jnp.sqrt(deg), 0.0)
    norm = dinv[src] * dinv[dst]
    msg = h[src] * norm[:, None]
    out = jax.ops.segment_sum(msg, dst, num_segments=N)
    return out + b


def reference(x, edge_index, W1, b1, W2, b2):
    h = jax.nn.relu(_gcn_conv(x, edge_index, W1, b1))
    h = _gcn_conv(h, edge_index, W2, b2)
    return jax.nn.log_softmax(h, axis=1)

if __name__ == "__main__":
    import jax
    _d = setup_inputs()
    print(jax.jit(kernel)(*tuple(_d.values())))

</pallas_src>

<mosaic_0001>
#map = affine_map<(d0, d1) -> (0, 0)>
#map1 = affine_map<(d0, d1) -> (0, 0, 0)>
module attributes {stable_mosaic.version = 14 : i64} {
  func.func @k(%arg0: i32, %arg1: i32, %arg2: memref<16x10240xf32, #tpu.memory_space<hbm>>, %arg3: memref<2x5000x16xi32, #tpu.memory_space<hbm>>, %arg4: memref<2x5000x16xi32, #tpu.memory_space<hbm>>, %arg5: memref<2x16x10240xf32, #tpu.memory_space<hbm>>, %arg6: memref<1x10240xf32, #tpu.memory_space<hbm>>, %arg7: memref<2x500x16xi32, #tpu.memory_space<vmem>>, %arg8: memref<2x500x16xi32, #tpu.memory_space<vmem>>, %arg9: memref<625x16xi32, #tpu.memory_space<vmem>>, %arg10: memref<10240xf32, #tpu.memory_space<vmem>>, %arg11: memref<16x640xf32, #tpu.memory_space<vmem>>, %arg12: memref<10240xf32, #tpu.memory_space<vmem>>, %arg13: memref<10240xf32, #tpu.memory_space<vmem>>, %arg14: memref<10240xf32, #tpu.memory_space<vmem>>, %arg15: memref<16x10240xf32, #tpu.memory_space<vmem_shared>>, %arg16: memref<10240xf32, #tpu.memory_space<vmem_shared>>, %arg17: memref<!tpu.dma_semaphore, #tpu.memory_space<semaphore_mem>>, %arg18: memref<!tpu.dma_semaphore, #tpu.memory_space<semaphore_mem>>, %arg19: memref<!tpu.dma_semaphore, #tpu.memory_space<semaphore_mem>>, %arg20: memref<!tpu.dma_semaphore, #tpu.memory_space<semaphore_mem>>, %arg21: memref<!tpu.dma_semaphore, #tpu.memory_space<semaphore_mem>>, %arg22: memref<!tpu.dma_semaphore, #tpu.memory_space<semaphore_mem>>) attributes {dimension_semantics = [#tpu.dimension_semantics<core_parallel>, #tpu.dimension_semantics<subcore_parallel>], iteration_bounds = array<i64: 2, 16>, scalar_prefetch = 0 : i64, scratch_operands = 16 : i64, tpu.core_type = #tpu.core_type<sc_vector_subcore>, window_params = [{transform_indices = #map}, {transform_indices = #map1}, {transform_indices = #map1}, {transform_indices = #map1}, {transform_indices = #map}]} {
    %jit3A = arith.constant 8 : i32
    %div3A = arith.divsi %arg1, %jit3A : i32
    %sign3A = arith.constant 0 : i32
    %sign3A_0 = arith.cmpi sgt, %arg1, %sign3A : i32
    %sign3A_1 = arith.extui %sign3A_0 : i1 to i32
    %sign3A_2 = arith.constant 0 : i32
    %sign3A_3 = arith.cmpi slt, %arg1, %sign3A_2 : i32
    %sign3A_4 = arith.extui %sign3A_3 : i1 to i32
    %sign3A_5 = arith.subi %sign3A_1, %sign3A_4 : i32
    %sign3A_6 = arith.constant 0 : i32
    %sign3A_7 = arith.cmpi sgt, %jit3A, %sign3A_6 : i32
    %sign3A_8 = arith.extui %sign3A_7 : i1 to i32
    %sign3A_9 = arith.constant 0 : i32
    %sign3A_10 = arith.cmpi slt, %jit3A, %sign3A_9 : i32
    %sign3A_11 = arith.extui %sign3A_10 : i1 to i32
    %sign3A_12 = arith.subi %sign3A_8, %sign3A_11 : i32
    %ne3A = arith.cmpi ne, %sign3A_5, %sign3A_12 : i32
    %rem3A = arith.remsi %arg1, %jit3A : i32
    %ne3A_13 = arith.constant 0 : i32
    %ne3A_14 = arith.cmpi ne, %rem3A, %ne3A_13 : i32
    %and3A = arith.andi %ne3A, %ne3A_14 : i1
    %sub3A = arith.constant 1 : i32
    %sub3A_15 = arith.subi %div3A, %sub3A : i32
    %select_n3A = arith.select %and3A, %sub3A_15, %div3A : i32
    %jit3A_16 = arith.constant 8 : i32
    %eq3A = arith.constant 0 : i32
    %eq3A_17 = arith.cmpi eq, %jit3A_16, %eq3A : i32
    %jit3A_18 = arith.constant 1 : i32
    %select_n3A_19 = arith.select %eq3A_17, %jit3A_18, %jit3A_16 : i32
    %rem3A_20 = arith.remsi %arg1, %select_n3A_19 : i32
    %ne3A_21 = arith.constant 0 : i32
    %ne3A_22 = arith.cmpi ne, %rem3A_20, %ne3A_21 : i32
    %lt3A = arith.constant 0 : i32
    %lt3A_23 = arith.cmpi slt, %rem3A_20, %lt3A : i32
    %lt3A_24 = arith.constant 0 : i32
    %lt3A_25 = arith.cmpi slt, %select_n3A_19, %lt3A_24 : i32
    %ne3A_26 = arith.xori %lt3A_23, %lt3A_25 : i1
    %and3A_27 = arith.andi %ne3A_26, %ne3A_22 : i1
    %add3A = arith.addi %rem3A_20, %select_n3A_19 : i32
    %select_n3A_28 = arith.select %and3A_27, %add3A, %rem3A_20 : i32
    %mul3A = arith.constant 625 : i32
    %mul3A_29 = arith.muli %select_n3A_28, %mul3A : i32
    %dma_start3A = arith.constant 0 : i32
    %dma_start3A_30 = tpu.memref_slice %arg4[%select_n3A, %mul3A_29, %dma_start3A] : memref<2x5000x16xi32, #tpu.memory_space<hbm>> -> memref<1x625x16xi32, #tpu.memory_space<hbm>>
    %dma_start3A_31 = tpu.memref_squeeze %dma_start3A_30 : memref<1x625x16xi32, #tpu.memory_space<hbm>> -> memref<625x16xi32, #tpu.memory_space<hbm>>
    %dma_start3A_32 = arith.constant 0 : i32
    %dma_start3A_33 = tpu.memref_slice %arg4[%select_n3A, %mul3A_29, %dma_start3A_32] : memref<2x5000x16xi32, #tpu.memory_space<hbm>> -> memref<1x625x16xi32, #tpu.memory_space<hbm>>
    %dma_start3A_34 = tpu.memref_squeeze %dma_start3A_33 : memref<1x625x16xi32, #tpu.memory_space<hbm>> -> memref<625x16xi32, #tpu.memory_space<hbm>>
    tpu.enqueue_dma source(%dma_start3A_34 : memref<625x16xi32, #tpu.memory_space<hbm>>) target(%arg9 : memref<625x16xi32, #tpu.memory_space<vmem>>) target_semaphore(%arg21 : memref<!tpu.dma_semaphore, #tpu.memory_space<semaphore_mem>>)
    %dma_start3A_35 = arith.constant 0 : i32
    %dma_start3A_36 = tpu.memref_slice %arg2[%arg1, %dma_start3A_35] : memref<16x10240xf32, #tpu.memory_space<hbm>> -> memref<1x10240xf32, #tpu.memory_space<hbm>>
    %dma_start3A_37 = tpu.memref_squeeze %dma_start3A_36 : memref<1x10240xf32, #tpu.memory_space<hbm>> -> memref<10240xf32, #tpu.memory_space<hbm>>
    %dma_start3A_38 = arith.constant 0 : i32
    %dma_start3A_39 = tpu.memref_slice %arg2[%arg1, %dma_start3A_38] : memref<16x10240xf32, #tpu.memory_space<hbm>> -> memref<1x10240xf32, #tpu.memory_space<hbm>>
    %dma_start3A_40 = tpu.memref_squeeze %dma_start3A_39 : memref<1x10240xf32, #tpu.memory_space<hbm>> -> memref<10240xf32, #tpu.memory_space<hbm>>
    tpu.enqueue_dma source(%dma_start3A_40 : memref<10240xf32, #tpu.memory_space<hbm>>) target(%arg13 : memref<10240xf32, #tpu.memory_space<vmem>>) target_semaphore(%arg22 : memref<!tpu.dma_semaphore, #tpu.memory_space<semaphore_mem>>)
    %dma_start3A_41 = arith.constant 0 : i32
    %dma_start3A_42 = arith.constant 0 : i32
    %dma_start3A_43 = arith.constant 0 : i32
    %dma_start3A_44 = tpu.memref_slice %arg7[%dma_start3A_41, %dma_start3A_42, %dma_start3A_43] : memref<2x500x16xi32, #tpu.memory_space<vmem>> -> memref<1x500x16xi32, #tpu.memory_space<vmem>>
    %dma_start3A_45 = tpu.memref_squeeze %dma_start3A_44 : memref<1x500x16xi32, #tpu.memory_space<vmem>> -> memref<500x16xi32, #tpu.memory_space<vmem>>
    %dma_start3A_46 = arith.constant 0 : i32
    %dma_start3A_47 = arith.constant 0 : i32
    %dma_start3A_48 = tpu.memref_slice %arg3[%arg0, %dma_start3A_46, %dma_start3A_47] : memref<2x5000x16xi32, #tpu.memory_space<hbm>> -> memref<1x500x16xi32, #tpu.memory_space<hbm>>
    %dma_start3A_49 = tpu.memref_squeeze %dma_start3A_48 : memref<1x500x16xi32, #tpu.memory_space<hbm>> -> memref<500x16xi32, #tpu.memory_space<hbm>>
    %dma_start3A_50 = arith.constant 0 : i32
    %dma_start3A_51 = arith.constant 0 : i32
    %dma_start3A_52 = tpu.memref_slice %arg7[%dma_start3A_41, %dma_start3A_50, %dma_start3A_51] : memref<2x500x16xi32, #tpu.memory_space<vmem>> -> memref<1x500x16xi32, #tpu.memory_space<vmem>>
    %dma_start3A_53 = tpu.memref_squeeze %dma_start3A_52 : memref<1x500x16xi32, #tpu.memory_space<vmem>> -> memref<500x16xi32, #tpu.memory_space<vmem>>
    %dma_start3A_54 = arith.constant 0 : i32
    %dma_start3A_55 = arith.constant 0 : i32
    %dma_start3A_56 = tpu.memref_slice %arg3[%arg0, %dma_start3A_54, %dma_start3A_55] : memref<2x5000x16xi32, #tpu.memory_space<hbm>> -> memref<1x500x16xi32, #tpu.memory_space<hbm>>
    %dma_start3A_57 = tpu.memref_squeeze %dma_start3A_56 : memref<1x500x16xi32, #tpu.memory_space<hbm>> -> memref<500x16xi32, #tpu.memory_space<hbm>>
    tpu.enqueue_dma source(%dma_start3A_57 : memref<500x16xi32, #tpu.memory_space<hbm>>) target(%dma_start3A_53 : memref<500x16xi32, #tpu.memory_space<vmem>>) target_semaphore(%arg17 : memref<!tpu.dma_semaphore, #tpu.memory_space<semaphore_mem>>)
    %dma_start3A_58 = arith.constant 0 : i32
    %dma_start3A_59 = arith.constant 0 : i32
    %dma_start3A_60 = arith.constant 0 : i32
    %dma_start3A_61 = tpu.memref_slice %arg8[%dma_start3A_58, %dma_start3A_59, %dma_start3A_60] : memref<2x500x16xi32, #tpu.memory_space<vmem>> -> memref<1x500x16xi32, #tpu.memory_space<vmem>>
    %dma_start3A_62 = tpu.memref_squeeze %dma_start3A_61 : memref<1x500x16xi32, #tpu.memory_space<vmem>> -> memref<500x16xi32, #tpu.memory_space<vmem>>
    %dma_start3A_63 = arith.constant 0 : i32
    %dma_start3A_64 = arith.constant 0 : i32
    %dma_start3A_65 = tpu.memref_slice %arg4[%arg0, %dma_start3A_63, %dma_start3A_64] : memref<2x5000x16xi32, #tpu.memory_space<hbm>> -> memref<1x500x16xi32, #tpu.memory_space<hbm>>
    %dma_start3A_66 = tpu.memref_squeeze %dma_start3A_65 : memref<1x500x16xi32, #tpu.memory_space<hbm>> -> memref<500x16xi32, #tpu.memory_space<hbm>>
    %dma_start3A_67 = arith.constant 0 : i32
    %dma_start3A_68 = arith.constant 0 : i32
    %dma_start3A_69 = tpu.memref_slice %arg8[%dma_start3A_58, %dma_start3A_67, %dma_start3A_68] : memref<2x500x16xi32, #tpu.memory_space<vmem>> -> memref<1x500x16xi32, #tpu.memory_space<vmem>>
    %dma_start3A_70 = tpu.memref_squeeze %dma_start3A_69 : memref<1x500x16xi32, #tpu.memory_space<vmem>> -> memref<500x16xi32, #tpu.memory_space<vmem>>
    %dma_start3A_71 = arith.constant 0 : i32
    %dma_start3A_72 = arith.constant 0 : i32
    %dma_start3A_73 = tpu.memref_slice %arg4[%arg0, %dma_start3A_71, %dma_start3A_72] : memref<2x5000x16xi32, #tpu.memory_space<hbm>> -> memref<1x500x16xi32, #tpu.memory_space<hbm>>
    %dma_start3A_74 = tpu.memref_squeeze %dma_start3A_73 : memref<1x500x16xi32, #tpu.memory_space<hbm>> -> memref<500x16xi32, #tpu.memory_space<hbm>>
    tpu.enqueue_dma source(%dma_start3A_74 : memref<500x16xi32, #tpu.memory_space<hbm>>) target(%dma_start3A_70 : memref<500x16xi32, #tpu.memory_space<vmem>>) target_semaphore(%arg19 : memref<!tpu.dma_semaphore, #tpu.memory_space<semaphore_mem>>)
    %broadcast_in_dim3A = arith.constant 0.000000e+00 : f32
    %broadcast_in_dim3A_75 = vector.broadcast %broadcast_in_dim3A : f32 to vector<16xf32>
    %parallel_loop3A = arith.constant 0 : i32
    %parallel_loop3A_76 = arith.constant 640 : i32
    %parallel_loop3A_77 = arith.constant 1 : i32
    scf.for %parallel_loop3A_1238 = %parallel_loop3A to %parallel_loop3A_76 step %parallel_loop3A_77  : i32 {
      %parallel_loop3A_1239 = arith.constant 16 : i32
      %parallel_loop3A_1240 = arith.muli %parallel_loop3A_1238, %parallel_loop3A_1239 : i32
      %parallel_loop3A_1241 = arith.index_cast %parallel_loop3A_1240 : i32 to index
      %parallel_loop3A_1242 = tpu.vector_load %arg10[%parallel_loop3A_1241] {strides = array<i32>} : memref<10240xf32, #tpu.memory_space<vmem>>, vector<16xf32>,
      tpu.vector_store %arg10[%parallel_loop3A_1241], %broadcast_in_dim3A_75 {strides = array<i32>} : memref<10240xf32, #tpu.memory_space<vmem>>, vector<16xf32>,
      %parallel_loop3A_1243 = arith.constant 16 : i32
      %parallel_loop3A_1244 = arith.muli %parallel_loop3A_1238, %parallel_loop3A_1243 : i32
      %parallel_loop3A_1245 = arith.index_cast %parallel_loop3A_1244 : i32 to index
      %parallel_loop3A_1246 = tpu.vector_load %arg14[%parallel_loop3A_1245] {strides = array<i32>} : memref<10240xf32, #tpu.memory_space<vmem>>, vector<16xf32>,
      tpu.vector_store %arg14[%parallel_loop3A_1245], %broadcast_in_dim3A_75 {strides = array<i32>} : memref<10240xf32, #tpu.memory_space<vmem>>, vector<16xf32>,
    } {sc.loop_unroll_factor = 4 : i64, sc.parallel_access}
    %mul3A_78 = arith.constant 625 : i32
    %mul3A_79 = arith.muli %select_n3A_28, %mul3A_78 : i32
    %dma_wait3A = arith.constant 0 : i32
    %dma_wait3A_80 = tpu.memref_slice %arg4[%select_n3A, %mul3A_79, %dma_wait3A] : memref<2x5000x16xi32, #tpu.memory_space<hbm>> -> memref<1x625x16xi32, #tpu.memory_space<hbm>>
    %dma_wait3A_81 = tpu.memref_squeeze %dma_wait3A_80 : memref<1x625x16xi32, #tpu.memory_space<hbm>> -> memref<625x16xi32, #tpu.memory_space<hbm>>
    %dma_wait3A_82 = arith.constant 0 : i32
    %dma_wait3A_83 = tpu.memref_slice %arg4[%select_n3A, %mul3A_79, %dma_wait3A_82] : memref<2x5000x16xi32, #tpu.memory_space<hbm>> -> memref<1x625x16xi32, #tpu.memory_space<hbm>>
    %dma_wait3A_84 = tpu.memref_squeeze %dma_wait3A_83 : memref<1x625x16xi32, #tpu.memory_space<hbm>> -> memref<625x16xi32, #tpu.memory_space<hbm>>
    tpu.wait_dma2 semaphore(%arg21 : memref<!tpu.dma_semaphore, #tpu.memory_space<semaphore_mem>>) src(%dma_wait3A_84 : memref<625x16xi32, #tpu.memory_space<hbm>>) dst(%arg9 : memref<625x16xi32, #tpu.memory_space<vmem>>)
    %broadcast_in_dim3A_85 = arith.constant 1.000000e+00 : f32
    %broadcast_in_dim3A_86 = vector.broadcast %broadcast_in_dim3A_85 : f32 to vector<16xf32>
    %parallel_loop3A_87 = arith.constant 0 : i32
    %parallel_loop3A_88 = arith.constant 625 : i32
    %parallel_loop3A_89 = arith.constant 1 : i32
    scf.for %parallel_loop3A_1238 = %parallel_loop3A_87 to %parallel_loop3A_88 step %parallel_loop3A_89  : i32 {
      %parallel_loop3A_1239 = arith.index_cast %parallel_loop3A_1238 : i32 to index
      %parallel_loop3A_1240 = arith.constant 0 : index
      %parallel_loop3A_1241 = tpu.vector_load %arg9[%parallel_loop3A_1239, %parallel_loop3A_1240] {strides = array<i32>} : memref<625x16xi32, #tpu.memory_space<vmem>>, vector<16xi32>,
      tpu.vector_store_idx %arg10[%parallel_loop3A_1241], %broadcast_in_dim3A_86 {add = true} : memref<10240xf32, #tpu.memory_space<vmem>>[vector<16xi32>], vector<16xf32>,
    } {sc.loop_unroll_factor = 4 : i64, sc.parallel_access}
    "tpu.region"() ({
      %run_scoped3A = tpu.sem_alloc : memref<!tpu.dma_semaphore, #tpu.memory_space<semaphore_mem>>
      %dma_start3A_1238 = arith.constant 0 : i32
      %dma_start3A_1239 = tpu.memref_slice %arg15[%arg1, %dma_start3A_1238] : memref<16x10240xf32, #tpu.memory_space<vmem_shared>> -> memref<1x10240xf32, #tpu.memory_space<vmem_shared>>
      %dma_start3A_1240 = tpu.memref_squeeze %dma_start3A_1239 : memref<1x10240xf32, #tpu.memory_space<vmem_shared>> -> memref<10240xf32, #tpu.memory_space<vmem_shared>>
      %dma_start3A_1241 = arith.constant 0 : i32
      %dma_start3A_1242 = tpu.memref_slice %arg15[%arg1, %dma_start3A_1241] : memref<16x10240xf32, #tpu.memory_space<vmem_shared>> -> memref<1x10240xf32, #tpu.memory_space<vmem_shared>>
      %dma_start3A_1243 = tpu.memref_squeeze %dma_start3A_1242 : memref<1x10240xf32, #tpu.memory_space<vmem_shared>> -> memref<10240xf32, #tpu.memory_space<vmem_shared>>
      tpu.enqueue_dma source(%arg10 : memref<10240xf32, #tpu.memory_space<vmem>>) target(%dma_start3A_1243 : memref<10240xf32, #tpu.memory_space<vmem_shared>>) target_semaphore(%run_scoped3A : memref<!tpu.dma_semaphore, #tpu.memory_space<semaphore_mem>>)
      %dma_wait3A_1244 = arith.constant 0 : i32
      %dma_wait3A_1245 = tpu.memref_slice %arg15[%arg1, %dma_wait3A_1244] : memref<16x10240xf32, #tpu.memory_space<vmem_shared>> -> memref<1x10240xf32, #tpu.memory_space<vmem_shared>>
      %dma_wait3A_1246 = tpu.memref_squeeze %dma_wait3A_1245 : memref<1x10240xf32, #tpu.memory_space<vmem_shared>> -> memref<10240xf32, #tpu.memory_space<vmem_shared>>
      %dma_wait3A_1247 = arith.constant 0 : i32
      %dma_wait3A_1248 = tpu.memref_slice %arg15[%arg1, %dma_wait3A_1247] : memref<16x10240xf32, #tpu.memory_space<vmem_shared>> -> memref<1x10240xf32, #tpu.memory_space<vmem_shared>>
      %dma_wait3A_1249 = tpu.memref_squeeze %dma_wait3A_1248 : memref<1x10240xf32, #tpu.memory_space<vmem_shared>> -> memref<10240xf32, #tpu.memory_space<vmem_shared>>
      tpu.wait_dma2 semaphore(%run_scoped3A : memref<!tpu.dma_semaphore, #tpu.memory_space<semaphore_mem>>) src(%arg10 : memref<10240xf32, #tpu.memory_space<vmem>>) dst(%dma_wait3A_1249 : memref<10240xf32, #tpu.memory_space<vmem_shared>>)
      tpu.yield
    }) : () -> ()
    %barrier3A = arith.constant 0 : index
    tpu.barrier barrier_id(%barrier3A)
    %mul3A_90 = arith.constant 640 : i32
    %mul3A_91 = arith.muli %arg1, %mul3A_90 : i32
    %dma_start3A_92 = arith.constant 0 : i32
    %dma_start3A_93 = arith.constant 0 : i32
    %dma_start3A_94 = arith.constant 0 : i32
    %dma_start3A_95 = tpu.memref_slice %arg11[%dma_start3A_93, %dma_start3A_94] : memref<16x640xf32, #tpu.memory_space<vmem>> -> memref<1x640xf32, #tpu.memory_space<vmem>>
    %dma_start3A_96 = tpu.memref_squeeze %dma_start3A_95 : memref<1x640xf32, #tpu.memory_space<vmem>> -> memref<640xf32, #tpu.memory_space<vmem>>
    %dma_start3A_97 = tpu.memref_slice %arg15[%dma_start3A_92, %mul3A_91] : memref<16x10240xf32, #tpu.memory_space<vmem_shared>> -> memref<1x640xf32, #tpu.memory_space<vmem_shared>>
    %dma_start3A_98 = tpu.memref_squeeze %dma_start3A_97 : memref<1x640xf32, #tpu.memory_space<vmem_shared>> -> memref<640xf32, #tpu.memory_space<vmem_shared>>
    %dma_start3A_99 = arith.constant 0 : i32
    %dma_start3A_100 = tpu.memref_slice %arg11[%dma_start3A_93, %dma_start3A_99] : memref<16x640xf32, #tpu.memory_space<vmem>> -> memref<1x640xf32, #tpu.memory_space<vmem>>
    %dma_start3A_101 = tpu.memref_squeeze %dma_start3A_100 : memref<1x640xf32, #tpu.memory_space<vmem>> -> memref<640xf32, #tpu.memory_space<vmem>>
    %dma_start3A_102 = tpu.memref_slice %arg15[%dma_start3A_92, %mul3A_91] : memref<16x10240xf32, #tpu.memory_space<vmem_shared>> -> memref<1x640xf32, #tpu.memory_space<vmem_shared>>
    %dma_start3A_103 = tpu.memref_squeeze %dma_start3A_102 : memref<1x640xf32, #tpu.memory_space<vmem_shared>> -> memref<640xf32, #tpu.memory_space<vmem_shared>>
    tpu.enqueue_dma source(%dma_start3A_103 : memref<640xf32, #tpu.memory_space<vmem_shared>>) target(%dma_start3A_101 : memref<640xf32, #tpu.memory_space<vmem>>) target_semaphore(%arg21 : memref<!tpu.dma_semaphore, #tpu.memory_space<semaphore_mem>>)
    %mul3A_104 = arith.constant 640 : i32
    %mul3A_105 = arith.muli %arg1, %mul3A_104 : i32
    %dma_start3A_106 = arith.constant 1 : i32
    %dma_start3A_107 = arith.constant 1 : i32
    %dma_start3A_108 = arith.constant 0 : i32
    %dma_start3A_109 = tpu.memref_slice %arg11[%dma_start3A_107, %dma_start3A_108] : memref<16x640xf32, #tpu.memory_space<vmem>> -> memref<1x640xf32, #tpu.memory_space<vmem>>
    %dma_start3A_110 = tpu.memref_squeeze %dma_start3A_109 : memref<1x640xf32, #tpu.memory_space<vmem>> -> memref<640xf32, #tpu.memory_space<vmem>>
    %dma_start3A_111 = tpu.memref_slice %arg15[%dma_start3A_106, %mul3A_105] : memref<16x10240xf32, #tpu.memory_space<vmem_shared>> -> memref<1x640xf32, #tpu.memory_space<vmem_shared>>
    %dma_start3A_112 = tpu.memref_squeeze %dma_start3A_111 : memref<1x640xf32, #tpu.memory_space<vmem_shared>> -> memref<640xf32, #tpu.memory_space<vmem_shared>>
    %dma_start3A_113 = arith.constant 0 : i32
    %dma_start3A_114 = tpu.memref_slice %arg11[%dma_start3A_107, %dma_start3A_113] : memref<16x640xf32, #tpu.memory_space<vmem>> -> memref<1x640xf32, #tpu.memory_space<vmem>>
    %dma_start3A_115 = tpu.memref_squeeze %dma_start3A_114 : memref<1x640xf32, #tpu.memory_space<vmem>> -> memref<640xf32, #tpu.memory_space<vmem>>
    %dma_start3A_116 = tpu.memref_slice %arg15[%dma_start3A_106, %mul3A_105] : memref<16x10240xf32, #tpu.memory_space<vmem_shared>> -> memref<1x640xf32, #tpu.memory_space<vmem_shared>>
    %dma_start3A_117 = tpu.memref_squeeze %dma_start3A_116 : memref<1x640xf32, #tpu.memory_space<vmem_shared>> -> memref<640xf32, #tpu.memory_space<vmem_shared>>
    tpu.enqueue_dma source(%dma_start3A_117 : memref<640xf32, #tpu.memory_space<vmem_shared>>) target(%dma_start3A_115 : memref<640xf32, #tpu.memory_space<vmem>>) target_semaphore(%arg21 : memref<!tpu.dma_semaphore, #tpu.memory_space<semaphore_mem>>)
    %mul3A_118 = arith.constant 640 : i32
    %mul3A_119 = arith.muli %arg1, %mul3A_118 : i32
    %dma_start3A_120 = arith.constant 2 : i32
    %dma_start3A_121 = arith.constant 2 : i32
    %dma_start3A_122 = arith.constant 0 : i32
    %dma_start3A_123 = tpu.memref_slice %arg11[%dma_start3A_121, %dma_start3A_122] : memref<16x640xf32, #tpu.memory_space<vmem>> -> memref<1x640xf32, #tpu.memory_space<vmem>>
    %dma_start3A_124 = tpu.memref_squeeze %dma_start3A_123 : memref<1x640xf32, #tpu.memory_space<vmem>> -> memref<640xf32, #tpu.memory_space<vmem>>
    %dma_start3A_125 = tpu.memref_slice %arg15[%dma_start3A_120, %mul3A_119] : memref<16x10240xf32, #tpu.memory_space<vmem_shared>> -> memref<1x640xf32, #tpu.memory_space<vmem_shared>>
    %dma_start3A_126 = tpu.memref_squeeze %dma_start3A_125 : memref<1x640xf32, #tpu.memory_space<vmem_shared>> -> memref<640xf32, #tpu.memory_space<vmem_shared>>
    %dma_start3A_127 = arith.constant 0 : i32
    %dma_start3A_128 = tpu.memref_slice %arg11[%dma_start3A_121, %dma_start3A_127] : memref<16x640xf32, #tpu.memory_space<vmem>> -> memref<1x640xf32, #tpu.memory_space<vmem>>
    %dma_start3A_129 = tpu.memref_squeeze %dma_start3A_128 : memref<1x640xf32, #tpu.memory_space<vmem>> -> memref<640xf32, #tpu.memory_space<vmem>>
    %dma_start3A_130 = tpu.memref_slice %arg15[%dma_start3A_120, %mul3A_119] : memref<16x10240xf32, #tpu.memory_space<vmem_shared>> -> memref<1x640xf32, #tpu.memory_space<vmem_shared>>
    %dma_start3A_131 = tpu.memref_squeeze %dma_start3A_130 : memref<1x640xf32, #tpu.memory_space<vmem_shared>> -> memref<640xf32, #tpu.memory_space<vmem_shared>>
    tpu.enqueue_dma source(%dma_start3A_131 : memref<640xf32, #tpu.memory_space<vmem_shared>>) target(%dma_start3A_129 : memref<640xf32, #tpu.memory_space<vmem>>) target_semaphore(%arg21 : memref<!tpu.dma_semaphore, #tpu.memory_space<semaphore_mem>>)
    %mul3A_132 = arith.constant 640 : i32
    %mul3A_133 = arith.muli %arg1, %mul3A_132 : i32
    %dma_start3A_134 = arith.constant 3 : i32
    %dma_start3A_135 = arith.constant 3 : i32
    %dma_start3A_136 = arith.constant 0 : i32
    %dma_start3A_137 = tpu.memref_slice %arg11[%dma_start3A_135, %dma_start3A_136] : memref<16x640xf32, #tpu.memory_space<vmem>> -> memref<1x640xf32, #tpu.memory_space<vmem>>
    %dma_start3A_138 = tpu.memref_squeeze %dma_start3A_137 : memref<1x640xf32, #tpu.memory_space<vmem>> -> memref<640xf32, #tpu.memory_space<vmem>>
    %dma_start3A_139 = tpu.memref_slice %arg15[%dma_start3A_134, %mul3A_133] : memref<16x10240xf32, #tpu.memory_space<vmem_shared>> -> memref<1x640xf32, #tpu.memory_space<vmem_shared>>
    %dma_start3A_140 = tpu.memref_squeeze %dma_start3A_139 : memref<1x640xf32, #tpu.memory_space<vmem_shared>> -> memref<640xf32, #tpu.memory_space<vmem_shared>>
    %dma_start3A_141 = arith.constant 0 : i32
    %dma_start3A_142 = tpu.memref_slice %arg11[%dma_start3A_135, %dma_start3A_141] : memref<16x640xf32, #tpu.memory_space<vmem>> -> memref<1x640xf32, #tpu.memory_space<vmem>>
    %dma_start3A_143 = tpu.memref_squeeze %dma_start3A_142 : memref<1x640xf32, #tpu.memory_space<vmem>> -> memref<640xf32, #tpu.memory_space<vmem>>
    %dma_start3A_144 = tpu.memref_slice %arg15[%dma_start3A_134, %mul3A_133] : memref<16x10240xf32, #tpu.memory_space<vmem_shared>> -> memref<1x640xf32, #tpu.memory_space<vmem_shared>>
    %dma_start3A_145 = tpu.memref_squeeze %dma_start3A_144 : memref<1x640xf32, #tpu.memory_space<vmem_shared>> -> memref<640xf32, #tpu.memory_space<vmem_shared>>
    tpu.enqueue_dma source(%dma_start3A_145 : memref<640xf32, #tpu.memory_space<vmem_shared>>) target(%dma_start3A_143 : memref<640xf32, #tpu.memory_space<vmem>>) target_semaphore(%arg21 : memref<!tpu.dma_semaphore, #tpu.memory_space<semaphore_mem>>)
    %mul3A_146 = arith.constant 640 : i32
    %mul3A_147 = arith.muli %arg1, %mul3A_146 : i32
    %dma_start3A_148 = arith.constant 4 : i32
    %dma_start3A_149 = arith.constant 4 : i32
    %dma_start3A_150 = arith.constant 0 : i32
    %dma_start3A_151 = tpu.memref_slice %arg11[%dma_start3A_149, %dma_start3A_150] : memref<16x640xf32, #tpu.memory_space<vmem>> -> memref<1x640xf32, #tpu.memory_space<vmem>>
    %dma_start3A_152 = tpu.memref_squeeze %dma_start3A_151 : memref<1x640xf32, #tpu.memory_space<vmem>> -> memref<640xf32, #tpu.memory_space<vmem>>
    %dma_start3A_153 = tpu.memref_slice %arg15[%dma_start3A_148, %mul3A_147] : memref<16x10240xf32, #tpu.memory_space<vmem_shared>> -> memref<1x640xf32, #tpu.memory_space<vmem_shared>>
    %dma_start3A_154 = tpu.memref_squeeze %dma_start3A_153 : memref<1x640xf32, #tpu.memory_space<vmem_shared>> -> memref<640xf32, #tpu.memory_space<vmem_shared>>
    %dma_start3A_155 = arith.constant 0 : i32
    %dma_start3A_156 = tpu.memref_slice %arg11[%dma_start3A_149, %dma_start3A_155] : memref<16x640xf32, #tpu.memory_space<vmem>> -> memref<1x640xf32, #tpu.memory_space<vmem>>
    %dma_start3A_157 = tpu.memref_squeeze %dma_start3A_156 : memref<1x640xf32, #tpu.memory_space<vmem>> -> memref<640xf32, #tpu.memory_space<vmem>>
    %dma_start3A_158 = tpu.memref_slice %arg15[%dma_start3A_148, %mul3A_147] : memref<16x10240xf32, #tpu.memory_space<vmem_shared>> -> memref<1x640xf32, #tpu.memory_space<vmem_shared>>
    %dma_start3A_159 = tpu.memref_squeeze %dma_start3A_158 : memref<1x640xf32, #tpu.memory_space<vmem_shared>> -> memref<640xf32, #tpu.memory_space<vmem_shared>>
    tpu.enqueue_dma source(%dma_start3A_159 : memref<640xf32, #tpu.memory_space<vmem_shared>>) target(%dma_start3A_157 : memref<640xf32, #tpu.memory_space<vmem>>) target_semaphore(%arg21 : memref<!tpu.dma_semaphore, #tpu.memory_space<semaphore_mem>>)
    %mul3A_160 = arith.constant 640 : i32
    %mul3A_161 = arith.muli %arg1, %mul3A_160 : i32
    %dma_start3A_162 = arith.constant 5 : i32
    %dma_start3A_163 = arith.constant 5 : i32
    %dma_start3A_164 = arith.constant 0 : i32
    %dma_start3A_165 = tpu.memref_slice %arg11[%dma_start3A_163, %dma_start3A_164] : memref<16x640xf32, #tpu.memory_space<vmem>> -> memref<1x640xf32, #tpu.memory_space<vmem>>
    %dma_start3A_166 = tpu.memref_squeeze %dma_start3A_165 : memref<1x640xf32, #tpu.memory_space<vmem>> -> memref<640xf32, #tpu.memory_space<vmem>>
    %dma_start3A_167 = tpu.memref_slice %arg15[%dma_start3A_162, %mul3A_161] : memref<16x10240xf32, #tpu.memory_space<vmem_shared>> -> memref<1x640xf32, #tpu.memory_space<vmem_shared>>
    %dma_start3A_168 = tpu.memref_squeeze %dma_start3A_167 : memref<1x640xf32, #tpu.memory_space<vmem_shared>> -> memref<640xf32, #tpu.memory_space<vmem_shared>>
    %dma_start3A_169 = arith.constant 0 : i32
    %dma_start3A_170 = tpu.memref_slice %arg11[%dma_start3A_163, %dma_start3A_169] : memref<16x640xf32, #tpu.memory_space<vmem>> -> memref<1x640xf32, #tpu.memory_space<vmem>>
    %dma_start3A_171 = tpu.memref_squeeze %dma_start3A_170 : memref<1x640xf32, #tpu.memory_space<vmem>> -> memref<640xf32, #tpu.memory_space<vmem>>
    %dma_start3A_172 = tpu.memref_slice %arg15[%dma_start3A_162, %mul3A_161] : memref<16x10240xf32, #tpu.memory_space<vmem_shared>> -> memref<1x640xf32, #tpu.memory_space<vmem_shared>>
    %dma_start3A_173 = tpu.memref_squeeze %dma_start3A_172 : memref<1x640xf32, #tpu.memory_space<vmem_shared>> -> memref<640xf32, #tpu.memory_space<vmem_shared>>
    tpu.enqueue_dma source(%dma_start3A_173 : memref<640xf32, #tpu.memory_space<vmem_shared>>) target(%dma_start3A_171 : memref<640xf32, #tpu.memory_space<vmem>>) target_semaphore(%arg21 : memref<!tpu.dma_semaphore, #tpu.memory_space<semaphore_mem>>)
    %mul3A_174 = arith.constant 640 : i32
    %mul3A_175 = arith.muli %arg1, %mul3A_174 : i32
    %dma_start3A_176 = arith.constant 6 : i32
    %dma_start3A_177 = arith.constant 6 : i32
    %dma_start3A_178 = arith.constant 0 : i32
    %dma_start3A_179 = tpu.memref_slice %arg11[%dma_start3A_177, %dma_start3A_178] : memref<16x640xf32, #tpu.memory_space<vmem>> -> memref<1x640xf32, #tpu.memory_space<vmem>>
    %dma_start3A_180 = tpu.memref_squeeze %dma_start3A_179 : memref<1x640xf32, #tpu.memory_space<vmem>> -> memref<640xf32, #tpu.memory_space<vmem>>
    %dma_start3A_181 = tpu.memref_slice %arg15[%dma_start3A_176, %mul3A_175] : memref<16x10240xf32, #tpu.memory_space<vmem_shared>> -> memref<1x640xf32, #tpu.memory_space<vmem_shared>>
    %dma_start3A_182 = tpu.memref_squeeze %dma_start3A_181 : memref<1x640xf32, #tpu.memory_space<vmem_shared>> -> memref<640xf32, #tpu.memory_space<vmem_shared>>
    %dma_start3A_183 = arith.constant 0 : i32
    %dma_start3A_184 = tpu.memref_slice %arg11[%dma_start3A_177, %dma_start3A_183] : memref<16x640xf32, #tpu.memory_space<vmem>> -> memref<1x640xf32, #tpu.memory_space<vmem>>
    %dma_start3A_185 = tpu.memref_squeeze %dma_start3A_184 : memref<1x640xf32, #tpu.memory_space<vmem>> -> memref<640xf32, #tpu.memory_space<vmem>>
    %dma_start3A_186 = tpu.memref_slice %arg15[%dma_start3A_176, %mul3A_175] : memref<16x10240xf32, #tpu.memory_space<vmem_shared>> -> memref<1x640xf32, #tpu.memory_space<vmem_shared>>
    %dma_start3A_187 = tpu.memref_squeeze %dma_start3A_186 : memref<1x640xf32, #tpu.memory_space<vmem_shared>> -> memref<640xf32, #tpu.memory_space<vmem_shared>>
    tpu.enqueue_dma source(%dma_start3A_187 : memref<640xf32, #tpu.memory_space<vmem_shared>>) target(%dma_start3A_185 : memref<640xf32, #tpu.memory_space<vmem>>) target_semaphore(%arg21 : memref<!tpu.dma_semaphore, #tpu.memory_space<semaphore_mem>>)
    %mul3A_188 = arith.constant 640 : i32
    %mul3A_189 = arith.muli %arg1, %mul3A_188 : i32
    %dma_start3A_190 = arith.constant 7 : i32
    %dma_start3A_191 = arith.constant 7 : i32
    %dma_start3A_192 = arith.constant 0 : i32
    %dma_start3A_193 = tpu.memref_slice %arg11[%dma_start3A_191, %dma_start3A_192] : memref<16x640xf32, #tpu.memory_space<vmem>> -> memref<1x640xf32, #tpu.memory_space<vmem>>
    %dma_start3A_194 = tpu.memref_squeeze %dma_start3A_193 : memref<1x640xf32, #tpu.memory_space<vmem>> -> memref<640xf32, #tpu.memory_space<vmem>>
    %dma_start3A_195 = tpu.memref_slice %arg15[%dma_start3A_190, %mul3A_189] : memref<16x10240xf32, #tpu.memory_space<vmem_shared>> -> memref<1x640xf32, #tpu.memory_space<vmem_shared>>
    %dma_start3A_196 = tpu.memref_squeeze %dma_start3A_195 : memref<1x640xf32, #tpu.memory_space<vmem_shared>> -> memref<640xf32, #tpu.memory_space<vmem_shared>>
    %dma_start3A_197 = arith.constant 0 : i32
    %dma_start3A_198 = tpu.memref_slice %arg11[%dma_start3A_191, %dma_start3A_197] : memref<16x640xf32, #tpu.memory_space<vmem>> -> memref<1x640xf32, #tpu.memory_space<vmem>>
    %dma_start3A_199 = tpu.memref_squeeze %dma_start3A_198 : memref<1x640xf32, #tpu.memory_space<vmem>> -> memref<640xf32, #tpu.memory_space<vmem>>
    %dma_start3A_200 = tpu.memref_slice %arg15[%dma_start3A_190, %mul3A_189] : memref<16x10240xf32, #tpu.memory_space<vmem_shared>> -> memref<1x640xf32, #tpu.memory_space<vmem_shared>>
    %dma_start3A_201 = tpu.memref_squeeze %dma_start3A_200 : memref<1x640xf32, #tpu.memory_space<vmem_shared>> -> memref<640xf32, #tpu.memory_space<vmem_shared>>
    tpu.enqueue_dma source(%dma_start3A_201 : memref<640xf32, #tpu.memory_space<vmem_shared>>) target(%dma_start3A_199 : memref<640xf32, #tpu.memory_space<vmem>>) target_semaphore(%arg21 : memref<!tpu.dma_semaphore, #tpu.memory_space<semaphore_mem>>)
    %mul3A_202 = arith.constant 640 : i32
    %mul3A_203 = arith.muli %arg1, %mul3A_202 : i32
    %dma_start3A_204 = arith.constant 8 : i32
    %dma_start3A_205 = arith.constant 8 : i32
    %dma_start3A_206 = arith.constant 0 : i32
    %dma_start3A_207 = tpu.memref_slice %arg11[%dma_start3A_205, %dma_start3A_206] : memref<16x640xf32, #tpu.memory_space<vmem>> -> memref<1x640xf32, #tpu.memory_space<vmem>>
    %dma_start3A_208 = tpu.memref_squeeze %dma_start3A_207 : memref<1x640xf32, #tpu.memory_space<vmem>> -> memref<640xf32, #tpu.memory_space<vmem>>
    %dma_start3A_209 = tpu.memref_slice %arg15[%dma_start3A_204, %mul3A_203] : memref<16x10240xf32, #tpu.memory_space<vmem_shared>> -> memref<1x640xf32, #tpu.memory_space<vmem_shared>>
    %dma_start3A_210 = tpu.memref_squeeze %dma_start3A_209 : memref<1x640xf32, #tpu.memory_space<vmem_shared>> -> memref<640xf32, #tpu.memory_space<vmem_shared>>
    %dma_start3A_211 = arith.constant 0 : i32
    %dma_start3A_212 = tpu.memref_slice %arg11[%dma_start3A_205, %dma_start3A_211] : memref<16x640xf32, #tpu.memory_space<vmem>> -> memref<1x640xf32, #tpu.memory_space<vmem>>
    %dma_start3A_213 = tpu.memref_squeeze %dma_start3A_212 : memref<1x640xf32, #tpu.memory_space<vmem>> -> memref<640xf32, #tpu.memory_space<vmem>>
    %dma_start3A_214 = tpu.memref_slice %arg15[%dma_start3A_204, %mul3A_203] : memref<16x10240xf32, #tpu.memory_space<vmem_shared>> -> memref<1x640xf32, #tpu.memory_space<vmem_shared>>
    %dma_start3A_215 = tpu.memref_squeeze %dma_start3A_214 : memref<1x640xf32, #tpu.memory_space<vmem_shared>> -> memref<640xf32, #tpu.memory_space<vmem_shared>>
    tpu.enqueue_dma source(%dma_start3A_215 : memref<640xf32, #tpu.memory_space<vmem_shared>>) target(%dma_start3A_213 : memref<640xf32, #tpu.memory_space<vmem>>) target_semaphore(%arg21 : memref<!tpu.dma_semaphore, #tpu.memory_space<semaphore_mem>>)
    %mul3A_216 = arith.constant 640 : i32
    %mul3A_217 = arith.muli %arg1, %mul3A_216 : i32
    %dma_start3A_218 = arith.constant 9 : i32
    %dma_start3A_219 = arith.constant 9 : i32
    %dma_start3A_220 = arith.constant 0 : i32
    %dma_start3A_221 = tpu.memref_slice %arg11[%dma_start3A_219, %dma_start3A_220] : memref<16x640xf32, #tpu.memory_space<vmem>> -> memref<1x640xf32, #tpu.memory_space<vmem>>
    %dma_start3A_222 = tpu.memref_squeeze %dma_start3A_221 : memref<1x640xf32, #tpu.memory_space<vmem>> -> memref<640xf32, #tpu.memory_space<vmem>>
    %dma_start3A_223 = tpu.memref_slice %arg15[%dma_start3A_218, %mul3A_217] : memref<16x10240xf32, #tpu.memory_space<vmem_shared>> -> memref<1x640xf32, #tpu.memory_space<vmem_shared>>
    %dma_start3A_224 = tpu.memref_squeeze %dma_start3A_223 : memref<1x640xf32, #tpu.memory_space<vmem_shared>> -> memref<640xf32, #tpu.memory_space<vmem_shared>>
    %dma_start3A_225 = arith.constant 0 : i32
    %dma_start3A_226 = tpu.memref_slice %arg11[%dma_start3A_219, %dma_start3A_225] : memref<16x640xf32, #tpu.memory_space<vmem>> -> memref<1x640xf32, #tpu.memory_space<vmem>>
    %dma_start3A_227 = tpu.memref_squeeze %dma_start3A_226 : memref<1x640xf32, #tpu.memory_space<vmem>> -> memref<640xf32, #tpu.memory_space<vmem>>
    %dma_start3A_228 = tpu.memref_slice %arg15[%dma_start3A_218, %mul3A_217] : memref<16x10240xf32, #tpu.memory_space<vmem_shared>> -> memref<1x640xf32, #tpu.memory_space<vmem_shared>>
    %dma_start3A_229 = tpu.memref_squeeze %dma_start3A_228 : memref<1x640xf32, #tpu.memory_space<vmem_shared>> -> memref<640xf32, #tpu.memory_space<vmem_shared>>
    tpu.enqueue_dma source(%dma_start3A_229 : memref<640xf32, #tpu.memory_space<vmem_shared>>) target(%dma_start3A_227 : memref<640xf32, #tpu.memory_space<vmem>>) target_semaphore(%arg21 : memref<!tpu.dma_semaphore, #tpu.memory_space<semaphore_mem>>)
    %mul3A_230 = arith.constant 640 : i32
    %mul3A_231 = arith.muli %arg1, %mul3A_230 : i32
    %dma_start3A_232 = arith.constant 10 : i32
    %dma_start3A_233 = arith.constant 10 : i32
    %dma_start3A_234 = arith.constant 0 : i32
    %dma_start3A_235 = tpu.memref_slice %arg11[%dma_start3A_233, %dma_start3A_234] : memref<16x640xf32, #tpu.memory_space<vmem>> -> memref<1x640xf32, #tpu.memory_space<vmem>>
    %dma_start3A_236 = tpu.memref_squeeze %dma_start3A_235 : memref<1x640xf32, #tpu.memory_space<vmem>> -> memref<640xf32, #tpu.memory_space<vmem>>
    %dma_start3A_237 = tpu.memref_slice %arg15[%dma_start3A_232, %mul3A_231] : memref<16x10240xf32, #tpu.memory_space<vmem_shared>> -> memref<1x640xf32, #tpu.memory_space<vmem_shared>>
    %dma_start3A_238 = tpu.memref_squeeze %dma_start3A_237 : memref<1x640xf32, #tpu.memory_space<vmem_shared>> -> memref<640xf32, #tpu.memory_space<vmem_shared>>
    %dma_start3A_239 = arith.constant 0 : i32
    %dma_start3A_240 = tpu.memref_slice %arg11[%dma_start3A_233, %dma_start3A_239] : memref<16x640xf32, #tpu.memory_space<vmem>> -> memref<1x640xf32, #tpu.memory_space<vmem>>
    %dma_start3A_241 = tpu.memref_squeeze %dma_start3A_240 : memref<1x640xf32, #tpu.memory_space<vmem>> -> memref<640xf32, #tpu.memory_space<vmem>>
    %dma_start3A_242 = tpu.memref_slice %arg15[%dma_start3A_232, %mul3A_231] : memref<16x10240xf32, #tpu.memory_space<vmem_shared>> -> memref<1x640xf32, #tpu.memory_space<vmem_shared>>
    %dma_start3A_243 = tpu.memref_squeeze %dma_start3A_242 : memref<1x640xf32, #tpu.memory_space<vmem_shared>> -> memref<640xf32, #tpu.memory_space<vmem_shared>>
    tpu.enqueue_dma source(%dma_start3A_243 : memref<640xf32, #tpu.memory_space<vmem_shared>>) target(%dma_start3A_241 : memref<640xf32, #tpu.memory_space<vmem>>) target_semaphore(%arg21 : memref<!tpu.dma_semaphore, #tpu.memory_space<semaphore_mem>>)
    %mul3A_244 = arith.constant 640 : i32
    %mul3A_245 = arith.muli %arg1, %mul3A_244 : i32
    %dma_start3A_246 = arith.constant 11 : i32
    %dma_start3A_247 = arith.constant 11 : i32
    %dma_start3A_248 = arith.constant 0 : i32
    %dma_start3A_249 = tpu.memref_slice %arg11[%dma_start3A_247, %dma_start3A_248] : memref<16x640xf32, #tpu.memory_space<vmem>> -> memref<1x640xf32, #tpu.memory_space<vmem>>
    %dma_start3A_250 = tpu.memref_squeeze %dma_start3A_249 : memref<1x640xf32, #tpu.memory_space<vmem>> -> memref<640xf32, #tpu.memory_space<vmem>>
    %dma_start3A_251 = tpu.memref_slice %arg15[%dma_start3A_246, %mul3A_245] : memref<16x10240xf32, #tpu.memory_space<vmem_shared>> -> memref<1x640xf32, #tpu.memory_space<vmem_shared>>
    %dma_start3A_252 = tpu.memref_squeeze %dma_start3A_251 : memref<1x640xf32, #tpu.memory_space<vmem_shared>> -> memref<640xf32, #tpu.memory_space<vmem_shared>>
    %dma_start3A_253 = arith.constant 0 : i32
    %dma_start3A_254 = tpu.memref_slice %arg11[%dma_start3A_247, %dma_start3A_253] : memref<16x640xf32, #tpu.memory_space<vmem>> -> memref<1x640xf32, #tpu.memory_space<vmem>>
    %dma_start3A_255 = tpu.memref_squeeze %dma_start3A_254 : memref<1x640xf32, #tpu.memory_space<vmem>> -> memref<640xf32, #tpu.memory_space<vmem>>
    %dma_start3A_256 = tpu.memref_slice %arg15[%dma_start3A_246, %mul3A_245] : memref<16x10240xf32, #tpu.memory_space<vmem_shared>> -> memref<1x640xf32, #tpu.memory_space<vmem_shared>>
    %dma_start3A_257 = tpu.memref_squeeze %dma_start3A_256 : memref<1x640xf32, #tpu.memory_space<vmem_shared>> -> memref<640xf32, #tpu.memory_space<vmem_shared>>
    tpu.enqueue_dma source(%dma_start3A_257 : memref<640xf32, #tpu.memory_space<vmem_shared>>) target(%dma_start3A_255 : memref<640xf32, #tpu.memory_space<vmem>>) target_semaphore(%arg21 : memref<!tpu.dma_semaphore, #tpu.memory_space<semaphore_mem>>)
    %mul3A_258 = arith.constant 640 : i32
    %mul3A_259 = arith.muli %arg1, %mul3A_258 : i32
    %dma_start3A_260 = arith.constant 12 : i32
    %dma_start3A_261 = arith.constant 12 : i32
    %dma_start3A_262 = arith.constant 0 : i32
    %dma_start3A_263 = tpu.memref_slice %arg11[%dma_start3A_261, %dma_start3A_262] : memref<16x640xf32, #tpu.memory_space<vmem>> -> memref<1x640xf32, #tpu.memory_space<vmem>>
    %dma_start3A_264 = tpu.memref_squeeze %dma_start3A_263 : memref<1x640xf32, #tpu.memory_space<vmem>> -> memref<640xf32, #tpu.memory_space<vmem>>
    %dma_start3A_265 = tpu.memref_slice %arg15[%dma_start3A_260, %mul3A_259] : memref<16x10240xf32, #tpu.memory_space<vmem_shared>> -> memref<1x640xf32, #tpu.memory_space<vmem_shared>>
    %dma_start3A_266 = tpu.memref_squeeze %dma_start3A_265 : memref<1x640xf32, #tpu.memory_space<vmem_shared>> -> memref<640xf32, #tpu.memory_space<vmem_shared>>
    %dma_start3A_267 = arith.constant 0 : i32
    %dma_start3A_268 = tpu.memref_slice %arg11[%dma_start3A_261, %dma_start3A_267] : memref<16x640xf32, #tpu.memory_space<vmem>> -> memref<1x640xf32, #tpu.memory_space<vmem>>
    %dma_start3A_269 = tpu.memref_squeeze %dma_start3A_268 : memref<1x640xf32, #tpu.memory_space<vmem>> -> memref<640xf32, #tpu.memory_space<vmem>>
    %dma_start3A_270 = tpu.memref_slice %arg15[%dma_start3A_260, %mul3A_259] : memref<16x10240xf32, #tpu.memory_space<vmem_shared>> -> memref<1x640xf32, #tpu.memory_space<vmem_shared>>
    %dma_start3A_271 = tpu.memref_squeeze %dma_start3A_270 : memref<1x640xf32, #tpu.memory_space<vmem_shared>> -> memref<640xf32, #tpu.memory_space<vmem_shared>>
    tpu.enqueue_dma source(%dma_start3A_271 : memref<640xf32, #tpu.memory_space<vmem_shared>>) target(%dma_start3A_269 : memref<640xf32, #tpu.memory_space<vmem>>) target_semaphore(%arg21 : memref<!tpu.dma_semaphore, #tpu.memory_space<semaphore_mem>>)
    %mul3A_272 = arith.constant 640 : i32
    %mul3A_273 = arith.muli %arg1, %mul3A_272 : i32
    %dma_start3A_274 = arith.constant 13 : i32
    %dma_start3A_275 = arith.constant 13 : i32
    %dma_start3A_276 = arith.constant 0 : i32
    %dma_start3A_277 = tpu.memref_slice %arg11[%dma_start3A_275, %dma_start3A_276] : memref<16x640xf32, #tpu.memory_space<vmem>> -> memref<1x640xf32, #tpu.memory_space<vmem>>
    %dma_start3A_278 = tpu.memref_squeeze %dma_start3A_277 : memref<1x640xf32, #tpu.memory_space<vmem>> -> memref<640xf32, #tpu.memory_space<vmem>>
    %dma_start3A_279 = tpu.memref_slice %arg15[%dma_start3A_274, %mul3A_273] : memref<16x10240xf32, #tpu.memory_space<vmem_shared>> -> memref<1x640xf32, #tpu.memory_space<vmem_shared>>
    %dma_start3A_280 = tpu.memref_squeeze %dma_start3A_279 : memref<1x640xf32, #tpu.memory_space<vmem_shared>> -> memref<640xf32, #tpu.memory_space<vmem_shared>>
    %dma_start3A_281 = arith.constant 0 : i32
    %dma_start3A_282 = tpu.memref_slice %arg11[%dma_start3A_275, %dma_start3A_281] : memref<16x640xf32, #tpu.memory_space<vmem>> -> memref<1x640xf32, #tpu.memory_space<vmem>>
    %dma_start3A_283 = tpu.memref_squeeze %dma_start3A_282 : memref<1x640xf32, #tpu.memory_space<vmem>> -> memref<640xf32, #tpu.memory_space<vmem>>
    %dma_start3A_284 = tpu.memref_slice %arg15[%dma_start3A_274, %mul3A_273] : memref<16x10240xf32, #tpu.memory_space<vmem_shared>> -> memref<1x640xf32, #tpu.memory_space<vmem_shared>>
    %dma_start3A_285 = tpu.memref_squeeze %dma_start3A_284 : memref<1x640xf32, #tpu.memory_space<vmem_shared>> -> memref<640xf32, #tpu.memory_space<vmem_shared>>
    tpu.enqueue_dma source(%dma_start3A_285 : memref<640xf32, #tpu.memory_space<vmem_shared>>) target(%dma_start3A_283 : memref<640xf32, #tpu.memory_space<vmem>>) target_semaphore(%arg21 : memref<!tpu.dma_semaphore, #tpu.memory_space<semaphore_mem>>)
    %mul3A_286 = arith.constant 640 : i32
    %mul3A_287 = arith.muli %arg1, %mul3A_286 : i32
    %dma_start3A_288 = arith.constant 14 : i32
    %dma_start3A_289 = arith.constant 14 : i32
    %dma_start3A_290 = arith.constant 0 : i32
    %dma_start3A_291 = tpu.memref_slice %arg11[%dma_start3A_289, %dma_start3A_290] : memref<16x640xf32, #tpu.memory_space<vmem>> -> memref<1x640xf32, #tpu.memory_space<vmem>>
    %dma_start3A_292 = tpu.memref_squeeze %dma_start3A_291 : memref<1x640xf32, #tpu.memory_space<vmem>> -> memref<640xf32, #tpu.memory_space<vmem>>
    %dma_start3A_293 = tpu.memref_slice %arg15[%dma_start3A_288, %mul3A_287] : memref<16x10240xf32, #tpu.memory_space<vmem_shared>> -> memref<1x640xf32, #tpu.memory_space<vmem_shared>>
    %dma_start3A_294 = tpu.memref_squeeze %dma_start3A_293 : memref<1x640xf32, #tpu.memory_space<vmem_shared>> -> memref<640xf32, #tpu.memory_space<vmem_shared>>
    %dma_start3A_295 = arith.constant 0 : i32
    %dma_start3A_296 = tpu.memref_slice %arg11[%dma_start3A_289, %dma_start3A_295] : memref<16x640xf32, #tpu.memory_space<vmem>> -> memref<1x640xf32, #tpu.memory_space<vmem>>
    %dma_start3A_297 = tpu.memref_squeeze %dma_start3A_296 : memref<1x640xf32, #tpu.memory_space<vmem>> -> memref<640xf32, #tpu.memory_space<vmem>>
    %dma_start3A_298 = tpu.memref_slice %arg15[%dma_start3A_288, %mul3A_287] : memref<16x10240xf32, #tpu.memory_space<vmem_shared>> -> memref<1x640xf32, #tpu.memory_space<vmem_shared>>
    %dma_start3A_299 = tpu.memref_squeeze %dma_start3A_298 : memref<1x640xf32, #tpu.memory_space<vmem_shared>> -> memref<640xf32, #tpu.memory_space<vmem_shared>>
    tpu.enqueue_dma source(%dma_start3A_299 : memref<640xf32, #tpu.memory_space<vmem_shared>>) target(%dma_start3A_297 : memref<640xf32, #tpu.memory_space<vmem>>) target_semaphore(%arg21 : memref<!tpu.dma_semaphore, #tpu.memory_space<semaphore_mem>>)
    %mul3A_300 = arith.constant 640 : i32
    %mul3A_301 = arith.muli %arg1, %mul3A_300 : i32
    %dma_start3A_302 = arith.constant 15 : i32
    %dma_start3A_303 = arith.constant 15 : i32
    %dma_start3A_304 = arith.constant 0 : i32
    %dma_start3A_305 = tpu.memref_slice %arg11[%dma_start3A_303, %dma_start3A_304] : memref<16x640xf32, #tpu.memory_space<vmem>> -> memref<1x640xf32, #tpu.memory_space<vmem>>
    %dma_start3A_306 = tpu.memref_squeeze %dma_start3A_305 : memref<1x640xf32, #tpu.memory_space<vmem>> -> memref<640xf32, #tpu.memory_space<vmem>>
    %dma_start3A_307 = tpu.memref_slice %arg15[%dma_start3A_302, %mul3A_301] : memref<16x10240xf32, #tpu.memory_space<vmem_shared>> -> memref<1x640xf32, #tpu.memory_space<vmem_shared>>
    %dma_start3A_308 = tpu.memref_squeeze %dma_start3A_307 : memref<1x640xf32, #tpu.memory_space<vmem_shared>> -> memref<640xf32, #tpu.memory_space<vmem_shared>>
    %dma_start3A_309 = arith.constant 0 : i32
    %dma_start3A_310 = tpu.memref_slice %arg11[%dma_start3A_303, %dma_start3A_309] : memref<16x640xf32, #tpu.memory_space<vmem>> -> memref<1x640xf32, #tpu.memory_space<vmem>>
    %dma_start3A_311 = tpu.memref_squeeze %dma_start3A_310 : memref<1x640xf32, #tpu.memory_space<vmem>> -> memref<640xf32, #tpu.memory_space<vmem>>
    %dma_start3A_312 = tpu.memref_slice %arg15[%dma_start3A_302, %mul3A_301] : memref<16x10240xf32, #tpu.memory_space<vmem_shared>> -> memref<1x640xf32, #tpu.memory_space<vmem_shared>>
    %dma_start3A_313 = tpu.memref_squeeze %dma_start3A_312 : memref<1x640xf32, #tpu.memory_space<vmem_shared>> -> memref<640xf32, #tpu.memory_space<vmem_shared>>
    tpu.enqueue_dma source(%dma_start3A_313 : memref<640xf32, #tpu.memory_space<vmem_shared>>) target(%dma_start3A_311 : memref<640xf32, #tpu.memory_space<vmem>>) target_semaphore(%arg21 : memref<!tpu.dma_semaphore, #tpu.memory_space<semaphore_mem>>)
    %mul3A_314 = arith.constant 640 : i32
    %mul3A_315 = arith.muli %arg1, %mul3A_314 : i32
    %dma_wait3A_316 = arith.constant 0 : i32
    %dma_wait3A_317 = arith.constant 0 : i32
    %dma_wait3A_318 = arith.constant 0 : i32
    %dma_wait3A_319 = tpu.memref_slice %arg11[%dma_wait3A_317, %dma_wait3A_318] : memref<16x640xf32, #tpu.memory_space<vmem>> -> memref<1x640xf32, #tpu.memory_space<vmem>>
    %dma_wait3A_320 = tpu.memref_squeeze %dma_wait3A_319 : memref<1x640xf32, #tpu.memory_space<vmem>> -> memref<640xf32, #tpu.memory_space<vmem>>
    %dma_wait3A_321 = tpu.memref_slice %arg15[%dma_wait3A_316, %mul3A_315] : memref<16x10240xf32, #tpu.memory_space<vmem_shared>> -> memref<1x640xf32, #tpu.memory_space<vmem_shared>>
    %dma_wait3A_322 = tpu.memref_squeeze %dma_wait3A_321 : memref<1x640xf32, #tpu.memory_space<vmem_shared>> -> memref<640xf32, #tpu.memory_space<vmem_shared>>
    %dma_wait3A_323 = arith.constant 0 : i32
    %dma_wait3A_324 = tpu.memref_slice %arg11[%dma_wait3A_317, %dma_wait3A_323] : memref<16x640xf32, #tpu.memory_space<vmem>> -> memref<1x640xf32, #tpu.memory_space<vmem>>
    %dma_wait3A_325 = tpu.memref_squeeze %dma_wait3A_324 : memref<1x640xf32, #tpu.memory_space<vmem>> -> memref<640xf32, #tpu.memory_space<vmem>>
    %dma_wait3A_326 = tpu.memref_slice %arg15[%dma_wait3A_316, %mul3A_315] : memref<16x10240xf32, #tpu.memory_space<vmem_shared>> -> memref<1x640xf32, #tpu.memory_space<vmem_shared>>
    %dma_wait3A_327 = tpu.memref_squeeze %dma_wait3A_326 : memref<1x640xf32, #tpu.memory_space<vmem_shared>> -> memref<640xf32, #tpu.memory_space<vmem_shared>>
    tpu.wait_dma2 semaphore(%arg21 : memref<!tpu.dma_semaphore, #tpu.memory_space<semaphore_mem>>) src(%dma_wait3A_327 : memref<640xf32, #tpu.memory_space<vmem_shared>>) dst(%dma_wait3A_325 : memref<640xf32, #tpu.memory_space<vmem>>)
    %mul3A_328 = arith.constant 640 : i32
    %mul3A_329 = arith.muli %arg1, %mul3A_328 : i32
    %dma_wait3A_330 = arith.constant 1 : i32
    %dma_wait3A_331 = arith.constant 1 : i32
    %dma_wait3A_332 = arith.constant 0 : i32
    %dma_wait3A_333 = tpu.memref_slice %arg11[%dma_wait3A_331, %dma_wait3A_332] : memref<16x640xf32, #tpu.memory_space<vmem>> -> memref<1x640xf32, #tpu.memory_space<vmem>>
    %dma_wait3A_334 = tpu.memref_squeeze %dma_wait3A_333 : memref<1x640xf32, #tpu.memory_space<vmem>> -> memref<640xf32, #tpu.memory_space<vmem>>
    %dma_wait3A_335 = tpu.memref_slice %arg15[%dma_wait3A_330, %mul3A_329] : memref<16x10240xf32, #tpu.memory_space<vmem_shared>> -> memref<1x640xf32, #tpu.memory_space<vmem_shared>>
    %dma_wait3A_336 = tpu.memref_squeeze %dma_wait3A_335 : memref<1x640xf32, #tpu.memory_space<vmem_shared>> -> memref<640xf32, #tpu.memory_space<vmem_shared>>
    %dma_wait3A_337 = arith.constant 0 : i32
    %dma_wait3A_338 = tpu.memref_slice %arg11[%dma_wait3A_331, %dma_wait3A_337] : memref<16x640xf32, #tpu.memory_space<vmem>> -> memref<1x640xf32, #tpu.memory_space<vmem>>
    %dma_wait3A_339 = tpu.memref_squeeze %dma_wait3A_338 : memref<1x640xf32, #tpu.memory_space<vmem>> -> memref<640xf32, #tpu.memory_space<vmem>>
    %dma_wait3A_340 = tpu.memref_slice %arg15[%dma_wait3A_330, %mul3A_329] : memref<16x10240xf32, #tpu.memory_space<vmem_shared>> -> memref<1x640xf32, #tpu.memory_space<vmem_shared>>
    %dma_wait3A_341 = tpu.memref_squeeze %dma_wait3A_340 : memref<1x640xf32, #tpu.memory_space<vmem_shared>> -> memref<640xf32, #tpu.memory_space<vmem_shared>>
    tpu.wait_dma2 semaphore(%arg21 : memref<!tpu.dma_semaphore, #tpu.memory_space<semaphore_mem>>) src(%dma_wait3A_341 : memref<640xf32, #tpu.memory_space<vmem_shared>>) dst(%dma_wait3A_339 : memref<640xf32, #tpu.memory_space<vmem>>)
    %mul3A_342 = arith.constant 640 : i32
    %mul3A_343 = arith.muli %arg1, %mul3A_342 : i32
    %dma_wait3A_344 = arith.constant 2 : i32
    %dma_wait3A_345 = arith.constant 2 : i32
    %dma_wait3A_346 = arith.constant 0 : i32
    %dma_wait3A_347 = tpu.memref_slice %arg11[%dma_wait3A_345, %dma_wait3A_346] : memref<16x640xf32, #tpu.memory_space<vmem>> -> memref<1x640xf32, #tpu.memory_space<vmem>>
    %dma_wait3A_348 = tpu.memref_squeeze %dma_wait3A_347 : memref<1x640xf32, #tpu.memory_space<vmem>> -> memref<640xf32, #tpu.memory_space<vmem>>
    %dma_wait3A_349 = tpu.memref_slice %arg15[%dma_wait3A_344, %mul3A_343] : memref<16x10240xf32, #tpu.memory_space<vmem_shared>> -> memref<1x640xf32, #tpu.memory_space<vmem_shared>>
    %dma_wait3A_350 = tpu.memref_squeeze %dma_wait3A_349 : memref<1x640xf32, #tpu.memory_space<vmem_shared>> -> memref<640xf32, #tpu.memory_space<vmem_shared>>
    %dma_wait3A_351 = arith.constant 0 : i32
    %dma_wait3A_352 = tpu.memref_slice %arg11[%dma_wait3A_345, %dma_wait3A_351] : memref<16x640xf32, #tpu.memory_space<vmem>> -> memref<1x640xf32, #tpu.memory_space<vmem>>
    %dma_wait3A_353 = tpu.memref_squeeze %dma_wait3A_352 : memref<1x640xf32, #tpu.memory_space<vmem>> -> memref<640xf32, #tpu.memory_space<vmem>>
    %dma_wait3A_354 = tpu.memref_slice %arg15[%dma_wait3A_344, %mul3A_343] : memref<16x10240xf32, #tpu.memory_space<vmem_shared>> -> memref<1x640xf32, #tpu.memory_space<vmem_shared>>
    %dma_wait3A_355 = tpu.memref_squeeze %dma_wait3A_354 : memref<1x640xf32, #tpu.memory_space<vmem_shared>> -> memref<640xf32, #tpu.memory_space<vmem_shared>>
    tpu.wait_dma2 semaphore(%arg21 : memref<!tpu.dma_semaphore, #tpu.memory_space<semaphore_mem>>) src(%dma_wait3A_355 : memref<640xf32, #tpu.memory_space<vmem_shared>>) dst(%dma_wait3A_353 : memref<640xf32, #tpu.memory_space<vmem>>)
    %mul3A_356 = arith.constant 640 : i32
    %mul3A_357 = arith.muli %arg1, %mul3A_356 : i32
    %dma_wait3A_358 = arith.constant 3 : i32
    %dma_wait3A_359 = arith.constant 3 : i32
    %dma_wait3A_360 = arith.constant 0 : i32
    %dma_wait3A_361 = tpu.memref_slice %arg11[%dma_wait3A_359, %dma_wait3A_360] : memref<16x640xf32, #tpu.memory_space<vmem>> -> memref<1x640xf32, #tpu.memory_space<vmem>>
    %dma_wait3A_362 = tpu.memref_squeeze %dma_wait3A_361 : memref<1x640xf32, #tpu.memory_space<vmem>> -> memref<640xf32, #tpu.memory_space<vmem>>
    %dma_wait3A_363 = tpu.memref_slice %arg15[%dma_wait3A_358, %mul3A_357] : memref<16x10240xf32, #tpu.memory_space<vmem_shared>> -> memref<1x640xf32, #tpu.memory_space<vmem_shared>>
    %dma_wait3A_364 = tpu.memref_squeeze %dma_wait3A_363 : memref<1x640xf32, #tpu.memory_space<vmem_shared>> -> memref<640xf32, #tpu.memory_space<vmem_shared>>
    %dma_wait3A_365 = arith.constant 0 : i32
    %dma_wait3A_366 = tpu.memref_slice %arg11[%dma_wait3A_359, %dma_wait3A_365] : memref<16x640xf32, #tpu.memory_space<vmem>> -> memref<1x640xf32, #tpu.memory_space<vmem>>
    %dma_wait3A_367 = tpu.memref_squeeze %dma_wait3A_366 : memref<1x640xf32, #tpu.memory_space<vmem>> -> memref<640xf32, #tpu.memory_space<vmem>>
    %dma_wait3A_368 = tpu.memref_slice %arg15[%dma_wait3A_358, %mul3A_357] : memref<16x10240xf32, #tpu.memory_space<vmem_shared>> -> memref<1x640xf32, #tpu.memory_space<vmem_shared>>
    %dma_wait3A_369 = tpu.memref_squeeze %dma_wait3A_368 : memref<1x640xf32, #tpu.memory_space<vmem_shared>> -> memref<640xf32, #tpu.memory_space<vmem_shared>>
    tpu.wait_dma2 semaphore(%arg21 : memref<!tpu.dma_semaphore, #tpu.memory_space<semaphore_mem>>) src(%dma_wait3A_369 : memref<640xf32, #tpu.memory_space<vmem_shared>>) dst(%dma_wait3A_367 : memref<640xf32, #tpu.memory_space<vmem>>)
    %mul3A_370 = arith.constant 640 : i32
    %mul3A_371 = arith.muli %arg1, %mul3A_370 : i32
    %dma_wait3A_372 = arith.constant 4 : i32
    %dma_wait3A_373 = arith.constant 4 : i32
    %dma_wait3A_374 = arith.constant 0 : i32
    %dma_wait3A_375 = tpu.memref_slice %arg11[%dma_wait3A_373, %dma_wait3A_374] : memref<16x640xf32, #tpu.memory_space<vmem>> -> memref<1x640xf32, #tpu.memory_space<vmem>>
    %dma_wait3A_376 = tpu.memref_squeeze %dma_wait3A_375 : memref<1x640xf32, #tpu.memory_space<vmem>> -> memref<640xf32, #tpu.memory_space<vmem>>
    %dma_wait3A_377 = tpu.memref_slice %arg15[%dma_wait3A_372, %mul3A_371] : memref<16x10240xf32, #tpu.memory_space<vmem_shared>> -> memref<1x640xf32, #tpu.memory_space<vmem_shared>>
    %dma_wait3A_378 = tpu.memref_squeeze %dma_wait3A_377 : memref<1x640xf32, #tpu.memory_space<vmem_shared>> -> memref<640xf32, #tpu.memory_space<vmem_shared>>
    %dma_wait3A_379 = arith.constant 0 : i32
    %dma_wait3A_380 = tpu.memref_slice %arg11[%dma_wait3A_373, %dma_wait3A_379] : memref<16x640xf32, #tpu.memory_space<vmem>> -> memref<1x640xf32, #tpu.memory_space<vmem>>
    %dma_wait3A_381 = tpu.memref_squeeze %dma_wait3A_380 : memref<1x640xf32, #tpu.memory_space<vmem>> -> memref<640xf32, #tpu.memory_space<vmem>>
    %dma_wait3A_382 = tpu.memref_slice %arg15[%dma_wait3A_372, %mul3A_371] : memref<16x10240xf32, #tpu.memory_space<vmem_shared>> -> memref<1x640xf32, #tpu.memory_space<vmem_shared>>
    %dma_wait3A_383 = tpu.memref_squeeze %dma_wait3A_382 : memref<1x640xf32, #tpu.memory_space<vmem_shared>> -> memref<640xf32, #tpu.memory_space<vmem_shared>>
    tpu.wait_dma2 semaphore(%arg21 : memref<!tpu.dma_semaphore, #tpu.memory_space<semaphore_mem>>) src(%dma_wait3A_383 : memref<640xf32, #tpu.memory_space<vmem_shared>>) dst(%dma_wait3A_381 : memref<640xf32, #tpu.memory_space<vmem>>)
    %mul3A_384 = arith.constant 640 : i32
    %mul3A_385 = arith.muli %arg1, %mul3A_384 : i32
    %dma_wait3A_386 = arith.constant 5 : i32
    %dma_wait3A_387 = arith.constant 5 : i32
    %dma_wait3A_388 = arith.constant 0 : i32
    %dma_wait3A_389 = tpu.memref_slice %arg11[%dma_wait3A_387, %dma_wait3A_388] : memref<16x640xf32, #tpu.memory_space<vmem>> -> memref<1x640xf32, #tpu.memory_space<vmem>>
    %dma_wait3A_390 = tpu.memref_squeeze %dma_wait3A_389 : memref<1x640xf32, #tpu.memory_space<vmem>> -> memref<640xf32, #tpu.memory_space<vmem>>
    %dma_wait3A_391 = tpu.memref_slice %arg15[%dma_wait3A_386, %mul3A_385] : memref<16x10240xf32, #tpu.memory_space<vmem_shared>> -> memref<1x640xf32, #tpu.memory_space<vmem_shared>>
    %dma_wait3A_392 = tpu.memref_squeeze %dma_wait3A_391 : memref<1x640xf32, #tpu.memory_space<vmem_shared>> -> memref<640xf32, #tpu.memory_space<vmem_shared>>
    %dma_wait3A_393 = arith.constant 0 : i32
    %dma_wait3A_394 = tpu.memref_slice %arg11[%dma_wait3A_387, %dma_wait3A_393] : memref<16x640xf32, #tpu.memory_space<vmem>> -> memref<1x640xf32, #tpu.memory_space<vmem>>
    %dma_wait3A_395 = tpu.memref_squeeze %dma_wait3A_394 : memref<1x640xf32, #tpu.memory_space<vmem>> -> memref<640xf32, #tpu.memory_space<vmem>>
    %dma_wait3A_396 = tpu.memref_slice %arg15[%dma_wait3A_386, %mul3A_385] : memref<16x10240xf32, #tpu.memory_space<vmem_shared>> -> memref<1x640xf32, #tpu.memory_space<vmem_shared>>
    %dma_wait3A_397 = tpu.memref_squeeze %dma_wait3A_396 : memref<1x640xf32, #tpu.memory_space<vmem_shared>> -> memref<640xf32, #tpu.memory_space<vmem_shared>>
    tpu.wait_dma2 semaphore(%arg21 : memref<!tpu.dma_semaphore, #tpu.memory_space<semaphore_mem>>) src(%dma_wait3A_397 : memref<640xf32, #tpu.memory_space<vmem_shared>>) dst(%dma_wait3A_395 : memref<640xf32, #tpu.memory_space<vmem>>)
    %mul3A_398 = arith.constant 640 : i32
    %mul3A_399 = arith.muli %arg1, %mul3A_398 : i32
    %dma_wait3A_400 = arith.constant 6 : i32
    %dma_wait3A_401 = arith.constant 6 : i32
    %dma_wait3A_402 = arith.constant 0 : i32
    %dma_wait3A_403 = tpu.memref_slice %arg11[%dma_wait3A_401, %dma_wait3A_402] : memref<16x640xf32, #tpu.memory_space<vmem>> -> memref<1x640xf32, #tpu.memory_space<vmem>>
    %dma_wait3A_404 = tpu.memref_squeeze %dma_wait3A_403 : memref<1x640xf32, #tpu.memory_space<vmem>> -> memref<640xf32, #tpu.memory_space<vmem>>
    %dma_wait3A_405 = tpu.memref_slice %arg15[%dma_wait3A_400, %mul3A_399] : memref<16x10240xf32, #tpu.memory_space<vmem_shared>> -> memref<1x640xf32, #tpu.memory_space<vmem_shared>>
    %dma_wait3A_406 = tpu.memref_squeeze %dma_wait3A_405 : memref<1x640xf32, #tpu.memory_space<vmem_shared>> -> memref<640xf32, #tpu.memory_space<vmem_shared>>
    %dma_wait3A_407 = arith.constant 0 : i32
    %dma_wait3A_408 = tpu.memref_slice %arg11[%dma_wait3A_401, %dma_wait3A_407] : memref<16x640xf32, #tpu.memory_space<vmem>> -> memref<1x640xf32, #tpu.memory_space<vmem>>
    %dma_wait3A_409 = tpu.memref_squeeze %dma_wait3A_408 : memref<1x640xf32, #tpu.memory_space<vmem>> -> memref<640xf32, #tpu.memory_space<vmem>>
    %dma_wait3A_410 = tpu.memref_slice %arg15[%dma_wait3A_400, %mul3A_399] : memref<16x10240xf32, #tpu.memory_space<vmem_shared>> -> memref<1x640xf32, #tpu.memory_space<vmem_shared>>
    %dma_wait3A_411 = tpu.memref_squeeze %dma_wait3A_410 : memref<1x640xf32, #tpu.memory_space<vmem_shared>> -> memref<640xf32, #tpu.memory_space<vmem_shared>>
    tpu.wait_dma2 semaphore(%arg21 : memref<!tpu.dma_semaphore, #tpu.memory_space<semaphore_mem>>) src(%dma_wait3A_411 : memref<640xf32, #tpu.memory_space<vmem_shared>>) dst(%dma_wait3A_409 : memref<640xf32, #tpu.memory_space<vmem>>)
    %mul3A_412 = arith.constant 640 : i32
    %mul3A_413 = arith.muli %arg1, %mul3A_412 : i32
    %dma_wait3A_414 = arith.constant 7 : i32
    %dma_wait3A_415 = arith.constant 7 : i32
    %dma_wait3A_416 = arith.constant 0 : i32
    %dma_wait3A_417 = tpu.memref_slice %arg11[%dma_wait3A_415, %dma_wait3A_416] : memref<16x640xf32, #tpu.memory_space<vmem>> -> memref<1x640xf32, #tpu.memory_space<vmem>>
    %dma_wait3A_418 = tpu.memref_squeeze %dma_wait3A_417 : memref<1x640xf32, #tpu.memory_space<vmem>> -> memref<640xf32, #tpu.memory_space<vmem>>
    %dma_wait3A_419 = tpu.memref_slice %arg15[%dma_wait3A_414, %mul3A_413] : memref<16x10240xf32, #tpu.memory_space<vmem_shared>> -> memref<1x640xf32, #tpu.memory_space<vmem_shared>>
    %dma_wait3A_420 = tpu.memref_squeeze %dma_wait3A_419 : memref<1x640xf32, #tpu.memory_space<vmem_shared>> -> memref<640xf32, #tpu.memory_space<vmem_shared>>
    %dma_wait3A_421 = arith.constant 0 : i32
    %dma_wait3A_422 = tpu.memref_slice %arg11[%dma_wait3A_415, %dma_wait3A_421] : memref<16x640xf32, #tpu.memory_space<vmem>> -> memref<1x640xf32, #tpu.memory_space<vmem>>
    %dma_wait3A_423 = tpu.memref_squeeze %dma_wait3A_422 : memref<1x640xf32, #tpu.memory_space<vmem>> -> memref<640xf32, #tpu.memory_space<vmem>>
    %dma_wait3A_424 = tpu.memref_slice %arg15[%dma_wait3A_414, %mul3A_413] : memref<16x10240xf32, #tpu.memory_space<vmem_shared>> -> memref<1x640xf32, #tpu.memory_space<vmem_shared>>
    %dma_wait3A_425 = tpu.memref_squeeze %dma_wait3A_424 : memref<1x640xf32, #tpu.memory_space<vmem_shared>> -> memref<640xf32, #tpu.memory_space<vmem_shared>>
    tpu.wait_dma2 semaphore(%arg21 : memref<!tpu.dma_semaphore, #tpu.memory_space<semaphore_mem>>) src(%dma_wait3A_425 : memref<640xf32, #tpu.memory_space<vmem_shared>>) dst(%dma_wait3A_423 : memref<640xf32, #tpu.memory_space<vmem>>)
    %mul3A_426 = arith.constant 640 : i32
    %mul3A_427 = arith.muli %arg1, %mul3A_426 : i32
    %dma_wait3A_428 = arith.constant 8 : i32
    %dma_wait3A_429 = arith.constant 8 : i32
    %dma_wait3A_430 = arith.constant 0 : i32
    %dma_wait3A_431 = tpu.memref_slice %arg11[%dma_wait3A_429, %dma_wait3A_430] : memref<16x640xf32, #tpu.memory_space<vmem>> -> memref<1x640xf32, #tpu.memory_space<vmem>>
    %dma_wait3A_432 = tpu.memref_squeeze %dma_wait3A_431 : memref<1x640xf32, #tpu.memory_space<vmem>> -> memref<640xf32, #tpu.memory_space<vmem>>
    %dma_wait3A_433 = tpu.memref_slice %arg15[%dma_wait3A_428, %mul3A_427] : memref<16x10240xf32, #tpu.memory_space<vmem_shared>> -> memref<1x640xf32, #tpu.memory_space<vmem_shared>>
    %dma_wait3A_434 = tpu.memref_squeeze %dma_wait3A_433 : memref<1x640xf32, #tpu.memory_space<vmem_shared>> -> memref<640xf32, #tpu.memory_space<vmem_shared>>
    %dma_wait3A_435 = arith.constant 0 : i32
    %dma_wait3A_436 = tpu.memref_slice %arg11[%dma_wait3A_429, %dma_wait3A_435] : memref<16x640xf32, #tpu.memory_space<vmem>> -> memref<1x640xf32, #tpu.memory_space<vmem>>
    %dma_wait3A_437 = tpu.memref_squeeze %dma_wait3A_436 : memref<1x640xf32, #tpu.memory_space<vmem>> -> memref<640xf32, #tpu.memory_space<vmem>>
    %dma_wait3A_438 = tpu.memref_slice %arg15[%dma_wait3A_428, %mul3A_427] : memref<16x10240xf32, #tpu.memory_space<vmem_shared>> -> memref<1x640xf32, #tpu.memory_space<vmem_shared>>
    %dma_wait3A_439 = tpu.memref_squeeze %dma_wait3A_438 : memref<1x640xf32, #tpu.memory_space<vmem_shared>> -> memref<640xf32, #tpu.memory_space<vmem_shared>>
    tpu.wait_dma2 semaphore(%arg21 : memref<!tpu.dma_semaphore, #tpu.memory_space<semaphore_mem>>) src(%dma_wait3A_439 : memref<640xf32, #tpu.memory_space<vmem_shared>>) dst(%dma_wait3A_437 : memref<640xf32, #tpu.memory_space<vmem>>)
    %mul3A_440 = arith.constant 640 : i32
    %mul3A_441 = arith.muli %arg1, %mul3A_440 : i32
    %dma_wait3A_442 = arith.constant 9 : i32
    %dma_wait3A_443 = arith.constant 9 : i32
    %dma_wait3A_444 = arith.constant 0 : i32
    %dma_wait3A_445 = tpu.memref_slice %arg11[%dma_wait3A_443, %dma_wait3A_444] : memref<16x640xf32, #tpu.memory_space<vmem>> -> memref<1x640xf32, #tpu.memory_space<vmem>>
    %dma_wait3A_446 = tpu.memref_squeeze %dma_wait3A_445 : memref<1x640xf32, #tpu.memory_space<vmem>> -> memref<640xf32, #tpu.memory_space<vmem>>
    %dma_wait3A_447 = tpu.memref_slice %arg15[%dma_wait3A_442, %mul3A_441] : memref<16x10240xf32, #tpu.memory_space<vmem_shared>> -> memref<1x640xf32, #tpu.memory_space<vmem_shared>>
    %dma_wait3A_448 = tpu.memref_squeeze %dma_wait3A_447 : memref<1x640xf32, #tpu.memory_space<vmem_shared>> -> memref<640xf32, #tpu.memory_space<vmem_shared>>
    %dma_wait3A_449 = arith.constant 0 : i32
    %dma_wait3A_450 = tpu.memref_slice %arg11[%dma_wait3A_443, %dma_wait3A_449] : memref<16x640xf32, #tpu.memory_space<vmem>> -> memref<1x640xf32, #tpu.memory_space<vmem>>
    %dma_wait3A_451 = tpu.memref_squeeze %dma_wait3A_450 : memref<1x640xf32, #tpu.memory_space<vmem>> -> memref<640xf32, #tpu.memory_space<vmem>>
    %dma_wait3A_452 = tpu.memref_slice %arg15[%dma_wait3A_442, %mul3A_441] : memref<16x10240xf32, #tpu.memory_space<vmem_shared>> -> memref<1x640xf32, #tpu.memory_space<vmem_shared>>
    %dma_wait3A_453 = tpu.memref_squeeze %dma_wait3A_452 : memref<1x640xf32, #tpu.memory_space<vmem_shared>> -> memref<640xf32, #tpu.memory_space<vmem_shared>>
    tpu.wait_dma2 semaphore(%arg21 : memref<!tpu.dma_semaphore, #tpu.memory_space<semaphore_mem>>) src(%dma_wait3A_453 : memref<640xf32, #tpu.memory_space<vmem_shared>>) dst(%dma_wait3A_451 : memref<640xf32, #tpu.memory_space<vmem>>)
    %mul3A_454 = arith.constant 640 : i32
    %mul3A_455 = arith.muli %arg1, %mul3A_454 : i32
    %dma_wait3A_456 = arith.constant 10 : i32
    %dma_wait3A_457 = arith.constant 10 : i32
    %dma_wait3A_458 = arith.constant 0 : i32
    %dma_wait3A_459 = tpu.memref_slice %arg11[%dma_wait3A_457, %dma_wait3A_458] : memref<16x640xf32, #tpu.memory_space<vmem>> -> memref<1x640xf32, #tpu.memory_space<vmem>>
    %dma_wait3A_460 = tpu.memref_squeeze %dma_wait3A_459 : memref<1x640xf32, #tpu.memory_space<vmem>> -> memref<640xf32, #tpu.memory_space<vmem>>
    %dma_wait3A_461 = tpu.memref_slice %arg15[%dma_wait3A_456, %mul3A_455] : memref<16x10240xf32, #tpu.memory_space<vmem_shared>> -> memref<1x640xf32, #tpu.memory_space<vmem_shared>>
    %dma_wait3A_462 = tpu.memref_squeeze %dma_wait3A_461 : memref<1x640xf32, #tpu.memory_space<vmem_shared>> -> memref<640xf32, #tpu.memory_space<vmem_shared>>
    %dma_wait3A_463 = arith.constant 0 : i32
    %dma_wait3A_464 = tpu.memref_slice %arg11[%dma_wait3A_457, %dma_wait3A_463] : memref<16x640xf32, #tpu.memory_space<vmem>> -> memref<1x640xf32, #tpu.memory_space<vmem>>
    %dma_wait3A_465 = tpu.memref_squeeze %dma_wait3A_464 : memref<1x640xf32, #tpu.memory_space<vmem>> -> memref<640xf32, #tpu.memory_space<vmem>>
    %dma_wait3A_466 = tpu.memref_slice %arg15[%dma_wait3A_456, %mul3A_455] : memref<16x10240xf32, #tpu.memory_space<vmem_shared>> -> memref<1x640xf32, #tpu.memory_space<vmem_shared>>
    %dma_wait3A_467 = tpu.memref_squeeze %dma_wait3A_466 : memref<1x640xf32, #tpu.memory_space<vmem_shared>> -> memref<640xf32, #tpu.memory_space<vmem_shared>>
    tpu.wait_dma2 semaphore(%arg21 : memref<!tpu.dma_semaphore, #tpu.memory_space<semaphore_mem>>) src(%dma_wait3A_467 : memref<640xf32, #tpu.memory_space<vmem_shared>>) dst(%dma_wait3A_465 : memref<640xf32, #tpu.memory_space<vmem>>)
    %mul3A_468 = arith.constant 640 : i32
    %mul3A_469 = arith.muli %arg1, %mul3A_468 : i32
    %dma_wait3A_470 = arith.constant 11 : i32
    %dma_wait3A_471 = arith.constant 11 : i32
    %dma_wait3A_472 = arith.constant 0 : i32
    %dma_wait3A_473 = tpu.memref_slice %arg11[%dma_wait3A_471, %dma_wait3A_472] : memref<16x640xf32, #tpu.memory_space<vmem>> -> memref<1x640xf32, #tpu.memory_space<vmem>>
    %dma_wait3A_474 = tpu.memref_squeeze %dma_wait3A_473 : memref<1x640xf32, #tpu.memory_space<vmem>> -> memref<640xf32, #tpu.memory_space<vmem>>
    %dma_wait3A_475 = tpu.memref_slice %arg15[%dma_wait3A_470, %mul3A_469] : memref<16x10240xf32, #tpu.memory_space<vmem_shared>> -> memref<1x640xf32, #tpu.memory_space<vmem_shared>>
    %dma_wait3A_476 = tpu.memref_squeeze %dma_wait3A_475 : memref<1x640xf32, #tpu.memory_space<vmem_shared>> -> memref<640xf32, #tpu.memory_space<vmem_shared>>
    %dma_wait3A_477 = arith.constant 0 : i32
    %dma_wait3A_478 = tpu.memref_slice %arg11[%dma_wait3A_471, %dma_wait3A_477] : memref<16x640xf32, #tpu.memory_space<vmem>> -> memref<1x640xf32, #tpu.memory_space<vmem>>
    %dma_wait3A_479 = tpu.memref_squeeze %dma_wait3A_478 : memref<1x640xf32, #tpu.memory_space<vmem>> -> memref<640xf32, #tpu.memory_space<vmem>>
    %dma_wait3A_480 = tpu.memref_slice %arg15[%dma_wait3A_470, %mul3A_469] : memref<16x10240xf32, #tpu.memory_space<vmem_shared>> -> memref<1x640xf32, #tpu.memory_space<vmem_shared>>
    %dma_wait3A_481 = tpu.memref_squeeze %dma_wait3A_480 : memref<1x640xf32, #tpu.memory_space<vmem_shared>> -> memref<640xf32, #tpu.memory_space<vmem_shared>>
    tpu.wait_dma2 semaphore(%arg21 : memref<!tpu.dma_semaphore, #tpu.memory_space<semaphore_mem>>) src(%dma_wait3A_481 : memref<640xf32, #tpu.memory_space<vmem_shared>>) dst(%dma_wait3A_479 : memref<640xf32, #tpu.memory_space<vmem>>)
    %mul3A_482 = arith.constant 640 : i32
    %mul3A_483 = arith.muli %arg1, %mul3A_482 : i32
    %dma_wait3A_484 = arith.constant 12 : i32
    %dma_wait3A_485 = arith.constant 12 : i32
    %dma_wait3A_486 = arith.constant 0 : i32
    %dma_wait3A_487 = tpu.memref_slice %arg11[%dma_wait3A_485, %dma_wait3A_486] : memref<16x640xf32, #tpu.memory_space<vmem>> -> memref<1x640xf32, #tpu.memory_space<vmem>>
    %dma_wait3A_488 = tpu.memref_squeeze %dma_wait3A_487 : memref<1x640xf32, #tpu.memory_space<vmem>> -> memref<640xf32, #tpu.memory_space<vmem>>
    %dma_wait3A_489 = tpu.memref_slice %arg15[%dma_wait3A_484, %mul3A_483] : memref<16x10240xf32, #tpu.memory_space<vmem_shared>> -> memref<1x640xf32, #tpu.memory_space<vmem_shared>>
    %dma_wait3A_490 = tpu.memref_squeeze %dma_wait3A_489 : memref<1x640xf32, #tpu.memory_space<vmem_shared>> -> memref<640xf32, #tpu.memory_space<vmem_shared>>
    %dma_wait3A_491 = arith.constant 0 : i32
    %dma_wait3A_492 = tpu.memref_slice %arg11[%dma_wait3A_485, %dma_wait3A_491] : memref<16x640xf32, #tpu.memory_space<vmem>> -> memref<1x640xf32, #tpu.memory_space<vmem>>
    %dma_wait3A_493 = tpu.memref_squeeze %dma_wait3A_492 : memref<1x640xf32, #tpu.memory_space<vmem>> -> memref<640xf32, #tpu.memory_space<vmem>>
    %dma_wait3A_494 = tpu.memref_slice %arg15[%dma_wait3A_484, %mul3A_483] : memref<16x10240xf32, #tpu.memory_space<vmem_shared>> -> memref<1x640xf32, #tpu.memory_space<vmem_shared>>
    %dma_wait3A_495 = tpu.memref_squeeze %dma_wait3A_494 : memref<1x640xf32, #tpu.memory_space<vmem_shared>> -> memref<640xf32, #tpu.memory_space<vmem_shared>>
    tpu.wait_dma2 semaphore(%arg21 : memref<!tpu.dma_semaphore, #tpu.memory_space<semaphore_mem>>) src(%dma_wait3A_495 : memref<640xf32, #tpu.memory_space<vmem_shared>>) dst(%dma_wait3A_493 : memref<640xf32, #tpu.memory_space<vmem>>)
    %mul3A_496 = arith.constant 640 : i32
    %mul3A_497 = arith.muli %arg1, %mul3A_496 : i32
    %dma_wait3A_498 = arith.constant 13 : i32
    %dma_wait3A_499 = arith.constant 13 : i32
    %dma_wait3A_500 = arith.constant 0 : i32
    %dma_wait3A_501 = tpu.memref_slice %arg11[%dma_wait3A_499, %dma_wait3A_500] : memref<16x640xf32, #tpu.memory_space<vmem>> -> memref<1x640xf32, #tpu.memory_space<vmem>>
    %dma_wait3A_502 = tpu.memref_squeeze %dma_wait3A_501 : memref<1x640xf32, #tpu.memory_space<vmem>> -> memref<640xf32, #tpu.memory_space<vmem>>
    %dma_wait3A_503 = tpu.memref_slice %arg15[%dma_wait3A_498, %mul3A_497] : memref<16x10240xf32, #tpu.memory_space<vmem_shared>> -> memref<1x640xf32, #tpu.memory_space<vmem_shared>>
    %dma_wait3A_504 = tpu.memref_squeeze %dma_wait3A_503 : memref<1x640xf32, #tpu.memory_space<vmem_shared>> -> memref<640xf32, #tpu.memory_space<vmem_shared>>
    %dma_wait3A_505 = arith.constant 0 : i32
    %dma_wait3A_506 = tpu.memref_slice %arg11[%dma_wait3A_499, %dma_wait3A_505] : memref<16x640xf32, #tpu.memory_space<vmem>> -> memref<1x640xf32, #tpu.memory_space<vmem>>
    %dma_wait3A_507 = tpu.memref_squeeze %dma_wait3A_506 : memref<1x640xf32, #tpu.memory_space<vmem>> -> memref<640xf32, #tpu.memory_space<vmem>>
    %dma_wait3A_508 = tpu.memref_slice %arg15[%dma_wait3A_498, %mul3A_497] : memref<16x10240xf32, #tpu.memory_space<vmem_shared>> -> memref<1x640xf32, #tpu.memory_space<vmem_shared>>
    %dma_wait3A_509 = tpu.memref_squeeze %dma_wait3A_508 : memref<1x640xf32, #tpu.memory_space<vmem_shared>> -> memref<640xf32, #tpu.memory_space<vmem_shared>>
    tpu.wait_dma2 semaphore(%arg21 : memref<!tpu.dma_semaphore, #tpu.memory_space<semaphore_mem>>) src(%dma_wait3A_509 : memref<640xf32, #tpu.memory_space<vmem_shared>>) dst(%dma_wait3A_507 : memref<640xf32, #tpu.memory_space<vmem>>)
    %mul3A_510 = arith.constant 640 : i32
    %mul3A_511 = arith.muli %arg1, %mul3A_510 : i32
    %dma_wait3A_512 = arith.constant 14 : i32
    %dma_wait3A_513 = arith.constant 14 : i32
    %dma_wait3A_514 = arith.constant 0 : i32
    %dma_wait3A_515 = tpu.memref_slice %arg11[%dma_wait3A_513, %dma_wait3A_514] : memref<16x640xf32, #tpu.memory_space<vmem>> -> memref<1x640xf32, #tpu.memory_space<vmem>>
    %dma_wait3A_516 = tpu.memref_squeeze %dma_wait3A_515 : memref<1x640xf32, #tpu.memory_space<vmem>> -> memref<640xf32, #tpu.memory_space<vmem>>
    %dma_wait3A_517 = tpu.memref_slice %arg15[%dma_wait3A_512, %mul3A_511] : memref<16x10240xf32, #tpu.memory_space<vmem_shared>> -> memref<1x640xf32, #tpu.memory_space<vmem_shared>>
    %dma_wait3A_518 = tpu.memref_squeeze %dma_wait3A_517 : memref<1x640xf32, #tpu.memory_space<vmem_shared>> -> memref<640xf32, #tpu.memory_space<vmem_shared>>
    %dma_wait3A_519 = arith.constant 0 : i32
    %dma_wait3A_520 = tpu.memref_slice %arg11[%dma_wait3A_513, %dma_wait3A_519] : memref<16x640xf32, #tpu.memory_space<vmem>> -> memref<1x640xf32, #tpu.memory_space<vmem>>
    %dma_wait3A_521 = tpu.memref_squeeze %dma_wait3A_520 : memref<1x640xf32, #tpu.memory_space<vmem>> -> memref<640xf32, #tpu.memory_space<vmem>>
    %dma_wait3A_522 = tpu.memref_slice %arg15[%dma_wait3A_512, %mul3A_511] : memref<16x10240xf32, #tpu.memory_space<vmem_shared>> -> memref<1x640xf32, #tpu.memory_space<vmem_shared>>
    %dma_wait3A_523 = tpu.memref_squeeze %dma_wait3A_522 : memref<1x640xf32, #tpu.memory_space<vmem_shared>> -> memref<640xf32, #tpu.memory_space<vmem_shared>>
    tpu.wait_dma2 semaphore(%arg21 : memref<!tpu.dma_semaphore, #tpu.memory_space<semaphore_mem>>) src(%dma_wait3A_523 : memref<640xf32, #tpu.memory_space<vmem_shared>>) dst(%dma_wait3A_521 : memref<640xf32, #tpu.memory_space<vmem>>)
    %mul3A_524 = arith.constant 640 : i32
    %mul3A_525 = arith.muli %arg1, %mul3A_524 : i32
    %dma_wait3A_526 = arith.constant 15 : i32
    %dma_wait3A_527 = arith.constant 15 : i32
    %dma_wait3A_528 = arith.constant 0 : i32
    %dma_wait3A_529 = tpu.memref_slice %arg11[%dma_wait3A_527, %dma_wait3A_528] : memref<16x640xf32, #tpu.memory_space<vmem>> -> memref<1x640xf32, #tpu.memory_space<vmem>>
    %dma_wait3A_530 = tpu.memref_squeeze %dma_wait3A_529 : memref<1x640xf32, #tpu.memory_space<vmem>> -> memref<640xf32, #tpu.memory_space<vmem>>
    %dma_wait3A_531 = tpu.memref_slice %arg15[%dma_wait3A_526, %mul3A_525] : memref<16x10240xf32, #tpu.memory_space<vmem_shared>> -> memref<1x640xf32, #tpu.memory_space<vmem_shared>>
    %dma_wait3A_532 = tpu.memref_squeeze %dma_wait3A_531 : memref<1x640xf32, #tpu.memory_space<vmem_shared>> -> memref<640xf32, #tpu.memory_space<vmem_shared>>
    %dma_wait3A_533 = arith.constant 0 : i32
    %dma_wait3A_534 = tpu.memref_slice %arg11[%dma_wait3A_527, %dma_wait3A_533] : memref<16x640xf32, #tpu.memory_space<vmem>> -> memref<1x640xf32, #tpu.memory_space<vmem>>
    %dma_wait3A_535 = tpu.memref_squeeze %dma_wait3A_534 : memref<1x640xf32, #tpu.memory_space<vmem>> -> memref<640xf32, #tpu.memory_space<vmem>>
    %dma_wait3A_536 = tpu.memref_slice %arg15[%dma_wait3A_526, %mul3A_525] : memref<16x10240xf32, #tpu.memory_space<vmem_shared>> -> memref<1x640xf32, #tpu.memory_space<vmem_shared>>
    %dma_wait3A_537 = tpu.memref_squeeze %dma_wait3A_536 : memref<1x640xf32, #tpu.memory_space<vmem_shared>> -> memref<640xf32, #tpu.memory_space<vmem_shared>>
    tpu.wait_dma2 semaphore(%arg21 : memref<!tpu.dma_semaphore, #tpu.memory_space<semaphore_mem>>) src(%dma_wait3A_537 : memref<640xf32, #tpu.memory_space<vmem_shared>>) dst(%dma_wait3A_535 : memref<640xf32, #tpu.memory_space<vmem>>)
    %broadcast_in_dim3A_538 = arith.constant 5.000000e-01 : f32
    %broadcast_in_dim3A_539 = vector.broadcast %broadcast_in_dim3A_538 : f32 to vector<16xf32>
    %broadcast_in_dim3A_540 = arith.constant 1.500000e+00 : f32
    %broadcast_in_dim3A_541 = vector.broadcast %broadcast_in_dim3A_540 : f32 to vector<16xf32>
    %broadcast_in_dim3A_542 = arith.constant 1597463007 : i32
    %broadcast_in_dim3A_543 = vector.broadcast %broadcast_in_dim3A_542 : i32 to vector<16xi32>
    %parallel_loop3A_544 = arith.constant 0 : i32
    %parallel_loop3A_545 = arith.constant 40 : i32
    %parallel_loop3A_546 = arith.constant 1 : i32
    scf.for %parallel_loop3A_1238 = %parallel_loop3A_544 to %parallel_loop3A_545 step %parallel_loop3A_546  : i32 {
      %parallel_loop3A_1239 = arith.constant 16 : i32
      %parallel_loop3A_1240 = arith.muli %parallel_loop3A_1238, %parallel_loop3A_1239 : i32
      %parallel_loop3A_1241 = arith.constant 0 : i32
      %parallel_loop3A_1242 = arith.index_cast %parallel_loop3A_1241 : i32 to index
      %parallel_loop3A_1243 = arith.index_cast %parallel_loop3A_1240 : i32 to index
      %parallel_loop3A_1244 = tpu.vector_load %arg11[%parallel_loop3A_1242, %parallel_loop3A_1243] {strides = array<i32>} : memref<16x640xf32, #tpu.memory_space<vmem>>, vector<16xf32>,
      %parallel_loop3A_1245 = arith.constant 16 : i32
      %parallel_loop3A_1246 = arith.muli %parallel_loop3A_1238, %parallel_loop3A_1245 : i32
      %parallel_loop3A_1247 = arith.constant 1 : i32
      %parallel_loop3A_1248 = arith.index_cast %parallel_loop3A_1247 : i32 to index
      %parallel_loop3A_1249 = arith.index_cast %parallel_loop3A_1246 : i32 to index
      %parallel_loop3A_1250 = tpu.vector_load %arg11[%parallel_loop3A_1248, %parallel_loop3A_1249] {strides = array<i32>} : memref<16x640xf32, #tpu.memory_space<vmem>>, vector<16xf32>,
      %parallel_loop3A_1251 = arith.addf %parallel_loop3A_1244, %parallel_loop3A_1250 : vector<16xf32>
      %parallel_loop3A_1252 = arith.constant 16 : i32
      %parallel_loop3A_1253 = arith.muli %parallel_loop3A_1238, %parallel_loop3A_1252 : i32
      %parallel_loop3A_1254 = arith.constant 2 : i32
      %parallel_loop3A_1255 = arith.index_cast %parallel_loop3A_1254 : i32 to index
      %parallel_loop3A_1256 = arith.index_cast %parallel_loop3A_1253 : i32 to index
      %parallel_loop3A_1257 = tpu.vector_load %arg11[%parallel_loop3A_1255, %parallel_loop3A_1256] {strides = array<i32>} : memref<16x640xf32, #tpu.memory_space<vmem>>, vector<16xf32>,
      %parallel_loop3A_1258 = arith.addf %parallel_loop3A_1251, %parallel_loop3A_1257 : vector<16xf32>
      %parallel_loop3A_1259 = arith.constant 16 : i32
      %parallel_loop3A_1260 = arith.muli %parallel_loop3A_1238, %parallel_loop3A_1259 : i32
      %parallel_loop3A_1261 = arith.constant 3 : i32
      %parallel_loop3A_1262 = arith.index_cast %parallel_loop3A_1261 : i32 to index
      %parallel_loop3A_1263 = arith.index_cast %parallel_loop3A_1260 : i32 to index
      %parallel_loop3A_1264 = tpu.vector_load %arg11[%parallel_loop3A_1262, %parallel_loop3A_1263] {strides = array<i32>} : memref<16x640xf32, #tpu.memory_space<vmem>>, vector<16xf32>,
      %parallel_loop3A_1265 = arith.addf %parallel_loop3A_1258, %parallel_loop3A_1264 : vector<16xf32>
      %parallel_loop3A_1266 = arith.constant 16 : i32
      %parallel_loop3A_1267 = arith.muli %parallel_loop3A_1238, %parallel_loop3A_1266 : i32
      %parallel_loop3A_1268 = arith.constant 4 : i32
      %parallel_loop3A_1269 = arith.index_cast %parallel_loop3A_1268 : i32 to index
      %parallel_loop3A_1270 = arith.index_cast %parallel_loop3A_1267 : i32 to index
      %parallel_loop3A_1271 = tpu.vector_load %arg11[%parallel_loop3A_1269, %parallel_loop3A_1270] {strides = array<i32>} : memref<16x640xf32, #tpu.memory_space<vmem>>, vector<16xf32>,
      %parallel_loop3A_1272 = arith.addf %parallel_loop3A_1265, %parallel_loop3A_1271 : vector<16xf32>
      %parallel_loop3A_1273 = arith.constant 16 : i32
      %parallel_loop3A_1274 = arith.muli %parallel_loop3A_1238, %parallel_loop3A_1273 : i32
      %parallel_loop3A_1275 = arith.constant 5 : i32
      %parallel_loop3A_1276 = arith.index_cast %parallel_loop3A_1275 : i32 to index
      %parallel_loop3A_1277 = arith.index_cast %parallel_loop3A_1274 : i32 to index
      %parallel_loop3A_1278 = tpu.vector_load %arg11[%parallel_loop3A_1276, %parallel_loop3A_1277] {strides = array<i32>} : memref<16x640xf32, #tpu.memory_space<vmem>>, vector<16xf32>,
      %parallel_loop3A_1279 = arith.addf %parallel_loop3A_1272, %parallel_loop3A_1278 : vector<16xf32>
      %parallel_loop3A_1280 = arith.constant 16 : i32
      %parallel_loop3A_1281 = arith.muli %parallel_loop3A_1238, %parallel_loop3A_1280 : i32
      %parallel_loop3A_1282 = arith.constant 6 : i32
      %parallel_loop3A_1283 = arith.index_cast %parallel_loop3A_1282 : i32 to index
      %parallel_loop3A_1284 = arith.index_cast %parallel_loop3A_1281 : i32 to index
      %parallel_loop3A_1285 = tpu.vector_load %arg11[%parallel_loop3A_1283, %parallel_loop3A_1284] {strides = array<i32>} : memref<16x640xf32, #tpu.memory_space<vmem>>, vector<16xf32>,
      %parallel_loop3A_1286 = arith.addf %parallel_loop3A_1279, %parallel_loop3A_1285 : vector<16xf32>
      %parallel_loop3A_1287 = arith.constant 16 : i32
      %parallel_loop3A_1288 = arith.muli %parallel_loop3A_1238, %parallel_loop3A_1287 : i32
      %parallel_loop3A_1289 = arith.constant 7 : i32
      %parallel_loop3A_1290 = arith.index_cast %parallel_loop3A_1289 : i32 to index
      %parallel_loop3A_1291 = arith.index_cast %parallel_loop3A_1288 : i32 to index
      %parallel_loop3A_1292 = tpu.vector_load %arg11[%parallel_loop3A_1290, %parallel_loop3A_1291] {strides = array<i32>} : memref<16x640xf32, #tpu.memory_space<vmem>>, vector<16xf32>,
      %parallel_loop3A_1293 = arith.addf %parallel_loop3A_1286, %parallel_loop3A_1292 : vector<16xf32>
      %parallel_loop3A_1294 = arith.constant 16 : i32
      %parallel_loop3A_1295 = arith.muli %parallel_loop3A_1238, %parallel_loop3A_1294 : i32
      %parallel_loop3A_1296 = arith.constant 8 : i32
      %parallel_loop3A_1297 = arith.index_cast %parallel_loop3A_1296 : i32 to index
      %parallel_loop3A_1298 = arith.index_cast %parallel_loop3A_1295 : i32 to index
      %parallel_loop3A_1299 = tpu.vector_load %arg11[%parallel_loop3A_1297, %parallel_loop3A_1298] {strides = array<i32>} : memref<16x640xf32, #tpu.memory_space<vmem>>, vector<16xf32>,
      %parallel_loop3A_1300 = arith.addf %parallel_loop3A_1293, %parallel_loop3A_1299 : vector<16xf32>
      %parallel_loop3A_1301 = arith.constant 16 : i32
      %parallel_loop3A_1302 = arith.muli %parallel_loop3A_1238, %parallel_loop3A_1301 : i32
      %parallel_loop3A_1303 = arith.constant 9 : i32
      %parallel_loop3A_1304 = arith.index_cast %parallel_loop3A_1303 : i32 to index
      %parallel_loop3A_1305 = arith.index_cast %parallel_loop3A_1302 : i32 to index
      %parallel_loop3A_1306 = tpu.vector_load %arg11[%parallel_loop3A_1304, %parallel_loop3A_1305] {strides = array<i32>} : memref<16x640xf32, #tpu.memory_space<vmem>>, vector<16xf32>,
      %parallel_loop3A_1307 = arith.addf %parallel_loop3A_1300, %parallel_loop3A_1306 : vector<16xf32>
      %parallel_loop3A_1308 = arith.constant 16 : i32
      %parallel_loop3A_1309 = arith.muli %parallel_loop3A_1238, %parallel_loop3A_1308 : i32
      %parallel_loop3A_1310 = arith.constant 10 : i32
      %parallel_loop3A_1311 = arith.index_cast %parallel_loop3A_1310 : i32 to index
      %parallel_loop3A_1312 = arith.index_cast %parallel_loop3A_1309 : i32 to index
      %parallel_loop3A_1313 = tpu.vector_load %arg11[%parallel_loop3A_1311, %parallel_loop3A_1312] {strides = array<i32>} : memref<16x640xf32, #tpu.memory_space<vmem>>, vector<16xf32>,
      %parallel_loop3A_1314 = arith.addf %parallel_loop3A_1307, %parallel_loop3A_1313 : vector<16xf32>
      %parallel_loop3A_1315 = arith.constant 16 : i32
      %parallel_loop3A_1316 = arith.muli %parallel_loop3A_1238, %parallel_loop3A_1315 : i32
      %parallel_loop3A_1317 = arith.constant 11 : i32
      %parallel_loop3A_1318 = arith.index_cast %parallel_loop3A_1317 : i32 to index
      %parallel_loop3A_1319 = arith.index_cast %parallel_loop3A_1316 : i32 to index
      %parallel_loop3A_1320 = tpu.vector_load %arg11[%parallel_loop3A_1318, %parallel_loop3A_1319] {strides = array<i32>} : memref<16x640xf32, #tpu.memory_space<vmem>>, vector<16xf32>,
      %parallel_loop3A_1321 = arith.addf %parallel_loop3A_1314, %parallel_loop3A_1320 : vector<16xf32>
      %parallel_loop3A_1322 = arith.constant 16 : i32
      %parallel_loop3A_1323 = arith.muli %parallel_loop3A_1238, %parallel_loop3A_1322 : i32
      %parallel_loop3A_1324 = arith.constant 12 : i32
      %parallel_loop3A_1325 = arith.index_cast %parallel_loop3A_1324 : i32 to index
      %parallel_loop3A_1326 = arith.index_cast %parallel_loop3A_1323 : i32 to index
      %parallel_loop3A_1327 = tpu.vector_load %arg11[%parallel_loop3A_1325, %parallel_loop3A_1326] {strides = array<i32>} : memref<16x640xf32, #tpu.memory_space<vmem>>, vector<16xf32>,
      %parallel_loop3A_1328 = arith.addf %parallel_loop3A_1321, %parallel_loop3A_1327 : vector<16xf32>
      %parallel_loop3A_1329 = arith.constant 16 : i32
      %parallel_loop3A_1330 = arith.muli %parallel_loop3A_1238, %parallel_loop3A_1329 : i32
      %parallel_loop3A_1331 = arith.constant 13 : i32
      %parallel_loop3A_1332 = arith.index_cast %parallel_loop3A_1331 : i32 to index
      %parallel_loop3A_1333 = arith.index_cast %parallel_loop3A_1330 : i32 to index
      %parallel_loop3A_1334 = tpu.vector_load %arg11[%parallel_loop3A_1332, %parallel_loop3A_1333] {strides = array<i32>} : memref<16x640xf32, #tpu.memory_space<vmem>>, vector<16xf32>,
      %parallel_loop3A_1335 = arith.addf %parallel_loop3A_1328, %parallel_loop3A_1334 : vector<16xf32>
      %parallel_loop3A_1336 = arith.constant 16 : i32
      %parallel_loop3A_1337 = arith.muli %parallel_loop3A_1238, %parallel_loop3A_1336 : i32
      %parallel_loop3A_1338 = arith.constant 14 : i32
      %parallel_loop3A_1339 = arith.index_cast %parallel_loop3A_1338 : i32 to index
      %parallel_loop3A_1340 = arith.index_cast %parallel_loop3A_1337 : i32 to index
      %parallel_loop3A_1341 = tpu.vector_load %arg11[%parallel_loop3A_1339, %parallel_loop3A_1340] {strides = array<i32>} : memref<16x640xf32, #tpu.memory_space<vmem>>, vector<16xf32>,
      %parallel_loop3A_1342 = arith.addf %parallel_loop3A_1335, %parallel_loop3A_1341 : vector<16xf32>
      %parallel_loop3A_1343 = arith.constant 16 : i32
      %parallel_loop3A_1344 = arith.muli %parallel_loop3A_1238, %parallel_loop3A_1343 : i32
      %parallel_loop3A_1345 = arith.constant 15 : i32
      %parallel_loop3A_1346 = arith.index_cast %parallel_loop3A_1345 : i32 to index
      %parallel_loop3A_1347 = arith.index_cast %parallel_loop3A_1344 : i32 to index
      %parallel_loop3A_1348 = tpu.vector_load %arg11[%parallel_loop3A_1346, %parallel_loop3A_1347] {strides = array<i32>} : memref<16x640xf32, #tpu.memory_space<vmem>>, vector<16xf32>,
      %parallel_loop3A_1349 = arith.addf %parallel_loop3A_1342, %parallel_loop3A_1348 : vector<16xf32>
      %parallel_loop3A_1350 = arith.constant 1.000000e+00 : f32
      %parallel_loop3A_1351 = vector.broadcast %parallel_loop3A_1350 : f32 to vector<16xf32>
      %parallel_loop3A_1352 = arith.addf %parallel_loop3A_1349, %parallel_loop3A_1351 : vector<16xf32>
      %parallel_loop3A_1353 = vector.bitcast %parallel_loop3A_1352 : vector<16xf32> to vector<16xi32>
      %parallel_loop3A_1354 = arith.constant 1 : i32
      %parallel_loop3A_1355 = vector.broadcast %parallel_loop3A_1354 : i32 to vector<16xi32>
      %parallel_loop3A_1356 = arith.shrsi %parallel_loop3A_1353, %parallel_loop3A_1355 : vector<16xi32>
      %parallel_loop3A_1357 = arith.subi %broadcast_in_dim3A_543, %parallel_loop3A_1356 : vector<16xi32>
      %parallel_loop3A_1358 = vector.bitcast %parallel_loop3A_1357 : vector<16xi32> to vector<16xf32>
      %parallel_loop3A_1359 = arith.mulf %parallel_loop3A_1352, %broadcast_in_dim3A_539 : vector<16xf32>
      %parallel_loop3A_1360 = arith.mulf %parallel_loop3A_1359, %parallel_loop3A_1358 : vector<16xf32>
      %parallel_loop3A_1361 = arith.mulf %parallel_loop3A_1360, %parallel_loop3A_1358 : vector<16xf32>
      %parallel_loop3A_1362 = arith.subf %broadcast_in_dim3A_541, %parallel_loop3A_1361 : vector<16xf32>
      %parallel_loop3A_1363 = arith.mulf %parallel_loop3A_1358, %parallel_loop3A_1362 : vector<16xf32>
      %parallel_loop3A_1364 = arith.mulf %parallel_loop3A_1359, %parallel_loop3A_1363 : vector<16xf32>
      %parallel_loop3A_1365 = arith.mulf %parallel_loop3A_1364, %parallel_loop3A_1363 : vector<16xf32>
      %parallel_loop3A_1366 = arith.subf %broadcast_in_dim3A_541, %parallel_loop3A_1365 : vector<16xf32>
      %parallel_loop3A_1367 = arith.mulf %parallel_loop3A_1363, %parallel_loop3A_1366 : vector<16xf32>
      %parallel_loop3A_1368 = arith.mulf %parallel_loop3A_1359, %parallel_loop3A_1367 : vector<16xf32>
      %parallel_loop3A_1369 = arith.mulf %parallel_loop3A_1368, %parallel_loop3A_1367 : vector<16xf32>
      %parallel_loop3A_1370 = arith.subf %broadcast_in_dim3A_541, %parallel_loop3A_1369 : vector<16xf32>
      %parallel_loop3A_1371 = arith.mulf %parallel_loop3A_1367, %parallel_loop3A_1370 : vector<16xf32>
      %parallel_loop3A_1372 = arith.constant 16 : i32
      %parallel_loop3A_1373 = arith.muli %parallel_loop3A_1238, %parallel_loop3A_1372 : i32
      %parallel_loop3A_1374 = arith.index_cast %parallel_loop3A_1373 : i32 to index
      %parallel_loop3A_1375 = tpu.vector_load %arg10[%parallel_loop3A_1374] {strides = array<i32>} : memref<10240xf32, #tpu.memory_space<vmem>>, vector<16xf32>,
      tpu.vector_store %arg10[%parallel_loop3A_1374], %parallel_loop3A_1371 {strides = array<i32>} : memref<10240xf32, #tpu.memory_space<vmem>>, vector<16xf32>,
    } {sc.loop_unroll_factor = 2 : i64, sc.parallel_access}
    %mul3A_547 = arith.constant 640 : i32
    %mul3A_548 = arith.muli %arg1, %mul3A_547 : i32
    "tpu.region"() ({
      %run_scoped3A = tpu.sem_alloc : memref<!tpu.dma_semaphore, #tpu.memory_space<semaphore_mem>>
      %dma_start3A_1238 = arith.constant 0 : i32
      %dma_start3A_1239 = tpu.memref_slice %arg10[%dma_start3A_1238] : memref<10240xf32, #tpu.memory_space<vmem>> -> memref<640xf32, #tpu.memory_space<vmem>>
      %dma_start3A_1240 = tpu.memref_slice %arg16[%mul3A_548] : memref<10240xf32, #tpu.memory_space<vmem_shared>> -> memref<640xf32, #tpu.memory_space<vmem_shared>>
      %dma_start3A_1241 = tpu.memref_slice %arg16[%mul3A_548] : memref<10240xf32, #tpu.memory_space<vmem_shared>> -> memref<640xf32, #tpu.memory_space<vmem_shared>>
      %dma_start3A_1242 = arith.constant 0 : i32
      %dma_start3A_1243 = tpu.memref_slice %arg10[%dma_start3A_1242] : memref<10240xf32, #tpu.memory_space<vmem>> -> memref<640xf32, #tpu.memory_space<vmem>>
      tpu.enqueue_dma source(%dma_start3A_1243 : memref<640xf32, #tpu.memory_space<vmem>>) target(%dma_start3A_1241 : memref<640xf32, #tpu.memory_space<vmem_shared>>) target_semaphore(%run_scoped3A : memref<!tpu.dma_semaphore, #tpu.memory_space<semaphore_mem>>)
      %dma_wait3A_1244 = arith.constant 0 : i32
      %dma_wait3A_1245 = tpu.memref_slice %arg10[%dma_wait3A_1244] : memref<10240xf32, #tpu.memory_space<vmem>> -> memref<640xf32, #tpu.memory_space<vmem>>
      %dma_wait3A_1246 = tpu.memref_slice %arg16[%mul3A_548] : memref<10240xf32, #tpu.memory_space<vmem_shared>> -> memref<640xf32, #tpu.memory_space<vmem_shared>>
      %dma_wait3A_1247 = tpu.memref_slice %arg16[%mul3A_548] : memref<10240xf32, #tpu.memory_space<vmem_shared>> -> memref<640xf32, #tpu.memory_space<vmem_shared>>
      %dma_wait3A_1248 = arith.constant 0 : i32
      %dma_wait3A_1249 = tpu.memref_slice %arg10[%dma_wait3A_1248] : memref<10240xf32, #tpu.memory_space<vmem>> -> memref<640xf32, #tpu.memory_space<vmem>>
      tpu.wait_dma2 semaphore(%run_scoped3A : memref<!tpu.dma_semaphore, #tpu.memory_space<semaphore_mem>>) src(%dma_wait3A_1249 : memref<640xf32, #tpu.memory_space<vmem>>) dst(%dma_wait3A_1247 : memref<640xf32, #tpu.memory_space<vmem_shared>>)
      tpu.yield
    }) : () -> ()
    %eq3A_549 = arith.constant 0 : i32
    %eq3A_550 = arith.cmpi eq, %arg0, %eq3A_549 : i32
    %convert_element_type3A = arith.extui %eq3A_550 : i1 to i32
    %cond3A = arith.constant 0 : i32
    %cond3A_551 = arith.cmpi ne, %convert_element_type3A, %cond3A : i32
    scf.if %cond3A_551 {
      %mul3A_1238 = arith.constant 640 : i32
      %mul3A_1239 = arith.muli %arg1, %mul3A_1238 : i32
      %run_scoped3A = arith.constant 0 : i32
      "tpu.region"() ({
        %run_scoped3A_1240 = tpu.sem_alloc : memref<!tpu.dma_semaphore, #tpu.memory_space<semaphore_mem>>
        %dma_start3A_1241 = arith.constant 0 : i32
        %dma_start3A_1242 = tpu.memref_slice %arg10[%dma_start3A_1241] : memref<10240xf32, #tpu.memory_space<vmem>> -> memref<640xf32, #tpu.memory_space<vmem>>
        %dma_start3A_1243 = tpu.memref_slice %arg6[%run_scoped3A, %mul3A_1239] : memref<1x10240xf32, #tpu.memory_space<hbm>> -> memref<1x640xf32, #tpu.memory_space<hbm>>
        %dma_start3A_1244 = tpu.memref_squeeze %dma_start3A_1243 : memref<1x640xf32, #tpu.memory_space<hbm>> -> memref<640xf32, #tpu.memory_space<hbm>>
        %dma_start3A_1245 = tpu.memref_slice %arg6[%run_scoped3A, %mul3A_1239] : memref<1x10240xf32, #tpu.memory_space<hbm>> -> memref<1x640xf32, #tpu.memory_space<hbm>>
        %dma_start3A_1246 = tpu.memref_squeeze %dma_start3A_1245 : memref<1x640xf32, #tpu.memory_space<hbm>> -> memref<640xf32, #tpu.memory_space<hbm>>
        %dma_start3A_1247 = arith.constant 0 : i32
        %dma_start3A_1248 = tpu.memref_slice %arg10[%dma_start3A_1247] : memref<10240xf32, #tpu.memory_space<vmem>> -> memref<640xf32, #tpu.memory_space<vmem>>
        tpu.enqueue_dma source(%dma_start3A_1248 : memref<640xf32, #tpu.memory_space<vmem>>) target(%dma_start3A_1246 : memref<640xf32, #tpu.memory_space<hbm>>) target_semaphore(%run_scoped3A_1240 : memref<!tpu.dma_semaphore, #tpu.memory_space<semaphore_mem>>)
        %dma_wait3A_1249 = arith.constant 0 : i32
        %dma_wait3A_1250 = tpu.memref_slice %arg10[%dma_wait3A_1249] : memref<10240xf32, #tpu.memory_space<vmem>> -> memref<640xf32, #tpu.memory_space<vmem>>
        %dma_wait3A_1251 = tpu.memref_slice %arg6[%run_scoped3A, %mul3A_1239] : memref<1x10240xf32, #tpu.memory_space<hbm>> -> memref<1x640xf32, #tpu.memory_space<hbm>>
        %dma_wait3A_1252 = tpu.memref_squeeze %dma_wait3A_1251 : memref<1x640xf32, #tpu.memory_space<hbm>> -> memref<640xf32, #tpu.memory_space<hbm>>
        %dma_wait3A_1253 = tpu.memref_slice %arg6[%run_scoped3A, %mul3A_1239] : memref<1x10240xf32, #tpu.memory_space<hbm>> -> memref<1x640xf32, #tpu.memory_space<hbm>>
        %dma_wait3A_1254 = tpu.memref_squeeze %dma_wait3A_1253 : memref<1x640xf32, #tpu.memory_space<hbm>> -> memref<640xf32, #tpu.memory_space<hbm>>
        %dma_wait3A_1255 = arith.constant 0 : i32
        %dma_wait3A_1256 = tpu.memref_slice %arg10[%dma_wait3A_1255] : memref<10240xf32, #tpu.memory_space<vmem>> -> memref<640xf32, #tpu.memory_space<vmem>>
        tpu.wait_dma2 semaphore(%run_scoped3A_1240 : memref<!tpu.dma_semaphore, #tpu.memory_space<semaphore_mem>>) src(%dma_wait3A_1256 : memref<640xf32, #tpu.memory_space<vmem>>) dst(%dma_wait3A_1254 : memref<640xf32, #tpu.memory_space<hbm>>)
        tpu.yield
      }) : () -> ()
    } else {
    }
    %barrier3A_552 = arith.constant 0 : index
    tpu.barrier barrier_id(%barrier3A_552)
    "tpu.region"() ({
      %run_scoped3A = tpu.sem_alloc : memref<!tpu.dma_semaphore, #tpu.memory_space<semaphore_mem>>
      tpu.enqueue_dma source(%arg16 : memref<10240xf32, #tpu.memory_space<vmem_shared>>) target(%arg12 : memref<10240xf32, #tpu.memory_space<vmem>>) target_semaphore(%run_scoped3A : memref<!tpu.dma_semaphore, #tpu.memory_space<semaphore_mem>>)
      tpu.wait_dma2 semaphore(%run_scoped3A : memref<!tpu.dma_semaphore, #tpu.memory_space<semaphore_mem>>) src(%arg16 : memref<10240xf32, #tpu.memory_space<vmem_shared>>) dst(%arg12 : memref<10240xf32, #tpu.memory_space<vmem>>)
      tpu.yield
    }) : () -> ()
    %dma_wait3A_553 = arith.constant 0 : i32
    %dma_wait3A_554 = tpu.memref_slice %arg2[%arg1, %dma_wait3A_553] : memref<16x10240xf32, #tpu.memory_space<hbm>> -> memref<1x10240xf32, #tpu.memory_space<hbm>>
    %dma_wait3A_555 = tpu.memref_squeeze %dma_wait3A_554 : memref<1x10240xf32, #tpu.memory_space<hbm>> -> memref<10240xf32, #tpu.memory_space<hbm>>
    %dma_wait3A_556 = arith.constant 0 : i32
    %dma_wait3A_557 = tpu.memref_slice %arg2[%arg1, %dma_wait3A_556] : memref<16x10240xf32, #tpu.memory_space<hbm>> -> memref<1x10240xf32, #tpu.memory_space<hbm>>
    %dma_wait3A_558 = tpu.memref_squeeze %dma_wait3A_557 : memref<1x10240xf32, #tpu.memory_space<hbm>> -> memref<10240xf32, #tpu.memory_space<hbm>>
    tpu.wait_dma2 semaphore(%arg22 : memref<!tpu.dma_semaphore, #tpu.memory_space<semaphore_mem>>) src(%dma_wait3A_558 : memref<10240xf32, #tpu.memory_space<hbm>>) dst(%arg13 : memref<10240xf32, #tpu.memory_space<vmem>>)
    %parallel_loop3A_559 = arith.constant 0 : i32
    %parallel_loop3A_560 = arith.constant 640 : i32
    %parallel_loop3A_561 = arith.constant 1 : i32
    scf.for %parallel_loop3A_1238 = %parallel_loop3A_559 to %parallel_loop3A_560 step %parallel_loop3A_561  : i32 {
      %parallel_loop3A_1239 = arith.constant 16 : i32
      %parallel_loop3A_1240 = arith.muli %parallel_loop3A_1238, %parallel_loop3A_1239 : i32
      %parallel_loop3A_1241 = arith.index_cast %parallel_loop3A_1240 : i32 to index
      %parallel_loop3A_1242 = tpu.vector_load %arg13[%parallel_loop3A_1241] {strides = array<i32>} : memref<10240xf32, #tpu.memory_space<vmem>>, vector<16xf32>,
      %parallel_loop3A_1243 = arith.constant 16 : i32
      %parallel_loop3A_1244 = arith.muli %parallel_loop3A_1238, %parallel_loop3A_1243 : i32
      %parallel_loop3A_1245 = arith.index_cast %parallel_loop3A_1244 : i32 to index
      %parallel_loop3A_1246 = tpu.vector_load %arg12[%parallel_loop3A_1245] {strides = array<i32>} : memref<10240xf32, #tpu.memory_space<vmem>>, vector<16xf32>,
      %parallel_loop3A_1247 = arith.mulf %parallel_loop3A_1242, %parallel_loop3A_1246 : vector<16xf32>
      %parallel_loop3A_1248 = arith.constant 16 : i32
      %parallel_loop3A_1249 = arith.muli %parallel_loop3A_1238, %parallel_loop3A_1248 : i32
      %parallel_loop3A_1250 = arith.index_cast %parallel_loop3A_1249 : i32 to index
      %parallel_loop3A_1251 = tpu.vector_load %arg13[%parallel_loop3A_1250] {strides = array<i32>} : memref<10240xf32, #tpu.memory_space<vmem>>, vector<16xf32>,
      tpu.vector_store %arg13[%parallel_loop3A_1250], %parallel_loop3A_1247 {strides = array<i32>} : memref<10240xf32, #tpu.memory_space<vmem>>, vector<16xf32>,
    } {sc.loop_unroll_factor = 4 : i64, sc.parallel_access}
    %dma_start3A_562 = arith.constant 1 : i32
    %dma_start3A_563 = arith.constant 0 : i32
    %dma_start3A_564 = arith.constant 0 : i32
    %dma_start3A_565 = tpu.memref_slice %arg7[%dma_start3A_562, %dma_start3A_563, %dma_start3A_564] : memref<2x500x16xi32, #tpu.memory_space<vmem>> -> memref<1x500x16xi32, #tpu.memory_space<vmem>>
    %dma_start3A_566 = tpu.memref_squeeze %dma_start3A_565 : memref<1x500x16xi32, #tpu.memory_space<vmem>> -> memref<500x16xi32, #tpu.memory_space<vmem>>
    %dma_start3A_567 = arith.constant 500 : i32
    %dma_start3A_568 = arith.constant 0 : i32
    %dma_start3A_569 = tpu.memref_slice %arg3[%arg0, %dma_start3A_567, %dma_start3A_568] : memref<2x5000x16xi32, #tpu.memory_space<hbm>> -> memref<1x500x16xi32, #tpu.memory_space<hbm>>
    %dma_start3A_570 = tpu.memref_squeeze %dma_start3A_569 : memref<1x500x16xi32, #tpu.memory_space<hbm>> -> memref<500x16xi32, #tpu.memory_space<hbm>>
    %dma_start3A_571 = arith.constant 0 : i32
    %dma_start3A_572 = arith.constant 0 : i32
    %dma_start3A_573 = tpu.memref_slice %arg7[%dma_start3A_562, %dma_start3A_571, %dma_start3A_572] : memref<2x500x16xi32, #tpu.memory_space<vmem>> -> memref<1x500x16xi32, #tpu.memory_space<vmem>>
    %dma_start3A_574 = tpu.memref_squeeze %dma_start3A_573 : memref<1x500x16xi32, #tpu.memory_space<vmem>> -> memref<500x16xi32, #tpu.memory_space<vmem>>
    %dma_start3A_575 = arith.constant 500 : i32
    %dma_start3A_576 = arith.constant 0 : i32
    %dma_start3A_577 = tpu.memref_slice %arg3[%arg0, %dma_start3A_575, %dma_start3A_576] : memref<2x5000x16xi32, #tpu.memory_space<hbm>> -> memref<1x500x16xi32, #tpu.memory_space<hbm>>
    %dma_start3A_578 = tpu.memref_squeeze %dma_start3A_577 : memref<1x500x16xi32, #tpu.memory_space<hbm>> -> memref<500x16xi32, #tpu.memory_space<hbm>>
    tpu.enqueue_dma source(%dma_start3A_578 : memref<500x16xi32, #tpu.memory_space<hbm>>) target(%dma_start3A_574 : memref<500x16xi32, #tpu.memory_space<vmem>>) target_semaphore(%arg18 : memref<!tpu.dma_semaphore, #tpu.memory_space<semaphore_mem>>)
    %dma_start3A_579 = arith.constant 1 : i32
    %dma_start3A_580 = arith.constant 0 : i32
    %dma_start3A_581 = arith.constant 0 : i32
    %dma_start3A_582 = tpu.memref_slice %arg8[%dma_start3A_579, %dma_start3A_580, %dma_start3A_581] : memref<2x500x16xi32, #tpu.memory_space<vmem>> -> memref<1x500x16xi32, #tpu.memory_space<vmem>>
    %dma_start3A_583 = tpu.memref_squeeze %dma_start3A_582 : memref<1x500x16xi32, #tpu.memory_space<vmem>> -> memref<500x16xi32, #tpu.memory_space<vmem>>
    %dma_start3A_584 = arith.constant 500 : i32
    %dma_start3A_585 = arith.constant 0 : i32
    %dma_start3A_586 = tpu.memref_slice %arg4[%arg0, %dma_start3A_584, %dma_start3A_585] : memref<2x5000x16xi32, #tpu.memory_space<hbm>> -> memref<1x500x16xi32, #tpu.memory_space<hbm>>
    %dma_start3A_587 = tpu.memref_squeeze %dma_start3A_586 : memref<1x500x16xi32, #tpu.memory_space<hbm>> -> memref<500x16xi32, #tpu.memory_space<hbm>>
    %dma_start3A_588 = arith.constant 0 : i32
    %dma_start3A_589 = arith.constant 0 : i32
    %dma_start3A_590 = tpu.memref_slice %arg8[%dma_start3A_579, %dma_start3A_588, %dma_start3A_589] : memref<2x500x16xi32, #tpu.memory_space<vmem>> -> memref<1x500x16xi32, #tpu.memory_space<vmem>>
    %dma_start3A_591 = tpu.memref_squeeze %dma_start3A_590 : memref<1x500x16xi32, #tpu.memory_space<vmem>> -> memref<500x16xi32, #tpu.memory_space<vmem>>
    %dma_start3A_592 = arith.constant 500 : i32
    %dma_start3A_593 = arith.constant 0 : i32
    %dma_start3A_594 = tpu.memref_slice %arg4[%arg0, %dma_start3A_592, %dma_start3A_593] : memref<2x5000x16xi32, #tpu.memory_space<hbm>> -> memref<1x500x16xi32, #tpu.memory_space<hbm>>
    %dma_start3A_595 = tpu.memref_squeeze %dma_start3A_594 : memref<1x500x16xi32, #tpu.memory_space<hbm>> -> memref<500x16xi32, #tpu.memory_space<hbm>>
    tpu.enqueue_dma source(%dma_start3A_595 : memref<500x16xi32, #tpu.memory_space<hbm>>) target(%dma_start3A_591 : memref<500x16xi32, #tpu.memory_space<vmem>>) target_semaphore(%arg20 : memref<!tpu.dma_semaphore, #tpu.memory_space<semaphore_mem>>)
    %dma_wait3A_596 = arith.constant 0 : i32
    %dma_wait3A_597 = arith.constant 0 : i32
    %dma_wait3A_598 = arith.constant 0 : i32
    %dma_wait3A_599 = tpu.memref_slice %arg7[%dma_wait3A_596, %dma_wait3A_597, %dma_wait3A_598] : memref<2x500x16xi32, #tpu.memory_space<vmem>> -> memref<1x500x16xi32, #tpu.memory_space<vmem>>
    %dma_wait3A_600 = tpu.memref_squeeze %dma_wait3A_599 : memref<1x500x16xi32, #tpu.memory_space<vmem>> -> memref<500x16xi32, #tpu.memory_space<vmem>>
    %dma_wait3A_601 = arith.constant 0 : i32
    %dma_wait3A_602 = arith.constant 0 : i32
    %dma_wait3A_603 = tpu.memref_slice %arg3[%arg0, %dma_wait3A_601, %dma_wait3A_602] : memref<2x5000x16xi32, #tpu.memory_space<hbm>> -> memref<1x500x16xi32, #tpu.memory_space<hbm>>
    %dma_wait3A_604 = tpu.memref_squeeze %dma_wait3A_603 : memref<1x500x16xi32, #tpu.memory_space<hbm>> -> memref<500x16xi32, #tpu.memory_space<hbm>>
    %dma_wait3A_605 = arith.constant 0 : i32
    %dma_wait3A_606 = arith.constant 0 : i32
    %dma_wait3A_607 = tpu.memref_slice %arg7[%dma_wait3A_596, %dma_wait3A_605, %dma_wait3A_606] : memref<2x500x16xi32, #tpu.memory_space<vmem>> -> memref<1x500x16xi32, #tpu.memory_space<vmem>>
    %dma_wait3A_608 = tpu.memref_squeeze %dma_wait3A_607 : memref<1x500x16xi32, #tpu.memory_space<vmem>> -> memref<500x16xi32, #tpu.memory_space<vmem>>
    %dma_wait3A_609 = arith.constant 0 : i32
    %dma_wait3A_610 = arith.constant 0 : i32
    %dma_wait3A_611 = tpu.memref_slice %arg3[%arg0, %dma_wait3A_609, %dma_wait3A_610] : memref<2x5000x16xi32, #tpu.memory_space<hbm>> -> memref<1x500x16xi32, #tpu.memory_space<hbm>>
    %dma_wait3A_612 = tpu.memref_squeeze %dma_wait3A_611 : memref<1x500x16xi32, #tpu.memory_space<hbm>> -> memref<500x16xi32, #tpu.memory_space<hbm>>
    tpu.wait_dma2 semaphore(%arg17 : memref<!tpu.dma_semaphore, #tpu.memory_space<semaphore_mem>>) src(%dma_wait3A_612 : memref<500x16xi32, #tpu.memory_space<hbm>>) dst(%dma_wait3A_608 : memref<500x16xi32, #tpu.memory_space<vmem>>)
    %dma_wait3A_613 = arith.constant 0 : i32
    %dma_wait3A_614 = arith.constant 0 : i32
    %dma_wait3A_615 = arith.constant 0 : i32
    %dma_wait3A_616 = tpu.memref_slice %arg8[%dma_wait3A_613, %dma_wait3A_614, %dma_wait3A_615] : memref<2x500x16xi32, #tpu.memory_space<vmem>> -> memref<1x500x16xi32, #tpu.memory_space<vmem>>
    %dma_wait3A_617 = tpu.memref_squeeze %dma_wait3A_616 : memref<1x500x16xi32, #tpu.memory_space<vmem>> -> memref<500x16xi32, #tpu.memory_space<vmem>>
    %dma_wait3A_618 = arith.constant 0 : i32
    %dma_wait3A_619 = arith.constant 0 : i32
    %dma_wait3A_620 = tpu.memref_slice %arg4[%arg0, %dma_wait3A_618, %dma_wait3A_619] : memref<2x5000x16xi32, #tpu.memory_space<hbm>> -> memref<1x500x16xi32, #tpu.memory_space<hbm>>
    %dma_wait3A_621 = tpu.memref_squeeze %dma_wait3A_620 : memref<1x500x16xi32, #tpu.memory_space<hbm>> -> memref<500x16xi32, #tpu.memory_space<hbm>>
    %dma_wait3A_622 = arith.constant 0 : i32
    %dma_wait3A_623 = arith.constant 0 : i32
    %dma_wait3A_624 = tpu.memref_slice %arg8[%dma_wait3A_613, %dma_wait3A_622, %dma_wait3A_623] : memref<2x500x16xi32, #tpu.memory_space<vmem>> -> memref<1x500x16xi32, #tpu.memory_space<vmem>>
    %dma_wait3A_625 = tpu.memref_squeeze %dma_wait3A_624 : memref<1x500x16xi32, #tpu.memory_space<vmem>> -> memref<500x16xi32, #tpu.memory_space<vmem>>
    %dma_wait3A_626 = arith.constant 0 : i32
    %dma_wait3A_627 = arith.constant 0 : i32
    %dma_wait3A_628 = tpu.memref_slice %arg4[%arg0, %dma_wait3A_626, %dma_wait3A_627] : memref<2x5000x16xi32, #tpu.memory_space<hbm>> -> memref<1x500x16xi32, #tpu.memory_space<hbm>>
    %dma_wait3A_629 = tpu.memref_squeeze %dma_wait3A_628 : memref<1x500x16xi32, #tpu.memory_space<hbm>> -> memref<500x16xi32, #tpu.memory_space<hbm>>
    tpu.wait_dma2 semaphore(%arg19 : memref<!tpu.dma_semaphore, #tpu.memory_space<semaphore_mem>>) src(%dma_wait3A_629 : memref<500x16xi32, #tpu.memory_space<hbm>>) dst(%dma_wait3A_625 : memref<500x16xi32, #tpu.memory_space<vmem>>)
    %parallel_loop3A_630 = arith.constant 0 : i32
    %parallel_loop3A_631 = arith.constant 500 : i32
    %parallel_loop3A_632 = arith.constant 1 : i32
    scf.for %parallel_loop3A_1238 = %parallel_loop3A_630 to %parallel_loop3A_631 step %parallel_loop3A_632  : i32 {
      %parallel_loop3A_1239 = arith.constant 0 : i32
      %parallel_loop3A_1240 = arith.index_cast %parallel_loop3A_1239 : i32 to index
      %parallel_loop3A_1241 = arith.index_cast %parallel_loop3A_1238 : i32 to index
      %parallel_loop3A_1242 = arith.constant 0 : index
      %parallel_loop3A_1243 = tpu.vector_load %arg7[%parallel_loop3A_1240, %parallel_loop3A_1241, %parallel_loop3A_1242] {strides = array<i32>} : memref<2x500x16xi32, #tpu.memory_space<vmem>>, vector<16xi32>,
      %parallel_loop3A_1244 = arith.constant 0 : i32
      %parallel_loop3A_1245 = arith.index_cast %parallel_loop3A_1244 : i32 to index
      %parallel_loop3A_1246 = arith.index_cast %parallel_loop3A_1238 : i32 to index
      %parallel_loop3A_1247 = arith.constant 0 : index
      %parallel_loop3A_1248 = tpu.vector_load %arg8[%parallel_loop3A_1245, %parallel_loop3A_1246, %parallel_loop3A_1247] {strides = array<i32>} : memref<2x500x16xi32, #tpu.memory_space<vmem>>, vector<16xi32>,
      %parallel_loop3A_1249 = tpu.vector_load_idx %arg13[%parallel_loop3A_1243] : memref<10240xf32, #tpu.memory_space<vmem>>[vector<16xi32>], vector<16xf32>,
      tpu.vector_store_idx %arg14[%parallel_loop3A_1248], %parallel_loop3A_1249 {add = true} : memref<10240xf32, #tpu.memory_space<vmem>>[vector<16xi32>], vector<16xf32>,
    } {sc.loop_unroll_factor = 4 : i64, sc.parallel_access}
    %dma_start3A_633 = arith.constant 0 : i32
    %dma_start3A_634 = arith.constant 0 : i32
    %dma_start3A_635 = arith.constant 0 : i32
    %dma_start3A_636 = tpu.memref_slice %arg7[%dma_start3A_633, %dma_start3A_634, %dma_start3A_635] : memref<2x500x16xi32, #tpu.memory_space<vmem>> -> memref<1x500x16xi32, #tpu.memory_space<vmem>>
    %dma_start3A_637 = tpu.memref_squeeze %dma_start3A_636 : memref<1x500x16xi32, #tpu.memory_space<vmem>> -> memref<500x16xi32, #tpu.memory_space<vmem>>
    %dma_start3A_638 = arith.constant 1000 : i32
    %dma_start3A_639 = arith.constant 0 : i32
    %dma_start3A_640 = tpu.memref_slice %arg3[%arg0, %dma_start3A_638, %dma_start3A_639] : memref<2x5000x16xi32, #tpu.memory_space<hbm>> -> memref<1x500x16xi32, #tpu.memory_space<hbm>>
    %dma_start3A_641 = tpu.memref_squeeze %dma_start3A_640 : memref<1x500x16xi32, #tpu.memory_space<hbm>> -> memref<500x16xi32, #tpu.memory_space<hbm>>
    %dma_start3A_642 = arith.constant 0 : i32
    %dma_start3A_643 = arith.constant 0 : i32
    %dma_start3A_644 = tpu.memref_slice %arg7[%dma_start3A_633, %dma_start3A_642, %dma_start3A_643] : memref<2x500x16xi32, #tpu.memory_space<vmem>> -> memref<1x500x16xi32, #tpu.memory_space<vmem>>
    %dma_start3A_645 = tpu.memref_squeeze %dma_start3A_644 : memref<1x500x16xi32, #tpu.memory_space<vmem>> -> memref<500x16xi32, #tpu.memory_space<vmem>>
    %dma_start3A_646 = arith.constant 1000 : i32
    %dma_start3A_647 = arith.constant 0 : i32
    %dma_start3A_648 = tpu.memref_slice %arg3[%arg0, %dma_start3A_646, %dma_start3A_647] : memref<2x5000x16xi32, #tpu.memory_space<hbm>> -> memref<1x500x16xi32, #tpu.memory_space<hbm>>
    %dma_start3A_649 = tpu.memref_squeeze %dma_start3A_648 : memref<1x500x16xi32, #tpu.memory_space<hbm>> -> memref<500x16xi32, #tpu.memory_space<hbm>>
    tpu.enqueue_dma source(%dma_start3A_649 : memref<500x16xi32, #tpu.memory_space<hbm>>) target(%dma_start3A_645 : memref<500x16xi32, #tpu.memory_space<vmem>>) target_semaphore(%arg17 : memref<!tpu.dma_semaphore, #tpu.memory_space<semaphore_mem>>)
    %dma_start3A_650 = arith.constant 0 : i32
    %dma_start3A_651 = arith.constant 0 : i32
    %dma_start3A_652 = arith.constant 0 : i32
    %dma_start3A_653 = tpu.memref_slice %arg8[%dma_start3A_650, %dma_start3A_651, %dma_start3A_652] : memref<2x500x16xi32, #tpu.memory_space<vmem>> -> memref<1x500x16xi32, #tpu.memory_space<vmem>>
    %dma_start3A_654 = tpu.memref_squeeze %dma_start3A_653 : memref<1x500x16xi32, #tpu.memory_space<vmem>> -> memref<500x16xi32, #tpu.memory_space<vmem>>
    %dma_start3A_655 = arith.constant 1000 : i32
    %dma_start3A_656 = arith.constant 0 : i32
    %dma_start3A_657 = tpu.memref_slice %arg4[%arg0, %dma_start3A_655, %dma_start3A_656] : memref<2x5000x16xi32, #tpu.memory_space<hbm>> -> memref<1x500x16xi32, #tpu.memory_space<hbm>>
    %dma_start3A_658 = tpu.memref_squeeze %dma_start3A_657 : memref<1x500x16xi32, #tpu.memory_space<hbm>> -> memref<500x16xi32, #tpu.memory_space<hbm>>
    %dma_start3A_659 = arith.constant 0 : i32
    %dma_start3A_660 = arith.constant 0 : i32
    %dma_start3A_661 = tpu.memref_slice %arg8[%dma_start3A_650, %dma_start3A_659, %dma_start3A_660] : memref<2x500x16xi32, #tpu.memory_space<vmem>> -> memref<1x500x16xi32, #tpu.memory_space<vmem>>
    %dma_start3A_662 = tpu.memref_squeeze %dma_start3A_661 : memref<1x500x16xi32, #tpu.memory_space<vmem>> -> memref<500x16xi32, #tpu.memory_space<vmem>>
    %dma_start3A_663 = arith.constant 1000 : i32
    %dma_start3A_664 = arith.constant 0 : i32
    %dma_start3A_665 = tpu.memref_slice %arg4[%arg0, %dma_start3A_663, %dma_start3A_664] : memref<2x5000x16xi32, #tpu.memory_space<hbm>> -> memref<1x500x16xi32, #tpu.memory_space<hbm>>
    %dma_start3A_666 = tpu.memref_squeeze %dma_start3A_665 : memref<1x500x16xi32, #tpu.memory_space<hbm>> -> memref<500x16xi32, #tpu.memory_space<hbm>>
    tpu.enqueue_dma source(%dma_start3A_666 : memref<500x16xi32, #tpu.memory_space<hbm>>) target(%dma_start3A_662 : memref<500x16xi32, #tpu.memory_space<vmem>>) target_semaphore(%arg19 : memref<!tpu.dma_semaphore, #tpu.memory_space<semaphore_mem>>)
    %dma_wait3A_667 = arith.constant 1 : i32
    %dma_wait3A_668 = arith.constant 0 : i32
    %dma_wait3A_669 = arith.constant 0 : i32
    %dma_wait3A_670 = tpu.memref_slice %arg7[%dma_wait3A_667, %dma_wait3A_668, %dma_wait3A_669] : memref<2x500x16xi32, #tpu.memory_space<vmem>> -> memref<1x500x16xi32, #tpu.memory_space<vmem>>
    %dma_wait3A_671 = tpu.memref_squeeze %dma_wait3A_670 : memref<1x500x16xi32, #tpu.memory_space<vmem>> -> memref<500x16xi32, #tpu.memory_space<vmem>>
    %dma_wait3A_672 = arith.constant 500 : i32
    %dma_wait3A_673 = arith.constant 0 : i32
    %dma_wait3A_674 = tpu.memref_slice %arg3[%arg0, %dma_wait3A_672, %dma_wait3A_673] : memref<2x5000x16xi32, #tpu.memory_space<hbm>> -> memref<1x500x16xi32, #tpu.memory_space<hbm>>
    %dma_wait3A_675 = tpu.memref_squeeze %dma_wait3A_674 : memref<1x500x16xi32, #tpu.memory_space<hbm>> -> memref<500x16xi32, #tpu.memory_space<hbm>>
    %dma_wait3A_676 = arith.constant 0 : i32
    %dma_wait3A_677 = arith.constant 0 : i32
    %dma_wait3A_678 = tpu.memref_slice %arg7[%dma_wait3A_667, %dma_wait3A_676, %dma_wait3A_677] : memref<2x500x16xi32, #tpu.memory_space<vmem>> -> memref<1x500x16xi32, #tpu.memory_space<vmem>>
    %dma_wait3A_679 = tpu.memref_squeeze %dma_wait3A_678 : memref<1x500x16xi32, #tpu.memory_space<vmem>> -> memref<500x16xi32, #tpu.memory_space<vmem>>
    %dma_wait3A_680 = arith.constant 500 : i32
    %dma_wait3A_681 = arith.constant 0 : i32
    %dma_wait3A_682 = tpu.memref_slice %arg3[%arg0, %dma_wait3A_680, %dma_wait3A_681] : memref<2x5000x16xi32, #tpu.memory_space<hbm>> -> memref<1x500x16xi32, #tpu.memory_space<hbm>>
    %dma_wait3A_683 = tpu.memref_squeeze %dma_wait3A_682 : memref<1x500x16xi32, #tpu.memory_space<hbm>> -> memref<500x16xi32, #tpu.memory_space<hbm>>
    tpu.wait_dma2 semaphore(%arg18 : memref<!tpu.dma_semaphore, #tpu.memory_space<semaphore_mem>>) src(%dma_wait3A_683 : memref<500x16xi32, #tpu.memory_space<hbm>>) dst(%dma_wait3A_679 : memref<500x16xi32, #tpu.memory_space<vmem>>)
    %dma_wait3A_684 = arith.constant 1 : i32
    %dma_wait3A_685 = arith.constant 0 : i32
    %dma_wait3A_686 = arith.constant 0 : i32
    %dma_wait3A_687 = tpu.memref_slice %arg8[%dma_wait3A_684, %dma_wait3A_685, %dma_wait3A_686] : memref<2x500x16xi32, #tpu.memory_space<vmem>> -> memref<1x500x16xi32, #tpu.memory_space<vmem>>
    %dma_wait3A_688 = tpu.memref_squeeze %dma_wait3A_687 : memref<1x500x16xi32, #tpu.memory_space<vmem>> -> memref<500x16xi32, #tpu.memory_space<vmem>>
    %dma_wait3A_689 = arith.constant 500 : i32
    %dma_wait3A_690 = arith.constant 0 : i32
    %dma_wait3A_691 = tpu.memref_slice %arg4[%arg0, %dma_wait3A_689, %dma_wait3A_690] : memref<2x5000x16xi32, #tpu.memory_space<hbm>> -> memref<1x500x16xi32, #tpu.memory_space<hbm>>
    %dma_wait3A_692 = tpu.memref_squeeze %dma_wait3A_691 : memref<1x500x16xi32, #tpu.memory_space<hbm>> -> memref<500x16xi32, #tpu.memory_space<hbm>>
    %dma_wait3A_693 = arith.constant 0 : i32
    %dma_wait3A_694 = arith.constant 0 : i32
    %dma_wait3A_695 = tpu.memref_slice %arg8[%dma_wait3A_684, %dma_wait3A_693, %dma_wait3A_694] : memref<2x500x16xi32, #tpu.memory_space<vmem>> -> memref<1x500x16xi32, #tpu.memory_space<vmem>>
    %dma_wait3A_696 = tpu.memref_squeeze %dma_wait3A_695 : memref<1x500x16xi32, #tpu.memory_space<vmem>> -> memref<500x16xi32, #tpu.memory_space<vmem>>
    %dma_wait3A_697 = arith.constant 500 : i32
    %dma_wait3A_698 = arith.constant 0 : i32
    %dma_wait3A_699 = tpu.memref_slice %arg4[%arg0, %dma_wait3A_697, %dma_wait3A_698] : memref<2x5000x16xi32, #tpu.memory_space<hbm>> -> memref<1x500x16xi32, #tpu.memory_space<hbm>>
    %dma_wait3A_700 = tpu.memref_squeeze %dma_wait3A_699 : memref<1x500x16xi32, #tpu.memory_space<hbm>> -> memref<500x16xi32, #tpu.memory_space<hbm>>
    tpu.wait_dma2 semaphore(%arg20 : memref<!tpu.dma_semaphore, #tpu.memory_space<semaphore_mem>>) src(%dma_wait3A_700 : memref<500x16xi32, #tpu.memory_space<hbm>>) dst(%dma_wait3A_696 : memref<500x16xi32, #tpu.memory_space<vmem>>)
    %parallel_loop3A_701 = arith.constant 0 : i32
    %parallel_loop3A_702 = arith.constant 500 : i32
    %parallel_loop3A_703 = arith.constant 1 : i32
    scf.for %parallel_loop3A_1238 = %parallel_loop3A_701 to %parallel_loop3A_702 step %parallel_loop3A_703  : i32 {
      %parallel_loop3A_1239 = arith.constant 1 : i32
      %parallel_loop3A_1240 = arith.index_cast %parallel_loop3A_1239 : i32 to index
      %parallel_loop3A_1241 = arith.index_cast %parallel_loop3A_1238 : i32 to index
      %parallel_loop3A_1242 = arith.constant 0 : index
      %parallel_loop3A_1243 = tpu.vector_load %arg7[%parallel_loop3A_1240, %parallel_loop3A_1241, %parallel_loop3A_1242] {strides = array<i32>} : memref<2x500x16xi32, #tpu.memory_space<vmem>>, vector<16xi32>,
      %parallel_loop3A_1244 = arith.constant 1 : i32
      %parallel_loop3A_1245 = arith.index_cast %parallel_loop3A_1244 : i32 to index
      %parallel_loop3A_1246 = arith.index_cast %parallel_loop3A_1238 : i32 to index
      %parallel_loop3A_1247 = arith.constant 0 : index
      %parallel_loop3A_1248 = tpu.vector_load %arg8[%parallel_loop3A_1245, %parallel_loop3A_1246, %parallel_loop3A_1247] {strides = array<i32>} : memref<2x500x16xi32, #tpu.memory_space<vmem>>, vector<16xi32>,
      %parallel_loop3A_1249 = tpu.vector_load_idx %arg13[%parallel_loop3A_1243] : memref<10240xf32, #tpu.memory_space<vmem>>[vector<16xi32>], vector<16xf32>,
      tpu.vector_store_idx %arg14[%parallel_loop3A_1248], %parallel_loop3A_1249 {add = true} : memref<10240xf32, #tpu.memory_space<vmem>>[vector<16xi32>], vector<16xf32>,
    } {sc.loop_unroll_factor = 4 : i64, sc.parallel_access}
    %dma_start3A_704 = arith.constant 1 : i32
    %dma_start3A_705 = arith.constant 0 : i32
    %dma_start3A_706 = arith.constant 0 : i32
    %dma_start3A_707 = tpu.memref_slice %arg7[%dma_start3A_704, %dma_start3A_705, %dma_start3A_706] : memref<2x500x16xi32, #tpu.memory_space<vmem>> -> memref<1x500x16xi32, #tpu.memory_space<vmem>>
    %dma_start3A_708 = tpu.memref_squeeze %dma_start3A_707 : memref<1x500x16xi32, #tpu.memory_space<vmem>> -> memref<500x16xi32, #tpu.memory_space<vmem>>
    %dma_start3A_709 = arith.constant 1500 : i32
    %dma_start3A_710 = arith.constant 0 : i32
    %dma_start3A_711 = tpu.memref_slice %arg3[%arg0, %dma_start3A_709, %dma_start3A_710] : memref<2x5000x16xi32, #tpu.memory_space<hbm>> -> memref<1x500x16xi32, #tpu.memory_space<hbm>>
    %dma_start3A_712 = tpu.memref_squeeze %dma_start3A_711 : memref<1x500x16xi32, #tpu.memory_space<hbm>> -> memref<500x16xi32, #tpu.memory_space<hbm>>
    %dma_start3A_713 = arith.constant 0 : i32
    %dma_start3A_714 = arith.constant 0 : i32
    %dma_start3A_715 = tpu.memref_slice %arg7[%dma_start3A_704, %dma_start3A_713, %dma_start3A_714] : memref<2x500x16xi32, #tpu.memory_space<vmem>> -> memref<1x500x16xi32, #tpu.memory_space<vmem>>
    %dma_start3A_716 = tpu.memref_squeeze %dma_start3A_715 : memref<1x500x16xi32, #tpu.memory_space<vmem>> -> memref<500x16xi32, #tpu.memory_space<vmem>>
    %dma_start3A_717 = arith.constant 1500 : i32
    %dma_start3A_718 = arith.constant 0 : i32
    %dma_start3A_719 = tpu.memref_slice %arg3[%arg0, %dma_start3A_717, %dma_start3A_718] : memref<2x5000x16xi32, #tpu.memory_space<hbm>> -> memref<1x500x16xi32, #tpu.memory_space<hbm>>
    %dma_start3A_720 = tpu.memref_squeeze %dma_start3A_719 : memref<1x500x16xi32, #tpu.memory_space<hbm>> -> memref<500x16xi32, #tpu.memory_space<hbm>>
    tpu.enqueue_dma source(%dma_start3A_720 : memref<500x16xi32, #tpu.memory_space<hbm>>) target(%dma_start3A_716 : memref<500x16xi32, #tpu.memory_space<vmem>>) target_semaphore(%arg18 : memref<!tpu.dma_semaphore, #tpu.memory_space<semaphore_mem>>)
    %dma_start3A_721 = arith.constant 1 : i32
    %dma_start3A_722 = arith.constant 0 : i32
    %dma_start3A_723 = arith.constant 0 : i32
    %dma_start3A_724 = tpu.memref_slice %arg8[%dma_start3A_721, %dma_start3A_722, %dma_start3A_723] : memref<2x500x16xi32, #tpu.memory_space<vmem>> -> memref<1x500x16xi32, #tpu.memory_space<vmem>>
    %dma_start3A_725 = tpu.memref_squeeze %dma_start3A_724 : memref<1x500x16xi32, #tpu.memory_space<vmem>> -> memref<500x16xi32, #tpu.memory_space<vmem>>
    %dma_start3A_726 = arith.constant 1500 : i32
    %dma_start3A_727 = arith.constant 0 : i32
    %dma_start3A_728 = tpu.memref_slice %arg4[%arg0, %dma_start3A_726, %dma_start3A_727] : memref<2x5000x16xi32, #tpu.memory_space<hbm>> -> memref<1x500x16xi32, #tpu.memory_space<hbm>>
    %dma_start3A_729 = tpu.memref_squeeze %dma_start3A_728 : memref<1x500x16xi32, #tpu.memory_space<hbm>> -> memref<500x16xi32, #tpu.memory_space<hbm>>
    %dma_start3A_730 = arith.constant 0 : i32
    %dma_start3A_731 = arith.constant 0 : i32
    %dma_start3A_732 = tpu.memref_slice %arg8[%dma_start3A_721, %dma_start3A_730, %dma_start3A_731] : memref<2x500x16xi32, #tpu.memory_space<vmem>> -> memref<1x500x16xi32, #tpu.memory_space<vmem>>
    %dma_start3A_733 = tpu.memref_squeeze %dma_start3A_732 : memref<1x500x16xi32, #tpu.memory_space<vmem>> -> memref<500x16xi32, #tpu.memory_space<vmem>>
    %dma_start3A_734 = arith.constant 1500 : i32
    %dma_start3A_735 = arith.constant 0 : i32
    %dma_start3A_736 = tpu.memref_slice %arg4[%arg0, %dma_start3A_734, %dma_start3A_735] : memref<2x5000x16xi32, #tpu.memory_space<hbm>> -> memref<1x500x16xi32, #tpu.memory_space<hbm>>
    %dma_start3A_737 = tpu.memref_squeeze %dma_start3A_736 : memref<1x500x16xi32, #tpu.memory_space<hbm>> -> memref<500x16xi32, #tpu.memory_space<hbm>>
    tpu.enqueue_dma source(%dma_start3A_737 : memref<500x16xi32, #tpu.memory_space<hbm>>) target(%dma_start3A_733 : memref<500x16xi32, #tpu.memory_space<vmem>>) target_semaphore(%arg20 : memref<!tpu.dma_semaphore, #tpu.memory_space<semaphore_mem>>)
    %dma_wait3A_738 = arith.constant 0 : i32
    %dma_wait3A_739 = arith.constant 0 : i32
    %dma_wait3A_740 = arith.constant 0 : i32
    %dma_wait3A_741 = tpu.memref_slice %arg7[%dma_wait3A_738, %dma_wait3A_739, %dma_wait3A_740] : memref<2x500x16xi32, #tpu.memory_space<vmem>> -> memref<1x500x16xi32, #tpu.memory_space<vmem>>
    %dma_wait3A_742 = tpu.memref_squeeze %dma_wait3A_741 : memref<1x500x16xi32, #tpu.memory_space<vmem>> -> memref<500x16xi32, #tpu.memory_space<vmem>>
    %dma_wait3A_743 = arith.constant 1000 : i32
    %dma_wait3A_744 = arith.constant 0 : i32
    %dma_wait3A_745 = tpu.memref_slice %arg3[%arg0, %dma_wait3A_743, %dma_wait3A_744] : memref<2x5000x16xi32, #tpu.memory_space<hbm>> -> memref<1x500x16xi32, #tpu.memory_space<hbm>>
    %dma_wait3A_746 = tpu.memref_squeeze %dma_wait3A_745 : memref<1x500x16xi32, #tpu.memory_space<hbm>> -> memref<500x16xi32, #tpu.memory_space<hbm>>
    %dma_wait3A_747 = arith.constant 0 : i32
    %dma_wait3A_748 = arith.constant 0 : i32
    %dma_wait3A_749 = tpu.memref_slice %arg7[%dma_wait3A_738, %dma_wait3A_747, %dma_wait3A_748] : memref<2x500x16xi32, #tpu.memory_space<vmem>> -> memref<1x500x16xi32, #tpu.memory_space<vmem>>
    %dma_wait3A_750 = tpu.memref_squeeze %dma_wait3A_749 : memref<1x500x16xi32, #tpu.memory_space<vmem>> -> memref<500x16xi32, #tpu.memory_space<vmem>>
    %dma_wait3A_751 = arith.constant 1000 : i32
    %dma_wait3A_752 = arith.constant 0 : i32
    %dma_wait3A_753 = tpu.memref_slice %arg3[%arg0, %dma_wait3A_751, %dma_wait3A_752] : memref<2x5000x16xi32, #tpu.memory_space<hbm>> -> memref<1x500x16xi32, #tpu.memory_space<hbm>>
    %dma_wait3A_754 = tpu.memref_squeeze %dma_wait3A_753 : memref<1x500x16xi32, #tpu.memory_space<hbm>> -> memref<500x16xi32, #tpu.memory_space<hbm>>
    tpu.wait_dma2 semaphore(%arg17 : memref<!tpu.dma_semaphore, #tpu.memory_space<semaphore_mem>>) src(%dma_wait3A_754 : memref<500x16xi32, #tpu.memory_space<hbm>>) dst(%dma_wait3A_750 : memref<500x16xi32, #tpu.memory_space<vmem>>)
    %dma_wait3A_755 = arith.constant 0 : i32
    %dma_wait3A_756 = arith.constant 0 : i32
    %dma_wait3A_757 = arith.constant 0 : i32
    %dma_wait3A_758 = tpu.memref_slice %arg8[%dma_wait3A_755, %dma_wait3A_756, %dma_wait3A_757] : memref<2x500x16xi32, #tpu.memory_space<vmem>> -> memref<1x500x16xi32, #tpu.memory_space<vmem>>
    %dma_wait3A_759 = tpu.memref_squeeze %dma_wait3A_758 : memref<1x500x16xi32, #tpu.memory_space<vmem>> -> memref<500x16xi32, #tpu.memory_space<vmem>>
    %dma_wait3A_760 = arith.constant 1000 : i32
    %dma_wait3A_761 = arith.constant 0 : i32
    %dma_wait3A_762 = tpu.memref_slice %arg4[%arg0, %dma_wait3A_760, %dma_wait3A_761] : memref<2x5000x16xi32, #tpu.memory_space<hbm>> -> memref<1x500x16xi32, #tpu.memory_space<hbm>>
    %dma_wait3A_763 = tpu.memref_squeeze %dma_wait3A_762 : memref<1x500x16xi32, #tpu.memory_space<hbm>> -> memref<500x16xi32, #tpu.memory_space<hbm>>
    %dma_wait3A_764 = arith.constant 0 : i32
    %dma_wait3A_765 = arith.constant 0 : i32
    %dma_wait3A_766 = tpu.memref_slice %arg8[%dma_wait3A_755, %dma_wait3A_764, %dma_wait3A_765] : memref<2x500x16xi32, #tpu.memory_space<vmem>> -> memref<1x500x16xi32, #tpu.memory_space<vmem>>
    %dma_wait3A_767 = tpu.memref_squeeze %dma_wait3A_766 : memref<1x500x16xi32, #tpu.memory_space<vmem>> -> memref<500x16xi32, #tpu.memory_space<vmem>>
    %dma_wait3A_768 = arith.constant 1000 : i32
    %dma_wait3A_769 = arith.constant 0 : i32
    %dma_wait3A_770 = tpu.memref_slice %arg4[%arg0, %dma_wait3A_768, %dma_wait3A_769] : memref<2x5000x16xi32, #tpu.memory_space<hbm>> -> memref<1x500x16xi32, #tpu.memory_space<hbm>>
    %dma_wait3A_771 = tpu.memref_squeeze %dma_wait3A_770 : memref<1x500x16xi32, #tpu.memory_space<hbm>> -> memref<500x16xi32, #tpu.memory_space<hbm>>
    tpu.wait_dma2 semaphore(%arg19 : memref<!tpu.dma_semaphore, #tpu.memory_space<semaphore_mem>>) src(%dma_wait3A_771 : memref<500x16xi32, #tpu.memory_space<hbm>>) dst(%dma_wait3A_767 : memref<500x16xi32, #tpu.memory_space<vmem>>)
    %parallel_loop3A_772 = arith.constant 0 : i32
    %parallel_loop3A_773 = arith.constant 500 : i32
    %parallel_loop3A_774 = arith.constant 1 : i32
    scf.for %parallel_loop3A_1238 = %parallel_loop3A_772 to %parallel_loop3A_773 step %parallel_loop3A_774  : i32 {
      %parallel_loop3A_1239 = arith.constant 0 : i32
      %parallel_loop3A_1240 = arith.index_cast %parallel_loop3A_1239 : i32 to index
      %parallel_loop3A_1241 = arith.index_cast %parallel_loop3A_1238 : i32 to index
      %parallel_loop3A_1242 = arith.constant 0 : index
      %parallel_loop3A_1243 = tpu.vector_load %arg7[%parallel_loop3A_1240, %parallel_loop3A_1241, %parallel_loop3A_1242] {strides = array<i32>} : memref<2x500x16xi32, #tpu.memory_space<vmem>>, vector<16xi32>,
      %parallel_loop3A_1244 = arith.constant 0 : i32
      %parallel_loop3A_1245 = arith.index_cast %parallel_loop3A_1244 : i32 to index
      %parallel_loop3A_1246 = arith.index_cast %parallel_loop3A_1238 : i32 to index
      %parallel_loop3A_1247 = arith.constant 0 : index
      %parallel_loop3A_1248 = tpu.vector_load %arg8[%parallel_loop3A_1245, %parallel_loop3A_1246, %parallel_loop3A_1247] {strides = array<i32>} : memref<2x500x16xi32, #tpu.memory_space<vmem>>, vector<16xi32>,
      %parallel_loop3A_1249 = tpu.vector_load_idx %arg13[%parallel_loop3A_1243] : memref<10240xf32, #tpu.memory_space<vmem>>[vector<16xi32>], vector<16xf32>,
      tpu.vector_store_idx %arg14[%parallel_loop3A_1248], %parallel_loop3A_1249 {add = true} : memref<10240xf32, #tpu.memory_space<vmem>>[vector<16xi32>], vector<16xf32>,
    } {sc.loop_unroll_factor = 4 : i64, sc.parallel_access}
    %dma_start3A_775 = arith.constant 0 : i32
    %dma_start3A_776 = arith.constant 0 : i32
    %dma_start3A_777 = arith.constant 0 : i32
    %dma_start3A_778 = tpu.memref_slice %arg7[%dma_start3A_775, %dma_start3A_776, %dma_start3A_777] : memref<2x500x16xi32, #tpu.memory_space<vmem>> -> memref<1x500x16xi32, #tpu.memory_space<vmem>>
    %dma_start3A_779 = tpu.memref_squeeze %dma_start3A_778 : memref<1x500x16xi32, #tpu.memory_space<vmem>> -> memref<500x16xi32, #tpu.memory_space<vmem>>
    %dma_start3A_780 = arith.constant 2000 : i32
    %dma_start3A_781 = arith.constant 0 : i32
    %dma_start3A_782 = tpu.memref_slice %arg3[%arg0, %dma_start3A_780, %dma_start3A_781] : memref<2x5000x16xi32, #tpu.memory_space<hbm>> -> memref<1x500x16xi32, #tpu.memory_space<hbm>>
    %dma_start3A_783 = tpu.memref_squeeze %dma_start3A_782 : memref<1x500x16xi32, #tpu.memory_space<hbm>> -> memref<500x16xi32, #tpu.memory_space<hbm>>
    %dma_start3A_784 = arith.constant 0 : i32
    %dma_start3A_785 = arith.constant 0 : i32
    %dma_start3A_786 = tpu.memref_slice %arg7[%dma_start3A_775, %dma_start3A_784, %dma_start3A_785] : memref<2x500x16xi32, #tpu.memory_space<vmem>> -> memref<1x500x16xi32, #tpu.memory_space<vmem>>
    %dma_start3A_787 = tpu.memref_squeeze %dma_start3A_786 : memref<1x500x16xi32, #tpu.memory_space<vmem>> -> memref<500x16xi32, #tpu.memory_space<vmem>>
    %dma_start3A_788 = arith.constant 2000 : i32
    %dma_start3A_789 = arith.constant 0 : i32
    %dma_start3A_790 = tpu.memref_slice %arg3[%arg0, %dma_start3A_788, %dma_start3A_789] : memref<2x5000x16xi32, #tpu.memory_space<hbm>> -> memref<1x500x16xi32, #tpu.memory_space<hbm>>
    %dma_start3A_791 = tpu.memref_squeeze %dma_start3A_790 : memref<1x500x16xi32, #tpu.memory_space<hbm>> -> memref<500x16xi32, #tpu.memory_space<hbm>>
    tpu.enqueue_dma source(%dma_start3A_791 : memref<500x16xi32, #tpu.memory_space<hbm>>) target(%dma_start3A_787 : memref<500x16xi32, #tpu.memory_space<vmem>>) target_semaphore(%arg17 : memref<!tpu.dma_semaphore, #tpu.memory_space<semaphore_mem>>)
    %dma_start3A_792 = arith.constant 0 : i32
    %dma_start3A_793 = arith.constant 0 : i32
    %dma_start3A_794 = arith.constant 0 : i32
    %dma_start3A_795 = tpu.memref_slice %arg8[%dma_start3A_792, %dma_start3A_793, %dma_start3A_794] : memref<2x500x16xi32, #tpu.memory_space<vmem>> -> memref<1x500x16xi32, #tpu.memory_space<vmem>>
    %dma_start3A_796 = tpu.memref_squeeze %dma_start3A_795 : memref<1x500x16xi32, #tpu.memory_space<vmem>> -> memref<500x16xi32, #tpu.memory_space<vmem>>
    %dma_start3A_797 = arith.constant 2000 : i32
    %dma_start3A_798 = arith.constant 0 : i32
    %dma_start3A_799 = tpu.memref_slice %arg4[%arg0, %dma_start3A_797, %dma_start3A_798] : memref<2x5000x16xi32, #tpu.memory_space<hbm>> -> memref<1x500x16xi32, #tpu.memory_space<hbm>>
    %dma_start3A_800 = tpu.memref_squeeze %dma_start3A_799 : memref<1x500x16xi32, #tpu.memory_space<hbm>> -> memref<500x16xi32, #tpu.memory_space<hbm>>
    %dma_start3A_801 = arith.constant 0 : i32
    %dma_start3A_802 = arith.constant 0 : i32
    %dma_start3A_803 = tpu.memref_slice %arg8[%dma_start3A_792, %dma_start3A_801, %dma_start3A_802] : memref<2x500x16xi32, #tpu.memory_space<vmem>> -> memref<1x500x16xi32, #tpu.memory_space<vmem>>
    %dma_start3A_804 = tpu.memref_squeeze %dma_start3A_803 : memref<1x500x16xi32, #tpu.memory_space<vmem>> -> memref<500x16xi32, #tpu.memory_space<vmem>>
    %dma_start3A_805 = arith.constant 2000 : i32
    %dma_start3A_806 = arith.constant 0 : i32
    %dma_start3A_807 = tpu.memref_slice %arg4[%arg0, %dma_start3A_805, %dma_start3A_806] : memref<2x5000x16xi32, #tpu.memory_space<hbm>> -> memref<1x500x16xi32, #tpu.memory_space<hbm>>
    %dma_start3A_808 = tpu.memref_squeeze %dma_start3A_807 : memref<1x500x16xi32, #tpu.memory_space<hbm>> -> memref<500x16xi32, #tpu.memory_space<hbm>>
    tpu.enqueue_dma source(%dma_start3A_808 : memref<500x16xi32, #tpu.memory_space<hbm>>) target(%dma_start3A_804 : memref<500x16xi32, #tpu.memory_space<vmem>>) target_semaphore(%arg19 : memref<!tpu.dma_semaphore, #tpu.memory_space<semaphore_mem>>)
    %dma_wait3A_809 = arith.constant 1 : i32
    %dma_wait3A_810 = arith.constant 0 : i32
    %dma_wait3A_811 = arith.constant 0 : i32
    %dma_wait3A_812 = tpu.memref_slice %arg7[%dma_wait3A_809, %dma_wait3A_810, %dma_wait3A_811] : memref<2x500x16xi32, #tpu.memory_space<vmem>> -> memref<1x500x16xi32, #tpu.memory_space<vmem>>
    %dma_wait3A_813 = tpu.memref_squeeze %dma_wait3A_812 : memref<1x500x16xi32, #tpu.memory_space<vmem>> -> memref<500x16xi32, #tpu.memory_space<vmem>>
    %dma_wait3A_814 = arith.constant 1500 : i32
    %dma_wait3A_815 = arith.constant 0 : i32
    %dma_wait3A_816 = tpu.memref_slice %arg3[%arg0, %dma_wait3A_814, %dma_wait3A_815] : memref<2x5000x16xi32, #tpu.memory_space<hbm>> -> memref<1x500x16xi32, #tpu.memory_space<hbm>>
    %dma_wait3A_817 = tpu.memref_squeeze %dma_wait3A_816 : memref<1x500x16xi32, #tpu.memory_space<hbm>> -> memref<500x16xi32, #tpu.memory_space<hbm>>
    %dma_wait3A_818 = arith.constant 0 : i32
    %dma_wait3A_819 = arith.constant 0 : i32
    %dma_wait3A_820 = tpu.memref_slice %arg7[%dma_wait3A_809, %dma_wait3A_818, %dma_wait3A_819] : memref<2x500x16xi32, #tpu.memory_space<vmem>> -> memref<1x500x16xi32, #tpu.memory_space<vmem>>
    %dma_wait3A_821 = tpu.memref_squeeze %dma_wait3A_820 : memref<1x500x16xi32, #tpu.memory_space<vmem>> -> memref<500x16xi32, #tpu.memory_space<vmem>>
    %dma_wait3A_822 = arith.constant 1500 : i32
    %dma_wait3A_823 = arith.constant 0 : i32
    %dma_wait3A_824 = tpu.memref_slice %arg3[%arg0, %dma_wait3A_822, %dma_wait3A_823] : memref<2x5000x16xi32, #tpu.memory_space<hbm>> -> memref<1x500x16xi32, #tpu.memory_space<hbm>>
    %dma_wait3A_825 = tpu.memref_squeeze %dma_wait3A_824 : memref<1x500x16xi32, #tpu.memory_space<hbm>> -> memref<500x16xi32, #tpu.memory_space<hbm>>
    tpu.wait_dma2 semaphore(%arg18 : memref<!tpu.dma_semaphore, #tpu.memory_space<semaphore_mem>>) src(%dma_wait3A_825 : memref<500x16xi32, #tpu.memory_space<hbm>>) dst(%dma_wait3A_821 : memref<500x16xi32, #tpu.memory_space<vmem>>)
    %dma_wait3A_826 = arith.constant 1 : i32
    %dma_wait3A_827 = arith.constant 0 : i32
    %dma_wait3A_828 = arith.constant 0 : i32
    %dma_wait3A_829 = tpu.memref_slice %arg8[%dma_wait3A_826, %dma_wait3A_827, %dma_wait3A_828] : memref<2x500x16xi32, #tpu.memory_space<vmem>> -> memref<1x500x16xi32, #tpu.memory_space<vmem>>
    %dma_wait3A_830 = tpu.memref_squeeze %dma_wait3A_829 : memref<1x500x16xi32, #tpu.memory_space<vmem>> -> memref<500x16xi32, #tpu.memory_space<vmem>>
    %dma_wait3A_831 = arith.constant 1500 : i32
    %dma_wait3A_832 = arith.constant 0 : i32
    %dma_wait3A_833 = tpu.memref_slice %arg4[%arg0, %dma_wait3A_831, %dma_wait3A_832] : memref<2x5000x16xi32, #tpu.memory_space<hbm>> -> memref<1x500x16xi32, #tpu.memory_space<hbm>>
    %dma_wait3A_834 = tpu.memref_squeeze %dma_wait3A_833 : memref<1x500x16xi32, #tpu.memory_space<hbm>> -> memref<500x16xi32, #tpu.memory_space<hbm>>
    %dma_wait3A_835 = arith.constant 0 : i32
    %dma_wait3A_836 = arith.constant 0 : i32
    %dma_wait3A_837 = tpu.memref_slice %arg8[%dma_wait3A_826, %dma_wait3A_835, %dma_wait3A_836] : memref<2x500x16xi32, #tpu.memory_space<vmem>> -> memref<1x500x16xi32, #tpu.memory_space<vmem>>
    %dma_wait3A_838 = tpu.memref_squeeze %dma_wait3A_837 : memref<1x500x16xi32, #tpu.memory_space<vmem>> -> memref<500x16xi32, #tpu.memory_space<vmem>>
    %dma_wait3A_839 = arith.constant 1500 : i32
    %dma_wait3A_840 = arith.constant 0 : i32
    %dma_wait3A_841 = tpu.memref_slice %arg4[%arg0, %dma_wait3A_839, %dma_wait3A_840] : memref<2x5000x16xi32, #tpu.memory_space<hbm>> -> memref<1x500x16xi32, #tpu.memory_space<hbm>>
    %dma_wait3A_842 = tpu.memref_squeeze %dma_wait3A_841 : memref<1x500x16xi32, #tpu.memory_space<hbm>> -> memref<500x16xi32, #tpu.memory_space<hbm>>
    tpu.wait_dma2 semaphore(%arg20 : memref<!tpu.dma_semaphore, #tpu.memory_space<semaphore_mem>>) src(%dma_wait3A_842 : memref<500x16xi32, #tpu.memory_space<hbm>>) dst(%dma_wait3A_838 : memref<500x16xi32, #tpu.memory_space<vmem>>)
    %parallel_loop3A_843 = arith.constant 0 : i32
    %parallel_loop3A_844 = arith.constant 500 : i32
    %parallel_loop3A_845 = arith.constant 1 : i32
    scf.for %parallel_loop3A_1238 = %parallel_loop3A_843 to %parallel_loop3A_844 step %parallel_loop3A_845  : i32 {
      %parallel_loop3A_1239 = arith.constant 1 : i32
      %parallel_loop3A_1240 = arith.index_cast %parallel_loop3A_1239 : i32 to index
      %parallel_loop3A_1241 = arith.index_cast %parallel_loop3A_1238 : i32 to index
      %parallel_loop3A_1242 = arith.constant 0 : index
      %parallel_loop3A_1243 = tpu.vector_load %arg7[%parallel_loop3A_1240, %parallel_loop3A_1241, %parallel_loop3A_1242] {strides = array<i32>} : memref<2x500x16xi32, #tpu.memory_space<vmem>>, vector<16xi32>,
      %parallel_loop3A_1244 = arith.constant 1 : i32
      %parallel_loop3A_1245 = arith.index_cast %parallel_loop3A_1244 : i32 to index
      %parallel_loop3A_1246 = arith.index_cast %parallel_loop3A_1238 : i32 to index
      %parallel_loop3A_1247 = arith.constant 0 : index
      %parallel_loop3A_1248 = tpu.vector_load %arg8[%parallel_loop3A_1245, %parallel_loop3A_1246, %parallel_loop3A_1247] {strides = array<i32>} : memref<2x500x16xi32, #tpu.memory_space<vmem>>, vector<16xi32>,
      %parallel_loop3A_1249 = tpu.vector_load_idx %arg13[%parallel_loop3A_1243] : memref<10240xf32, #tpu.memory_space<vmem>>[vector<16xi32>], vector<16xf32>,
      tpu.vector_store_idx %arg14[%parallel_loop3A_1248], %parallel_loop3A_1249 {add = true} : memref<10240xf32, #tpu.memory_space<vmem>>[vector<16xi32>], vector<16xf32>,
    } {sc.loop_unroll_factor = 4 : i64, sc.parallel_access}
    %dma_start3A_846 = arith.constant 1 : i32
    %dma_start3A_847 = arith.constant 0 : i32
    %dma_start3A_848 = arith.constant 0 : i32
    %dma_start3A_849 = tpu.memref_slice %arg7[%dma_start3A_846, %dma_start3A_847, %dma_start3A_848] : memref<2x500x16xi32, #tpu.memory_space<vmem>> -> memref<1x500x16xi32, #tpu.memory_space<vmem>>
    %dma_start3A_850 = tpu.memref_squeeze %dma_start3A_849 : memref<1x500x16xi32, #tpu.memory_space<vmem>> -> memref<500x16xi32, #tpu.memory_space<vmem>>
    %dma_start3A_851 = arith.constant 2500 : i32
    %dma_start3A_852 = arith.constant 0 : i32
    %dma_start3A_853 = tpu.memref_slice %arg3[%arg0, %dma_start3A_851, %dma_start3A_852] : memref<2x5000x16xi32, #tpu.memory_space<hbm>> -> memref<1x500x16xi32, #tpu.memory_space<hbm>>
    %dma_start3A_854 = tpu.memref_squeeze %dma_start3A_853 : memref<1x500x16xi32, #tpu.memory_space<hbm>> -> memref<500x16xi32, #tpu.memory_space<hbm>>
    %dma_start3A_855 = arith.constant 0 : i32
    %dma_start3A_856 = arith.constant 0 : i32
    %dma_start3A_857 = tpu.memref_slice %arg7[%dma_start3A_846, %dma_start3A_855, %dma_start3A_856] : memref<2x500x16xi32, #tpu.memory_space<vmem>> -> memref<1x500x16xi32, #tpu.memory_space<vmem>>
    %dma_start3A_858 = tpu.memref_squeeze %dma_start3A_857 : memref<1x500x16xi32, #tpu.memory_space<vmem>> -> memref<500x16xi32, #tpu.memory_space<vmem>>
    %dma_start3A_859 = arith.constant 2500 : i32
    %dma_start3A_860 = arith.constant 0 : i32
    %dma_start3A_861 = tpu.memref_slice %arg3[%arg0, %dma_start3A_859, %dma_start3A_860] : memref<2x5000x16xi32, #tpu.memory_space<hbm>> -> memref<1x500x16xi32, #tpu.memory_space<hbm>>
    %dma_start3A_862 = tpu.memref_squeeze %dma_start3A_861 : memref<1x500x16xi32, #tpu.memory_space<hbm>> -> memref<500x16xi32, #tpu.memory_space<hbm>>
    tpu.enqueue_dma source(%dma_start3A_862 : memref<500x16xi32, #tpu.memory_space<hbm>>) target(%dma_start3A_858 : memref<500x16xi32, #tpu.memory_space<vmem>>) target_semaphore(%arg18 : memref<!tpu.dma_semaphore, #tpu.memory_space<semaphore_mem>>)
    %dma_start3A_863 = arith.constant 1 : i32
    %dma_start3A_864 = arith.constant 0 : i32
    %dma_start3A_865 = arith.constant 0 : i32
    %dma_start3A_866 = tpu.memref_slice %arg8[%dma_start3A_863, %dma_start3A_864, %dma_start3A_865] : memref<2x500x16xi32, #tpu.memory_space<vmem>> -> memref<1x500x16xi32, #tpu.memory_space<vmem>>
    %dma_start3A_867 = tpu.memref_squeeze %dma_start3A_866 : memref<1x500x16xi32, #tpu.memory_space<vmem>> -> memref<500x16xi32, #tpu.memory_space<vmem>>
    %dma_start3A_868 = arith.constant 2500 : i32
    %dma_start3A_869 = arith.constant 0 : i32
    %dma_start3A_870 = tpu.memref_slice %arg4[%arg0, %dma_start3A_868, %dma_start3A_869] : memref<2x5000x16xi32, #tpu.memory_space<hbm>> -> memref<1x500x16xi32, #tpu.memory_space<hbm>>
    %dma_start3A_871 = tpu.memref_squeeze %dma_start3A_870 : memref<1x500x16xi32, #tpu.memory_space<hbm>> -> memref<500x16xi32, #tpu.memory_space<hbm>>
    %dma_start3A_872 = arith.constant 0 : i32
    %dma_start3A_873 = arith.constant 0 : i32
    %dma_start3A_874 = tpu.memref_slice %arg8[%dma_start3A_863, %dma_start3A_872, %dma_start3A_873] : memref<2x500x16xi32, #tpu.memory_space<vmem>> -> memref<1x500x16xi32, #tpu.memory_space<vmem>>
    %dma_start3A_875 = tpu.memref_squeeze %dma_start3A_874 : memref<1x500x16xi32, #tpu.memory_space<vmem>> -> memref<500x16xi32, #tpu.memory_space<vmem>>
    %dma_start3A_876 = arith.constant 2500 : i32
    %dma_start3A_877 = arith.constant 0 : i32
    %dma_start3A_878 = tpu.memref_slice %arg4[%arg0, %dma_start3A_876, %dma_start3A_877] : memref<2x5000x16xi32, #tpu.memory_space<hbm>> -> memref<1x500x16xi32, #tpu.memory_space<hbm>>
    %dma_start3A_879 = tpu.memref_squeeze %dma_start3A_878 : memref<1x500x16xi32, #tpu.memory_space<hbm>> -> memref<500x16xi32, #tpu.memory_space<hbm>>
    tpu.enqueue_dma source(%dma_start3A_879 : memref<500x16xi32, #tpu.memory_space<hbm>>) target(%dma_start3A_875 : memref<500x16xi32, #tpu.memory_space<vmem>>) target_semaphore(%arg20 : memref<!tpu.dma_semaphore, #tpu.memory_space<semaphore_mem>>)
    %dma_wait3A_880 = arith.constant 0 : i32
    %dma_wait3A_881 = arith.constant 0 : i32
    %dma_wait3A_882 = arith.constant 0 : i32
    %dma_wait3A_883 = tpu.memref_slice %arg7[%dma_wait3A_880, %dma_wait3A_881, %dma_wait3A_882] : memref<2x500x16xi32, #tpu.memory_space<vmem>> -> memref<1x500x16xi32, #tpu.memory_space<vmem>>
    %dma_wait3A_884 = tpu.memref_squeeze %dma_wait3A_883 : memref<1x500x16xi32, #tpu.memory_space<vmem>> -> memref<500x16xi32, #tpu.memory_space<vmem>>
    %dma_wait3A_885 = arith.constant 2000 : i32
    %dma_wait3A_886 = arith.constant 0 : i32
    %dma_wait3A_887 = tpu.memref_slice %arg3[%arg0, %dma_wait3A_885, %dma_wait3A_886] : memref<2x5000x16xi32, #tpu.memory_space<hbm>> -> memref<1x500x16xi32, #tpu.memory_space<hbm>>
    %dma_wait3A_888 = tpu.memref_squeeze %dma_wait3A_887 : memref<1x500x16xi32, #tpu.memory_space<hbm>> -> memref<500x16xi32, #tpu.memory_space<hbm>>
    %dma_wait3A_889 = arith.constant 0 : i32
    %dma_wait3A_890 = arith.constant 0 : i32
    %dma_wait3A_891 = tpu.memref_slice %arg7[%dma_wait3A_880, %dma_wait3A_889, %dma_wait3A_890] : memref<2x500x16xi32, #tpu.memory_space<vmem>> -> memref<1x500x16xi32, #tpu.memory_space<vmem>>
    %dma_wait3A_892 = tpu.memref_squeeze %dma_wait3A_891 : memref<1x500x16xi32, #tpu.memory_space<vmem>> -> memref<500x16xi32, #tpu.memory_space<vmem>>
    %dma_wait3A_893 = arith.constant 2000 : i32
    %dma_wait3A_894 = arith.constant 0 : i32
    %dma_wait3A_895 = tpu.memref_slice %arg3[%arg0, %dma_wait3A_893, %dma_wait3A_894] : memref<2x5000x16xi32, #tpu.memory_space<hbm>> -> memref<1x500x16xi32, #tpu.memory_space<hbm>>
    %dma_wait3A_896 = tpu.memref_squeeze %dma_wait3A_895 : memref<1x500x16xi32, #tpu.memory_space<hbm>> -> memref<500x16xi32, #tpu.memory_space<hbm>>
    tpu.wait_dma2 semaphore(%arg17 : memref<!tpu.dma_semaphore, #tpu.memory_space<semaphore_mem>>) src(%dma_wait3A_896 : memref<500x16xi32, #tpu.memory_space<hbm>>) dst(%dma_wait3A_892 : memref<500x16xi32, #tpu.memory_space<vmem>>)
    %dma_wait3A_897 = arith.constant 0 : i32
    %dma_wait3A_898 = arith.constant 0 : i32
    %dma_wait3A_899 = arith.constant 0 : i32
    %dma_wait3A_900 = tpu.memref_slice %arg8[%dma_wait3A_897, %dma_wait3A_898, %dma_wait3A_899] : memref<2x500x16xi32, #tpu.memory_space<vmem>> -> memref<1x500x16xi32, #tpu.memory_space<vmem>>
    %dma_wait3A_901 = tpu.memref_squeeze %dma_wait3A_900 : memref<1x500x16xi32, #tpu.memory_space<vmem>> -> memref<500x16xi32, #tpu.memory_space<vmem>>
    %dma_wait3A_902 = arith.constant 2000 : i32
    %dma_wait3A_903 = arith.constant 0 : i32
    %dma_wait3A_904 = tpu.memref_slice %arg4[%arg0, %dma_wait3A_902, %dma_wait3A_903] : memref<2x5000x16xi32, #tpu.memory_space<hbm>> -> memref<1x500x16xi32, #tpu.memory_space<hbm>>
    %dma_wait3A_905 = tpu.memref_squeeze %dma_wait3A_904 : memref<1x500x16xi32, #tpu.memory_space<hbm>> -> memref<500x16xi32, #tpu.memory_space<hbm>>
    %dma_wait3A_906 = arith.constant 0 : i32
    %dma_wait3A_907 = arith.constant 0 : i32
    %dma_wait3A_908 = tpu.memref_slice %arg8[%dma_wait3A_897, %dma_wait3A_906, %dma_wait3A_907] : memref<2x500x16xi32, #tpu.memory_space<vmem>> -> memref<1x500x16xi32, #tpu.memory_space<vmem>>
    %dma_wait3A_909 = tpu.memref_squeeze %dma_wait3A_908 : memref<1x500x16xi32, #tpu.memory_space<vmem>> -> memref<500x16xi32, #tpu.memory_space<vmem>>
    %dma_wait3A_910 = arith.constant 2000 : i32
    %dma_wait3A_911 = arith.constant 0 : i32
    %dma_wait3A_912 = tpu.memref_slice %arg4[%arg0, %dma_wait3A_910, %dma_wait3A_911] : memref<2x5000x16xi32, #tpu.memory_space<hbm>> -> memref<1x500x16xi32, #tpu.memory_space<hbm>>
    %dma_wait3A_913 = tpu.memref_squeeze %dma_wait3A_912 : memref<1x500x16xi32, #tpu.memory_space<hbm>> -> memref<500x16xi32, #tpu.memory_space<hbm>>
    tpu.wait_dma2 semaphore(%arg19 : memref<!tpu.dma_semaphore, #tpu.memory_space<semaphore_mem>>) src(%dma_wait3A_913 : memref<500x16xi32, #tpu.memory_space<hbm>>) dst(%dma_wait3A_909 : memref<500x16xi32, #tpu.memory_space<vmem>>)
    %parallel_loop3A_914 = arith.constant 0 : i32
    %parallel_loop3A_915 = arith.constant 500 : i32
    %parallel_loop3A_916 = arith.constant 1 : i32
    scf.for %parallel_loop3A_1238 = %parallel_loop3A_914 to %parallel_loop3A_915 step %parallel_loop3A_916  : i32 {
      %parallel_loop3A_1239 = arith.constant 0 : i32
      %parallel_loop3A_1240 = arith.index_cast %parallel_loop3A_1239 : i32 to index
      %parallel_loop3A_1241 = arith.index_cast %parallel_loop3A_1238 : i32 to index
      %parallel_loop3A_1242 = arith.constant 0 : index
      %parallel_loop3A_1243 = tpu.vector_load %arg7[%parallel_loop3A_1240, %parallel_loop3A_1241, %parallel_loop3A_1242] {strides = array<i32>} : memref<2x500x16xi32, #tpu.memory_space<vmem>>, vector<16xi32>,
      %parallel_loop3A_1244 = arith.constant 0 : i32
      %parallel_loop3A_1245 = arith.index_cast %parallel_loop3A_1244 : i32 to index
      %parallel_loop3A_1246 = arith.index_cast %parallel_loop3A_1238 : i32 to index
      %parallel_loop3A_1247 = arith.constant 0 : index
      %parallel_loop3A_1248 = tpu.vector_load %arg8[%parallel_loop3A_1245, %parallel_loop3A_1246, %parallel_loop3A_1247] {strides = array<i32>} : memref<2x500x16xi32, #tpu.memory_space<vmem>>, vector<16xi32>,
      %parallel_loop3A_1249 = tpu.vector_load_idx %arg13[%parallel_loop3A_1243] : memref<10240xf32, #tpu.memory_space<vmem>>[vector<16xi32>], vector<16xf32>,
      tpu.vector_store_idx %arg14[%parallel_loop3A_1248], %parallel_loop3A_1249 {add = true} : memref<10240xf32, #tpu.memory_space<vmem>>[vector<16xi32>], vector<16xf32>,
    } {sc.loop_unroll_factor = 4 : i64, sc.parallel_access}
    %dma_start3A_917 = arith.constant 0 : i32
    %dma_start3A_918 = arith.constant 0 : i32
    %dma_start3A_919 = arith.constant 0 : i32
    %dma_start3A_920 = tpu.memref_slice %arg7[%dma_start3A_917, %dma_start3A_918, %dma_start3A_919] : memref<2x500x16xi32, #tpu.memory_space<vmem>> -> memref<1x500x16xi32, #tpu.memory_space<vmem>>
    %dma_start3A_921 = tpu.memref_squeeze %dma_start3A_920 : memref<1x500x16xi32, #tpu.memory_space<vmem>> -> memref<500x16xi32, #tpu.memory_space<vmem>>
    %dma_start3A_922 = arith.constant 3000 : i32
    %dma_start3A_923 = arith.constant 0 : i32
    %dma_start3A_924 = tpu.memref_slice %arg3[%arg0, %dma_start3A_922, %dma_start3A_923] : memref<2x5000x16xi32, #tpu.memory_space<hbm>> -> memref<1x500x16xi32, #tpu.memory_space<hbm>>
    %dma_start3A_925 = tpu.memref_squeeze %dma_start3A_924 : memref<1x500x16xi32, #tpu.memory_space<hbm>> -> memref<500x16xi32, #tpu.memory_space<hbm>>
    %dma_start3A_926 = arith.constant 0 : i32
    %dma_start3A_927 = arith.constant 0 : i32
    %dma_start3A_928 = tpu.memref_slice %arg7[%dma_start3A_917, %dma_start3A_926, %dma_start3A_927] : memref<2x500x16xi32, #tpu.memory_space<vmem>> -> memref<1x500x16xi32, #tpu.memory_space<vmem>>
    %dma_start3A_929 = tpu.memref_squeeze %dma_start3A_928 : memref<1x500x16xi32, #tpu.memory_space<vmem>> -> memref<500x16xi32, #tpu.memory_space<vmem>>
    %dma_start3A_930 = arith.constant 3000 : i32
    %dma_start3A_931 = arith.constant 0 : i32
    %dma_start3A_932 = tpu.memref_slice %arg3[%arg0, %dma_start3A_930, %dma_start3A_931] : memref<2x5000x16xi32, #tpu.memory_space<hbm>> -> memref<1x500x16xi32, #tpu.memory_space<hbm>>
    %dma_start3A_933 = tpu.memref_squeeze %dma_start3A_932 : memref<1x500x16xi32, #tpu.memory_space<hbm>> -> memref<500x16xi32, #tpu.memory_space<hbm>>
    tpu.enqueue_dma source(%dma_start3A_933 : memref<500x16xi32, #tpu.memory_space<hbm>>) target(%dma_start3A_929 : memref<500x16xi32, #tpu.memory_space<vmem>>) target_semaphore(%arg17 : memref<!tpu.dma_semaphore, #tpu.memory_space<semaphore_mem>>)
    %dma_start3A_934 = arith.constant 0 : i32
    %dma_start3A_935 = arith.constant 0 : i32
    %dma_start3A_936 = arith.constant 0 : i32
    %dma_start3A_937 = tpu.memref_slice %arg8[%dma_start3A_934, %dma_start3A_935, %dma_start3A_936] : memref<2x500x16xi32, #tpu.memory_space<vmem>> -> memref<1x500x16xi32, #tpu.memory_space<vmem>>
    %dma_start3A_938 = tpu.memref_squeeze %dma_start3A_937 : memref<1x500x16xi32, #tpu.memory_space<vmem>> -> memref<500x16xi32, #tpu.memory_space<vmem>>
    %dma_start3A_939 = arith.constant 3000 : i32
    %dma_start3A_940 = arith.constant 0 : i32
    %dma_start3A_941 = tpu.memref_slice %arg4[%arg0, %dma_start3A_939, %dma_start3A_940] : memref<2x5000x16xi32, #tpu.memory_space<hbm>> -> memref<1x500x16xi32, #tpu.memory_space<hbm>>
    %dma_start3A_942 = tpu.memref_squeeze %dma_start3A_941 : memref<1x500x16xi32, #tpu.memory_space<hbm>> -> memref<500x16xi32, #tpu.memory_space<hbm>>
    %dma_start3A_943 = arith.constant 0 : i32
    %dma_start3A_944 = arith.constant 0 : i32
    %dma_start3A_945 = tpu.memref_slice %arg8[%dma_start3A_934, %dma_start3A_943, %dma_start3A_944] : memref<2x500x16xi32, #tpu.memory_space<vmem>> -> memref<1x500x16xi32, #tpu.memory_space<vmem>>
    %dma_start3A_946 = tpu.memref_squeeze %dma_start3A_945 : memref<1x500x16xi32, #tpu.memory_space<vmem>> -> memref<500x16xi32, #tpu.memory_space<vmem>>
    %dma_start3A_947 = arith.constant 3000 : i32
    %dma_start3A_948 = arith.constant 0 : i32
    %dma_start3A_949 = tpu.memref_slice %arg4[%arg0, %dma_start3A_947, %dma_start3A_948] : memref<2x5000x16xi32, #tpu.memory_space<hbm>> -> memref<1x500x16xi32, #tpu.memory_space<hbm>>
    %dma_start3A_950 = tpu.memref_squeeze %dma_start3A_949 : memref<1x500x16xi32, #tpu.memory_space<hbm>> -> memref<500x16xi32, #tpu.memory_space<hbm>>
    tpu.enqueue_dma source(%dma_start3A_950 : memref<500x16xi32, #tpu.memory_space<hbm>>) target(%dma_start3A_946 : memref<500x16xi32, #tpu.memory_space<vmem>>) target_semaphore(%arg19 : memref<!tpu.dma_semaphore, #tpu.memory_space<semaphore_mem>>)
    %dma_wait3A_951 = arith.constant 1 : i32
    %dma_wait3A_952 = arith.constant 0 : i32
    %dma_wait3A_953 = arith.constant 0 : i32
    %dma_wait3A_954 = tpu.memref_slice %arg7[%dma_wait3A_951, %dma_wait3A_952, %dma_wait3A_953] : memref<2x500x16xi32, #tpu.memory_space<vmem>> -> memref<1x500x16xi32, #tpu.memory_space<vmem>>
    %dma_wait3A_955 = tpu.memref_squeeze %dma_wait3A_954 : memref<1x500x16xi32, #tpu.memory_space<vmem>> -> memref<500x16xi32, #tpu.memory_space<vmem>>
    %dma_wait3A_956 = arith.constant 2500 : i32
    %dma_wait3A_957 = arith.constant 0 : i32
    %dma_wait3A_958 = tpu.memref_slice %arg3[%arg0, %dma_wait3A_956, %dma_wait3A_957] : memref<2x5000x16xi32, #tpu.memory_space<hbm>> -> memref<1x500x16xi32, #tpu.memory_space<hbm>>
    %dma_wait3A_959 = tpu.memref_squeeze %dma_wait3A_958 : memref<1x500x16xi32, #tpu.memory_space<hbm>> -> memref<500x16xi32, #tpu.memory_space<hbm>>
    %dma_wait3A_960 = arith.constant 0 : i32
    %dma_wait3A_961 = arith.constant 0 : i32
    %dma_wait3A_962 = tpu.memref_slice %arg7[%dma_wait3A_951, %dma_wait3A_960, %dma_wait3A_961] : memref<2x500x16xi32, #tpu.memory_space<vmem>> -> memref<1x500x16xi32, #tpu.memory_space<vmem>>
    %dma_wait3A_963 = tpu.memref_squeeze %dma_wait3A_962 : memref<1x500x16xi32, #tpu.memory_space<vmem>> -> memref<500x16xi32, #tpu.memory_space<vmem>>
    %dma_wait3A_964 = arith.constant 2500 : i32
    %dma_wait3A_965 = arith.constant 0 : i32
    %dma_wait3A_966 = tpu.memref_slice %arg3[%arg0, %dma_wait3A_964, %dma_wait3A_965] : memref<2x5000x16xi32, #tpu.memory_space<hbm>> -> memref<1x500x16xi32, #tpu.memory_space<hbm>>
    %dma_wait3A_967 = tpu.memref_squeeze %dma_wait3A_966 : memref<1x500x16xi32, #tpu.memory_space<hbm>> -> memref<500x16xi32, #tpu.memory_space<hbm>>
    tpu.wait_dma2 semaphore(%arg18 : memref<!tpu.dma_semaphore, #tpu.memory_space<semaphore_mem>>) src(%dma_wait3A_967 : memref<500x16xi32, #tpu.memory_space<hbm>>) dst(%dma_wait3A_963 : memref<500x16xi32, #tpu.memory_space<vmem>>)
    %dma_wait3A_968 = arith.constant 1 : i32
    %dma_wait3A_969 = arith.constant 0 : i32
    %dma_wait3A_970 = arith.constant 0 : i32
    %dma_wait3A_971 = tpu.memref_slice %arg8[%dma_wait3A_968, %dma_wait3A_969, %dma_wait3A_970] : memref<2x500x16xi32, #tpu.memory_space<vmem>> -> memref<1x500x16xi32, #tpu.memory_space<vmem>>
    %dma_wait3A_972 = tpu.memref_squeeze %dma_wait3A_971 : memref<1x500x16xi32, #tpu.memory_space<vmem>> -> memref<500x16xi32, #tpu.memory_space<vmem>>
    %dma_wait3A_973 = arith.constant 2500 : i32
    %dma_wait3A_974 = arith.constant 0 : i32
    %dma_wait3A_975 = tpu.memref_slice %arg4[%arg0, %dma_wait3A_973, %dma_wait3A_974] : memref<2x5000x16xi32, #tpu.memory_space<hbm>> -> memref<1x500x16xi32, #tpu.memory_space<hbm>>
    %dma_wait3A_976 = tpu.memref_squeeze %dma_wait3A_975 : memref<1x500x16xi32, #tpu.memory_space<hbm>> -> memref<500x16xi32, #tpu.memory_space<hbm>>
    %dma_wait3A_977 = arith.constant 0 : i32
    %dma_wait3A_978 = arith.constant 0 : i32
    %dma_wait3A_979 = tpu.memref_slice %arg8[%dma_wait3A_968, %dma_wait3A_977, %dma_wait3A_978] : memref<2x500x16xi32, #tpu.memory_space<vmem>> -> memref<1x500x16xi32, #tpu.memory_space<vmem>>
    %dma_wait3A_980 = tpu.memref_squeeze %dma_wait3A_979 : memref<1x500x16xi32, #tpu.memory_space<vmem>> -> memref<500x16xi32, #tpu.memory_space<vmem>>
    %dma_wait3A_981 = arith.constant 2500 : i32
    %dma_wait3A_982 = arith.constant 0 : i32
    %dma_wait3A_983 = tpu.memref_slice %arg4[%arg0, %dma_wait3A_981, %dma_wait3A_982] : memref<2x5000x16xi32, #tpu.memory_space<hbm>> -> memref<1x500x16xi32, #tpu.memory_space<hbm>>
    %dma_wait3A_984 = tpu.memref_squeeze %dma_wait3A_983 : memref<1x500x16xi32, #tpu.memory_space<hbm>> -> memref<500x16xi32, #tpu.memory_space<hbm>>
    tpu.wait_dma2 semaphore(%arg20 : memref<!tpu.dma_semaphore, #tpu.memory_space<semaphore_mem>>) src(%dma_wait3A_984 : memref<500x16xi32, #tpu.memory_space<hbm>>) dst(%dma_wait3A_980 : memref<500x16xi32, #tpu.memory_space<vmem>>)
    %parallel_loop3A_985 = arith.constant 0 : i32
    %parallel_loop3A_986 = arith.constant 500 : i32
    %parallel_loop3A_987 = arith.constant 1 : i32
    scf.for %parallel_loop3A_1238 = %parallel_loop3A_985 to %parallel_loop3A_986 step %parallel_loop3A_987  : i32 {
      %parallel_loop3A_1239 = arith.constant 1 : i32
      %parallel_loop3A_1240 = arith.index_cast %parallel_loop3A_1239 : i32 to index
      %parallel_loop3A_1241 = arith.index_cast %parallel_loop3A_1238 : i32 to index
      %parallel_loop3A_1242 = arith.constant 0 : index
      %parallel_loop3A_1243 = tpu.vector_load %arg7[%parallel_loop3A_1240, %parallel_loop3A_1241, %parallel_loop3A_1242] {strides = array<i32>} : memref<2x500x16xi32, #tpu.memory_space<vmem>>, vector<16xi32>,
      %parallel_loop3A_1244 = arith.constant 1 : i32
      %parallel_loop3A_1245 = arith.index_cast %parallel_loop3A_1244 : i32 to index
      %parallel_loop3A_1246 = arith.index_cast %parallel_loop3A_1238 : i32 to index
      %parallel_loop3A_1247 = arith.constant 0 : index
      %parallel_loop3A_1248 = tpu.vector_load %arg8[%parallel_loop3A_1245, %parallel_loop3A_1246, %parallel_loop3A_1247] {strides = array<i32>} : memref<2x500x16xi32, #tpu.memory_space<vmem>>, vector<16xi32>,
      %parallel_loop3A_1249 = tpu.vector_load_idx %arg13[%parallel_loop3A_1243] : memref<10240xf32, #tpu.memory_space<vmem>>[vector<16xi32>], vector<16xf32>,
      tpu.vector_store_idx %arg14[%parallel_loop3A_1248], %parallel_loop3A_1249 {add = true} : memref<10240xf32, #tpu.memory_space<vmem>>[vector<16xi32>], vector<16xf32>,
    } {sc.loop_unroll_factor = 4 : i64, sc.parallel_access}
    %dma_start3A_988 = arith.constant 1 : i32
    %dma_start3A_989 = arith.constant 0 : i32
    %dma_start3A_990 = arith.constant 0 : i32
    %dma_start3A_991 = tpu.memref_slice %arg7[%dma_start3A_988, %dma_start3A_989, %dma_start3A_990] : memref<2x500x16xi32, #tpu.memory_space<vmem>> -> memref<1x500x16xi32, #tpu.memory_space<vmem>>
    %dma_start3A_992 = tpu.memref_squeeze %dma_start3A_991 : memref<1x500x16xi32, #tpu.memory_space<vmem>> -> memref<500x16xi32, #tpu.memory_space<vmem>>
    %dma_start3A_993 = arith.constant 3500 : i32
    %dma_start3A_994 = arith.constant 0 : i32
    %dma_start3A_995 = tpu.memref_slice %arg3[%arg0, %dma_start3A_993, %dma_start3A_994] : memref<2x5000x16xi32, #tpu.memory_space<hbm>> -> memref<1x500x16xi32, #tpu.memory_space<hbm>>
    %dma_start3A_996 = tpu.memref_squeeze %dma_start3A_995 : memref<1x500x16xi32, #tpu.memory_space<hbm>> -> memref<500x16xi32, #tpu.memory_space<hbm>>
    %dma_start3A_997 = arith.constant 0 : i32
    %dma_start3A_998 = arith.constant 0 : i32
    %dma_start3A_999 = tpu.memref_slice %arg7[%dma_start3A_988, %dma_start3A_997, %dma_start3A_998] : memref<2x500x16xi32, #tpu.memory_space<vmem>> -> memref<1x500x16xi32, #tpu.memory_space<vmem>>
    %dma_start3A_1000 = tpu.memref_squeeze %dma_start3A_999 : memref<1x500x16xi32, #tpu.memory_space<vmem>> -> memref<500x16xi32, #tpu.memory_space<vmem>>
    %dma_start3A_1001 = arith.constant 3500 : i32
    %dma_start3A_1002 = arith.constant 0 : i32
    %dma_start3A_1003 = tpu.memref_slice %arg3[%arg0, %dma_start3A_1001, %dma_start3A_1002] : memref<2x5000x16xi32, #tpu.memory_space<hbm>> -> memref<1x500x16xi32, #tpu.memory_space<hbm>>
    %dma_start3A_1004 = tpu.memref_squeeze %dma_start3A_1003 : memref<1x500x16xi32, #tpu.memory_space<hbm>> -> memref<500x16xi32, #tpu.memory_space<hbm>>
    tpu.enqueue_dma source(%dma_start3A_1004 : memref<500x16xi32, #tpu.memory_space<hbm>>) target(%dma_start3A_1000 : memref<500x16xi32, #tpu.memory_space<vmem>>) target_semaphore(%arg18 : memref<!tpu.dma_semaphore, #tpu.memory_space<semaphore_mem>>)
    %dma_start3A_1005 = arith.constant 1 : i32
    %dma_start3A_1006 = arith.constant 0 : i32
    %dma_start3A_1007 = arith.constant 0 : i32
    %dma_start3A_1008 = tpu.memref_slice %arg8[%dma_start3A_1005, %dma_start3A_1006, %dma_start3A_1007] : memref<2x500x16xi32, #tpu.memory_space<vmem>> -> memref<1x500x16xi32, #tpu.memory_space<vmem>>
    %dma_start3A_1009 = tpu.memref_squeeze %dma_start3A_1008 : memref<1x500x16xi32, #tpu.memory_space<vmem>> -> memref<500x16xi32, #tpu.memory_space<vmem>>
    %dma_start3A_1010 = arith.constant 3500 : i32
    %dma_start3A_1011 = arith.constant 0 : i32
    %dma_start3A_1012 = tpu.memref_slice %arg4[%arg0, %dma_start3A_1010, %dma_start3A_1011] : memref<2x5000x16xi32, #tpu.memory_space<hbm>> -> memref<1x500x16xi32, #tpu.memory_space<hbm>>
    %dma_start3A_1013 = tpu.memref_squeeze %dma_start3A_1012 : memref<1x500x16xi32, #tpu.memory_space<hbm>> -> memref<500x16xi32, #tpu.memory_space<hbm>>
    %dma_start3A_1014 = arith.constant 0 : i32
    %dma_start3A_1015 = arith.constant 0 : i32
    %dma_start3A_1016 = tpu.memref_slice %arg8[%dma_start3A_1005, %dma_start3A_1014, %dma_start3A_1015] : memref<2x500x16xi32, #tpu.memory_space<vmem>> -> memref<1x500x16xi32, #tpu.memory_space<vmem>>
    %dma_start3A_1017 = tpu.memref_squeeze %dma_start3A_1016 : memref<1x500x16xi32, #tpu.memory_space<vmem>> -> memref<500x16xi32, #tpu.memory_space<vmem>>
    %dma_start3A_1018 = arith.constant 3500 : i32
    %dma_start3A_1019 = arith.constant 0 : i32
    %dma_start3A_1020 = tpu.memref_slice %arg4[%arg0, %dma_start3A_1018, %dma_start3A_1019] : memref<2x5000x16xi32, #tpu.memory_space<hbm>> -> memref<1x500x16xi32, #tpu.memory_space<hbm>>
    %dma_start3A_1021 = tpu.memref_squeeze %dma_start3A_1020 : memref<1x500x16xi32, #tpu.memory_space<hbm>> -> memref<500x16xi32, #tpu.memory_space<hbm>>
    tpu.enqueue_dma source(%dma_start3A_1021 : memref<500x16xi32, #tpu.memory_space<hbm>>) target(%dma_start3A_1017 : memref<500x16xi32, #tpu.memory_space<vmem>>) target_semaphore(%arg20 : memref<!tpu.dma_semaphore, #tpu.memory_space<semaphore_mem>>)
    %dma_wait3A_1022 = arith.constant 0 : i32
    %dma_wait3A_1023 = arith.constant 0 : i32
    %dma_wait3A_1024 = arith.constant 0 : i32
    %dma_wait3A_1025 = tpu.memref_slice %arg7[%dma_wait3A_1022, %dma_wait3A_1023, %dma_wait3A_1024] : memref<2x500x16xi32, #tpu.memory_space<vmem>> -> memref<1x500x16xi32, #tpu.memory_space<vmem>>
    %dma_wait3A_1026 = tpu.memref_squeeze %dma_wait3A_1025 : memref<1x500x16xi32, #tpu.memory_space<vmem>> -> memref<500x16xi32, #tpu.memory_space<vmem>>
    %dma_wait3A_1027 = arith.constant 3000 : i32
    %dma_wait3A_1028 = arith.constant 0 : i32
    %dma_wait3A_1029 = tpu.memref_slice %arg3[%arg0, %dma_wait3A_1027, %dma_wait3A_1028] : memref<2x5000x16xi32, #tpu.memory_space<hbm>> -> memref<1x500x16xi32, #tpu.memory_space<hbm>>
    %dma_wait3A_1030 = tpu.memref_squeeze %dma_wait3A_1029 : memref<1x500x16xi32, #tpu.memory_space<hbm>> -> memref<500x16xi32, #tpu.memory_space<hbm>>
    %dma_wait3A_1031 = arith.constant 0 : i32
    %dma_wait3A_1032 = arith.constant 0 : i32
    %dma_wait3A_1033 = tpu.memref_slice %arg7[%dma_wait3A_1022, %dma_wait3A_1031, %dma_wait3A_1032] : memref<2x500x16xi32, #tpu.memory_space<vmem>> -> memref<1x500x16xi32, #tpu.memory_space<vmem>>
    %dma_wait3A_1034 = tpu.memref_squeeze %dma_wait3A_1033 : memref<1x500x16xi32, #tpu.memory_space<vmem>> -> memref<500x16xi32, #tpu.memory_space<vmem>>
    %dma_wait3A_1035 = arith.constant 3000 : i32
    %dma_wait3A_1036 = arith.constant 0 : i32
    %dma_wait3A_1037 = tpu.memref_slice %arg3[%arg0, %dma_wait3A_1035, %dma_wait3A_1036] : memref<2x5000x16xi32, #tpu.memory_space<hbm>> -> memref<1x500x16xi32, #tpu.memory_space<hbm>>
    %dma_wait3A_1038 = tpu.memref_squeeze %dma_wait3A_1037 : memref<1x500x16xi32, #tpu.memory_space<hbm>> -> memref<500x16xi32, #tpu.memory_space<hbm>>
    tpu.wait_dma2 semaphore(%arg17 : memref<!tpu.dma_semaphore, #tpu.memory_space<semaphore_mem>>) src(%dma_wait3A_1038 : memref<500x16xi32, #tpu.memory_space<hbm>>) dst(%dma_wait3A_1034 : memref<500x16xi32, #tpu.memory_space<vmem>>)
    %dma_wait3A_1039 = arith.constant 0 : i32
    %dma_wait3A_1040 = arith.constant 0 : i32
    %dma_wait3A_1041 = arith.constant 0 : i32
    %dma_wait3A_1042 = tpu.memref_slice %arg8[%dma_wait3A_1039, %dma_wait3A_1040, %dma_wait3A_1041] : memref<2x500x16xi32, #tpu.memory_space<vmem>> -> memref<1x500x16xi32, #tpu.memory_space<vmem>>
    %dma_wait3A_1043 = tpu.memref_squeeze %dma_wait3A_1042 : memref<1x500x16xi32, #tpu.memory_space<vmem>> -> memref<500x16xi32, #tpu.memory_space<vmem>>
    %dma_wait3A_1044 = arith.constant 3000 : i32
    %dma_wait3A_1045 = arith.constant 0 : i32
    %dma_wait3A_1046 = tpu.memref_slice %arg4[%arg0, %dma_wait3A_1044, %dma_wait3A_1045] : memref<2x5000x16xi32, #tpu.memory_space<hbm>> -> memref<1x500x16xi32, #tpu.memory_space<hbm>>
    %dma_wait3A_1047 = tpu.memref_squeeze %dma_wait3A_1046 : memref<1x500x16xi32, #tpu.memory_space<hbm>> -> memref<500x16xi32, #tpu.memory_space<hbm>>
    %dma_wait3A_1048 = arith.constant 0 : i32
    %dma_wait3A_1049 = arith.constant 0 : i32
    %dma_wait3A_1050 = tpu.memref_slice %arg8[%dma_wait3A_1039, %dma_wait3A_1048, %dma_wait3A_1049] : memref<2x500x16xi32, #tpu.memory_space<vmem>> -> memref<1x500x16xi32, #tpu.memory_space<vmem>>
    %dma_wait3A_1051 = tpu.memref_squeeze %dma_wait3A_1050 : memref<1x500x16xi32, #tpu.memory_space<vmem>> -> memref<500x16xi32, #tpu.memory_space<vmem>>
    %dma_wait3A_1052 = arith.constant 3000 : i32
    %dma_wait3A_1053 = arith.constant 0 : i32
    %dma_wait3A_1054 = tpu.memref_slice %arg4[%arg0, %dma_wait3A_1052, %dma_wait3A_1053] : memref<2x5000x16xi32, #tpu.memory_space<hbm>> -> memref<1x500x16xi32, #tpu.memory_space<hbm>>
    %dma_wait3A_1055 = tpu.memref_squeeze %dma_wait3A_1054 : memref<1x500x16xi32, #tpu.memory_space<hbm>> -> memref<500x16xi32, #tpu.memory_space<hbm>>
    tpu.wait_dma2 semaphore(%arg19 : memref<!tpu.dma_semaphore, #tpu.memory_space<semaphore_mem>>) src(%dma_wait3A_1055 : memref<500x16xi32, #tpu.memory_space<hbm>>) dst(%dma_wait3A_1051 : memref<500x16xi32, #tpu.memory_space<vmem>>)
    %parallel_loop3A_1056 = arith.constant 0 : i32
    %parallel_loop3A_1057 = arith.constant 500 : i32
    %parallel_loop3A_1058 = arith.constant 1 : i32
    scf.for %parallel_loop3A_1238 = %parallel_loop3A_1056 to %parallel_loop3A_1057 step %parallel_loop3A_1058  : i32 {
      %parallel_loop3A_1239 = arith.constant 0 : i32
      %parallel_loop3A_1240 = arith.index_cast %parallel_loop3A_1239 : i32 to index
      %parallel_loop3A_1241 = arith.index_cast %parallel_loop3A_1238 : i32 to index
      %parallel_loop3A_1242 = arith.constant 0 : index
      %parallel_loop3A_1243 = tpu.vector_load %arg7[%parallel_loop3A_1240, %parallel_loop3A_1241, %parallel_loop3A_1242] {strides = array<i32>} : memref<2x500x16xi32, #tpu.memory_space<vmem>>, vector<16xi32>,
      %parallel_loop3A_1244 = arith.constant 0 : i32
      %parallel_loop3A_1245 = arith.index_cast %parallel_loop3A_1244 : i32 to index
      %parallel_loop3A_1246 = arith.index_cast %parallel_loop3A_1238 : i32 to index
      %parallel_loop3A_1247 = arith.constant 0 : index
      %parallel_loop3A_1248 = tpu.vector_load %arg8[%parallel_loop3A_1245, %parallel_loop3A_1246, %parallel_loop3A_1247] {strides = array<i32>} : memref<2x500x16xi32, #tpu.memory_space<vmem>>, vector<16xi32>,
      %parallel_loop3A_1249 = tpu.vector_load_idx %arg13[%parallel_loop3A_1243] : memref<10240xf32, #tpu.memory_space<vmem>>[vector<16xi32>], vector<16xf32>,
      tpu.vector_store_idx %arg14[%parallel_loop3A_1248], %parallel_loop3A_1249 {add = true} : memref<10240xf32, #tpu.memory_space<vmem>>[vector<16xi32>], vector<16xf32>,
    } {sc.loop_unroll_factor = 4 : i64, sc.parallel_access}
    %dma_start3A_1059 = arith.constant 0 : i32
    %dma_start3A_1060 = arith.constant 0 : i32
    %dma_start3A_1061 = arith.constant 0 : i32
    %dma_start3A_1062 = tpu.memref_slice %arg7[%dma_start3A_1059, %dma_start3A_1060, %dma_start3A_1061] : memref<2x500x16xi32, #tpu.memory_space<vmem>> -> memref<1x500x16xi32, #tpu.memory_space<vmem>>
    %dma_start3A_1063 = tpu.memref_squeeze %dma_start3A_1062 : memref<1x500x16xi32, #tpu.memory_space<vmem>> -> memref<500x16xi32, #tpu.memory_space<vmem>>
    %dma_start3A_1064 = arith.constant 4000 : i32
    %dma_start3A_1065 = arith.constant 0 : i32
    %dma_start3A_1066 = tpu.memref_slice %arg3[%arg0, %dma_start3A_1064, %dma_start3A_1065] : memref<2x5000x16xi32, #tpu.memory_space<hbm>> -> memref<1x500x16xi32, #tpu.memory_space<hbm>>
    %dma_start3A_1067 = tpu.memref_squeeze %dma_start3A_1066 : memref<1x500x16xi32, #tpu.memory_space<hbm>> -> memref<500x16xi32, #tpu.memory_space<hbm>>
    %dma_start3A_1068 = arith.constant 0 : i32
    %dma_start3A_1069 = arith.constant 0 : i32
    %dma_start3A_1070 = tpu.memref_slice %arg7[%dma_start3A_1059, %dma_start3A_1068, %dma_start3A_1069] : memref<2x500x16xi32, #tpu.memory_space<vmem>> -> memref<1x500x16xi32, #tpu.memory_space<vmem>>
    %dma_start3A_1071 = tpu.memref_squeeze %dma_start3A_1070 : memref<1x500x16xi32, #tpu.memory_space<vmem>> -> memref<500x16xi32, #tpu.memory_space<vmem>>
    %dma_start3A_1072 = arith.constant 4000 : i32
    %dma_start3A_1073 = arith.constant 0 : i32
    %dma_start3A_1074 = tpu.memref_slice %arg3[%arg0, %dma_start3A_1072, %dma_start3A_1073] : memref<2x5000x16xi32, #tpu.memory_space<hbm>> -> memref<1x500x16xi32, #tpu.memory_space<hbm>>
    %dma_start3A_1075 = tpu.memref_squeeze %dma_start3A_1074 : memref<1x500x16xi32, #tpu.memory_space<hbm>> -> memref<500x16xi32, #tpu.memory_space<hbm>>
    tpu.enqueue_dma source(%dma_start3A_1075 : memref<500x16xi32, #tpu.memory_space<hbm>>) target(%dma_start3A_1071 : memref<500x16xi32, #tpu.memory_space<vmem>>) target_semaphore(%arg17 : memref<!tpu.dma_semaphore, #tpu.memory_space<semaphore_mem>>)
    %dma_start3A_1076 = arith.constant 0 : i32
    %dma_start3A_1077 = arith.constant 0 : i32
    %dma_start3A_1078 = arith.constant 0 : i32
    %dma_start3A_1079 = tpu.memref_slice %arg8[%dma_start3A_1076, %dma_start3A_1077, %dma_start3A_1078] : memref<2x500x16xi32, #tpu.memory_space<vmem>> -> memref<1x500x16xi32, #tpu.memory_space<vmem>>
    %dma_start3A_1080 = tpu.memref_squeeze %dma_start3A_1079 : memref<1x500x16xi32, #tpu.memory_space<vmem>> -> memref<500x16xi32, #tpu.memory_space<vmem>>
    %dma_start3A_1081 = arith.constant 4000 : i32
    %dma_start3A_1082 = arith.constant 0 : i32
    %dma_start3A_1083 = tpu.memref_slice %arg4[%arg0, %dma_start3A_1081, %dma_start3A_1082] : memref<2x5000x16xi32, #tpu.memory_space<hbm>> -> memref<1x500x16xi32, #tpu.memory_space<hbm>>
    %dma_start3A_1084 = tpu.memref_squeeze %dma_start3A_1083 : memref<1x500x16xi32, #tpu.memory_space<hbm>> -> memref<500x16xi32, #tpu.memory_space<hbm>>
    %dma_start3A_1085 = arith.constant 0 : i32
    %dma_start3A_1086 = arith.constant 0 : i32
    %dma_start3A_1087 = tpu.memref_slice %arg8[%dma_start3A_1076, %dma_start3A_1085, %dma_start3A_1086] : memref<2x500x16xi32, #tpu.memory_space<vmem>> -> memref<1x500x16xi32, #tpu.memory_space<vmem>>
    %dma_start3A_1088 = tpu.memref_squeeze %dma_start3A_1087 : memref<1x500x16xi32, #tpu.memory_space<vmem>> -> memref<500x16xi32, #tpu.memory_space<vmem>>
    %dma_start3A_1089 = arith.constant 4000 : i32
    %dma_start3A_1090 = arith.constant 0 : i32
    %dma_start3A_1091 = tpu.memref_slice %arg4[%arg0, %dma_start3A_1089, %dma_start3A_1090] : memref<2x5000x16xi32, #tpu.memory_space<hbm>> -> memref<1x500x16xi32, #tpu.memory_space<hbm>>
    %dma_start3A_1092 = tpu.memref_squeeze %dma_start3A_1091 : memref<1x500x16xi32, #tpu.memory_space<hbm>> -> memref<500x16xi32, #tpu.memory_space<hbm>>
    tpu.enqueue_dma source(%dma_start3A_1092 : memref<500x16xi32, #tpu.memory_space<hbm>>) target(%dma_start3A_1088 : memref<500x16xi32, #tpu.memory_space<vmem>>) target_semaphore(%arg19 : memref<!tpu.dma_semaphore, #tpu.memory_space<semaphore_mem>>)
    %dma_wait3A_1093 = arith.constant 1 : i32
    %dma_wait3A_1094 = arith.constant 0 : i32
    %dma_wait3A_1095 = arith.constant 0 : i32
    %dma_wait3A_1096 = tpu.memref_slice %arg7[%dma_wait3A_1093, %dma_wait3A_1094, %dma_wait3A_1095] : memref<2x500x16xi32, #tpu.memory_space<vmem>> -> memref<1x500x16xi32, #tpu.memory_space<vmem>>
    %dma_wait3A_1097 = tpu.memref_squeeze %dma_wait3A_1096 : memref<1x500x16xi32, #tpu.memory_space<vmem>> -> memref<500x16xi32, #tpu.memory_space<vmem>>
    %dma_wait3A_1098 = arith.constant 3500 : i32
    %dma_wait3A_1099 = arith.constant 0 : i32
    %dma_wait3A_1100 = tpu.memref_slice %arg3[%arg0, %dma_wait3A_1098, %dma_wait3A_1099] : memref<2x5000x16xi32, #tpu.memory_space<hbm>> -> memref<1x500x16xi32, #tpu.memory_space<hbm>>
    %dma_wait3A_1101 = tpu.memref_squeeze %dma_wait3A_1100 : memref<1x500x16xi32, #tpu.memory_space<hbm>> -> memref<500x16xi32, #tpu.memory_space<hbm>>
    %dma_wait3A_1102 = arith.constant 0 : i32
    %dma_wait3A_1103 = arith.constant 0 : i32
    %dma_wait3A_1104 = tpu.memref_slice %arg7[%dma_wait3A_1093, %dma_wait3A_1102, %dma_wait3A_1103] : memref<2x500x16xi32, #tpu.memory_space<vmem>> -> memref<1x500x16xi32, #tpu.memory_space<vmem>>
    %dma_wait3A_1105 = tpu.memref_squeeze %dma_wait3A_1104 : memref<1x500x16xi32, #tpu.memory_space<vmem>> -> memref<500x16xi32, #tpu.memory_space<vmem>>
    %dma_wait3A_1106 = arith.constant 3500 : i32
    %dma_wait3A_1107 = arith.constant 0 : i32
    %dma_wait3A_1108 = tpu.memref_slice %arg3[%arg0, %dma_wait3A_1106, %dma_wait3A_1107] : memref<2x5000x16xi32, #tpu.memory_space<hbm>> -> memref<1x500x16xi32, #tpu.memory_space<hbm>>
    %dma_wait3A_1109 = tpu.memref_squeeze %dma_wait3A_1108 : memref<1x500x16xi32, #tpu.memory_space<hbm>> -> memref<500x16xi32, #tpu.memory_space<hbm>>
    tpu.wait_dma2 semaphore(%arg18 : memref<!tpu.dma_semaphore, #tpu.memory_space<semaphore_mem>>) src(%dma_wait3A_1109 : memref<500x16xi32, #tpu.memory_space<hbm>>) dst(%dma_wait3A_1105 : memref<500x16xi32, #tpu.memory_space<vmem>>)
    %dma_wait3A_1110 = arith.constant 1 : i32
    %dma_wait3A_1111 = arith.constant 0 : i32
    %dma_wait3A_1112 = arith.constant 0 : i32
    %dma_wait3A_1113 = tpu.memref_slice %arg8[%dma_wait3A_1110, %dma_wait3A_1111, %dma_wait3A_1112] : memref<2x500x16xi32, #tpu.memory_space<vmem>> -> memref<1x500x16xi32, #tpu.memory_space<vmem>>
    %dma_wait3A_1114 = tpu.memref_squeeze %dma_wait3A_1113 : memref<1x500x16xi32, #tpu.memory_space<vmem>> -> memref<500x16xi32, #tpu.memory_space<vmem>>
    %dma_wait3A_1115 = arith.constant 3500 : i32
    %dma_wait3A_1116 = arith.constant 0 : i32
    %dma_wait3A_1117 = tpu.memref_slice %arg4[%arg0, %dma_wait3A_1115, %dma_wait3A_1116] : memref<2x5000x16xi32, #tpu.memory_space<hbm>> -> memref<1x500x16xi32, #tpu.memory_space<hbm>>
    %dma_wait3A_1118 = tpu.memref_squeeze %dma_wait3A_1117 : memref<1x500x16xi32, #tpu.memory_space<hbm>> -> memref<500x16xi32, #tpu.memory_space<hbm>>
    %dma_wait3A_1119 = arith.constant 0 : i32
    %dma_wait3A_1120 = arith.constant 0 : i32
    %dma_wait3A_1121 = tpu.memref_slice %arg8[%dma_wait3A_1110, %dma_wait3A_1119, %dma_wait3A_1120] : memref<2x500x16xi32, #tpu.memory_space<vmem>> -> memref<1x500x16xi32, #tpu.memory_space<vmem>>
    %dma_wait3A_1122 = tpu.memref_squeeze %dma_wait3A_1121 : memref<1x500x16xi32, #tpu.memory_space<vmem>> -> memref<500x16xi32, #tpu.memory_space<vmem>>
    %dma_wait3A_1123 = arith.constant 3500 : i32
    %dma_wait3A_1124 = arith.constant 0 : i32
    %dma_wait3A_1125 = tpu.memref_slice %arg4[%arg0, %dma_wait3A_1123, %dma_wait3A_1124] : memref<2x5000x16xi32, #tpu.memory_space<hbm>> -> memref<1x500x16xi32, #tpu.memory_space<hbm>>
    %dma_wait3A_1126 = tpu.memref_squeeze %dma_wait3A_1125 : memref<1x500x16xi32, #tpu.memory_space<hbm>> -> memref<500x16xi32, #tpu.memory_space<hbm>>
    tpu.wait_dma2 semaphore(%arg20 : memref<!tpu.dma_semaphore, #tpu.memory_space<semaphore_mem>>) src(%dma_wait3A_1126 : memref<500x16xi32, #tpu.memory_space<hbm>>) dst(%dma_wait3A_1122 : memref<500x16xi32, #tpu.memory_space<vmem>>)
    %parallel_loop3A_1127 = arith.constant 0 : i32
    %parallel_loop3A_1128 = arith.constant 500 : i32
    %parallel_loop3A_1129 = arith.constant 1 : i32
    scf.for %parallel_loop3A_1238 = %parallel_loop3A_1127 to %parallel_loop3A_1128 step %parallel_loop3A_1129  : i32 {
      %parallel_loop3A_1239 = arith.constant 1 : i32
      %parallel_loop3A_1240 = arith.index_cast %parallel_loop3A_1239 : i32 to index
      %parallel_loop3A_1241 = arith.index_cast %parallel_loop3A_1238 : i32 to index
      %parallel_loop3A_1242 = arith.constant 0 : index
      %parallel_loop3A_1243 = tpu.vector_load %arg7[%parallel_loop3A_1240, %parallel_loop3A_1241, %parallel_loop3A_1242] {strides = array<i32>} : memref<2x500x16xi32, #tpu.memory_space<vmem>>, vector<16xi32>,
      %parallel_loop3A_1244 = arith.constant 1 : i32
      %parallel_loop3A_1245 = arith.index_cast %parallel_loop3A_1244 : i32 to index
      %parallel_loop3A_1246 = arith.index_cast %parallel_loop3A_1238 : i32 to index
      %parallel_loop3A_1247 = arith.constant 0 : index
      %parallel_loop3A_1248 = tpu.vector_load %arg8[%parallel_loop3A_1245, %parallel_loop3A_1246, %parallel_loop3A_1247] {strides = array<i32>} : memref<2x500x16xi32, #tpu.memory_space<vmem>>, vector<16xi32>,
      %parallel_loop3A_1249 = tpu.vector_load_idx %arg13[%parallel_loop3A_1243] : memref<10240xf32, #tpu.memory_space<vmem>>[vector<16xi32>], vector<16xf32>,
      tpu.vector_store_idx %arg14[%parallel_loop3A_1248], %parallel_loop3A_1249 {add = true} : memref<10240xf32, #tpu.memory_space<vmem>>[vector<16xi32>], vector<16xf32>,
    } {sc.loop_unroll_factor = 4 : i64, sc.parallel_access}
    %dma_start3A_1130 = arith.constant 1 : i32
    %dma_start3A_1131 = arith.constant 0 : i32
    %dma_start3A_1132 = arith.constant 0 : i32
    %dma_start3A_1133 = tpu.memref_slice %arg7[%dma_start3A_1130, %dma_start3A_1131, %dma_start3A_1132] : memref<2x500x16xi32, #tpu.memory_space<vmem>> -> memref<1x500x16xi32, #tpu.memory_space<vmem>>
    %dma_start3A_1134 = tpu.memref_squeeze %dma_start3A_1133 : memref<1x500x16xi32, #tpu.memory_space<vmem>> -> memref<500x16xi32, #tpu.memory_space<vmem>>
    %dma_start3A_1135 = arith.constant 4500 : i32
    %dma_start3A_1136 = arith.constant 0 : i32
    %dma_start3A_1137 = tpu.memref_slice %arg3[%arg0, %dma_start3A_1135, %dma_start3A_1136] : memref<2x5000x16xi32, #tpu.memory_space<hbm>> -> memref<1x500x16xi32, #tpu.memory_space<hbm>>
    %dma_start3A_1138 = tpu.memref_squeeze %dma_start3A_1137 : memref<1x500x16xi32, #tpu.memory_space<hbm>> -> memref<500x16xi32, #tpu.memory_space<hbm>>
    %dma_start3A_1139 = arith.constant 0 : i32
    %dma_start3A_1140 = arith.constant 0 : i32
    %dma_start3A_1141 = tpu.memref_slice %arg7[%dma_start3A_1130, %dma_start3A_1139, %dma_start3A_1140] : memref<2x500x16xi32, #tpu.memory_space<vmem>> -> memref<1x500x16xi32, #tpu.memory_space<vmem>>
    %dma_start3A_1142 = tpu.memref_squeeze %dma_start3A_1141 : memref<1x500x16xi32, #tpu.memory_space<vmem>> -> memref<500x16xi32, #tpu.memory_space<vmem>>
    %dma_start3A_1143 = arith.constant 4500 : i32
    %dma_start3A_1144 = arith.constant 0 : i32
    %dma_start3A_1145 = tpu.memref_slice %arg3[%arg0, %dma_start3A_1143, %dma_start3A_1144] : memref<2x5000x16xi32, #tpu.memory_space<hbm>> -> memref<1x500x16xi32, #tpu.memory_space<hbm>>
    %dma_start3A_1146 = tpu.memref_squeeze %dma_start3A_1145 : memref<1x500x16xi32, #tpu.memory_space<hbm>> -> memref<500x16xi32, #tpu.memory_space<hbm>>
    tpu.enqueue_dma source(%dma_start3A_1146 : memref<500x16xi32, #tpu.memory_space<hbm>>) target(%dma_start3A_1142 : memref<500x16xi32, #tpu.memory_space<vmem>>) target_semaphore(%arg18 : memref<!tpu.dma_semaphore, #tpu.memory_space<semaphore_mem>>)
    %dma_start3A_1147 = arith.constant 1 : i32
    %dma_start3A_1148 = arith.constant 0 : i32
    %dma_start3A_1149 = arith.constant 0 : i32
    %dma_start3A_1150 = tpu.memref_slice %arg8[%dma_start3A_1147, %dma_start3A_1148, %dma_start3A_1149] : memref<2x500x16xi32, #tpu.memory_space<vmem>> -> memref<1x500x16xi32, #tpu.memory_space<vmem>>
    %dma_start3A_1151 = tpu.memref_squeeze %dma_start3A_1150 : memref<1x500x16xi32, #tpu.memory_space<vmem>> -> memref<500x16xi32, #tpu.memory_space<vmem>>
    %dma_start3A_1152 = arith.constant 4500 : i32
    %dma_start3A_1153 = arith.constant 0 : i32
    %dma_start3A_1154 = tpu.memref_slice %arg4[%arg0, %dma_start3A_1152, %dma_start3A_1153] : memref<2x5000x16xi32, #tpu.memory_space<hbm>> -> memref<1x500x16xi32, #tpu.memory_space<hbm>>
    %dma_start3A_1155 = tpu.memref_squeeze %dma_start3A_1154 : memref<1x500x16xi32, #tpu.memory_space<hbm>> -> memref<500x16xi32, #tpu.memory_space<hbm>>
    %dma_start3A_1156 = arith.constant 0 : i32
    %dma_start3A_1157 = arith.constant 0 : i32
    %dma_start3A_1158 = tpu.memref_slice %arg8[%dma_start3A_1147, %dma_start3A_1156, %dma_start3A_1157] : memref<2x500x16xi32, #tpu.memory_space<vmem>> -> memref<1x500x16xi32, #tpu.memory_space<vmem>>
    %dma_start3A_1159 = tpu.memref_squeeze %dma_start3A_1158 : memref<1x500x16xi32, #tpu.memory_space<vmem>> -> memref<500x16xi32, #tpu.memory_space<vmem>>
    %dma_start3A_1160 = arith.constant 4500 : i32
    %dma_start3A_1161 = arith.constant 0 : i32
    %dma_start3A_1162 = tpu.memref_slice %arg4[%arg0, %dma_start3A_1160, %dma_start3A_1161] : memref<2x5000x16xi32, #tpu.memory_space<hbm>> -> memref<1x500x16xi32, #tpu.memory_space<hbm>>
    %dma_start3A_1163 = tpu.memref_squeeze %dma_start3A_1162 : memref<1x500x16xi32, #tpu.memory_space<hbm>> -> memref<500x16xi32, #tpu.memory_space<hbm>>
    tpu.enqueue_dma source(%dma_start3A_1163 : memref<500x16xi32, #tpu.memory_space<hbm>>) target(%dma_start3A_1159 : memref<500x16xi32, #tpu.memory_space<vmem>>) target_semaphore(%arg20 : memref<!tpu.dma_semaphore, #tpu.memory_space<semaphore_mem>>)
    %dma_wait3A_1164 = arith.constant 0 : i32
    %dma_wait3A_1165 = arith.constant 0 : i32
    %dma_wait3A_1166 = arith.constant 0 : i32
    %dma_wait3A_1167 = tpu.memref_slice %arg7[%dma_wait3A_1164, %dma_wait3A_1165, %dma_wait3A_1166] : memref<2x500x16xi32, #tpu.memory_space<vmem>> -> memref<1x500x16xi32, #tpu.memory_space<vmem>>
    %dma_wait3A_1168 = tpu.memref_squeeze %dma_wait3A_1167 : memref<1x500x16xi32, #tpu.memory_space<vmem>> -> memref<500x16xi32, #tpu.memory_space<vmem>>
    %dma_wait3A_1169 = arith.constant 4000 : i32
    %dma_wait3A_1170 = arith.constant 0 : i32
    %dma_wait3A_1171 = tpu.memref_slice %arg3[%arg0, %dma_wait3A_1169, %dma_wait3A_1170] : memref<2x5000x16xi32, #tpu.memory_space<hbm>> -> memref<1x500x16xi32, #tpu.memory_space<hbm>>
    %dma_wait3A_1172 = tpu.memref_squeeze %dma_wait3A_1171 : memref<1x500x16xi32, #tpu.memory_space<hbm>> -> memref<500x16xi32, #tpu.memory_space<hbm>>
    %dma_wait3A_1173 = arith.constant 0 : i32
    %dma_wait3A_1174 = arith.constant 0 : i32
    %dma_wait3A_1175 = tpu.memref_slice %arg7[%dma_wait3A_1164, %dma_wait3A_1173, %dma_wait3A_1174] : memref<2x500x16xi32, #tpu.memory_space<vmem>> -> memref<1x500x16xi32, #tpu.memory_space<vmem>>
    %dma_wait3A_1176 = tpu.memref_squeeze %dma_wait3A_1175 : memref<1x500x16xi32, #tpu.memory_space<vmem>> -> memref<500x16xi32, #tpu.memory_space<vmem>>
    %dma_wait3A_1177 = arith.constant 4000 : i32
    %dma_wait3A_1178 = arith.constant 0 : i32
    %dma_wait3A_1179 = tpu.memref_slice %arg3[%arg0, %dma_wait3A_1177, %dma_wait3A_1178] : memref<2x5000x16xi32, #tpu.memory_space<hbm>> -> memref<1x500x16xi32, #tpu.memory_space<hbm>>
    %dma_wait3A_1180 = tpu.memref_squeeze %dma_wait3A_1179 : memref<1x500x16xi32, #tpu.memory_space<hbm>> -> memref<500x16xi32, #tpu.memory_space<hbm>>
    tpu.wait_dma2 semaphore(%arg17 : memref<!tpu.dma_semaphore, #tpu.memory_space<semaphore_mem>>) src(%dma_wait3A_1180 : memref<500x16xi32, #tpu.memory_space<hbm>>) dst(%dma_wait3A_1176 : memref<500x16xi32, #tpu.memory_space<vmem>>)
    %dma_wait3A_1181 = arith.constant 0 : i32
    %dma_wait3A_1182 = arith.constant 0 : i32
    %dma_wait3A_1183 = arith.constant 0 : i32
    %dma_wait3A_1184 = tpu.memref_slice %arg8[%dma_wait3A_1181, %dma_wait3A_1182, %dma_wait3A_1183] : memref<2x500x16xi32, #tpu.memory_space<vmem>> -> memref<1x500x16xi32, #tpu.memory_space<vmem>>
    %dma_wait3A_1185 = tpu.memref_squeeze %dma_wait3A_1184 : memref<1x500x16xi32, #tpu.memory_space<vmem>> -> memref<500x16xi32, #tpu.memory_space<vmem>>
    %dma_wait3A_1186 = arith.constant 4000 : i32
    %dma_wait3A_1187 = arith.constant 0 : i32
    %dma_wait3A_1188 = tpu.memref_slice %arg4[%arg0, %dma_wait3A_1186, %dma_wait3A_1187] : memref<2x5000x16xi32, #tpu.memory_space<hbm>> -> memref<1x500x16xi32, #tpu.memory_space<hbm>>
    %dma_wait3A_1189 = tpu.memref_squeeze %dma_wait3A_1188 : memref<1x500x16xi32, #tpu.memory_space<hbm>> -> memref<500x16xi32, #tpu.memory_space<hbm>>
    %dma_wait3A_1190 = arith.constant 0 : i32
    %dma_wait3A_1191 = arith.constant 0 : i32
    %dma_wait3A_1192 = tpu.memref_slice %arg8[%dma_wait3A_1181, %dma_wait3A_1190, %dma_wait3A_1191] : memref<2x500x16xi32, #tpu.memory_space<vmem>> -> memref<1x500x16xi32, #tpu.memory_space<vmem>>
    %dma_wait3A_1193 = tpu.memref_squeeze %dma_wait3A_1192 : memref<1x500x16xi32, #tpu.memory_space<vmem>> -> memref<500x16xi32, #tpu.memory_space<vmem>>
    %dma_wait3A_1194 = arith.constant 4000 : i32
    %dma_wait3A_1195 = arith.constant 0 : i32
    %dma_wait3A_1196 = tpu.memref_slice %arg4[%arg0, %dma_wait3A_1194, %dma_wait3A_1195] : memref<2x5000x16xi32, #tpu.memory_space<hbm>> -> memref<1x500x16xi32, #tpu.memory_space<hbm>>
    %dma_wait3A_1197 = tpu.memref_squeeze %dma_wait3A_1196 : memref<1x500x16xi32, #tpu.memory_space<hbm>> -> memref<500x16xi32, #tpu.memory_space<hbm>>
    tpu.wait_dma2 semaphore(%arg19 : memref<!tpu.dma_semaphore, #tpu.memory_space<semaphore_mem>>) src(%dma_wait3A_1197 : memref<500x16xi32, #tpu.memory_space<hbm>>) dst(%dma_wait3A_1193 : memref<500x16xi32, #tpu.memory_space<vmem>>)
    %parallel_loop3A_1198 = arith.constant 0 : i32
    %parallel_loop3A_1199 = arith.constant 500 : i32
    %parallel_loop3A_1200 = arith.constant 1 : i32
    scf.for %parallel_loop3A_1238 = %parallel_loop3A_1198 to %parallel_loop3A_1199 step %parallel_loop3A_1200  : i32 {
      %parallel_loop3A_1239 = arith.constant 0 : i32
      %parallel_loop3A_1240 = arith.index_cast %parallel_loop3A_1239 : i32 to index
      %parallel_loop3A_1241 = arith.index_cast %parallel_loop3A_1238 : i32 to index
      %parallel_loop3A_1242 = arith.constant 0 : index
      %parallel_loop3A_1243 = tpu.vector_load %arg7[%parallel_loop3A_1240, %parallel_loop3A_1241, %parallel_loop3A_1242] {strides = array<i32>} : memref<2x500x16xi32, #tpu.memory_space<vmem>>, vector<16xi32>,
      %parallel_loop3A_1244 = arith.constant 0 : i32
      %parallel_loop3A_1245 = arith.index_cast %parallel_loop3A_1244 : i32 to index
      %parallel_loop3A_1246 = arith.index_cast %parallel_loop3A_1238 : i32 to index
      %parallel_loop3A_1247 = arith.constant 0 : index
      %parallel_loop3A_1248 = tpu.vector_load %arg8[%parallel_loop3A_1245, %parallel_loop3A_1246, %parallel_loop3A_1247] {strides = array<i32>} : memref<2x500x16xi32, #tpu.memory_space<vmem>>, vector<16xi32>,
      %parallel_loop3A_1249 = tpu.vector_load_idx %arg13[%parallel_loop3A_1243] : memref<10240xf32, #tpu.memory_space<vmem>>[vector<16xi32>], vector<16xf32>,
      tpu.vector_store_idx %arg14[%parallel_loop3A_1248], %parallel_loop3A_1249 {add = true} : memref<10240xf32, #tpu.memory_space<vmem>>[vector<16xi32>], vector<16xf32>,
    } {sc.loop_unroll_factor = 4 : i64, sc.parallel_access}
    %dma_wait3A_1201 = arith.constant 1 : i32
    %dma_wait3A_1202 = arith.constant 0 : i32
    %dma_wait3A_1203 = arith.constant 0 : i32
    %dma_wait3A_1204 = tpu.memref_slice %arg7[%dma_wait3A_1201, %dma_wait3A_1202, %dma_wait3A_1203] : memref<2x500x16xi32, #tpu.memory_space<vmem>> -> memref<1x500x16xi32, #tpu.memory_space<vmem>>
    %dma_wait3A_1205 = tpu.memref_squeeze %dma_wait3A_1204 : memref<1x500x16xi32, #tpu.memory_space<vmem>> -> memref<500x16xi32, #tpu.memory_space<vmem>>
    %dma_wait3A_1206 = arith.constant 4500 : i32
    %dma_wait3A_1207 = arith.constant 0 : i32
    %dma_wait3A_1208 = tpu.memref_slice %arg3[%arg0, %dma_wait3A_1206, %dma_wait3A_1207] : memref<2x5000x16xi32, #tpu.memory_space<hbm>> -> memref<1x500x16xi32, #tpu.memory_space<hbm>>
    %dma_wait3A_1209 = tpu.memref_squeeze %dma_wait3A_1208 : memref<1x500x16xi32, #tpu.memory_space<hbm>> -> memref<500x16xi32, #tpu.memory_space<hbm>>
    %dma_wait3A_1210 = arith.constant 0 : i32
    %dma_wait3A_1211 = arith.constant 0 : i32
    %dma_wait3A_1212 = tpu.memref_slice %arg7[%dma_wait3A_1201, %dma_wait3A_1210, %dma_wait3A_1211] : memref<2x500x16xi32, #tpu.memory_space<vmem>> -> memref<1x500x16xi32, #tpu.memory_space<vmem>>
    %dma_wait3A_1213 = tpu.memref_squeeze %dma_wait3A_1212 : memref<1x500x16xi32, #tpu.memory_space<vmem>> -> memref<500x16xi32, #tpu.memory_space<vmem>>
    %dma_wait3A_1214 = arith.constant 4500 : i32
    %dma_wait3A_1215 = arith.constant 0 : i32
    %dma_wait3A_1216 = tpu.memref_slice %arg3[%arg0, %dma_wait3A_1214, %dma_wait3A_1215] : memref<2x5000x16xi32, #tpu.memory_space<hbm>> -> memref<1x500x16xi32, #tpu.memory_space<hbm>>
    %dma_wait3A_1217 = tpu.memref_squeeze %dma_wait3A_1216 : memref<1x500x16xi32, #tpu.memory_space<hbm>> -> memref<500x16xi32, #tpu.memory_space<hbm>>
    tpu.wait_dma2 semaphore(%arg18 : memref<!tpu.dma_semaphore, #tpu.memory_space<semaphore_mem>>) src(%dma_wait3A_1217 : memref<500x16xi32, #tpu.memory_space<hbm>>) dst(%dma_wait3A_1213 : memref<500x16xi32, #tpu.memory_space<vmem>>)
    %dma_wait3A_1218 = arith.constant 1 : i32
    %dma_wait3A_1219 = arith.constant 0 : i32
    %dma_wait3A_1220 = arith.constant 0 : i32
    %dma_wait3A_1221 = tpu.memref_slice %arg8[%dma_wait3A_1218, %dma_wait3A_1219, %dma_wait3A_1220] : memref<2x500x16xi32, #tpu.memory_space<vmem>> -> memref<1x500x16xi32, #tpu.memory_space<vmem>>
    %dma_wait3A_1222 = tpu.memref_squeeze %dma_wait3A_1221 : memref<1x500x16xi32, #tpu.memory_space<vmem>> -> memref<500x16xi32, #tpu.memory_space<vmem>>
    %dma_wait3A_1223 = arith.constant 4500 : i32
    %dma_wait3A_1224 = arith.constant 0 : i32
    %dma_wait3A_1225 = tpu.memref_slice %arg4[%arg0, %dma_wait3A_1223, %dma_wait3A_1224] : memref<2x5000x16xi32, #tpu.memory_space<hbm>> -> memref<1x500x16xi32, #tpu.memory_space<hbm>>
    %dma_wait3A_1226 = tpu.memref_squeeze %dma_wait3A_1225 : memref<1x500x16xi32, #tpu.memory_space<hbm>> -> memref<500x16xi32, #tpu.memory_space<hbm>>
    %dma_wait3A_1227 = arith.constant 0 : i32
    %dma_wait3A_1228 = arith.constant 0 : i32
    %dma_wait3A_1229 = tpu.memref_slice %arg8[%dma_wait3A_1218, %dma_wait3A_1227, %dma_wait3A_1228] : memref<2x500x16xi32, #tpu.memory_space<vmem>> -> memref<1x500x16xi32, #tpu.memory_space<vmem>>
    %dma_wait3A_1230 = tpu.memref_squeeze %dma_wait3A_1229 : memref<1x500x16xi32, #tpu.memory_space<vmem>> -> memref<500x16xi32, #tpu.memory_space<vmem>>
    %dma_wait3A_1231 = arith.constant 4500 : i32
    %dma_wait3A_1232 = arith.constant 0 : i32
    %dma_wait3A_1233 = tpu.memref_slice %arg4[%arg0, %dma_wait3A_1231, %dma_wait3A_1232] : memref<2x5000x16xi32, #tpu.memory_space<hbm>> -> memref<1x500x16xi32, #tpu.memory_space<hbm>>
    %dma_wait3A_1234 = tpu.memref_squeeze %dma_wait3A_1233 : memref<1x500x16xi32, #tpu.memory_space<hbm>> -> memref<500x16xi32, #tpu.memory_space<hbm>>
    tpu.wait_dma2 semaphore(%arg20 : memref<!tpu.dma_semaphore, #tpu.memory_space<semaphore_mem>>) src(%dma_wait3A_1234 : memref<500x16xi32, #tpu.memory_space<hbm>>) dst(%dma_wait3A_1230 : memref<500x16xi32, #tpu.memory_space<vmem>>)
    %parallel_loop3A_1235 = arith.constant 0 : i32
    %parallel_loop3A_1236 = arith.constant 500 : i32
    %parallel_loop3A_1237 = arith.constant 1 : i32
    scf.for %parallel_loop3A_1238 = %parallel_loop3A_1235 to %parallel_loop3A_1236 step %parallel_loop3A_1237  : i32 {
      %parallel_loop3A_1239 = arith.constant 1 : i32
      %parallel_loop3A_1240 = arith.index_cast %parallel_loop3A_1239 : i32 to index
      %parallel_loop3A_1241 = arith.index_cast %parallel_loop3A_1238 : i32 to index
      %parallel_loop3A_1242 = arith.constant 0 : index
      %parallel_loop3A_1243 = tpu.vector_load %arg7[%parallel_loop3A_1240, %parallel_loop3A_1241, %parallel_loop3A_1242] {strides = array<i32>} : memref<2x500x16xi32, #tpu.memory_space<vmem>>, vector<16xi32>,
      %parallel_loop3A_1244 = arith.constant 1 : i32
      %parallel_loop3A_1245 = arith.index_cast %parallel_loop3A_1244 : i32 to index
      %parallel_loop3A_1246 = arith.index_cast %parallel_loop3A_1238 : i32 to index
      %parallel_loop3A_1247 = arith.constant 0 : index
      %parallel_loop3A_1248 = tpu.vector_load %arg8[%parallel_loop3A_1245, %parallel_loop3A_1246, %parallel_loop3A_1247] {strides = array<i32>} : memref<2x500x16xi32, #tpu.memory_space<vmem>>, vector<16xi32>,
      %parallel_loop3A_1249 = tpu.vector_load_idx %arg13[%parallel_loop3A_1243] : memref<10240xf32, #tpu.memory_space<vmem>>[vector<16xi32>], vector<16xf32>,
      tpu.vector_store_idx %arg14[%parallel_loop3A_1248], %parallel_loop3A_1249 {add = true} : memref<10240xf32, #tpu.memory_space<vmem>>[vector<16xi32>], vector<16xf32>,
    } {sc.loop_unroll_factor = 4 : i64, sc.parallel_access}
    "tpu.region"() ({
      %run_scoped3A = tpu.sem_alloc : memref<!tpu.dma_semaphore, #tpu.memory_space<semaphore_mem>>
      %dma_start3A_1238 = arith.constant 0 : i32
      %dma_start3A_1239 = tpu.memref_slice %arg5[%arg0, %arg1, %dma_start3A_1238] : memref<2x16x10240xf32, #tpu.memory_space<hbm>> -> memref<1x1x10240xf32, #tpu.memory_space<hbm>>
      %dma_start3A_1240 = tpu.memref_squeeze %dma_start3A_1239 : memref<1x1x10240xf32, #tpu.memory_space<hbm>> -> memref<10240xf32, #tpu.memory_space<hbm>>
      %dma_start3A_1241 = arith.constant 0 : i32
      %dma_start3A_1242 = tpu.memref_slice %arg5[%arg0, %arg1, %dma_start3A_1241] : memref<2x16x10240xf32, #tpu.memory_space<hbm>> -> memref<1x1x10240xf32, #tpu.memory_space<hbm>>
      %dma_start3A_1243 = tpu.memref_squeeze %dma_start3A_1242 : memref<1x1x10240xf32, #tpu.memory_space<hbm>> -> memref<10240xf32, #tpu.memory_space<hbm>>
      tpu.enqueue_dma source(%arg14 : memref<10240xf32, #tpu.memory_space<vmem>>) target(%dma_start3A_1243 : memref<10240xf32, #tpu.memory_space<hbm>>) target_semaphore(%run_scoped3A : memref<!tpu.dma_semaphore, #tpu.memory_space<semaphore_mem>>)
      %dma_wait3A_1244 = arith.constant 0 : i32
      %dma_wait3A_1245 = tpu.memref_slice %arg5[%arg0, %arg1, %dma_wait3A_1244] : memref<2x16x10240xf32, #tpu.memory_space<hbm>> -> memref<1x1x10240xf32, #tpu.memory_space<hbm>>
      %dma_wait3A_1246 = tpu.memref_squeeze %dma_wait3A_1245 : memref<1x1x10240xf32, #tpu.memory_space<hbm>> -> memref<10240xf32, #tpu.memory_space<hbm>>
      %dma_wait3A_1247 = arith.constant 0 : i32
      %dma_wait3A_1248 = tpu.memref_slice %arg5[%arg0, %arg1, %dma_wait3A_1247] : memref<2x16x10240xf32, #tpu.memory_space<hbm>> -> memref<1x1x10240xf32, #tpu.memory_space<hbm>>
      %dma_wait3A_1249 = tpu.memref_squeeze %dma_wait3A_1248 : memref<1x1x10240xf32, #tpu.memory_space<hbm>> -> memref<10240xf32, #tpu.memory_space<hbm>>
      tpu.wait_dma2 semaphore(%run_scoped3A : memref<!tpu.dma_semaphore, #tpu.memory_space<semaphore_mem>>) src(%arg14 : memref<10240xf32, #tpu.memory_space<vmem>>) dst(%dma_wait3A_1249 : memref<10240xf32, #tpu.memory_space<hbm>>)
      tpu.yield
    }) : () -> ()
    return
  }
}

#map = affine_map<(d0, d1) -> (0, 0)>
#map1 = affine_map<(d0, d1) -> (0, 0, 0)>
module attributes {stable_mosaic.version = 14 : i64} {
  func.func @k(%arg0: i32, %arg1: i32, %arg2: memref<8x10240xf32, #tpu.memory_space<hbm>>, %arg3: memref<4x2500x16xi32, #tpu.memory_space<hbm>>, %arg4: memref<4x2500x16xi32, #tpu.memory_space<hbm>>, %arg5: memref<4x8x10240xf32, #tpu.memory_space<hbm>>, %arg6: memref<2x500x16xi32, #tpu.memory_space<vmem>>, %arg7: memref<2x500x16xi32, #tpu.memory_space<vmem>>, %arg8: memref<10240xf32, #tpu.memory_space<vmem>>, %arg9: memref<10240xf32, #tpu.memory_space<vmem>>, %arg10: memref<!tpu.dma_semaphore, #tpu.memory_space<semaphore_mem>>, %arg11: memref<!tpu.dma_semaphore, #tpu.memory_space<semaphore_mem>>, %arg12: memref<!tpu.dma_semaphore, #tpu.memory_space<semaphore_mem>>, %arg13: memref<!tpu.dma_semaphore, #tpu.memory_space<semaphore_mem>>) attributes {dimension_semantics = [#tpu.dimension_semantics<core_parallel>, #tpu.dimension_semantics<subcore_parallel>], iteration_bounds = array<i64: 2, 16>, scalar_prefetch = 0 : i64, scratch_operands = 8 : i64, tpu.core_type = #tpu.core_type<sc_vector_subcore>, window_params = [{transform_indices = #map}, {transform_indices = #map1}, {transform_indices = #map1}, {transform_indices = #map1}]} {
    %jit3A = arith.constant 8 : i32
    %eq3A = arith.constant 0 : i32
    %eq3A_0 = arith.cmpi eq, %jit3A, %eq3A : i32
    %jit3A_1 = arith.constant 1 : i32
    %select_n3A = arith.select %eq3A_0, %jit3A_1, %jit3A : i32
    %rem3A = arith.remsi %arg1, %select_n3A : i32
    %ne3A = arith.constant 0 : i32
    %ne3A_2 = arith.cmpi ne, %rem3A, %ne3A : i32
    %lt3A = arith.constant 0 : i32
    %lt3A_3 = arith.cmpi slt, %rem3A, %lt3A : i32
    %lt3A_4 = arith.constant 0 : i32
    %lt3A_5 = arith.cmpi slt, %select_n3A, %lt3A_4 : i32
    %ne3A_6 = arith.xori %lt3A_3, %lt3A_5 : i1
    %and3A = arith.andi %ne3A_6, %ne3A_2 : i1
    %add3A = arith.addi %rem3A, %select_n3A : i32
    %select_n3A_7 = arith.select %and3A, %add3A, %rem3A : i32
    %mul3A = arith.constant 2 : i32
    %mul3A_8 = arith.muli %arg0, %mul3A : i32
    %jit3A_9 = arith.constant 8 : i32
    %div3A = arith.divsi %arg1, %jit3A_9 : i32
    %sign3A = arith.constant 0 : i32
    %sign3A_10 = arith.cmpi sgt, %arg1, %sign3A : i32
    %sign3A_11 = arith.extui %sign3A_10 : i1 to i32
    %sign3A_12 = arith.constant 0 : i32
    %sign3A_13 = arith.cmpi slt, %arg1, %sign3A_12 : i32
    %sign3A_14 = arith.extui %sign3A_13 : i1 to i32
    %sign3A_15 = arith.subi %sign3A_11, %sign3A_14 : i32
    %sign3A_16 = arith.constant 0 : i32
    %sign3A_17 = arith.cmpi sgt, %jit3A_9, %sign3A_16 : i32
    %sign3A_18 = arith.extui %sign3A_17 : i1 to i32
    %sign3A_19 = arith.constant 0 : i32
    %sign3A_20 = arith.cmpi slt, %jit3A_9, %sign3A_19 : i32
    %sign3A_21 = arith.extui %sign3A_20 : i1 to i32
    %sign3A_22 = arith.subi %sign3A_18, %sign3A_21 : i32
    %ne3A_23 = arith.cmpi ne, %sign3A_15, %sign3A_22 : i32
    %rem3A_24 = arith.remsi %arg1, %jit3A_9 : i32
    %ne3A_25 = arith.constant 0 : i32
    %ne3A_26 = arith.cmpi ne, %rem3A_24, %ne3A_25 : i32
    %and3A_27 = arith.andi %ne3A_23, %ne3A_26 : i1
    %sub3A = arith.constant 1 : i32
    %sub3A_28 = arith.subi %div3A, %sub3A : i32
    %select_n3A_29 = arith.select %and3A_27, %sub3A_28, %div3A : i32
    %add3A_30 = arith.addi %mul3A_8, %select_n3A_29 : i32
    %dma_start3A = arith.constant 0 : i32
    %dma_start3A_31 = arith.constant 0 : i32
    %dma_start3A_32 = arith.constant 0 : i32
    %dma_start3A_33 = tpu.memref_slice %arg6[%dma_start3A, %dma_start3A_31, %dma_start3A_32] : memref<2x500x16xi32, #tpu.memory_space<vmem>> -> memref<1x500x16xi32, #tpu.memory_space<vmem>>
    %dma_start3A_34 = tpu.memref_squeeze %dma_start3A_33 : memref<1x500x16xi32, #tpu.memory_space<vmem>> -> memref<500x16xi32, #tpu.memory_space<vmem>>
    %dma_start3A_35 = arith.constant 0 : i32
    %dma_start3A_36 = arith.constant 0 : i32
    %dma_start3A_37 = tpu.memref_slice %arg3[%add3A_30, %dma_start3A_35, %dma_start3A_36] : memref<4x2500x16xi32, #tpu.memory_space<hbm>> -> memref<1x500x16xi32, #tpu.memory_space<hbm>>
    %dma_start3A_38 = tpu.memref_squeeze %dma_start3A_37 : memref<1x500x16xi32, #tpu.memory_space<hbm>> -> memref<500x16xi32, #tpu.memory_space<hbm>>
    %dma_start3A_39 = arith.constant 0 : i32
    %dma_start3A_40 = arith.constant 0 : i32
    %dma_start3A_41 = tpu.memref_slice %arg6[%dma_start3A, %dma_start3A_39, %dma_start3A_40] : memref<2x500x16xi32, #tpu.memory_space<vmem>> -> memref<1x500x16xi32, #tpu.memory_space<vmem>>
    %dma_start3A_42 = tpu.memref_squeeze %dma_start3A_41 : memref<1x500x16xi32, #tpu.memory_space<vmem>> -> memref<500x16xi32, #tpu.memory_space<vmem>>
    %dma_start3A_43 = arith.constant 0 : i32
    %dma_start3A_44 = arith.constant 0 : i32
    %dma_start3A_45 = tpu.memref_slice %arg3[%add3A_30, %dma_start3A_43, %dma_start3A_44] : memref<4x2500x16xi32, #tpu.memory_space<hbm>> -> memref<1x500x16xi32, #tpu.memory_space<hbm>>
    %dma_start3A_46 = tpu.memref_squeeze %dma_start3A_45 : memref<1x500x16xi32, #tpu.memory_space<hbm>> -> memref<500x16xi32, #tpu.memory_space<hbm>>
    tpu.enqueue_dma source(%dma_start3A_46 : memref<500x16xi32, #tpu.memory_space<hbm>>) target(%dma_start3A_42 : memref<500x16xi32, #tpu.memory_space<vmem>>) target_semaphore(%arg10 : memref<!tpu.dma_semaphore, #tpu.memory_space<semaphore_mem>>)
    %dma_start3A_47 = arith.constant 0 : i32
    %dma_start3A_48 = arith.constant 0 : i32
    %dma_start3A_49 = arith.constant 0 : i32
    %dma_start3A_50 = tpu.memref_slice %arg7[%dma_start3A_47, %dma_start3A_48, %dma_start3A_49] : memref<2x500x16xi32, #tpu.memory_space<vmem>> -> memref<1x500x16xi32, #tpu.memory_space<vmem>>
    %dma_start3A_51 = tpu.memref_squeeze %dma_start3A_50 : memref<1x500x16xi32, #tpu.memory_space<vmem>> -> memref<500x16xi32, #tpu.memory_space<vmem>>
    %dma_start3A_52 = arith.constant 0 : i32
    %dma_start3A_53 = arith.constant 0 : i32
    %dma_start3A_54 = tpu.memref_slice %arg4[%add3A_30, %dma_start3A_52, %dma_start3A_53] : memref<4x2500x16xi32, #tpu.memory_space<hbm>> -> memref<1x500x16xi32, #tpu.memory_space<hbm>>
    %dma_start3A_55 = tpu.memref_squeeze %dma_start3A_54 : memref<1x500x16xi32, #tpu.memory_space<hbm>> -> memref<500x16xi32, #tpu.memory_space<hbm>>
    %dma_start3A_56 = arith.constant 0 : i32
    %dma_start3A_57 = arith.constant 0 : i32
    %dma_start3A_58 = tpu.memref_slice %arg7[%dma_start3A_47, %dma_start3A_56, %dma_start3A_57] : memref<2x500x16xi32, #tpu.memory_space<vmem>> -> memref<1x500x16xi32, #tpu.memory_space<vmem>>
    %dma_start3A_59 = tpu.memref_squeeze %dma_start3A_58 : memref<1x500x16xi32, #tpu.memory_space<vmem>> -> memref<500x16xi32, #tpu.memory_space<vmem>>
    %dma_start3A_60 = arith.constant 0 : i32
    %dma_start3A_61 = arith.constant 0 : i32
    %dma_start3A_62 = tpu.memref_slice %arg4[%add3A_30, %dma_start3A_60, %dma_start3A_61] : memref<4x2500x16xi32, #tpu.memory_space<hbm>> -> memref<1x500x16xi32, #tpu.memory_space<hbm>>
    %dma_start3A_63 = tpu.memref_squeeze %dma_start3A_62 : memref<1x500x16xi32, #tpu.memory_space<hbm>> -> memref<500x16xi32, #tpu.memory_space<hbm>>
    tpu.enqueue_dma source(%dma_start3A_63 : memref<500x16xi32, #tpu.memory_space<hbm>>) target(%dma_start3A_59 : memref<500x16xi32, #tpu.memory_space<vmem>>) target_semaphore(%arg12 : memref<!tpu.dma_semaphore, #tpu.memory_space<semaphore_mem>>)
    "tpu.region"() ({
      %run_scoped3A = tpu.sem_alloc : memref<!tpu.dma_semaphore, #tpu.memory_space<semaphore_mem>>
      %dma_start3A_387 = arith.constant 0 : i32
      %dma_start3A_388 = tpu.memref_slice %arg2[%select_n3A_7, %dma_start3A_387] : memref<8x10240xf32, #tpu.memory_space<hbm>> -> memref<1x10240xf32, #tpu.memory_space<hbm>>
      %dma_start3A_389 = tpu.memref_squeeze %dma_start3A_388 : memref<1x10240xf32, #tpu.memory_space<hbm>> -> memref<10240xf32, #tpu.memory_space<hbm>>
      %dma_start3A_390 = arith.constant 0 : i32
      %dma_start3A_391 = tpu.memref_slice %arg2[%select_n3A_7, %dma_start3A_390] : memref<8x10240xf32, #tpu.memory_space<hbm>> -> memref<1x10240xf32, #tpu.memory_space<hbm>>
      %dma_start3A_392 = tpu.memref_squeeze %dma_start3A_391 : memref<1x10240xf32, #tpu.memory_space<hbm>> -> memref<10240xf32, #tpu.memory_space<hbm>>
      tpu.enqueue_dma source(%dma_start3A_392 : memref<10240xf32, #tpu.memory_space<hbm>>) target(%arg8 : memref<10240xf32, #tpu.memory_space<vmem>>) target_semaphore(%run_scoped3A : memref<!tpu.dma_semaphore, #tpu.memory_space<semaphore_mem>>)
      %dma_wait3A_393 = arith.constant 0 : i32
      %dma_wait3A_394 = tpu.memref_slice %arg2[%select_n3A_7, %dma_wait3A_393] : memref<8x10240xf32, #tpu.memory_space<hbm>> -> memref<1x10240xf32, #tpu.memory_space<hbm>>
      %dma_wait3A_395 = tpu.memref_squeeze %dma_wait3A_394 : memref<1x10240xf32, #tpu.memory_space<hbm>> -> memref<10240xf32, #tpu.memory_space<hbm>>
      %dma_wait3A_396 = arith.constant 0 : i32
      %dma_wait3A_397 = tpu.memref_slice %arg2[%select_n3A_7, %dma_wait3A_396] : memref<8x10240xf32, #tpu.memory_space<hbm>> -> memref<1x10240xf32, #tpu.memory_space<hbm>>
      %dma_wait3A_398 = tpu.memref_squeeze %dma_wait3A_397 : memref<1x10240xf32, #tpu.memory_space<hbm>> -> memref<10240xf32, #tpu.memory_space<hbm>>
      tpu.wait_dma2 semaphore(%run_scoped3A : memref<!tpu.dma_semaphore, #tpu.memory_space<semaphore_mem>>) src(%dma_wait3A_398 : memref<10240xf32, #tpu.memory_space<hbm>>) dst(%arg8 : memref<10240xf32, #tpu.memory_space<vmem>>)
      tpu.yield
    }) : () -> ()
    %broadcast_in_dim3A = arith.constant 0.000000e+00 : f32
    %broadcast_in_dim3A_64 = vector.broadcast %broadcast_in_dim3A : f32 to vector<16xf32>
    %parallel_loop3A = arith.constant 0 : i32
    %parallel_loop3A_65 = arith.constant 640 : i32
    %parallel_loop3A_66 = arith.constant 1 : i32
    scf.for %parallel_loop3A_387 = %parallel_loop3A to %parallel_loop3A_65 step %parallel_loop3A_66  : i32 {
      %parallel_loop3A_388 = arith.constant 16 : i32
      %parallel_loop3A_389 = arith.muli %parallel_loop3A_387, %parallel_loop3A_388 : i32
      %parallel_loop3A_390 = arith.index_cast %parallel_loop3A_389 : i32 to index
      %parallel_loop3A_391 = tpu.vector_load %arg9[%parallel_loop3A_390] {strides = array<i32>} : memref<10240xf32, #tpu.memory_space<vmem>>, vector<16xf32>,
      tpu.vector_store %arg9[%parallel_loop3A_390], %broadcast_in_dim3A_64 {strides = array<i32>} : memref<10240xf32, #tpu.memory_space<vmem>>, vector<16xf32>,
    } {sc.loop_unroll_factor = 4 : i64, sc.parallel_access}
    %dma_start3A_67 = arith.constant 1 : i32
    %dma_start3A_68 = arith.constant 0 : i32
    %dma_start3A_69 = arith.constant 0 : i32
    %dma_start3A_70 = tpu.memref_slice %arg6[%dma_start3A_67, %dma_start3A_68, %dma_start3A_69] : memref<2x500x16xi32, #tpu.memory_space<vmem>> -> memref<1x500x16xi32, #tpu.memory_space<vmem>>
    %dma_start3A_71 = tpu.memref_squeeze %dma_start3A_70 : memref<1x500x16xi32, #tpu.memory_space<vmem>> -> memref<500x16xi32, #tpu.memory_space<vmem>>
    %dma_start3A_72 = arith.constant 500 : i32
    %dma_start3A_73 = arith.constant 0 : i32
    %dma_start3A_74 = tpu.memref_slice %arg3[%add3A_30, %dma_start3A_72, %dma_start3A_73] : memref<4x2500x16xi32, #tpu.memory_space<hbm>> -> memref<1x500x16xi32, #tpu.memory_space<hbm>>
    %dma_start3A_75 = tpu.memref_squeeze %dma_start3A_74 : memref<1x500x16xi32, #tpu.memory_space<hbm>> -> memref<500x16xi32, #tpu.memory_space<hbm>>
    %dma_start3A_76 = arith.constant 0 : i32
    %dma_start3A_77 = arith.constant 0 : i32
    %dma_start3A_78 = tpu.memref_slice %arg6[%dma_start3A_67, %dma_start3A_76, %dma_start3A_77] : memref<2x500x16xi32, #tpu.memory_space<vmem>> -> memref<1x500x16xi32, #tpu.memory_space<vmem>>
    %dma_start3A_79 = tpu.memref_squeeze %dma_start3A_78 : memref<1x500x16xi32, #tpu.memory_space<vmem>> -> memref<500x16xi32, #tpu.memory_space<vmem>>
    %dma_start3A_80 = arith.constant 500 : i32
    %dma_start3A_81 = arith.constant 0 : i32
    %dma_start3A_82 = tpu.memref_slice %arg3[%add3A_30, %dma_start3A_80, %dma_start3A_81] : memref<4x2500x16xi32, #tpu.memory_space<hbm>> -> memref<1x500x16xi32, #tpu.memory_space<hbm>>
    %dma_start3A_83 = tpu.memref_squeeze %dma_start3A_82 : memref<1x500x16xi32, #tpu.memory_space<hbm>> -> memref<500x16xi32, #tpu.memory_space<hbm>>
    tpu.enqueue_dma source(%dma_start3A_83 : memref<500x16xi32, #tpu.memory_space<hbm>>) target(%dma_start3A_79 : memref<500x16xi32, #tpu.memory_space<vmem>>) target_semaphore(%arg11 : memref<!tpu.dma_semaphore, #tpu.memory_space<semaphore_mem>>)
    %dma_start3A_84 = arith.constant 1 : i32
    %dma_start3A_85 = arith.constant 0 : i32
    %dma_start3A_86 = arith.constant 0 : i32
    %dma_start3A_87 = tpu.memref_slice %arg7[%dma_start3A_84, %dma_start3A_85, %dma_start3A_86] : memref<2x500x16xi32, #tpu.memory_space<vmem>> -> memref<1x500x16xi32, #tpu.memory_space<vmem>>
    %dma_start3A_88 = tpu.memref_squeeze %dma_start3A_87 : memref<1x500x16xi32, #tpu.memory_space<vmem>> -> memref<500x16xi32, #tpu.memory_space<vmem>>
    %dma_start3A_89 = arith.constant 500 : i32
    %dma_start3A_90 = arith.constant 0 : i32
    %dma_start3A_91 = tpu.memref_slice %arg4[%add3A_30, %dma_start3A_89, %dma_start3A_90] : memref<4x2500x16xi32, #tpu.memory_space<hbm>> -> memref<1x500x16xi32, #tpu.memory_space<hbm>>
    %dma_start3A_92 = tpu.memref_squeeze %dma_start3A_91 : memref<1x500x16xi32, #tpu.memory_space<hbm>> -> memref<500x16xi32, #tpu.memory_space<hbm>>
    %dma_start3A_93 = arith.constant 0 : i32
    %dma_start3A_94 = arith.constant 0 : i32
    %dma_start3A_95 = tpu.memref_slice %arg7[%dma_start3A_84, %dma_start3A_93, %dma_start3A_94] : memref<2x500x16xi32, #tpu.memory_space<vmem>> -> memref<1x500x16xi32, #tpu.memory_space<vmem>>
    %dma_start3A_96 = tpu.memref_squeeze %dma_start3A_95 : memref<1x500x16xi32, #tpu.memory_space<vmem>> -> memref<500x16xi32, #tpu.memory_space<vmem>>
    %dma_start3A_97 = arith.constant 500 : i32
    %dma_start3A_98 = arith.constant 0 : i32
    %dma_start3A_99 = tpu.memref_slice %arg4[%add3A_30, %dma_start3A_97, %dma_start3A_98] : memref<4x2500x16xi32, #tpu.memory_space<hbm>> -> memref<1x500x16xi32, #tpu.memory_space<hbm>>
    %dma_start3A_100 = tpu.memref_squeeze %dma_start3A_99 : memref<1x500x16xi32, #tpu.memory_space<hbm>> -> memref<500x16xi32, #tpu.memory_space<hbm>>
    tpu.enqueue_dma source(%dma_start3A_100 : memref<500x16xi32, #tpu.memory_space<hbm>>) target(%dma_start3A_96 : memref<500x16xi32, #tpu.memory_space<vmem>>) target_semaphore(%arg13 : memref<!tpu.dma_semaphore, #tpu.memory_space<semaphore_mem>>)
    %dma_wait3A = arith.constant 0 : i32
    %dma_wait3A_101 = arith.constant 0 : i32
    %dma_wait3A_102 = arith.constant 0 : i32
    %dma_wait3A_103 = tpu.memref_slice %arg6[%dma_wait3A, %dma_wait3A_101, %dma_wait3A_102] : memref<2x500x16xi32, #tpu.memory_space<vmem>> -> memref<1x500x16xi32, #tpu.memory_space<vmem>>
    %dma_wait3A_104 = tpu.memref_squeeze %dma_wait3A_103 : memref<1x500x16xi32, #tpu.memory_space<vmem>> -> memref<500x16xi32, #tpu.memory_space<vmem>>
    %dma_wait3A_105 = arith.constant 0 : i32
    %dma_wait3A_106 = arith.constant 0 : i32
    %dma_wait3A_107 = tpu.memref_slice %arg3[%add3A_30, %dma_wait3A_105, %dma_wait3A_106] : memref<4x2500x16xi32, #tpu.memory_space<hbm>> -> memref<1x500x16xi32, #tpu.memory_space<hbm>>
    %dma_wait3A_108 = tpu.memref_squeeze %dma_wait3A_107 : memref<1x500x16xi32, #tpu.memory_space<hbm>> -> memref<500x16xi32, #tpu.memory_space<hbm>>
    %dma_wait3A_109 = arith.constant 0 : i32
    %dma_wait3A_110 = arith.constant 0 : i32
    %dma_wait3A_111 = tpu.memref_slice %arg6[%dma_wait3A, %dma_wait3A_109, %dma_wait3A_110] : memref<2x500x16xi32, #tpu.memory_space<vmem>> -> memref<1x500x16xi32, #tpu.memory_space<vmem>>
    %dma_wait3A_112 = tpu.memref_squeeze %dma_wait3A_111 : memref<1x500x16xi32, #tpu.memory_space<vmem>> -> memref<500x16xi32, #tpu.memory_space<vmem>>
    %dma_wait3A_113 = arith.constant 0 : i32
    %dma_wait3A_114 = arith.constant 0 : i32
    %dma_wait3A_115 = tpu.memref_slice %arg3[%add3A_30, %dma_wait3A_113, %dma_wait3A_114] : memref<4x2500x16xi32, #tpu.memory_space<hbm>> -> memref<1x500x16xi32, #tpu.memory_space<hbm>>
    %dma_wait3A_116 = tpu.memref_squeeze %dma_wait3A_115 : memref<1x500x16xi32, #tpu.memory_space<hbm>> -> memref<500x16xi32, #tpu.memory_space<hbm>>
    tpu.wait_dma2 semaphore(%arg10 : memref<!tpu.dma_semaphore, #tpu.memory_space<semaphore_mem>>) src(%dma_wait3A_116 : memref<500x16xi32, #tpu.memory_space<hbm>>) dst(%dma_wait3A_112 : memref<500x16xi32, #tpu.memory_space<vmem>>)
    %dma_wait3A_117 = arith.constant 0 : i32
    %dma_wait3A_118 = arith.constant 0 : i32
    %dma_wait3A_119 = arith.constant 0 : i32
    %dma_wait3A_120 = tpu.memref_slice %arg7[%dma_wait3A_117, %dma_wait3A_118, %dma_wait3A_119] : memref<2x500x16xi32, #tpu.memory_space<vmem>> -> memref<1x500x16xi32, #tpu.memory_space<vmem>>
    %dma_wait3A_121 = tpu.memref_squeeze %dma_wait3A_120 : memref<1x500x16xi32, #tpu.memory_space<vmem>> -> memref<500x16xi32, #tpu.memory_space<vmem>>
    %dma_wait3A_122 = arith.constant 0 : i32
    %dma_wait3A_123 = arith.constant 0 : i32
    %dma_wait3A_124 = tpu.memref_slice %arg4[%add3A_30, %dma_wait3A_122, %dma_wait3A_123] : memref<4x2500x16xi32, #tpu.memory_space<hbm>> -> memref<1x500x16xi32, #tpu.memory_space<hbm>>
    %dma_wait3A_125 = tpu.memref_squeeze %dma_wait3A_124 : memref<1x500x16xi32, #tpu.memory_space<hbm>> -> memref<500x16xi32, #tpu.memory_space<hbm>>
    %dma_wait3A_126 = arith.constant 0 : i32
    %dma_wait3A_127 = arith.constant 0 : i32
    %dma_wait3A_128 = tpu.memref_slice %arg7[%dma_wait3A_117, %dma_wait3A_126, %dma_wait3A_127] : memref<2x500x16xi32, #tpu.memory_space<vmem>> -> memref<1x500x16xi32, #tpu.memory_space<vmem>>
    %dma_wait3A_129 = tpu.memref_squeeze %dma_wait3A_128 : memref<1x500x16xi32, #tpu.memory_space<vmem>> -> memref<500x16xi32, #tpu.memory_space<vmem>>
    %dma_wait3A_130 = arith.constant 0 : i32
    %dma_wait3A_131 = arith.constant 0 : i32
    %dma_wait3A_132 = tpu.memref_slice %arg4[%add3A_30, %dma_wait3A_130, %dma_wait3A_131] : memref<4x2500x16xi32, #tpu.memory_space<hbm>> -> memref<1x500x16xi32, #tpu.memory_space<hbm>>
    %dma_wait3A_133 = tpu.memref_squeeze %dma_wait3A_132 : memref<1x500x16xi32, #tpu.memory_space<hbm>> -> memref<500x16xi32, #tpu.memory_space<hbm>>
    tpu.wait_dma2 semaphore(%arg12 : memref<!tpu.dma_semaphore, #tpu.memory_space<semaphore_mem>>) src(%dma_wait3A_133 : memref<500x16xi32, #tpu.memory_space<hbm>>) dst(%dma_wait3A_129 : memref<500x16xi32, #tpu.memory_space<vmem>>)
    %parallel_loop3A_134 = arith.constant 0 : i32
    %parallel_loop3A_135 = arith.constant 500 : i32
    %parallel_loop3A_136 = arith.constant 1 : i32
    scf.for %parallel_loop3A_387 = %parallel_loop3A_134 to %parallel_loop3A_135 step %parallel_loop3A_136  : i32 {
      %parallel_loop3A_388 = arith.constant 0 : i32
      %parallel_loop3A_389 = arith.index_cast %parallel_loop3A_388 : i32 to index
      %parallel_loop3A_390 = arith.index_cast %parallel_loop3A_387 : i32 to index
      %parallel_loop3A_391 = arith.constant 0 : index
      %parallel_loop3A_392 = tpu.vector_load %arg6[%parallel_loop3A_389, %parallel_loop3A_390, %parallel_loop3A_391] {strides = array<i32>} : memref<2x500x16xi32, #tpu.memory_space<vmem>>, vector<16xi32>,
      %parallel_loop3A_393 = arith.constant 0 : i32
      %parallel_loop3A_394 = arith.index_cast %parallel_loop3A_393 : i32 to index
      %parallel_loop3A_395 = arith.index_cast %parallel_loop3A_387 : i32 to index
      %parallel_loop3A_396 = arith.constant 0 : index
      %parallel_loop3A_397 = tpu.vector_load %arg7[%parallel_loop3A_394, %parallel_loop3A_395, %parallel_loop3A_396] {strides = array<i32>} : memref<2x500x16xi32, #tpu.memory_space<vmem>>, vector<16xi32>,
      %parallel_loop3A_398 = tpu.vector_load_idx %arg8[%parallel_loop3A_392] : memref<10240xf32, #tpu.memory_space<vmem>>[vector<16xi32>], vector<16xf32>,
      tpu.vector_store_idx %arg9[%parallel_loop3A_397], %parallel_loop3A_398 {add = true} : memref<10240xf32, #tpu.memory_space<vmem>>[vector<16xi32>], vector<16xf32>,
    } {sc.loop_unroll_factor = 4 : i64, sc.parallel_access}
    %dma_start3A_137 = arith.constant 0 : i32
    %dma_start3A_138 = arith.constant 0 : i32
    %dma_start3A_139 = arith.constant 0 : i32
    %dma_start3A_140 = tpu.memref_slice %arg6[%dma_start3A_137, %dma_start3A_138, %dma_start3A_139] : memref<2x500x16xi32, #tpu.memory_space<vmem>> -> memref<1x500x16xi32, #tpu.memory_space<vmem>>
    %dma_start3A_141 = tpu.memref_squeeze %dma_start3A_140 : memref<1x500x16xi32, #tpu.memory_space<vmem>> -> memref<500x16xi32, #tpu.memory_space<vmem>>
    %dma_start3A_142 = arith.constant 1000 : i32
    %dma_start3A_143 = arith.constant 0 : i32
    %dma_start3A_144 = tpu.memref_slice %arg3[%add3A_30, %dma_start3A_142, %dma_start3A_143] : memref<4x2500x16xi32, #tpu.memory_space<hbm>> -> memref<1x500x16xi32, #tpu.memory_space<hbm>>
    %dma_start3A_145 = tpu.memref_squeeze %dma_start3A_144 : memref<1x500x16xi32, #tpu.memory_space<hbm>> -> memref<500x16xi32, #tpu.memory_space<hbm>>
    %dma_start3A_146 = arith.constant 0 : i32
    %dma_start3A_147 = arith.constant 0 : i32
    %dma_start3A_148 = tpu.memref_slice %arg6[%dma_start3A_137, %dma_start3A_146, %dma_start3A_147] : memref<2x500x16xi32, #tpu.memory_space<vmem>> -> memref<1x500x16xi32, #tpu.memory_space<vmem>>
    %dma_start3A_149 = tpu.memref_squeeze %dma_start3A_148 : memref<1x500x16xi32, #tpu.memory_space<vmem>> -> memref<500x16xi32, #tpu.memory_space<vmem>>
    %dma_start3A_150 = arith.constant 1000 : i32
    %dma_start3A_151 = arith.constant 0 : i32
    %dma_start3A_152 = tpu.memref_slice %arg3[%add3A_30, %dma_start3A_150, %dma_start3A_151] : memref<4x2500x16xi32, #tpu.memory_space<hbm>> -> memref<1x500x16xi32, #tpu.memory_space<hbm>>
    %dma_start3A_153 = tpu.memref_squeeze %dma_start3A_152 : memref<1x500x16xi32, #tpu.memory_space<hbm>> -> memref<500x16xi32, #tpu.memory_space<hbm>>
    tpu.enqueue_dma source(%dma_start3A_153 : memref<500x16xi32, #tpu.memory_space<hbm>>) target(%dma_start3A_149 : memref<500x16xi32, #tpu.memory_space<vmem>>) target_semaphore(%arg10 : memref<!tpu.dma_semaphore, #tpu.memory_space<semaphore_mem>>)
    %dma_start3A_154 = arith.constant 0 : i32
    %dma_start3A_155 = arith.constant 0 : i32
    %dma_start3A_156 = arith.constant 0 : i32
    %dma_start3A_157 = tpu.memref_slice %arg7[%dma_start3A_154, %dma_start3A_155, %dma_start3A_156] : memref<2x500x16xi32, #tpu.memory_space<vmem>> -> memref<1x500x16xi32, #tpu.memory_space<vmem>>
    %dma_start3A_158 = tpu.memref_squeeze %dma_start3A_157 : memref<1x500x16xi32, #tpu.memory_space<vmem>> -> memref<500x16xi32, #tpu.memory_space<vmem>>
    %dma_start3A_159 = arith.constant 1000 : i32
    %dma_start3A_160 = arith.constant 0 : i32
    %dma_start3A_161 = tpu.memref_slice %arg4[%add3A_30, %dma_start3A_159, %dma_start3A_160] : memref<4x2500x16xi32, #tpu.memory_space<hbm>> -> memref<1x500x16xi32, #tpu.memory_space<hbm>>
    %dma_start3A_162 = tpu.memref_squeeze %dma_start3A_161 : memref<1x500x16xi32, #tpu.memory_space<hbm>> -> memref<500x16xi32, #tpu.memory_space<hbm>>
    %dma_start3A_163 = arith.constant 0 : i32
    %dma_start3A_164 = arith.constant 0 : i32
    %dma_start3A_165 = tpu.memref_slice %arg7[%dma_start3A_154, %dma_start3A_163, %dma_start3A_164] : memref<2x500x16xi32, #tpu.memory_space<vmem>> -> memref<1x500x16xi32, #tpu.memory_space<vmem>>
    %dma_start3A_166 = tpu.memref_squeeze %dma_start3A_165 : memref<1x500x16xi32, #tpu.memory_space<vmem>> -> memref<500x16xi32, #tpu.memory_space<vmem>>
    %dma_start3A_167 = arith.constant 1000 : i32
    %dma_start3A_168 = arith.constant 0 : i32
    %dma_start3A_169 = tpu.memref_slice %arg4[%add3A_30, %dma_start3A_167, %dma_start3A_168] : memref<4x2500x16xi32, #tpu.memory_space<hbm>> -> memref<1x500x16xi32, #tpu.memory_space<hbm>>
    %dma_start3A_170 = tpu.memref_squeeze %dma_start3A_169 : memref<1x500x16xi32, #tpu.memory_space<hbm>> -> memref<500x16xi32, #tpu.memory_space<hbm>>
    tpu.enqueue_dma source(%dma_start3A_170 : memref<500x16xi32, #tpu.memory_space<hbm>>) target(%dma_start3A_166 : memref<500x16xi32, #tpu.memory_space<vmem>>) target_semaphore(%arg12 : memref<!tpu.dma_semaphore, #tpu.memory_space<semaphore_mem>>)
    %dma_wait3A_171 = arith.constant 1 : i32
    %dma_wait3A_172 = arith.constant 0 : i32
    %dma_wait3A_173 = arith.constant 0 : i32
    %dma_wait3A_174 = tpu.memref_slice %arg6[%dma_wait3A_171, %dma_wait3A_172, %dma_wait3A_173] : memref<2x500x16xi32, #tpu.memory_space<vmem>> -> memref<1x500x16xi32, #tpu.memory_space<vmem>>
    %dma_wait3A_175 = tpu.memref_squeeze %dma_wait3A_174 : memref<1x500x16xi32, #tpu.memory_space<vmem>> -> memref<500x16xi32, #tpu.memory_space<vmem>>
    %dma_wait3A_176 = arith.constant 500 : i32
    %dma_wait3A_177 = arith.constant 0 : i32
    %dma_wait3A_178 = tpu.memref_slice %arg3[%add3A_30, %dma_wait3A_176, %dma_wait3A_177] : memref<4x2500x16xi32, #tpu.memory_space<hbm>> -> memref<1x500x16xi32, #tpu.memory_space<hbm>>
    %dma_wait3A_179 = tpu.memref_squeeze %dma_wait3A_178 : memref<1x500x16xi32, #tpu.memory_space<hbm>> -> memref<500x16xi32, #tpu.memory_space<hbm>>
    %dma_wait3A_180 = arith.constant 0 : i32
    %dma_wait3A_181 = arith.constant 0 : i32
    %dma_wait3A_182 = tpu.memref_slice %arg6[%dma_wait3A_171, %dma_wait3A_180, %dma_wait3A_181] : memref<2x500x16xi32, #tpu.memory_space<vmem>> -> memref<1x500x16xi32, #tpu.memory_space<vmem>>
    %dma_wait3A_183 = tpu.memref_squeeze %dma_wait3A_182 : memref<1x500x16xi32, #tpu.memory_space<vmem>> -> memref<500x16xi32, #tpu.memory_space<vmem>>
    %dma_wait3A_184 = arith.constant 500 : i32
    %dma_wait3A_185 = arith.constant 0 : i32
    %dma_wait3A_186 = tpu.memref_slice %arg3[%add3A_30, %dma_wait3A_184, %dma_wait3A_185] : memref<4x2500x16xi32, #tpu.memory_space<hbm>> -> memref<1x500x16xi32, #tpu.memory_space<hbm>>
    %dma_wait3A_187 = tpu.memref_squeeze %dma_wait3A_186 : memref<1x500x16xi32, #tpu.memory_space<hbm>> -> memref<500x16xi32, #tpu.memory_space<hbm>>
    tpu.wait_dma2 semaphore(%arg11 : memref<!tpu.dma_semaphore, #tpu.memory_space<semaphore_mem>>) src(%dma_wait3A_187 : memref<500x16xi32, #tpu.memory_space<hbm>>) dst(%dma_wait3A_183 : memref<500x16xi32, #tpu.memory_space<vmem>>)
    %dma_wait3A_188 = arith.constant 1 : i32
    %dma_wait3A_189 = arith.constant 0 : i32
    %dma_wait3A_190 = arith.constant 0 : i32
    %dma_wait3A_191 = tpu.memref_slice %arg7[%dma_wait3A_188, %dma_wait3A_189, %dma_wait3A_190] : memref<2x500x16xi32, #tpu.memory_space<vmem>> -> memref<1x500x16xi32, #tpu.memory_space<vmem>>
    %dma_wait3A_192 = tpu.memref_squeeze %dma_wait3A_191 : memref<1x500x16xi32, #tpu.memory_space<vmem>> -> memref<500x16xi32, #tpu.memory_space<vmem>>
    %dma_wait3A_193 = arith.constant 500 : i32
    %dma_wait3A_194 = arith.constant 0 : i32
    %dma_wait3A_195 = tpu.memref_slice %arg4[%add3A_30, %dma_wait3A_193, %dma_wait3A_194] : memref<4x2500x16xi32, #tpu.memory_space<hbm>> -> memref<1x500x16xi32, #tpu.memory_space<hbm>>
    %dma_wait3A_196 = tpu.memref_squeeze %dma_wait3A_195 : memref<1x500x16xi32, #tpu.memory_space<hbm>> -> memref<500x16xi32, #tpu.memory_space<hbm>>
    %dma_wait3A_197 = arith.constant 0 : i32
    %dma_wait3A_198 = arith.constant 0 : i32
    %dma_wait3A_199 = tpu.memref_slice %arg7[%dma_wait3A_188, %dma_wait3A_197, %dma_wait3A_198] : memref<2x500x16xi32, #tpu.memory_space<vmem>> -> memref<1x500x16xi32, #tpu.memory_space<vmem>>
    %dma_wait3A_200 = tpu.memref_squeeze %dma_wait3A_199 : memref<1x500x16xi32, #tpu.memory_space<vmem>> -> memref<500x16xi32, #tpu.memory_space<vmem>>
    %dma_wait3A_201 = arith.constant 500 : i32
    %dma_wait3A_202 = arith.constant 0 : i32
    %dma_wait3A_203 = tpu.memref_slice %arg4[%add3A_30, %dma_wait3A_201, %dma_wait3A_202] : memref<4x2500x16xi32, #tpu.memory_space<hbm>> -> memref<1x500x16xi32, #tpu.memory_space<hbm>>
    %dma_wait3A_204 = tpu.memref_squeeze %dma_wait3A_203 : memref<1x500x16xi32, #tpu.memory_space<hbm>> -> memref<500x16xi32, #tpu.memory_space<hbm>>
    tpu.wait_dma2 semaphore(%arg13 : memref<!tpu.dma_semaphore, #tpu.memory_space<semaphore_mem>>) src(%dma_wait3A_204 : memref<500x16xi32, #tpu.memory_space<hbm>>) dst(%dma_wait3A_200 : memref<500x16xi32, #tpu.memory_space<vmem>>)
    %parallel_loop3A_205 = arith.constant 0 : i32
    %parallel_loop3A_206 = arith.constant 500 : i32
    %parallel_loop3A_207 = arith.constant 1 : i32
    scf.for %parallel_loop3A_387 = %parallel_loop3A_205 to %parallel_loop3A_206 step %parallel_loop3A_207  : i32 {
      %parallel_loop3A_388 = arith.constant 1 : i32
      %parallel_loop3A_389 = arith.index_cast %parallel_loop3A_388 : i32 to index
      %parallel_loop3A_390 = arith.index_cast %parallel_loop3A_387 : i32 to index
      %parallel_loop3A_391 = arith.constant 0 : index
      %parallel_loop3A_392 = tpu.vector_load %arg6[%parallel_loop3A_389, %parallel_loop3A_390, %parallel_loop3A_391] {strides = array<i32>} : memref<2x500x16xi32, #tpu.memory_space<vmem>>, vector<16xi32>,
      %parallel_loop3A_393 = arith.constant 1 : i32
      %parallel_loop3A_394 = arith.index_cast %parallel_loop3A_393 : i32 to index
      %parallel_loop3A_395 = arith.index_cast %parallel_loop3A_387 : i32 to index
      %parallel_loop3A_396 = arith.constant 0 : index
      %parallel_loop3A_397 = tpu.vector_load %arg7[%parallel_loop3A_394, %parallel_loop3A_395, %parallel_loop3A_396] {strides = array<i32>} : memref<2x500x16xi32, #tpu.memory_space<vmem>>, vector<16xi32>,
      %parallel_loop3A_398 = tpu.vector_load_idx %arg8[%parallel_loop3A_392] : memref<10240xf32, #tpu.memory_space<vmem>>[vector<16xi32>], vector<16xf32>,
      tpu.vector_store_idx %arg9[%parallel_loop3A_397], %parallel_loop3A_398 {add = true} : memref<10240xf32, #tpu.memory_space<vmem>>[vector<16xi32>], vector<16xf32>,
    } {sc.loop_unroll_factor = 4 : i64, sc.parallel_access}
    %dma_start3A_208 = arith.constant 1 : i32
    %dma_start3A_209 = arith.constant 0 : i32
    %dma_start3A_210 = arith.constant 0 : i32
    %dma_start3A_211 = tpu.memref_slice %arg6[%dma_start3A_208, %dma_start3A_209, %dma_start3A_210] : memref<2x500x16xi32, #tpu.memory_space<vmem>> -> memref<1x500x16xi32, #tpu.memory_space<vmem>>
    %dma_start3A_212 = tpu.memref_squeeze %dma_start3A_211 : memref<1x500x16xi32, #tpu.memory_space<vmem>> -> memref<500x16xi32, #tpu.memory_space<vmem>>
    %dma_start3A_213 = arith.constant 1500 : i32
    %dma_start3A_214 = arith.constant 0 : i32
    %dma_start3A_215 = tpu.memref_slice %arg3[%add3A_30, %dma_start3A_213, %dma_start3A_214] : memref<4x2500x16xi32, #tpu.memory_space<hbm>> -> memref<1x500x16xi32, #tpu.memory_space<hbm>>
    %dma_start3A_216 = tpu.memref_squeeze %dma_start3A_215 : memref<1x500x16xi32, #tpu.memory_space<hbm>> -> memref<500x16xi32, #tpu.memory_space<hbm>>
    %dma_start3A_217 = arith.constant 0 : i32
    %dma_start3A_218 = arith.constant 0 : i32
    %dma_start3A_219 = tpu.memref_slice %arg6[%dma_start3A_208, %dma_start3A_217, %dma_start3A_218] : memref<2x500x16xi32, #tpu.memory_space<vmem>> -> memref<1x500x16xi32, #tpu.memory_space<vmem>>
    %dma_start3A_220 = tpu.memref_squeeze %dma_start3A_219 : memref<1x500x16xi32, #tpu.memory_space<vmem>> -> memref<500x16xi32, #tpu.memory_space<vmem>>
    %dma_start3A_221 = arith.constant 1500 : i32
    %dma_start3A_222 = arith.constant 0 : i32
    %dma_start3A_223 = tpu.memref_slice %arg3[%add3A_30, %dma_start3A_221, %dma_start3A_222] : memref<4x2500x16xi32, #tpu.memory_space<hbm>> -> memref<1x500x16xi32, #tpu.memory_space<hbm>>
    %dma_start3A_224 = tpu.memref_squeeze %dma_start3A_223 : memref<1x500x16xi32, #tpu.memory_space<hbm>> -> memref<500x16xi32, #tpu.memory_space<hbm>>
    tpu.enqueue_dma source(%dma_start3A_224 : memref<500x16xi32, #tpu.memory_space<hbm>>) target(%dma_start3A_220 : memref<500x16xi32, #tpu.memory_space<vmem>>) target_semaphore(%arg11 : memref<!tpu.dma_semaphore, #tpu.memory_space<semaphore_mem>>)
    %dma_start3A_225 = arith.constant 1 : i32
    %dma_start3A_226 = arith.constant 0 : i32
    %dma_start3A_227 = arith.constant 0 : i32
    %dma_start3A_228 = tpu.memref_slice %arg7[%dma_start3A_225, %dma_start3A_226, %dma_start3A_227] : memref<2x500x16xi32, #tpu.memory_space<vmem>> -> memref<1x500x16xi32, #tpu.memory_space<vmem>>
    %dma_start3A_229 = tpu.memref_squeeze %dma_start3A_228 : memref<1x500x16xi32, #tpu.memory_space<vmem>> -> memref<500x16xi32, #tpu.memory_space<vmem>>
    %dma_start3A_230 = arith.constant 1500 : i32
    %dma_start3A_231 = arith.constant 0 : i32
    %dma_start3A_232 = tpu.memref_slice %arg4[%add3A_30, %dma_start3A_230, %dma_start3A_231] : memref<4x2500x16xi32, #tpu.memory_space<hbm>> -> memref<1x500x16xi32, #tpu.memory_space<hbm>>
    %dma_start3A_233 = tpu.memref_squeeze %dma_start3A_232 : memref<1x500x16xi32, #tpu.memory_space<hbm>> -> memref<500x16xi32, #tpu.memory_space<hbm>>
    %dma_start3A_234 = arith.constant 0 : i32
    %dma_start3A_235 = arith.constant 0 : i32
    %dma_start3A_236 = tpu.memref_slice %arg7[%dma_start3A_225, %dma_start3A_234, %dma_start3A_235] : memref<2x500x16xi32, #tpu.memory_space<vmem>> -> memref<1x500x16xi32, #tpu.memory_space<vmem>>
    %dma_start3A_237 = tpu.memref_squeeze %dma_start3A_236 : memref<1x500x16xi32, #tpu.memory_space<vmem>> -> memref<500x16xi32, #tpu.memory_space<vmem>>
    %dma_start3A_238 = arith.constant 1500 : i32
    %dma_start3A_239 = arith.constant 0 : i32
    %dma_start3A_240 = tpu.memref_slice %arg4[%add3A_30, %dma_start3A_238, %dma_start3A_239] : memref<4x2500x16xi32, #tpu.memory_space<hbm>> -> memref<1x500x16xi32, #tpu.memory_space<hbm>>
    %dma_start3A_241 = tpu.memref_squeeze %dma_start3A_240 : memref<1x500x16xi32, #tpu.memory_space<hbm>> -> memref<500x16xi32, #tpu.memory_space<hbm>>
    tpu.enqueue_dma source(%dma_start3A_241 : memref<500x16xi32, #tpu.memory_space<hbm>>) target(%dma_start3A_237 : memref<500x16xi32, #tpu.memory_space<vmem>>) target_semaphore(%arg13 : memref<!tpu.dma_semaphore, #tpu.memory_space<semaphore_mem>>)
    %dma_wait3A_242 = arith.constant 0 : i32
    %dma_wait3A_243 = arith.constant 0 : i32
    %dma_wait3A_244 = arith.constant 0 : i32
    %dma_wait3A_245 = tpu.memref_slice %arg6[%dma_wait3A_242, %dma_wait3A_243, %dma_wait3A_244] : memref<2x500x16xi32, #tpu.memory_space<vmem>> -> memref<1x500x16xi32, #tpu.memory_space<vmem>>
    %dma_wait3A_246 = tpu.memref_squeeze %dma_wait3A_245 : memref<1x500x16xi32, #tpu.memory_space<vmem>> -> memref<500x16xi32, #tpu.memory_space<vmem>>
    %dma_wait3A_247 = arith.constant 1000 : i32
    %dma_wait3A_248 = arith.constant 0 : i32
    %dma_wait3A_249 = tpu.memref_slice %arg3[%add3A_30, %dma_wait3A_247, %dma_wait3A_248] : memref<4x2500x16xi32, #tpu.memory_space<hbm>> -> memref<1x500x16xi32, #tpu.memory_space<hbm>>
    %dma_wait3A_250 = tpu.memref_squeeze %dma_wait3A_249 : memref<1x500x16xi32, #tpu.memory_space<hbm>> -> memref<500x16xi32, #tpu.memory_space<hbm>>
    %dma_wait3A_251 = arith.constant 0 : i32
    %dma_wait3A_252 = arith.constant 0 : i32
    %dma_wait3A_253 = tpu.memref_slice %arg6[%dma_wait3A_242, %dma_wait3A_251, %dma_wait3A_252] : memref<2x500x16xi32, #tpu.memory_space<vmem>> -> memref<1x500x16xi32, #tpu.memory_space<vmem>>
    %dma_wait3A_254 = tpu.memref_squeeze %dma_wait3A_253 : memref<1x500x16xi32, #tpu.memory_space<vmem>> -> memref<500x16xi32, #tpu.memory_space<vmem>>
    %dma_wait3A_255 = arith.constant 1000 : i32
    %dma_wait3A_256 = arith.constant 0 : i32
    %dma_wait3A_257 = tpu.memref_slice %arg3[%add3A_30, %dma_wait3A_255, %dma_wait3A_256] : memref<4x2500x16xi32, #tpu.memory_space<hbm>> -> memref<1x500x16xi32, #tpu.memory_space<hbm>>
    %dma_wait3A_258 = tpu.memref_squeeze %dma_wait3A_257 : memref<1x500x16xi32, #tpu.memory_space<hbm>> -> memref<500x16xi32, #tpu.memory_space<hbm>>
    tpu.wait_dma2 semaphore(%arg10 : memref<!tpu.dma_semaphore, #tpu.memory_space<semaphore_mem>>) src(%dma_wait3A_258 : memref<500x16xi32, #tpu.memory_space<hbm>>) dst(%dma_wait3A_254 : memref<500x16xi32, #tpu.memory_space<vmem>>)
    %dma_wait3A_259 = arith.constant 0 : i32
    %dma_wait3A_260 = arith.constant 0 : i32
    %dma_wait3A_261 = arith.constant 0 : i32
    %dma_wait3A_262 = tpu.memref_slice %arg7[%dma_wait3A_259, %dma_wait3A_260, %dma_wait3A_261] : memref<2x500x16xi32, #tpu.memory_space<vmem>> -> memref<1x500x16xi32, #tpu.memory_space<vmem>>
    %dma_wait3A_263 = tpu.memref_squeeze %dma_wait3A_262 : memref<1x500x16xi32, #tpu.memory_space<vmem>> -> memref<500x16xi32, #tpu.memory_space<vmem>>
    %dma_wait3A_264 = arith.constant 1000 : i32
    %dma_wait3A_265 = arith.constant 0 : i32
    %dma_wait3A_266 = tpu.memref_slice %arg4[%add3A_30, %dma_wait3A_264, %dma_wait3A_265] : memref<4x2500x16xi32, #tpu.memory_space<hbm>> -> memref<1x500x16xi32, #tpu.memory_space<hbm>>
    %dma_wait3A_267 = tpu.memref_squeeze %dma_wait3A_266 : memref<1x500x16xi32, #tpu.memory_space<hbm>> -> memref<500x16xi32, #tpu.memory_space<hbm>>
    %dma_wait3A_268 = arith.constant 0 : i32
    %dma_wait3A_269 = arith.constant 0 : i32
    %dma_wait3A_270 = tpu.memref_slice %arg7[%dma_wait3A_259, %dma_wait3A_268, %dma_wait3A_269] : memref<2x500x16xi32, #tpu.memory_space<vmem>> -> memref<1x500x16xi32, #tpu.memory_space<vmem>>
    %dma_wait3A_271 = tpu.memref_squeeze %dma_wait3A_270 : memref<1x500x16xi32, #tpu.memory_space<vmem>> -> memref<500x16xi32, #tpu.memory_space<vmem>>
    %dma_wait3A_272 = arith.constant 1000 : i32
    %dma_wait3A_273 = arith.constant 0 : i32
    %dma_wait3A_274 = tpu.memref_slice %arg4[%add3A_30, %dma_wait3A_272, %dma_wait3A_273] : memref<4x2500x16xi32, #tpu.memory_space<hbm>> -> memref<1x500x16xi32, #tpu.memory_space<hbm>>
    %dma_wait3A_275 = tpu.memref_squeeze %dma_wait3A_274 : memref<1x500x16xi32, #tpu.memory_space<hbm>> -> memref<500x16xi32, #tpu.memory_space<hbm>>
    tpu.wait_dma2 semaphore(%arg12 : memref<!tpu.dma_semaphore, #tpu.memory_space<semaphore_mem>>) src(%dma_wait3A_275 : memref<500x16xi32, #tpu.memory_space<hbm>>) dst(%dma_wait3A_271 : memref<500x16xi32, #tpu.memory_space<vmem>>)
    %parallel_loop3A_276 = arith.constant 0 : i32
    %parallel_loop3A_277 = arith.constant 500 : i32
    %parallel_loop3A_278 = arith.constant 1 : i32
    scf.for %parallel_loop3A_387 = %parallel_loop3A_276 to %parallel_loop3A_277 step %parallel_loop3A_278  : i32 {
      %parallel_loop3A_388 = arith.constant 0 : i32
      %parallel_loop3A_389 = arith.index_cast %parallel_loop3A_388 : i32 to index
      %parallel_loop3A_390 = arith.index_cast %parallel_loop3A_387 : i32 to index
      %parallel_loop3A_391 = arith.constant 0 : index
      %parallel_loop3A_392 = tpu.vector_load %arg6[%parallel_loop3A_389, %parallel_loop3A_390, %parallel_loop3A_391] {strides = array<i32>} : memref<2x500x16xi32, #tpu.memory_space<vmem>>, vector<16xi32>,
      %parallel_loop3A_393 = arith.constant 0 : i32
      %parallel_loop3A_394 = arith.index_cast %parallel_loop3A_393 : i32 to index
      %parallel_loop3A_395 = arith.index_cast %parallel_loop3A_387 : i32 to index
      %parallel_loop3A_396 = arith.constant 0 : index
      %parallel_loop3A_397 = tpu.vector_load %arg7[%parallel_loop3A_394, %parallel_loop3A_395, %parallel_loop3A_396] {strides = array<i32>} : memref<2x500x16xi32, #tpu.memory_space<vmem>>, vector<16xi32>,
      %parallel_loop3A_398 = tpu.vector_load_idx %arg8[%parallel_loop3A_392] : memref<10240xf32, #tpu.memory_space<vmem>>[vector<16xi32>], vector<16xf32>,
      tpu.vector_store_idx %arg9[%parallel_loop3A_397], %parallel_loop3A_398 {add = true} : memref<10240xf32, #tpu.memory_space<vmem>>[vector<16xi32>], vector<16xf32>,
    } {sc.loop_unroll_factor = 4 : i64, sc.parallel_access}
    %dma_start3A_279 = arith.constant 0 : i32
    %dma_start3A_280 = arith.constant 0 : i32
    %dma_start3A_281 = arith.constant 0 : i32
    %dma_start3A_282 = tpu.memref_slice %arg6[%dma_start3A_279, %dma_start3A_280, %dma_start3A_281] : memref<2x500x16xi32, #tpu.memory_space<vmem>> -> memref<1x500x16xi32, #tpu.memory_space<vmem>>
    %dma_start3A_283 = tpu.memref_squeeze %dma_start3A_282 : memref<1x500x16xi32, #tpu.memory_space<vmem>> -> memref<500x16xi32, #tpu.memory_space<vmem>>
    %dma_start3A_284 = arith.constant 2000 : i32
    %dma_start3A_285 = arith.constant 0 : i32
    %dma_start3A_286 = tpu.memref_slice %arg3[%add3A_30, %dma_start3A_284, %dma_start3A_285] : memref<4x2500x16xi32, #tpu.memory_space<hbm>> -> memref<1x500x16xi32, #tpu.memory_space<hbm>>
    %dma_start3A_287 = tpu.memref_squeeze %dma_start3A_286 : memref<1x500x16xi32, #tpu.memory_space<hbm>> -> memref<500x16xi32, #tpu.memory_space<hbm>>
    %dma_start3A_288 = arith.constant 0 : i32
    %dma_start3A_289 = arith.constant 0 : i32
    %dma_start3A_290 = tpu.memref_slice %arg6[%dma_start3A_279, %dma_start3A_288, %dma_start3A_289] : memref<2x500x16xi32, #tpu.memory_space<vmem>> -> memref<1x500x16xi32, #tpu.memory_space<vmem>>
    %dma_start3A_291 = tpu.memref_squeeze %dma_start3A_290 : memref<1x500x16xi32, #tpu.memory_space<vmem>> -> memref<500x16xi32, #tpu.memory_space<vmem>>
    %dma_start3A_292 = arith.constant 2000 : i32
    %dma_start3A_293 = arith.constant 0 : i32
    %dma_start3A_294 = tpu.memref_slice %arg3[%add3A_30, %dma_start3A_292, %dma_start3A_293] : memref<4x2500x16xi32, #tpu.memory_space<hbm>> -> memref<1x500x16xi32, #tpu.memory_space<hbm>>
    %dma_start3A_295 = tpu.memref_squeeze %dma_start3A_294 : memref<1x500x16xi32, #tpu.memory_space<hbm>> -> memref<500x16xi32, #tpu.memory_space<hbm>>
    tpu.enqueue_dma source(%dma_start3A_295 : memref<500x16xi32, #tpu.memory_space<hbm>>) target(%dma_start3A_291 : memref<500x16xi32, #tpu.memory_space<vmem>>) target_semaphore(%arg10 : memref<!tpu.dma_semaphore, #tpu.memory_space<semaphore_mem>>)
    %dma_start3A_296 = arith.constant 0 : i32
    %dma_start3A_297 = arith.constant 0 : i32
    %dma_start3A_298 = arith.constant 0 : i32
    %dma_start3A_299 = tpu.memref_slice %arg7[%dma_start3A_296, %dma_start3A_297, %dma_start3A_298] : memref<2x500x16xi32, #tpu.memory_space<vmem>> -> memref<1x500x16xi32, #tpu.memory_space<vmem>>
    %dma_start3A_300 = tpu.memref_squeeze %dma_start3A_299 : memref<1x500x16xi32, #tpu.memory_space<vmem>> -> memref<500x16xi32, #tpu.memory_space<vmem>>
    %dma_start3A_301 = arith.constant 2000 : i32
    %dma_start3A_302 = arith.constant 0 : i32
    %dma_start3A_303 = tpu.memref_slice %arg4[%add3A_30, %dma_start3A_301, %dma_start3A_302] : memref<4x2500x16xi32, #tpu.memory_space<hbm>> -> memref<1x500x16xi32, #tpu.memory_space<hbm>>
    %dma_start3A_304 = tpu.memref_squeeze %dma_start3A_303 : memref<1x500x16xi32, #tpu.memory_space<hbm>> -> memref<500x16xi32, #tpu.memory_space<hbm>>
    %dma_start3A_305 = arith.constant 0 : i32
    %dma_start3A_306 = arith.constant 0 : i32
    %dma_start3A_307 = tpu.memref_slice %arg7[%dma_start3A_296, %dma_start3A_305, %dma_start3A_306] : memref<2x500x16xi32, #tpu.memory_space<vmem>> -> memref<1x500x16xi32, #tpu.memory_space<vmem>>
    %dma_start3A_308 = tpu.memref_squeeze %dma_start3A_307 : memref<1x500x16xi32, #tpu.memory_space<vmem>> -> memref<500x16xi32, #tpu.memory_space<vmem>>
    %dma_start3A_309 = arith.constant 2000 : i32
    %dma_start3A_310 = arith.constant 0 : i32
    %dma_start3A_311 = tpu.memref_slice %arg4[%add3A_30, %dma_start3A_309, %dma_start3A_310] : memref<4x2500x16xi32, #tpu.memory_space<hbm>> -> memref<1x500x16xi32, #tpu.memory_space<hbm>>
    %dma_start3A_312 = tpu.memref_squeeze %dma_start3A_311 : memref<1x500x16xi32, #tpu.memory_space<hbm>> -> memref<500x16xi32, #tpu.memory_space<hbm>>
    tpu.enqueue_dma source(%dma_start3A_312 : memref<500x16xi32, #tpu.memory_space<hbm>>) target(%dma_start3A_308 : memref<500x16xi32, #tpu.memory_space<vmem>>) target_semaphore(%arg12 : memref<!tpu.dma_semaphore, #tpu.memory_space<semaphore_mem>>)
    %dma_wait3A_313 = arith.constant 1 : i32
    %dma_wait3A_314 = arith.constant 0 : i32
    %dma_wait3A_315 = arith.constant 0 : i32
    %dma_wait3A_316 = tpu.memref_slice %arg6[%dma_wait3A_313, %dma_wait3A_314, %dma_wait3A_315] : memref<2x500x16xi32, #tpu.memory_space<vmem>> -> memref<1x500x16xi32, #tpu.memory_space<vmem>>
    %dma_wait3A_317 = tpu.memref_squeeze %dma_wait3A_316 : memref<1x500x16xi32, #tpu.memory_space<vmem>> -> memref<500x16xi32, #tpu.memory_space<vmem>>
    %dma_wait3A_318 = arith.constant 1500 : i32
    %dma_wait3A_319 = arith.constant 0 : i32
    %dma_wait3A_320 = tpu.memref_slice %arg3[%add3A_30, %dma_wait3A_318, %dma_wait3A_319] : memref<4x2500x16xi32, #tpu.memory_space<hbm>> -> memref<1x500x16xi32, #tpu.memory_space<hbm>>
    %dma_wait3A_321 = tpu.memref_squeeze %dma_wait3A_320 : memref<1x500x16xi32, #tpu.memory_space<hbm>> -> memref<500x16xi32, #tpu.memory_space<hbm>>
    %dma_wait3A_322 = arith.constant 0 : i32
    %dma_wait3A_323 = arith.constant 0 : i32
    %dma_wait3A_324 = tpu.memref_slice %arg6[%dma_wait3A_313, %dma_wait3A_322, %dma_wait3A_323] : memref<2x500x16xi32, #tpu.memory_space<vmem>> -> memref<1x500x16xi32, #tpu.memory_space<vmem>>
    %dma_wait3A_325 = tpu.memref_squeeze %dma_wait3A_324 : memref<1x500x16xi32, #tpu.memory_space<vmem>> -> memref<500x16xi32, #tpu.memory_space<vmem>>
    %dma_wait3A_326 = arith.constant 1500 : i32
    %dma_wait3A_327 = arith.constant 0 : i32
    %dma_wait3A_328 = tpu.memref_slice %arg3[%add3A_30, %dma_wait3A_326, %dma_wait3A_327] : memref<4x2500x16xi32, #tpu.memory_space<hbm>> -> memref<1x500x16xi32, #tpu.memory_space<hbm>>
    %dma_wait3A_329 = tpu.memref_squeeze %dma_wait3A_328 : memref<1x500x16xi32, #tpu.memory_space<hbm>> -> memref<500x16xi32, #tpu.memory_space<hbm>>
    tpu.wait_dma2 semaphore(%arg11 : memref<!tpu.dma_semaphore, #tpu.memory_space<semaphore_mem>>) src(%dma_wait3A_329 : memref<500x16xi32, #tpu.memory_space<hbm>>) dst(%dma_wait3A_325 : memref<500x16xi32, #tpu.memory_space<vmem>>)
    %dma_wait3A_330 = arith.constant 1 : i32
    %dma_wait3A_331 = arith.constant 0 : i32
    %dma_wait3A_332 = arith.constant 0 : i32
    %dma_wait3A_333 = tpu.memref_slice %arg7[%dma_wait3A_330, %dma_wait3A_331, %dma_wait3A_332] : memref<2x500x16xi32, #tpu.memory_space<vmem>> -> memref<1x500x16xi32, #tpu.memory_space<vmem>>
    %dma_wait3A_334 = tpu.memref_squeeze %dma_wait3A_333 : memref<1x500x16xi32, #tpu.memory_space<vmem>> -> memref<500x16xi32, #tpu.memory_space<vmem>>
    %dma_wait3A_335 = arith.constant 1500 : i32
    %dma_wait3A_336 = arith.constant 0 : i32
    %dma_wait3A_337 = tpu.memref_slice %arg4[%add3A_30, %dma_wait3A_335, %dma_wait3A_336] : memref<4x2500x16xi32, #tpu.memory_space<hbm>> -> memref<1x500x16xi32, #tpu.memory_space<hbm>>
    %dma_wait3A_338 = tpu.memref_squeeze %dma_wait3A_337 : memref<1x500x16xi32, #tpu.memory_space<hbm>> -> memref<500x16xi32, #tpu.memory_space<hbm>>
    %dma_wait3A_339 = arith.constant 0 : i32
    %dma_wait3A_340 = arith.constant 0 : i32
    %dma_wait3A_341 = tpu.memref_slice %arg7[%dma_wait3A_330, %dma_wait3A_339, %dma_wait3A_340] : memref<2x500x16xi32, #tpu.memory_space<vmem>> -> memref<1x500x16xi32, #tpu.memory_space<vmem>>
    %dma_wait3A_342 = tpu.memref_squeeze %dma_wait3A_341 : memref<1x500x16xi32, #tpu.memory_space<vmem>> -> memref<500x16xi32, #tpu.memory_space<vmem>>
    %dma_wait3A_343 = arith.constant 1500 : i32
    %dma_wait3A_344 = arith.constant 0 : i32
    %dma_wait3A_345 = tpu.memref_slice %arg4[%add3A_30, %dma_wait3A_343, %dma_wait3A_344] : memref<4x2500x16xi32, #tpu.memory_space<hbm>> -> memref<1x500x16xi32, #tpu.memory_space<hbm>>
    %dma_wait3A_346 = tpu.memref_squeeze %dma_wait3A_345 : memref<1x500x16xi32, #tpu.memory_space<hbm>> -> memref<500x16xi32, #tpu.memory_space<hbm>>
    tpu.wait_dma2 semaphore(%arg13 : memref<!tpu.dma_semaphore, #tpu.memory_space<semaphore_mem>>) src(%dma_wait3A_346 : memref<500x16xi32, #tpu.memory_space<hbm>>) dst(%dma_wait3A_342 : memref<500x16xi32, #tpu.memory_space<vmem>>)
    %parallel_loop3A_347 = arith.constant 0 : i32
    %parallel_loop3A_348 = arith.constant 500 : i32
    %parallel_loop3A_349 = arith.constant 1 : i32
    scf.for %parallel_loop3A_387 = %parallel_loop3A_347 to %parallel_loop3A_348 step %parallel_loop3A_349  : i32 {
      %parallel_loop3A_388 = arith.constant 1 : i32
      %parallel_loop3A_389 = arith.index_cast %parallel_loop3A_388 : i32 to index
      %parallel_loop3A_390 = arith.index_cast %parallel_loop3A_387 : i32 to index
      %parallel_loop3A_391 = arith.constant 0 : index
      %parallel_loop3A_392 = tpu.vector_load %arg6[%parallel_loop3A_389, %parallel_loop3A_390, %parallel_loop3A_391] {strides = array<i32>} : memref<2x500x16xi32, #tpu.memory_space<vmem>>, vector<16xi32>,
      %parallel_loop3A_393 = arith.constant 1 : i32
      %parallel_loop3A_394 = arith.index_cast %parallel_loop3A_393 : i32 to index
      %parallel_loop3A_395 = arith.index_cast %parallel_loop3A_387 : i32 to index
      %parallel_loop3A_396 = arith.constant 0 : index
      %parallel_loop3A_397 = tpu.vector_load %arg7[%parallel_loop3A_394, %parallel_loop3A_395, %parallel_loop3A_396] {strides = array<i32>} : memref<2x500x16xi32, #tpu.memory_space<vmem>>, vector<16xi32>,
      %parallel_loop3A_398 = tpu.vector_load_idx %arg8[%parallel_loop3A_392] : memref<10240xf32, #tpu.memory_space<vmem>>[vector<16xi32>], vector<16xf32>,
      tpu.vector_store_idx %arg9[%parallel_loop3A_397], %parallel_loop3A_398 {add = true} : memref<10240xf32, #tpu.memory_space<vmem>>[vector<16xi32>], vector<16xf32>,
    } {sc.loop_unroll_factor = 4 : i64, sc.parallel_access}
    %dma_wait3A_350 = arith.constant 0 : i32
    %dma_wait3A_351 = arith.constant 0 : i32
    %dma_wait3A_352 = arith.constant 0 : i32
    %dma_wait3A_353 = tpu.memref_slice %arg6[%dma_wait3A_350, %dma_wait3A_351, %dma_wait3A_352] : memref<2x500x16xi32, #tpu.memory_space<vmem>> -> memref<1x500x16xi32, #tpu.memory_space<vmem>>
    %dma_wait3A_354 = tpu.memref_squeeze %dma_wait3A_353 : memref<1x500x16xi32, #tpu.memory_space<vmem>> -> memref<500x16xi32, #tpu.memory_space<vmem>>
    %dma_wait3A_355 = arith.constant 2000 : i32
    %dma_wait3A_356 = arith.constant 0 : i32
    %dma_wait3A_357 = tpu.memref_slice %arg3[%add3A_30, %dma_wait3A_355, %dma_wait3A_356] : memref<4x2500x16xi32, #tpu.memory_space<hbm>> -> memref<1x500x16xi32, #tpu.memory_space<hbm>>
    %dma_wait3A_358 = tpu.memref_squeeze %dma_wait3A_357 : memref<1x500x16xi32, #tpu.memory_space<hbm>> -> memref<500x16xi32, #tpu.memory_space<hbm>>
    %dma_wait3A_359 = arith.constant 0 : i32
    %dma_wait3A_360 = arith.constant 0 : i32
    %dma_wait3A_361 = tpu.memref_slice %arg6[%dma_wait3A_350, %dma_wait3A_359, %dma_wait3A_360] : memref<2x500x16xi32, #tpu.memory_space<vmem>> -> memref<1x500x16xi32, #tpu.memory_space<vmem>>
    %dma_wait3A_362 = tpu.memref_squeeze %dma_wait3A_361 : memref<1x500x16xi32, #tpu.memory_space<vmem>> -> memref<500x16xi32, #tpu.memory_space<vmem>>
    %dma_wait3A_363 = arith.constant 2000 : i32
    %dma_wait3A_364 = arith.constant 0 : i32
    %dma_wait3A_365 = tpu.memref_slice %arg3[%add3A_30, %dma_wait3A_363, %dma_wait3A_364] : memref<4x2500x16xi32, #tpu.memory_space<hbm>> -> memref<1x500x16xi32, #tpu.memory_space<hbm>>
    %dma_wait3A_366 = tpu.memref_squeeze %dma_wait3A_365 : memref<1x500x16xi32, #tpu.memory_space<hbm>> -> memref<500x16xi32, #tpu.memory_space<hbm>>
    tpu.wait_dma2 semaphore(%arg10 : memref<!tpu.dma_semaphore, #tpu.memory_space<semaphore_mem>>) src(%dma_wait3A_366 : memref<500x16xi32, #tpu.memory_space<hbm>>) dst(%dma_wait3A_362 : memref<500x16xi32, #tpu.memory_space<vmem>>)
    %dma_wait3A_367 = arith.constant 0 : i32
    %dma_wait3A_368 = arith.constant 0 : i32
    %dma_wait3A_369 = arith.constant 0 : i32
    %dma_wait3A_370 = tpu.memref_slice %arg7[%dma_wait3A_367, %dma_wait3A_368, %dma_wait3A_369] : memref<2x500x16xi32, #tpu.memory_space<vmem>> -> memref<1x500x16xi32, #tpu.memory_space<vmem>>
    %dma_wait3A_371 = tpu.memref_squeeze %dma_wait3A_370 : memref<1x500x16xi32, #tpu.memory_space<vmem>> -> memref<500x16xi32, #tpu.memory_space<vmem>>
    %dma_wait3A_372 = arith.constant 2000 : i32
    %dma_wait3A_373 = arith.constant 0 : i32
    %dma_wait3A_374 = tpu.memref_slice %arg4[%add3A_30, %dma_wait3A_372, %dma_wait3A_373] : memref<4x2500x16xi32, #tpu.memory_space<hbm>> -> memref<1x500x16xi32, #tpu.memory_space<hbm>>
    %dma_wait3A_375 = tpu.memref_squeeze %dma_wait3A_374 : memref<1x500x16xi32, #tpu.memory_space<hbm>> -> memref<500x16xi32, #tpu.memory_space<hbm>>
    %dma_wait3A_376 = arith.constant 0 : i32
    %dma_wait3A_377 = arith.constant 0 : i32
    %dma_wait3A_378 = tpu.memref_slice %arg7[%dma_wait3A_367, %dma_wait3A_376, %dma_wait3A_377] : memref<2x500x16xi32, #tpu.memory_space<vmem>> -> memref<1x500x16xi32, #tpu.memory_space<vmem>>
    %dma_wait3A_379 = tpu.memref_squeeze %dma_wait3A_378 : memref<1x500x16xi32, #tpu.memory_space<vmem>> -> memref<500x16xi32, #tpu.memory_space<vmem>>
    %dma_wait3A_380 = arith.constant 2000 : i32
    %dma_wait3A_381 = arith.constant 0 : i32
    %dma_wait3A_382 = tpu.memref_slice %arg4[%add3A_30, %dma_wait3A_380, %dma_wait3A_381] : memref<4x2500x16xi32, #tpu.memory_space<hbm>> -> memref<1x500x16xi32, #tpu.memory_space<hbm>>
    %dma_wait3A_383 = tpu.memref_squeeze %dma_wait3A_382 : memref<1x500x16xi32, #tpu.memory_space<hbm>> -> memref<500x16xi32, #tpu.memory_space<hbm>>
    tpu.wait_dma2 semaphore(%arg12 : memref<!tpu.dma_semaphore, #tpu.memory_space<semaphore_mem>>) src(%dma_wait3A_383 : memref<500x16xi32, #tpu.memory_space<hbm>>) dst(%dma_wait3A_379 : memref<500x16xi32, #tpu.memory_space<vmem>>)
    %parallel_loop3A_384 = arith.constant 0 : i32
    %parallel_loop3A_385 = arith.constant 500 : i32
    %parallel_loop3A_386 = arith.constant 1 : i32
    scf.for %parallel_loop3A_387 = %parallel_loop3A_384 to %parallel_loop3A_385 step %parallel_loop3A_386  : i32 {
      %parallel_loop3A_388 = arith.constant 0 : i32
      %parallel_loop3A_389 = arith.index_cast %parallel_loop3A_388 : i32 to index
      %parallel_loop3A_390 = arith.index_cast %parallel_loop3A_387 : i32 to index
      %parallel_loop3A_391 = arith.constant 0 : index
      %parallel_loop3A_392 = tpu.vector_load %arg6[%parallel_loop3A_389, %parallel_loop3A_390, %parallel_loop3A_391] {strides = array<i32>} : memref<2x500x16xi32, #tpu.memory_space<vmem>>, vector<16xi32>,
      %parallel_loop3A_393 = arith.constant 0 : i32
      %parallel_loop3A_394 = arith.index_cast %parallel_loop3A_393 : i32 to index
      %parallel_loop3A_395 = arith.index_cast %parallel_loop3A_387 : i32 to index
      %parallel_loop3A_396 = arith.constant 0 : index
      %parallel_loop3A_397 = tpu.vector_load %arg7[%parallel_loop3A_394, %parallel_loop3A_395, %parallel_loop3A_396] {strides = array<i32>} : memref<2x500x16xi32, #tpu.memory_space<vmem>>, vector<16xi32>,
      %parallel_loop3A_398 = tpu.vector_load_idx %arg8[%parallel_loop3A_392] : memref<10240xf32, #tpu.memory_space<vmem>>[vector<16xi32>], vector<16xf32>,
      tpu.vector_store_idx %arg9[%parallel_loop3A_397], %parallel_loop3A_398 {add = true} : memref<10240xf32, #tpu.memory_space<vmem>>[vector<16xi32>], vector<16xf32>,
    } {sc.loop_unroll_factor = 4 : i64, sc.parallel_access}
    "tpu.region"() ({
      %run_scoped3A = tpu.sem_alloc : memref<!tpu.dma_semaphore, #tpu.memory_space<semaphore_mem>>
      %dma_start3A_387 = arith.constant 0 : i32
      %dma_start3A_388 = tpu.memref_slice %arg5[%add3A_30, %select_n3A_7, %dma_start3A_387] : memref<4x8x10240xf32, #tpu.memory_space<hbm>> -> memref<1x1x10240xf32, #tpu.memory_space<hbm>>
      %dma_start3A_389 = tpu.memref_squeeze %dma_start3A_388 : memref<1x1x10240xf32, #tpu.memory_space<hbm>> -> memref<10240xf32, #tpu.memory_space<hbm>>
      %dma_start3A_390 = arith.constant 0 : i32
      %dma_start3A_391 = tpu.memref_slice %arg5[%add3A_30, %select_n3A_7, %dma_start3A_390] : memref<4x8x10240xf32, #tpu.memory_space<hbm>> -> memref<1x1x10240xf32, #tpu.memory_space<hbm>>
      %dma_start3A_392 = tpu.memref_squeeze %dma_start3A_391 : memref<1x1x10240xf32, #tpu.memory_space<hbm>> -> memref<10240xf32, #tpu.memory_space<hbm>>
      tpu.enqueue_dma source(%arg9 : memref<10240xf32, #tpu.memory_space<vmem>>) target(%dma_start3A_392 : memref<10240xf32, #tpu.memory_space<hbm>>) target_semaphore(%run_scoped3A : memref<!tpu.dma_semaphore, #tpu.memory_space<semaphore_mem>>)
      %dma_wait3A_393 = arith.constant 0 : i32
      %dma_wait3A_394 = tpu.memref_slice %arg5[%add3A_30, %select_n3A_7, %dma_wait3A_393] : memref<4x8x10240xf32, #tpu.memory_space<hbm>> -> memref<1x1x10240xf32, #tpu.memory_space<hbm>>
      %dma_wait3A_395 = tpu.memref_squeeze %dma_wait3A_394 : memref<1x1x10240xf32, #tpu.memory_space<hbm>> -> memref<10240xf32, #tpu.memory_space<hbm>>
      %dma_wait3A_396 = arith.constant 0 : i32
      %dma_wait3A_397 = tpu.memref_slice %arg5[%add3A_30, %select_n3A_7, %dma_wait3A_396] : memref<4x8x10240xf32, #tpu.memory_space<hbm>> -> memref<1x1x10240xf32, #tpu.memory_space<hbm>>
      %dma_wait3A_398 = tpu.memref_squeeze %dma_wait3A_397 : memref<1x1x10240xf32, #tpu.memory_space<hbm>> -> memref<10240xf32, #tpu.memory_space<hbm>>
      tpu.wait_dma2 semaphore(%run_scoped3A : memref<!tpu.dma_semaphore, #tpu.memory_space<semaphore_mem>>) src(%arg9 : memref<10240xf32, #tpu.memory_space<vmem>>) dst(%dma_wait3A_398 : memref<10240xf32, #tpu.memory_space<hbm>>)
      tpu.yield
    }) : () -> ()
    return
  }
}

module attributes {stable_mosaic.version = 14 : i64} {
  func.func @body(%arg0: i32, %arg1: memref<1024x256xf32, #tpu.memory_space<vmem>>, %arg2: memref<256x16xf32, #tpu.memory_space<vmem>>, %arg3: memref<16x1024xf32, #tpu.memory_space<vmem>>) attributes {dimension_semantics = [#tpu.dimension_semantics<arbitrary>], iteration_bounds = array<i64: 10>, scalar_prefetch = 0 : i64, scratch_operands = 0 : i64, tpu.core_type = #tpu.core_type<tc>, window_params = [{transform_indices = @transform_0, window_bounds = array<i64: 1024, 256>}, {pipeline_mode = #tpu.pipeline_mode<synchronous>, transform_indices = @transform_1, window_bounds = array<i64: 256, 16>}, {transform_indices = @transform_2, window_bounds = array<i64: 16, 1024>}]} {
    %get3A = arith.constant 0 : index
    %get3A_0 = arith.constant 0 : index
    %get3A_1 = vector.load %arg2[%get3A, %get3A_0] : memref<256x16xf32, #tpu.memory_space<vmem>>, vector<256x16xf32>
    %get3A_2 = arith.constant 0 : index
    %get3A_3 = arith.constant 0 : index
    %get3A_4 = vector.load %arg1[%get3A_2, %get3A_3] : memref<1024x256xf32, #tpu.memory_space<vmem>>, vector<1024x256xf32>
    %dot_general3A = arith.constant dense<0.000000e+00> : vector<16x1024xf32>
    %dot_general3A_5 = tpu.matmul %get3A_1, %get3A_4, %dot_general3A {dimension_numbers = #tpu.dot_dimension_numbers<[0], [1], [1], [0], [0, 1, 1, 0], [], []>, transpose_lhs_hint = false} : vector<256x16xf32>, vector<1024x256xf32>, vector<16x1024xf32> -> vector<16x1024xf32>
    %swap3A = arith.constant 0 : index
    %swap3A_6 = arith.constant 0 : index
    %swap3A_7 = vector.load %arg3[%swap3A, %swap3A_6] : memref<16x1024xf32, #tpu.memory_space<vmem>>, vector<16x1024xf32>
    tpu.vector_store %arg3[%swap3A, %swap3A_6], %dot_general3A_5 {strides = array<i32>} : memref<16x1024xf32, #tpu.memory_space<vmem>>, vector<16x1024xf32>,
    return
  }
  func.func @transform_0(%arg0: i32) -> (i32, i32) {
    %c0_i32 = arith.constant 0 : i32
    %c0_i32_0 = arith.constant 0 : i32
    return %arg0, %c0_i32 : i32, i32
  }
  func.func @transform_1(%arg0: i32) -> (i32, i32) {
    %c0_i32 = arith.constant 0 : i32
    %c0_i32_0 = arith.constant 0 : i32
    %c0_i32_1 = arith.constant 0 : i32
    return %c0_i32, %c0_i32_0 : i32, i32
  }
  func.func @transform_2(%arg0: i32) -> (i32, i32) {
    %c0_i32 = arith.constant 0 : i32
    %c0_i32_0 = arith.constant 0 : i32
    return %c0_i32, %arg0 : i32, i32
  }
}

module attributes {stable_mosaic.version = 14 : i64} {
  func.func @body(%arg0: i32, %arg1: memref<16x1024xf32, #tpu.memory_space<vmem>>, %arg2: memref<2x16x1024xf32, #tpu.memory_space<vmem>>, %arg3: memref<1x1024xf32, #tpu.memory_space<vmem>>, %arg4: memref<16x1xf32, #tpu.memory_space<vmem>>, %arg5: memref<16x7xf32, #tpu.memory_space<vmem>>, %arg6: memref<8x1024xf32, #tpu.memory_space<vmem>>) attributes {dimension_semantics = [#tpu.dimension_semantics<arbitrary>], iteration_bounds = array<i64: 10>, scalar_prefetch = 0 : i64, scratch_operands = 0 : i64, tpu.core_type = #tpu.core_type<tc>, window_params = [{transform_indices = @transform_0, window_bounds = array<i64: 16, 1024>}, {transform_indices = @transform_1, window_bounds = array<i64: 2, 16, 1024>}, {transform_indices = @transform_2, window_bounds = array<i64: 1, 1024>}, {pipeline_mode = #tpu.pipeline_mode<synchronous>, transform_indices = @transform_3, window_bounds = array<i64: 16, 1>}, {pipeline_mode = #tpu.pipeline_mode<synchronous>, transform_indices = @transform_4, window_bounds = array<i64: 16, 7>}, {transform_indices = @transform_5, window_bounds = array<i64: 8, 1024>}]} {
    %get3A = arith.constant 0 : index
    %get3A_0 = arith.constant 0 : index
    %get3A_1 = vector.load %arg1[%get3A, %get3A_0] : memref<16x1024xf32, #tpu.memory_space<vmem>>, vector<16x1024xf32>
    %get3A_2 = arith.constant 0 : index
    %get3A_3 = arith.constant 0 : index
    %get3A_4 = vector.load %arg3[%get3A_2, %get3A_3] : memref<1x1024xf32, #tpu.memory_space<vmem>>, vector<1x1024xf32>
    %mul3A = vector.broadcast %get3A_4 : vector<1x1024xf32> to vector<16x1024xf32>
    %mul3A_5 = arith.mulf %get3A_1, %mul3A : vector<16x1024xf32>
    %get3A_6 = arith.constant 0 : index
    %get3A_7 = arith.constant 0 : index
    %get3A_8 = arith.constant 0 : index
    %get3A_9 = vector.load %arg2[%get3A_6, %get3A_7, %get3A_8] : memref<2x16x1024xf32, #tpu.memory_space<vmem>>, vector<1x16x1024xf32>
    %get3A_10 = vector.shape_cast %get3A_9 : vector<1x16x1024xf32> to vector<16x1024xf32>
    %add3A = arith.addf %mul3A_5, %get3A_10 : vector<16x1024xf32>
    %get3A_11 = arith.constant 1 : index
    %get3A_12 = arith.constant 0 : index
    %get3A_13 = arith.constant 0 : index
    %get3A_14 = vector.load %arg2[%get3A_11, %get3A_12, %get3A_13] : memref<2x16x1024xf32, #tpu.memory_space<vmem>>, vector<1x16x1024xf32>
    %get3A_15 = vector.shape_cast %get3A_14 : vector<1x16x1024xf32> to vector<16x1024xf32>
    %add3A_16 = arith.addf %add3A, %get3A_15 : vector<16x1024xf32>
    %get3A_17 = arith.constant 0 : index
    %get3A_18 = arith.constant 0 : index
    %get3A_19 = vector.load %arg3[%get3A_17, %get3A_18] : memref<1x1024xf32, #tpu.memory_space<vmem>>, vector<1x1024xf32>
    %mul3A_20 = vector.broadcast %get3A_19 : vector<1x1024xf32> to vector<16x1024xf32>
    %mul3A_21 = arith.mulf %add3A_16, %mul3A_20 : vector<16x1024xf32>
    %get3A_22 = arith.constant 0 : index
    %get3A_23 = arith.constant 0 : index
    %get3A_24 = vector.load %arg4[%get3A_22, %get3A_23] : memref<16x1xf32, #tpu.memory_space<vmem>>, vector<16x1xf32>
    %add3A_25 = vector.broadcast %get3A_24 : vector<16x1xf32> to vector<16x1024xf32>
    %add3A_26 = arith.addf %mul3A_21, %add3A_25 : vector<16x1024xf32>
    %max3A = arith.constant 0.000000e+00 : f32
    %max3A_27 = vector.broadcast %max3A : f32 to vector<16x1024xf32>
    %max3A_28 = arith.maximumf %add3A_26, %max3A_27 : vector<16x1024xf32>
    %get3A_29 = arith.constant 0 : index
    %get3A_30 = arith.constant 0 : index
    %get3A_31 = vector.load %arg5[%get3A_29, %get3A_30] : memref<16x7xf32, #tpu.memory_space<vmem>>, vector<16x7xf32>
    %dot_general3A = arith.constant dense<0.000000e+00> : vector<7x1024xf32>
    %dot_general3A_32 = tpu.matmul %get3A_31, %max3A_28, %dot_general3A {dimension_numbers = #tpu.dot_dimension_numbers<[0], [0], [1], [1], [0, 1, 1, 1], [], []>, transpose_lhs_hint = false} : vector<16x7xf32>, vector<16x1024xf32>, vector<7x1024xf32> -> vector<7x1024xf32>
    %get3A_33 = arith.constant 0 : index
    %get3A_34 = arith.constant 0 : index
    %get3A_35 = vector.load %arg3[%get3A_33, %get3A_34] : memref<1x1024xf32, #tpu.memory_space<vmem>>, vector<1x1024xf32>
    %mul3A_36 = vector.broadcast %get3A_35 : vector<1x1024xf32> to vector<7x1024xf32>
    %mul3A_37 = arith.mulf %dot_general3A_32, %mul3A_36 : vector<7x1024xf32>
    %swap3A = arith.constant 0 : index
    %swap3A_38 = arith.constant 0 : index
    %swap3A_39 = vector.load %arg6[%swap3A, %swap3A_38] : memref<8x1024xf32, #tpu.memory_space<vmem>>, vector<7x1024xf32>
    tpu.vector_store %arg6[%swap3A, %swap3A_38], %mul3A_37 {strides = array<i32>} : memref<8x1024xf32, #tpu.memory_space<vmem>>, vector<7x1024xf32>,
    %broadcast_in_dim3A = arith.constant 0.000000e+00 : f32
    %broadcast_in_dim3A_40 = vector.broadcast %broadcast_in_dim3A : f32 to vector<1x1024xf32>
    %swap3A_41 = arith.constant 7 : index
    %swap3A_42 = arith.constant 0 : index
    %swap3A_43 = vector.load %arg6[%swap3A_41, %swap3A_42] : memref<8x1024xf32, #tpu.memory_space<vmem>>, vector<1x1024xf32>
    tpu.vector_store %arg6[%swap3A_41, %swap3A_42], %broadcast_in_dim3A_40 {strides = array<i32>} : memref<8x1024xf32, #tpu.memory_space<vmem>>, vector<1x1024xf32>,
    return
  }
  func.func @transform_0(%arg0: i32) -> (i32, i32) {
    %c0_i32 = arith.constant 0 : i32
    %c0_i32_0 = arith.constant 0 : i32
    return %c0_i32, %arg0 : i32, i32
  }
  func.func @transform_1(%arg0: i32) -> (i32, i32, i32) {
    %c0_i32 = arith.constant 0 : i32
    %c0_i32_0 = arith.constant 0 : i32
    %c0_i32_1 = arith.constant 0 : i32
    return %c0_i32, %c0_i32_0, %arg0 : i32, i32, i32
  }
  func.func @transform_2(%arg0: i32) -> (i32, i32) {
    %c0_i32 = arith.constant 0 : i32
    %c0_i32_0 = arith.constant 0 : i32
    return %c0_i32, %arg0 : i32, i32
  }
  func.func @transform_3(%arg0: i32) -> (i32, i32) {
    %c0_i32 = arith.constant 0 : i32
    %c0_i32_0 = arith.constant 0 : i32
    %c0_i32_1 = arith.constant 0 : i32
    return %c0_i32, %c0_i32_0 : i32, i32
  }
  func.func @transform_4(%arg0: i32) -> (i32, i32) {
    %c0_i32 = arith.constant 0 : i32
    %c0_i32_0 = arith.constant 0 : i32
    %c0_i32_1 = arith.constant 0 : i32
    return %c0_i32, %c0_i32_0 : i32, i32
  }
  func.func @transform_5(%arg0: i32) -> (i32, i32) {
    %c0_i32 = arith.constant 0 : i32
    %c0_i32_0 = arith.constant 0 : i32
    return %c0_i32, %arg0 : i32, i32
  }
}

module attributes {stable_mosaic.version = 14 : i64} {
  func.func @body(%arg0: i32, %arg1: memref<8x1024xf32, #tpu.memory_space<vmem>>, %arg2: memref<4x8x1024xf32, #tpu.memory_space<vmem>>, %arg3: memref<1x1024xf32, #tpu.memory_space<vmem>>, %arg4: memref<7x1xf32, #tpu.memory_space<vmem>>, %arg5: memref<1024x7xf32, #tpu.memory_space<vmem>>) attributes {dimension_semantics = [#tpu.dimension_semantics<arbitrary>], iteration_bounds = array<i64: 10>, scalar_prefetch = 0 : i64, scratch_operands = 0 : i64, tpu.core_type = #tpu.core_type<tc>, window_params = [{transform_indices = @transform_0, window_bounds = array<i64: 8, 1024>}, {transform_indices = @transform_1, window_bounds = array<i64: 4, 8, 1024>}, {transform_indices = @transform_2, window_bounds = array<i64: 1, 1024>}, {pipeline_mode = #tpu.pipeline_mode<synchronous>, transform_indices = @transform_3, window_bounds = array<i64: 7, 1>}, {transform_indices = @transform_4, window_bounds = array<i64: 1024, 7>}]} {
    %get3A = arith.constant 0 : index
    %get3A_0 = arith.constant 0 : index
    %get3A_1 = vector.load %arg1[%get3A, %get3A_0] : memref<8x1024xf32, #tpu.memory_space<vmem>>, vector<8x1024xf32>
    %get3A_2 = arith.constant 0 : index
    %get3A_3 = arith.constant 0 : index
    %get3A_4 = arith.constant 0 : index
    %get3A_5 = vector.load %arg2[%get3A_2, %get3A_3, %get3A_4] : memref<4x8x1024xf32, #tpu.memory_space<vmem>>, vector<1x8x1024xf32>
    %get3A_6 = vector.shape_cast %get3A_5 : vector<1x8x1024xf32> to vector<8x1024xf32>
    %add3A = arith.addf %get3A_1, %get3A_6 : vector<8x1024xf32>
    %get3A_7 = arith.constant 1 : index
    %get3A_8 = arith.constant 0 : index
    %get3A_9 = arith.constant 0 : index
    %get3A_10 = vector.load %arg2[%get3A_7, %get3A_8, %get3A_9] : memref<4x8x1024xf32, #tpu.memory_space<vmem>>, vector<1x8x1024xf32>
    %get3A_11 = vector.shape_cast %get3A_10 : vector<1x8x1024xf32> to vector<8x1024xf32>
    %add3A_12 = arith.addf %add3A, %get3A_11 : vector<8x1024xf32>
    %get3A_13 = arith.constant 2 : index
    %get3A_14 = arith.constant 0 : index
    %get3A_15 = arith.constant 0 : index
    %get3A_16 = vector.load %arg2[%get3A_13, %get3A_14, %get3A_15] : memref<4x8x1024xf32, #tpu.memory_space<vmem>>, vector<1x8x1024xf32>
    %get3A_17 = vector.shape_cast %get3A_16 : vector<1x8x1024xf32> to vector<8x1024xf32>
    %add3A_18 = arith.addf %add3A_12, %get3A_17 : vector<8x1024xf32>
    %get3A_19 = arith.constant 3 : index
    %get3A_20 = arith.constant 0 : index
    %get3A_21 = arith.constant 0 : index
    %get3A_22 = vector.load %arg2[%get3A_19, %get3A_20, %get3A_21] : memref<4x8x1024xf32, #tpu.memory_space<vmem>>, vector<1x8x1024xf32>
    %get3A_23 = vector.shape_cast %get3A_22 : vector<1x8x1024xf32> to vector<8x1024xf32>
    %add3A_24 = arith.addf %add3A_18, %get3A_23 : vector<8x1024xf32>
    %get3A_25 = arith.constant 0 : index
    %get3A_26 = arith.constant 0 : index
    %get3A_27 = vector.load %arg3[%get3A_25, %get3A_26] : memref<1x1024xf32, #tpu.memory_space<vmem>>, vector<1x1024xf32>
    %mul3A = vector.broadcast %get3A_27 : vector<1x1024xf32> to vector<8x1024xf32>
    %mul3A_28 = arith.mulf %add3A_24, %mul3A : vector<8x1024xf32>
    %slice3A = vector.extract_strided_slice %mul3A_28 {offsets = [0, 0], sizes = [7, 1024], strides = [1, 1]} : vector<8x1024xf32> to vector<7x1024xf32>
    %get3A_29 = arith.constant 0 : index
    %get3A_30 = arith.constant 0 : index
    %get3A_31 = vector.load %arg4[%get3A_29, %get3A_30] : memref<7x1xf32, #tpu.memory_space<vmem>>, vector<7x1xf32>
    %add3A_32 = vector.broadcast %get3A_31 : vector<7x1xf32> to vector<7x1024xf32>
    %add3A_33 = arith.addf %slice3A, %add3A_32 : vector<7x1024xf32>
    %reduce_max3A = arith.constant dense<0xFF800000> : vector<1024xf32>
    %reduce_max3A_34 = vector.multi_reduction <maximumf>, %add3A_33, %reduce_max3A [0] : vector<7x1024xf32> to vector<1024xf32>
    %broadcast_in_dim3A = vector.shape_cast %reduce_max3A_34 : vector<1024xf32> to vector<1x1024xf32>
    %sub3A = vector.broadcast %broadcast_in_dim3A : vector<1x1024xf32> to vector<7x1024xf32>
    %sub3A_35 = arith.subf %add3A_33, %sub3A : vector<7x1024xf32>
    %exp3A = math.exp %sub3A_35 : vector<7x1024xf32>
    %reduce_sum3A = arith.constant dense<0.000000e+00> : vector<1024xf32>
    %reduce_sum3A_36 = vector.multi_reduction <add>, %exp3A, %reduce_sum3A [0] : vector<7x1024xf32> to vector<1024xf32>
    %broadcast_in_dim3A_37 = vector.shape_cast %reduce_sum3A_36 : vector<1024xf32> to vector<1x1024xf32>
    %log3A = math.log %broadcast_in_dim3A_37 : vector<1x1024xf32>
    %add3A_38 = arith.addf %log3A, %broadcast_in_dim3A : vector<1x1024xf32>
    %sub3A_39 = vector.broadcast %add3A_38 : vector<1x1024xf32> to vector<7x1024xf32>
    %sub3A_40 = arith.subf %add3A_33, %sub3A_39 : vector<7x1024xf32>
    %transpose3A = tpu.transpose %sub3A_40, [1, 0] : vector<7x1024xf32> -> vector<1024x7xf32>
    %swap3A = arith.constant 0 : index
    %swap3A_41 = arith.constant 0 : index
    %swap3A_42 = vector.load %arg5[%swap3A, %swap3A_41] : memref<1024x7xf32, #tpu.memory_space<vmem>>, vector<1024x7xf32>
    tpu.vector_store %arg5[%swap3A, %swap3A_41], %transpose3A {strides = array<i32>} : memref<1024x7xf32, #tpu.memory_space<vmem>>, vector<1024x7xf32>,
    return
  }
  func.func @transform_0(%arg0: i32) -> (i32, i32) {
    %c0_i32 = arith.constant 0 : i32
    %c0_i32_0 = arith.constant 0 : i32
    return %c0_i32, %arg0 : i32, i32
  }
  func.func @transform_1(%arg0: i32) -> (i32, i32, i32) {
    %c0_i32 = arith.constant 0 : i32
    %c0_i32_0 = arith.constant 0 : i32
    %c0_i32_1 = arith.constant 0 : i32
    return %c0_i32, %c0_i32_0, %arg0 : i32, i32, i32
  }
  func.func @transform_2(%arg0: i32) -> (i32, i32) {
    %c0_i32 = arith.constant 0 : i32
    %c0_i32_0 = arith.constant 0 : i32
    return %c0_i32, %arg0 : i32, i32
  }
  func.func @transform_3(%arg0: i32) -> (i32, i32) {
    %c0_i32 = arith.constant 0 : i32
    %c0_i32_0 = arith.constant 0 : i32
    %c0_i32_1 = arith.constant 0 : i32
    return %c0_i32, %c0_i32_0 : i32, i32
  }
  func.func @transform_4(%arg0: i32) -> (i32, i32) {
    %c0_i32 = arith.constant 0 : i32
    %c0_i32_0 = arith.constant 0 : i32
    return %arg0, %c0_i32 : i32, i32
  }
}

</mosaic_0001>

<sc_bundles>
// kernel: kernel.10.cloned.1.call-start
scs
__scs_entry_jumppad:
0x0: {  	(pc) =	sbr.rel $0x88, $3  }
0x1: {  	(tag) =	ssettag $0x0;
	lr =	simm.s32 $0x1  }
0x2: {  	[smem:$0x3F9B] =	sst lr;
	_ =	strace $0xD0000000  }
0x3: {  	_ = 	snop  }
0x4: {  	_ = 	snop  }
0x5: {  	_ = 	snop  }
0x6: {  	_ = 	snop  }
0x7: {  	_ = 	snop  }
__scs_overlays_trampoline_lowered:
0x8: {  	[smem:$0x3FAA] =	sst s0  }
0x9: {  	[smem:$0x3FAB] =	sst s1  }
0xa: {  	[smem:$0x3FAC] =	sst s2  }
0xb: {  	[smem:$0x3FAD] =	sst s3  }
0xc: {  	[smem:$0x3FAE] =	sst s4  }
0xd: {  	[smem:$0x3FAF] =	sst s5  }
0xe: {  	[smem:$0x3FB0] =	sst s6  }
0xf: {  	[smem:$0x3FB1] =	sst s7  }
0x10: {  	[smem:$0x3FB2] =	sst s8  }
0x11: {  	[smem:$0x3FB3] =	sst s9;
	s0 =	simm.s32 @!p0 $0x0  }
0x12: {  	s1 =	sld [smem:$0x3F99];
	s0 =	simm.s32 @p0 $0x1  }
0x13: {  	[smem:$0x3FB4] =	sst s0;
	s0 =	simm.s32 @!p1 $0x0  }
0x14: {  	s2 =	sld [smem:$0x3F98];
	s0 =	simm.s32 @p1 $0x1  }
0x15: {  	[smem:$0x3FB5] =	sst s0;
	s0 =	simm.s32 @!p2 $0x0  }
0x16: {  	s3 =	sld [smem:$0x3FDB];
	s0 =	simm.s32 @p2 $0x1  }
0x17: {  	s4 =	simm.s32 $0x1BF5;
	[smem:$0x3FB7] =	sst s0  }
0x18: {  	s0 =	sld [smem:$0x3F9A];
	_ =	swait.ge [sflag:s4], $0x0  }
0x19: {  	s7 =	sld [smem:$0x3F9B]  }
0x1a: {  	s8 =	sadd.s32 $0xFFFFE003, lr  }
0x1b: {  	s9 =	sadd.s32 $0xFFFFFEF7, lr;
	s5 =	simm.s32 $0xFFFFFFFF;
	p2 =	slt.u32 s8, $0xFFFFF086  }
0x1c: {  	p1 =	slt.u32 s9, $0xF7A;
	s5 =	simm.s32 @!p2 $0x0  }
0x1d: {  	s5 =	simm.s32 @p1 $0x1;
	p0 =	seq.s32 s7, s2  }
0x1e: {  	s7 =	smul.u32 @!p0 $0xF7A, s2;
	p2 =	seq.s32 @!p0 s5, $0x0  }
0x1f: {  	s9 =	smul.u32 $0xF7A, s1;
	s8 =	simm.s32 @!p0 $0x1BF5;
	p2 =	por !p2, p0  }
0x20: {  	[sflag:s8] =	ssyncset.s32 @!p0 $0xFFFFF086;
	s6 =	sadd.s32 @!p0 s3, s7;
	s7 =	simm.s32 @!p0 $0x108  }
0x21: {  	s3 =	sadd.s32 s3, s9;
	s6 =	sadd.s32 @!p0 $0x88, s6;
	s7 =	simm.s32 @p2 $0x1082  }
0x22: {  	[simem:s7], [sflag:s8] =	dma.local @!p0 [hbm:s6], $0xF7A  }
0x23: {  	s9 =	sor.u32 $0xD0000000, s2;
	s6 =	simm.s32 $0x108;
	_ =	swait.ge @!p0 [sflag:s8], $0x0  }
0x24: {  	s3 =	sadd.s32 $0x88, s3;
	s6 =	simm.s32 @!p1 $0x1082;
	[sflag:s4] =	ssyncset.s32 $0xFFFFF086  }
0x25: {  	[simem:s6], [sflag:s4] =	dma.local [hbm:s3], $0xF7A  }
0x26: {  	[smem:$0x3F9B] =	sst s1;
	(tag) =	ssettag s2;
	_ =	strace s9  }
0x27: {  	s1 =	sld [smem:$0x3FAB]  }
0x28: {  	s2 =	sld [smem:$0x3FAC]  }
0x29: {  	s4 =	sld [smem:$0x3FAE]  }
0x2a: {  	p0 =	seq.s32 s5, $0x0;
	s5 =	sld [smem:$0x3FAF]  }
0x2b: {  	s6 =	sld [smem:$0x3FB0]  }
0x2c: {  	s7 =	sld [smem:$0x3FB1]  }
0x2d: {  	s3 =	simm.s32 $0x108;
	s8 =	sld [smem:$0x3FB2]  }
0x2e: {  	s3 =	simm.s32 @!p0 $0x1082;
	s9 =	sld [smem:$0x3FB3]  }
0x2f: {  	lr =	sadd.s32 s0, s3;
	s0 =	sld [smem:$0x3FAA]  }
0x30: {  	s3 =	sld [smem:$0x3FAD]  }
0x31: {  	[smem:$0x3FB6] =	sst s10  }
0x32: {  	s10 =	sld [smem:$0x3FB4];
	_ =	sdelay $0x3  }
0x33: {  	p0 =	seq.s32 s10, $0x1;
	s10 =	sld [smem:$0x3FB6];
	_ =	sdelay $0x3  }
0x34: {  	[smem:$0x3FB6] =	sst s10  }
0x35: {  	s10 =	sld [smem:$0x3FB5];
	_ =	sdelay $0x3  }
0x36: {  	p1 =	seq.s32 s10, $0x1;
	s10 =	sld [smem:$0x3FB6];
	_ =	sdelay $0x3  }
0x37: {  	[smem:$0x3FB6] =	sst s10  }
0x38: {  	s10 =	sld [smem:$0x3FB7]  }
0x39: {  	_ = 	snop;
	(pc) =	sbr.ind lr, $3  }
0x3a: {  	_ = 	snop  }
0x3b: {  	_ = 	snop  }
0x3c: {  	p2 =	seq.s32 s10, $0x1;
	s10 =	sld [smem:$0x3FB6]  }
0x3d: {  	_ =	shalt  }
0x3e: {  	_ =	shalt  }
0x3f: {  	_ =	shalt  }
0x40: {  	_ =	shalt  }
0x41: {  	_ =	shalt  }
0x42: {  	_ =	shalt  }
0x43: {  	_ =	shalt  }
0x44: {  	_ =	shalt  }
0x45: {  	_ =	shalt  }
0x46: {  	_ =	shalt  }
0x47: {  	_ =	shalt  }
0x48: {  	_ =	shalt  }
0x49: {  	_ =	shalt  }
0x4a: {  	_ =	shalt  }
0x4b: {  	_ =	shalt  }
0x4c: {  	_ =	shalt  }
0x4d: {  	_ =	shalt  }
0x4e: {  	_ =	shalt  }
0x4f: {  	_ =	shalt  }
0x50: {  	_ =	shalt  }
0x51: {  	_ =	shalt  }
0x52: {  	_ =	shalt  }
0x53: {  	_ =	shalt  }
0x54: {  	_ =	shalt  }
0x55: {  	_ =	shalt  }
0x56: {  	_ =	shalt  }
0x57: {  	_ =	shalt  }
0x58: {  	_ =	shalt  }
0x59: {  	_ =	shalt  }
0x5a: {  	_ =	shalt  }
0x5b: {  	_ =	shalt  }
0x5c: {  	_ =	shalt  }
0x5d: {  	_ =	shalt  }
0x5e: {  	_ =	shalt  }
0x5f: {  	_ =	shalt  }
0x60: {  	_ =	shalt  }
0x61: {  	_ =	shalt  }
0x62: {  	_ =	shalt  }
0x63: {  	_ =	shalt  }
0x64: {  	_ =	shalt  }
0x65: {  	_ =	shalt  }
0x66: {  	_ =	shalt  }
0x67: {  	_ =	shalt  }
0x68: {  	_ =	shalt  }
0x69: {  	_ =	shalt  }
0x6a: {  	_ =	shalt  }
0x6b: {  	_ =	shalt  }
0x6c: {  	_ =	shalt  }
0x6d: {  	_ =	shalt  }
0x6e: {  	_ =	shalt  }
0x6f: {  	_ =	shalt  }
0x70: {  	_ =	shalt  }
0x71: {  	_ =	shalt  }
0x72: {  	_ =	shalt  }
0x73: {  	_ =	shalt  }
0x74: {  	_ =	shalt  }
0x75: {  	_ =	shalt  }
0x76: {  	_ =	shalt  }
0x77: {  	_ =	shalt  }
0x78: {  	_ =	shalt  }
0x79: {  	_ =	shalt  }
0x7a: {  	_ =	shalt  }
0x7b: {  	_ =	shalt  }
0x7c: {  	_ =	shalt  }
0x7d: {  	_ =	shalt  }
0x7e: {  	_ =	shalt  }
0x7f: {  	_ =	shalt  }
0x80: {  	_ =	shalt  }
0x81: {  	_ =	shalt  }
0x82: {  	_ =	shalt  }
0x83: {  	_ =	shalt  }
0x84: {  	_ =	shalt  }
0x85: {  	_ =	shalt  }
0x86: {  	_ =	shalt  }
0x87: {  	_ =	shalt  }
.Lfunc_end0:
.L_simem_size_0:
called_computation.1_lowered:
.L_overlay_start_0:
0x88: {  	s2 =	sld [smem:$0x3FD9]  }
0x89: {  	s3 =	sld [smem:$0x3FFE];
	_ =	sdelay $0x1  }
0x8a: {  	s1 =	srdreg.scid  }
0x8b: {  	s0 =	sand.u32 $0x1, s1  }
0x8c: {  	s16 =	sshll.u32 s0, $0xA;
	s2 =	sadd.s32 s3, s2  }
0x8d: {  	s2 =	sadd.s32 s2, s16  }
0x8e: {  	[smem:$0x3FC2] =	sst s2  }
0x8f: {  	_ = 	snop  }
0x90: {  	(tm) =	ssettm $0x1  }
0x91: {  	s17 =	sld [smem:$0x3FFB];
	_ =	sdelay $0x3  }
0x92: {  	_ =	strace s17  }
0x93: {  	s2 =	sld [smem:$0x3FFC];
	_ =	sdelay $0x3  }
0x94: {  	_ =	strace s2  }
0x95: {  	s2 =	sld [smem:$0x3FFD];
	_ =	sdelay $0x3  }
0x96: {  	_ =	strace s2  }
0x97: {  	_ =	strace $0x8FFFFFFF  }
0x98: {  	s18 =	sld [smem:$0x3FDB];
	_ =	sdelay $0x1  }
0x99: {  	s19 =	simm.s32 $_scs_section_size  }
0x9a: {  	s4 =	simm.s32 $_size__tile_overlayer_lowered;
	s5 =	simm.s32 $_tile_overlayer_lowered  }
0x9b: {  	s22 =	simm.s32 $0x1BFF;
	s21 =	sshll.u32 s5, $0x1;
	s2 =	sadd.s32 s19, s18  }
0x9c: {  	s6 =	simm.s32 $0x0;
	s20 =	sshll.u32 s4, $0x1;
	s4 =	sadd.s32 s21, s2  }
0x9d: {  	[timem:s6], [sflag:s22] =	dma.local [hbm:s4], s20  }
0x9e: {  	_ =	swait.ge [sflag:s22], s20  }
0x9f: {  	s3 =	ssub.s32 $0x0, s20;
	[sflag:s22] =	ssyncset.done $0x0  }
0xa0: {  	[sflag:s22] =	ssyncadd.s32 s3;
	_ =	sdelay $0x1  }
0xa1: {  	s23 =	simm.s32 $0x1B8B  }
0xa2: {  	_ =	swait.ge [sflag:s23], $0x1  }
0xa3: {  	[sflag:s23] =	ssyncset.done $0x0  }
0xa4: {  	s25 =	simm.s32 $0x1B8E;
	s24 =	sld [smem:$0x3FFE];
	[sflag:s23] =	ssyncadd.s32 $0xFFFFFFFF  }
0xa5: {  	s26 =	simm.s32 $execute0_lowered;
	[smem:$0x3FD2] =	sst s25  }
0xa6: {  	s4 =	sshll.u32 s26, $0x1;
	_ =	strace $0x80000049;
	[dreg:$0x1] =	wrdreg $0xFFFFFFFF  }
0xa7: {  	s28 =	simm.s32 $_size_execute0_lowered;
	s2 =	sadd.s32 s2, s4;
	[dreg:$0x0] =	wrdreg $0x0  }
0xa8: {  	s4 =	sshll.u32 s28, $0x1;
	[dreg:$0x2] =	wrdreg s2  }
0xa9: {  	[dreg:$0x3] =	wrdreg s4  }
0xaa: {  	[dreg:$0x4] =	wrdreg $0xC0  }
0xab: {  	_ =	task [dreg:s6], $0x5FFFF  }
0xac: {  	[dreg:$0x1] =	wrdreg $0xFFFFFFFF  }
0xad: {  	[dreg:$0x0] =	wrdreg $0x60  }
0xae: {  	[dreg:$0x2] =	wrdreg s24  }
0xaf: {  	[dreg:$0x3] =	wrdreg $0x9  }
0xb0: {  	_ =	task.clear_ibuf [dreg:s6], $0x4FFFF;
	_ =	strace $0x90000049  }
0xb1: {  	s29 =	simm.s32 $0x9;
	_ =	strace $0x8000004B  }
0xb2: {  	_ =	swait.ge [sflag:s29], $0x1  }
0xb3: {  	[sflag:s29] =	ssyncadd.s32 $0xFFFFFFFF  }
0xb4: {  	_ =	strace $0x9000004B  }
0xb5: {  	_ =	sfence  }
0xb6: {  	s30 =	sld [smem:$0x0];
	_ =	sdelay $0x2  }
0xb7: {  	s31 =	sshll.u32 s1, $0xD;
	s1 =	sshrl.u32 s1, $0x2  }
0xb8: {  	s3 =	sand.u32 $0x4000, s31;
	s1 =	sadd.s32 s1, s30  }
0xb9: {  	s0 =	sor.u32 s3, s0;
	s1 =	sshll.u32 s1, $0x11  }
0xba: {  	s0 =	sor.u32 s1, s0  }
0xbb: {  	s0 =	sadd.s32 $0x8F2B, s0  }
0xbc: {  	[sflag:s0] =	ssyncadd.remote.s32 $0x1  }
0xbd: {  	_ =	sfence.sel $0xFFFF  }
0xbe: {  	[dreg:$0x0] =	wrdreg $0xFFFFFFFF;
	(pc) =	sbr.abs _section_cstart, $3  }
0xbf: {  	[dreg:$0x1] =	wrdreg $0xFFFFFFFF  }
0xc0: {  	_ =	task.clear_ibuf [dreg:s6], $0x2FFFF;
	_ =	strace $0x9FFFFFFF  }
0xc1: {  	(tm) =	ssettm $0x7FFFFFFF  }
tec
execute0_lowered:
.L_overlay_start_1:
0x0: {  	(tag) =	ssettag $0x1  }
0x1: {  	s3 =	rddreg [dreg:$0x0]  }
0x2: {  	s0 =	rddreg [dreg:$0x1];
	s1 =	stileid.u32  }
0x3: {  	s4 =	srdreg.scid;
	s2 =	simm.s32 $0x0;
	s17 =	simm.s32 $0x7D00  }
0x4: {  	s18 =	simm.s32 $0x5;
	s19 =	simm.s32 $0x1F40;
	s20 =	simm.s32 $0x5DC0  }
0x5: {  	s21 =	simm.s32 $0x1;
	s22 =	simm.s32 $0x3;
	s23 =	simm.s32 $0xA500  }
0x6: {  	s24 =	simm.s32 $0x2;
	s25 =	simm.s32 $0x4;
	s4 =	sand.u32 $0x1, s4  }
0x7: {  	s5 =	sand.u32 $0x7, s1;
	s7 =	sshrl.u32 s1, $0x3;
	s6 =	sshll.u32 s4, $0x1  }
0x8: {  	s26 =	simm.s32 $0x0;
	s5 =	smul.u32 $0x2800, s5;
	s6 =	sor.u32 s7, s6  }
0x9: {  	[smem:$0x7FF] =	sst s2;
	s12 =	sadd.s32 $0xB000, s3;
	s8 =	smul.u32 $0x14000, s6  }
0xa: {  	s13 =	sadd.s32 $0x6000, s3;
	s4 =	ssub.s32 $0x2, s4;
	s6 =	smul.u32 $0x9C40, s6  }
0xb: {  	_ =	strace $0x8000004A;
	s30 =	sshrl.u32 s4, $0x1;
	s29 =	sshrl.u32 s5, $0x3  }
0xc: {  	s16 =	ssub.s32 s4, s30;
	s5 =	sadd.s32 s5, s8;
	s14 =	sshrl.u32 s6, $0x3  }
0xd: {  	s7 =	sadd.s32 s29, s3;
	s5 =	sshrl.u32 s5, $0x3;
	s4 =	sadd.s32 s13, s14  }
0xe: {  	s31 =	sadd.s32 $0x3E8, s14;
	s9 =	sadd.s32 $0x7D0, s14;
	s11 =	sadd.s32 $0xBB8, s14  }
0xf: {  	s15 =	sadd.s32 s5, s3;
	s3 =	sadd.s32 s12, s14;
	s5 =	sadd.s32 $0x1000, s7  }
0x10: {  	s6 =	sadd.s32 s12, s31;
	s7 =	sadd.s32 s13, s31;
	s8 =	sadd.s32 s12, s9  }
0x11: {  	s9 =	sadd.s32 s13, s9;
	s10 =	sadd.s32 s12, s11;
	s14 =	sadd.s32 $0xFA0, s14  }
0x12: {  	s11 =	sadd.s32 s13, s11;
	s12 =	sadd.s32 s12, s14;
	s13 =	sadd.s32 s13, s14  }
0x13: {  	v0 =	vimm.f32 $0.0e+00;
	s14 =	sadd.s32 $0x10000, s15;
	s15 =	smax.u32 s16, $0x1;
	s16 =	simm.s32 $0x3E80  }
.LBB2_1:
0x14: {  	[tilespmem:s2], [sflag:$0x1] =	stream.linear.gather [hbm4b:s3+s2], $0x1F40, $0x38;
	[tilespmem:$0xCD00] =	vst v63  }
0x15: {  	_ = 	snop  }
0x16: {  	[tilespmem:s16], [sflag:$0x3] =	stream.linear.gather [hbm4b:s4+s2], $0x1F40, $0x38;
	[tilespmem:$0xCD00] =	vst v63  }
0x17: {  	_ = 	snop  }
0x18: {  	[tilespmem:s17], [sflag:$0x5] =	stream.linear.gather [hbm4b:s5+s2], $0x2800, $0x38;
	[tilespmem:$0xCD00] =	vst v63  }
0x19: {  	_ =	swait.ge [sflag:s18], $0x2800  }
0x1a: {  	[sflag:s18] =	ssyncset.done $0x0  }
0x1b: {  	s28 =	simm.s32 $0xA520;
	[sflag:s18] =	ssyncadd.s32 $0xFFFFD800  }
0x1c: {  	[tilespmem:s28+$0xFFFFFFE0] =	vst v0  }
0x1d: {  	[tilespmem:s28+$0x10] =	vst v0  }
0x1e: {  	s29 =	simm.s32 $0x0;
	[tilespmem:s28+$0x0] =	vst v0  }
.LBB2_2:
0x1f: {  	s29 =	sadd.s32 $0x4, s29  }
0x20: {  	[tilespmem:s28+$0xFFFFFFF0] =	vst v0;
	s28 =	sadd.s32 $0x40, s28;
	p0 =	slt.u32 s29, $0x27C  }
.Ltmp0:
0x21: {  	[tilespmem:s28+$0xFFFFFFE0] =	vst v0;
	(pc) =	sbr.rel @p0 .LBB2_2-.Ltmp0, $3  }
0x22: {  	_ =	sdelay $0x1  }
0x23: {  	[tilespmem:s28+$0x10] =	vst v0  }
0x24: {  	[tilespmem:s28+$0x0] =	vst v0  }
0x25: {  	[tilespmem:s28+$0xFFFFFFF0] =	vst v0  }
0x26: {  	[tilespmem:s19], [sflag:$0x2] =	stream.linear.gather [hbm4b:s6+s2], $0x1F40, $0x38;
	[tilespmem:$0xCD00] =	vst v63  }
0x27: {  	_ = 	snop  }
0x28: {  	[tilespmem:s20], [sflag:$0x4] =	stream.linear.gather [hbm4b:s7+s2], $0x1F40, $0x38;
	[tilespmem:$0xCD00] =	vst v63  }
0x29: {  	_ =	swait.ge [sflag:s21], $0x1F40  }
0x2a: {  	[sflag:s21] =	ssyncset.done $0x0  }
0x2b: {  	[sflag:s21] =	ssyncadd.s32 $0xFFFFE0C0  }
0x2c: {  	_ =	swait.ge [sflag:s22], $0x1F40  }
0x2d: {  	[sflag:s22] =	ssyncset.done $0x0  }
0x2e: {  	s28 =	simm.s32 $0x20;
	[sflag:s22] =	ssyncadd.s32 $0xFFFFE0C0  }
0x2f: {  	v2 =	vld [tilespmem:s28+$0x10]  }
0x30: {  	v3 =	vld [tilespmem:s28+$0xFFFFFFF0]  }
0x31: {  	v4 =	vld [tilespmem:s28+$0x0]  }
0x32: {  	v6 =	vld [tilespmem:s28+$0xFFFFFFE0];
	_ =	sdelay $0x1  }
0x33: {  	s28 =	simm.s32 $0x3EA0  }
0x34: {  	v7 =	vld [tilespmem:s28+$0x10]  }
0x35: {  	v1 =	vld [tilespmem:s28+$0xFFFFFFE0]  }
0x36: {  	v8 =	vld.idx.msk [tilespmem:v2+s17+$0x0], $0xffff  }
0x37: {  	v2 =	vld.idx.msk [tilespmem:v3+s17+$0x0], $0xffff  }
0x38: {  	v5 =	vld.idx.msk [tilespmem:v4+s17+$0x0], $0xffff  }
0x39: {  	v3 =	vld.idx.msk [tilespmem:v6+s17+$0x0], $0xffff  }
0x3a: {  	v4 =	vld [tilespmem:s28+$0xFFFFFFF0]  }
0x3b: {  	v6 =	vld [tilespmem:s28+$0x0];
	_ =	sdelay $0x1  }
0x3c: {  	s29 =	simm.s32 $0x0;
	s30 =	simm.s32 $0x60;
	[tilespmem:v7+s23+$0x0] =	vst.idx.add.f32.msk $0xffff, v8  }
.LBB2_4:
0x3d: {  	v7 =	vld [tilespmem:s30+$0x10];
	s29 =	sadd.s32 $0x4, s29;
	v8 =	vmov v5  }
0x3e: {  	v5 =	vld [tilespmem:s30+$0xFFFFFFF0];
	p0 =	slt.u32 s29, $0x1F0  }
0x3f: {  	v9 =	vld [tilespmem:s30+$0x0];
	v10 =	vmov v6  }
0x40: {  	v6 =	vld [tilespmem:s30+$0xFFFFFFE0]  }
0x41: {  	[tilespmem:v1+s23+$0x0] =	vst.idx.add.f32.msk $0xffff, v3  }
0x42: {  	s28 =	sadd.s32 $0x40, s28;
	[tilespmem:v4+s23+$0x0] =	vst.idx.add.f32.msk $0xffff, v2  }
0x43: {  	v11 =	vld [tilespmem:s28+$0x10]  }
0x44: {  	v1 =	vld [tilespmem:s28+$0xFFFFFFE0]  }
0x45: {  	v7 =	vld.idx.msk [tilespmem:v7+s17+$0x0], $0xffff  }
0x46: {  	v2 =	vld.idx.msk [tilespmem:v5+s17+$0x0], $0xffff  }
0x47: {  	v5 =	vld.idx.msk [tilespmem:v9+s17+$0x0], $0xffff  }
.Ltmp1:
0x48: {  	v3 =	vld.idx.msk [tilespmem:v6+s17+$0x0], $0xffff;
	(pc) =	sbr.rel @p0 .LBB2_4-.Ltmp1, $4  }
0x49: {  	v4 =	vld [tilespmem:s28+$0xFFFFFFF0]  }
0x4a: {  	v6 =	vld [tilespmem:s28+$0x0]  }
0x4b: {  	[tilespmem:v11+s23+$0x0] =	vst.idx.add.f32.msk $0xffff, v7  }
0x4c: {  	s30 =	sadd.s32 $0x40, s30;
	[tilespmem:v10+s23+$0x0] =	vst.idx.add.f32.msk $0xffff, v8  }
0x4d: {  	_ =	sdelay $0x3  }
0x4e: {  	[tilespmem:v1+s23+$0x0] =	vst.idx.add.f32.msk $0xffff, v3  }
0x4f: {  	[tilespmem:v4+s23+$0x0] =	vst.idx.add.f32.msk $0xffff, v2  }
0x50: {  	[tilespmem:v6+s23+$0x0] =	vst.idx.add.f32.msk $0xffff, v5  }
0x51: {  	[tilespmem:s2], [sflag:$0x1] =	stream.linear.gather [hbm4b:s8+s2], $0x1F40, $0x38;
	[tilespmem:$0xCD00] =	vst v63  }
0x52: {  	_ = 	snop  }
0x53: {  	[tilespmem:s16], [sflag:$0x3] =	stream.linear.gather [hbm4b:s9+s2], $0x1F40, $0x38;
	[tilespmem:$0xCD00] =	vst v63  }
0x54: {  	_ =	swait.ge [sflag:s24], $0x1F40  }
0x55: {  	[sflag:s24] =	ssyncset.done $0x0  }
0x56: {  	[sflag:s24] =	ssyncadd.s32 $0xFFFFE0C0  }
0x57: {  	_ =	swait.ge [sflag:s25], $0x1F40  }
0x58: {  	[sflag:s25] =	ssyncset.done $0x0  }
0x59: {  	s28 =	simm.s32 $0x1F70;
	[sflag:s25] =	ssyncadd.s32 $0xFFFFE0C0  }
0x5a: {  	v2 =	vld [tilespmem:s28+$0x0]  }
0x5b: {  	v3 =	vld [tilespmem:s28+$0xFFFFFFE0]  }
0x5c: {  	v4 =	vld [tilespmem:s28+$0xFFFFFFF0]  }
0x5d: {  	v6 =	vld [tilespmem:s28+$0xFFFFFFD0];
	_ =	sdelay $0x1  }
0x5e: {  	s28 =	simm.s32 $0x5DF0  }
0x5f: {  	v7 =	vld [tilespmem:s28+$0x0]  }
0x60: {  	v1 =	vld [tilespmem:s28+$0xFFFFFFD0]  }
0x61: {  	v8 =	vld.idx.msk [tilespmem:v2+s17+$0x0], $0xffff  }
0x62: {  	v2 =	vld.idx.msk [tilespmem:v3+s17+$0x0], $0xffff  }
0x63: {  	v5 =	vld.idx.msk [tilespmem:v4+s17+$0x0], $0xffff  }
0x64: {  	v3 =	vld.idx.msk [tilespmem:v6+s17+$0x0], $0xffff  }
0x65: {  	v4 =	vld [tilespmem:s28+$0xFFFFFFE0]  }
0x66: {  	v6 =	vld [tilespmem:s28+$0xFFFFFFF0];
	_ =	sdelay $0x1  }
0x67: {  	s29 =	simm.s32 $0x0;
	s30 =	simm.s32 $0x1FB0;
	[tilespmem:v7+s23+$0x0] =	vst.idx.add.f32.msk $0xffff, v8  }
.LBB2_6:
0x68: {  	v7 =	vld [tilespmem:s30+$0x0];
	s29 =	sadd.s32 $0x4, s29;
	v8 =	vmov v5  }
0x69: {  	v5 =	vld [tilespmem:s30+$0xFFFFFFE0];
	p0 =	slt.u32 s29, $0x1F0  }
0x6a: {  	v9 =	vld [tilespmem:s30+$0xFFFFFFF0];
	v10 =	vmov v6  }
0x6b: {  	v6 =	vld [tilespmem:s30+$0xFFFFFFD0]  }
0x6c: {  	[tilespmem:v1+s23+$0x0] =	vst.idx.add.f32.msk $0xffff, v3  }
0x6d: {  	s28 =	sadd.s32 $0x40, s28;
	[tilespmem:v4+s23+$0x0] =	vst.idx.add.f32.msk $0xffff, v2  }
0x6e: {  	v11 =	vld [tilespmem:s28+$0x0]  }
0x6f: {  	v1 =	vld [tilespmem:s28+$0xFFFFFFD0]  }
0x70: {  	v7 =	vld.idx.msk [tilespmem:v7+s17+$0x0], $0xffff  }
0x71: {  	v2 =	vld.idx.msk [tilespmem:v5+s17+$0x0], $0xffff  }
0x72: {  	v5 =	vld.idx.msk [tilespmem:v9+s17+$0x0], $0xffff  }
.Ltmp2:
0x73: {  	v3 =	vld.idx.msk [tilespmem:v6+s17+$0x0], $0xffff;
	(pc) =	sbr.rel @p0 .LBB2_6-.Ltmp2, $4  }
0x74: {  	v4 =	vld [tilespmem:s28+$0xFFFFFFE0]  }
0x75: {  	v6 =	vld [tilespmem:s28+$0xFFFFFFF0]  }
0x76: {  	[tilespmem:v11+s23+$0x0] =	vst.idx.add.f32.msk $0xffff, v7  }
0x77: {  	s30 =	sadd.s32 $0x40, s30;
	[tilespmem:v10+s23+$0x0] =	vst.idx.add.f32.msk $0xffff, v8  }
0x78: {  	_ =	sdelay $0x3  }
0x79: {  	[tilespmem:v1+s23+$0x0] =	vst.idx.add.f32.msk $0xffff, v3  }
0x7a: {  	[tilespmem:v4+s23+$0x0] =	vst.idx.add.f32.msk $0xffff, v2  }
0x7b: {  	[tilespmem:v6+s23+$0x0] =	vst.idx.add.f32.msk $0xffff, v5  }
0x7c: {  	[tilespmem:s19], [sflag:$0x2] =	stream.linear.gather [hbm4b:s10+s2], $0x1F40, $0x38;
	[tilespmem:$0xCD00] =	vst v63  }
0x7d: {  	_ = 	snop  }
0x7e: {  	[tilespmem:s20], [sflag:$0x4] =	stream.linear.gather [hbm4b:s11+s2], $0x1F40, $0x38;
	[tilespmem:$0xCD00] =	vst v63  }
0x7f: {  	_ =	swait.ge [sflag:s21], $0x1F40  }
0x80: {  	[sflag:s21] =	ssyncset.done $0x0  }
0x81: {  	[sflag:s21] =	ssyncadd.s32 $0xFFFFE0C0  }
0x82: {  	_ =	swait.ge [sflag:s22], $0x1F40  }
0x83: {  	[sflag:s22] =	ssyncset.done $0x0  }
0x84: {  	s28 =	simm.s32 $0x20;
	[sflag:s22] =	ssyncadd.s32 $0xFFFFE0C0  }
0x85: {  	v2 =	vld [tilespmem:s28+$0x10]  }
0x86: {  	v3 =	vld [tilespmem:s28+$0xFFFFFFF0]  }
0x87: {  	v4 =	vld [tilespmem:s28+$0x0]  }
0x88: {  	v6 =	vld [tilespmem:s28+$0xFFFFFFE0];
	_ =	sdelay $0x1  }
0x89: {  	s28 =	simm.s32 $0x3EA0  }
0x8a: {  	v7 =	vld [tilespmem:s28+$0x10]  }
0x8b: {  	v1 =	vld [tilespmem:s28+$0xFFFFFFE0]  }
0x8c: {  	v8 =	vld.idx.msk [tilespmem:v2+s17+$0x0], $0xffff  }
0x8d: {  	v2 =	vld.idx.msk [tilespmem:v3+s17+$0x0], $0xffff  }
0x8e: {  	v5 =	vld.idx.msk [tilespmem:v4+s17+$0x0], $0xffff  }
0x8f: {  	v3 =	vld.idx.msk [tilespmem:v6+s17+$0x0], $0xffff  }
0x90: {  	v4 =	vld [tilespmem:s28+$0xFFFFFFF0]  }
0x91: {  	v6 =	vld [tilespmem:s28+$0x0];
	_ =	sdelay $0x1  }
0x92: {  	s29 =	simm.s32 $0x0;
	s30 =	simm.s32 $0x60;
	[tilespmem:v7+s23+$0x0] =	vst.idx.add.f32.msk $0xffff, v8  }
.LBB2_8:
0x93: {  	v7 =	vld [tilespmem:s30+$0x10];
	s29 =	sadd.s32 $0x4, s29;
	v8 =	vmov v5  }
0x94: {  	v5 =	vld [tilespmem:s30+$0xFFFFFFF0];
	p0 =	slt.u32 s29, $0x1F0  }
0x95: {  	v9 =	vld [tilespmem:s30+$0x0];
	v10 =	vmov v6  }
0x96: {  	v6 =	vld [tilespmem:s30+$0xFFFFFFE0]  }
0x97: {  	[tilespmem:v1+s23+$0x0] =	vst.idx.add.f32.msk $0xffff, v3  }
0x98: {  	s28 =	sadd.s32 $0x40, s28;
	[tilespmem:v4+s23+$0x0] =	vst.idx.add.f32.msk $0xffff, v2  }
0x99: {  	v11 =	vld [tilespmem:s28+$0x10]  }
0x9a: {  	v1 =	vld [tilespmem:s28+$0xFFFFFFE0]  }
0x9b: {  	v7 =	vld.idx.msk [tilespmem:v7+s17+$0x0], $0xffff  }
0x9c: {  	v2 =	vld.idx.msk [tilespmem:v5+s17+$0x0], $0xffff  }
0x9d: {  	v5 =	vld.idx.msk [tilespmem:v9+s17+$0x0], $0xffff  }
.Ltmp3:
0x9e: {  	v3 =	vld.idx.msk [tilespmem:v6+s17+$0x0], $0xffff;
	(pc) =	sbr.rel @p0 .LBB2_8-.Ltmp3, $4  }
0x9f: {  	v4 =	vld [tilespmem:s28+$0xFFFFFFF0]  }
0xa0: {  	v6 =	vld [tilespmem:s28+$0x0]  }
0xa1: {  	[tilespmem:v11+s23+$0x0] =	vst.idx.add.f32.msk $0xffff, v7  }
0xa2: {  	s30 =	sadd.s32 $0x40, s30;
	[tilespmem:v10+s23+$0x0] =	vst.idx.add.f32.msk $0xffff, v8  }
0xa3: {  	_ =	sdelay $0x3  }
0xa4: {  	[tilespmem:v1+s23+$0x0] =	vst.idx.add.f32.msk $0xffff, v3  }
0xa5: {  	[tilespmem:v4+s23+$0x0] =	vst.idx.add.f32.msk $0xffff, v2  }
0xa6: {  	[tilespmem:v6+s23+$0x0] =	vst.idx.add.f32.msk $0xffff, v5  }
0xa7: {  	[tilespmem:s2], [sflag:$0x1] =	stream.linear.gather [hbm4b:s12+s2], $0x1F40, $0x38;
	[tilespmem:$0xCD00] =	vst v63  }
0xa8: {  	_ = 	snop  }
0xa9: {  	[tilespmem:s16], [sflag:$0x3] =	stream.linear.gather [hbm4b:s13+s2], $0x1F40, $0x38;
	[tilespmem:$0xCD00] =	vst v63  }
0xaa: {  	_ =	swait.ge [sflag:s24], $0x1F40  }
0xab: {  	[sflag:s24] =	ssyncset.done $0x0  }
0xac: {  	[sflag:s24] =	ssyncadd.s32 $0xFFFFE0C0  }
0xad: {  	_ =	swait.ge [sflag:s25], $0x1F40  }
0xae: {  	[sflag:s25] =	ssyncset.done $0x0  }
0xaf: {  	s28 =	simm.s32 $0x1F70;
	[sflag:s25] =	ssyncadd.s32 $0xFFFFE0C0  }
0xb0: {  	v2 =	vld [tilespmem:s28+$0x0]  }
0xb1: {  	v3 =	vld [tilespmem:s28+$0xFFFFFFE0]  }
0xb2: {  	v4 =	vld [tilespmem:s28+$0xFFFFFFF0]  }
0xb3: {  	v6 =	vld [tilespmem:s28+$0xFFFFFFD0];
	_ =	sdelay $0x1  }
0xb4: {  	s28 =	simm.s32 $0x5DF0  }
0xb5: {  	v7 =	vld [tilespmem:s28+$0x0]  }
0xb6: {  	v1 =	vld [tilespmem:s28+$0xFFFFFFD0]  }
0xb7: {  	v8 =	vld.idx.msk [tilespmem:v2+s17+$0x0], $0xffff  }
0xb8: {  	v2 =	vld.idx.msk [tilespmem:v3+s17+$0x0], $0xffff  }
0xb9: {  	v5 =	vld.idx.msk [tilespmem:v4+s17+$0x0], $0xffff  }
0xba: {  	v3 =	vld.idx.msk [tilespmem:v6+s17+$0x0], $0xffff  }
0xbb: {  	v4 =	vld [tilespmem:s28+$0xFFFFFFE0]  }
0xbc: {  	v6 =	vld [tilespmem:s28+$0xFFFFFFF0];
	_ =	sdelay $0x1  }
0xbd: {  	s29 =	simm.s32 $0x0;
	s30 =	simm.s32 $0x1FB0;
	[tilespmem:v7+s23+$0x0] =	vst.idx.add.f32.msk $0xffff, v8  }
.LBB2_10:
0xbe: {  	v7 =	vld [tilespmem:s30+$0x0];
	s29 =	sadd.s32 $0x4, s29;
	v8 =	vmov v5  }
0xbf: {  	v5 =	vld [tilespmem:s30+$0xFFFFFFE0];
	p0 =	slt.u32 s29, $0x1F0  }
0xc0: {  	v9 =	vld [tilespmem:s30+$0xFFFFFFF0];
	v10 =	vmov v6  }
0xc1: {  	v6 =	vld [tilespmem:s30+$0xFFFFFFD0]  }
0xc2: {  	[tilespmem:v1+s23+$0x0] =	vst.idx.add.f32.msk $0xffff, v3  }
0xc3: {  	s28 =	sadd.s32 $0x40, s28;
	[tilespmem:v4+s23+$0x0] =	vst.idx.add.f32.msk $0xffff, v2  }
0xc4: {  	v11 =	vld [tilespmem:s28+$0x0]  }
0xc5: {  	v1 =	vld [tilespmem:s28+$0xFFFFFFD0]  }
0xc6: {  	v7 =	vld.idx.msk [tilespmem:v7+s17+$0x0], $0xffff  }
0xc7: {  	v2 =	vld.idx.msk [tilespmem:v5+s17+$0x0], $0xffff  }
0xc8: {  	v5 =	vld.idx.msk [tilespmem:v9+s17+$0x0], $0xffff  }
.Ltmp4:
0xc9: {  	v3 =	vld.idx.msk [tilespmem:v6+s17+$0x0], $0xffff;
	(pc) =	sbr.rel @p0 .LBB2_10-.Ltmp4, $4  }
0xca: {  	v4 =	vld [tilespmem:s28+$0xFFFFFFE0]  }
0xcb: {  	v6 =	vld [tilespmem:s28+$0xFFFFFFF0]  }
0xcc: {  	[tilespmem:v11+s23+$0x0] =	vst.idx.add.f32.msk $0xffff, v7  }
0xcd: {  	s30 =	sadd.s32 $0x40, s30;
	[tilespmem:v10+s23+$0x0] =	vst.idx.add.f32.msk $0xffff, v8  }
0xce: {  	_ =	sdelay $0x3  }
0xcf: {  	[tilespmem:v1+s23+$0x0] =	vst.idx.add.f32.msk $0xffff, v3  }
0xd0: {  	[tilespmem:v4+s23+$0x0] =	vst.idx.add.f32.msk $0xffff, v2  }
0xd1: {  	[tilespmem:v6+s23+$0x0] =	vst.idx.add.f32.msk $0xffff, v5  }
0xd2: {  	_ =	swait.ge [sflag:s21], $0x1F40  }
0xd3: {  	[sflag:s21] =	ssyncset.done $0x0  }
0xd4: {  	[sflag:s21] =	ssyncadd.s32 $0xFFFFE0C0  }
0xd5: {  	_ =	swait.ge [sflag:s22], $0x1F40  }
0xd6: {  	[sflag:s22] =	ssyncset.done $0x0  }
0xd7: {  	s28 =	simm.s32 $0x20;
	[sflag:s22] =	ssyncadd.s32 $0xFFFFE0C0  }
0xd8: {  	v2 =	vld [tilespmem:s28+$0x10]  }
0xd9: {  	v3 =	vld [tilespmem:s28+$0xFFFFFFF0]  }
0xda: {  	v4 =	vld [tilespmem:s28+$0x0]  }
0xdb: {  	v6 =	vld [tilespmem:s28+$0xFFFFFFE0];
	_ =	sdelay $0x1  }
0xdc: {  	s28 =	simm.s32 $0x3EA0  }
0xdd: {  	v7 =	vld [tilespmem:s28+$0x10]  }
0xde: {  	v1 =	vld [tilespmem:s28+$0xFFFFFFE0]  }
0xdf: {  	v8 =	vld.idx.msk [tilespmem:v2+s17+$0x0], $0xffff  }
0xe0: {  	v2 =	vld.idx.msk [tilespmem:v3+s17+$0x0], $0xffff  }
0xe1: {  	v5 =	vld.idx.msk [tilespmem:v4+s17+$0x0], $0xffff  }
0xe2: {  	v3 =	vld.idx.msk [tilespmem:v6+s17+$0x0], $0xffff  }
0xe3: {  	v4 =	vld [tilespmem:s28+$0xFFFFFFF0]  }
0xe4: {  	v6 =	vld [tilespmem:s28+$0x0];
	_ =	sdelay $0x1  }
0xe5: {  	s29 =	simm.s32 $0x0;
	s30 =	simm.s32 $0x60;
	[tilespmem:v7+s23+$0x0] =	vst.idx.add.f32.msk $0xffff, v8  }
.LBB2_12:
0xe6: {  	v7 =	vld [tilespmem:s30+$0x10];
	s29 =	sadd.s32 $0x4, s29;
	v8 =	vmov v5  }
0xe7: {  	v5 =	vld [tilespmem:s30+$0xFFFFFFF0];
	p0 =	slt.u32 s29, $0x1F0  }
0xe8: {  	v9 =	vld [tilespmem:s30+$0x0];
	v10 =	vmov v6  }
0xe9: {  	v6 =	vld [tilespmem:s30+$0xFFFFFFE0]  }
0xea: {  	[tilespmem:v1+s23+$0x0] =	vst.idx.add.f32.msk $0xffff, v3  }
0xeb: {  	s28 =	sadd.s32 $0x40, s28;
	[tilespmem:v4+s23+$0x0] =	vst.idx.add.f32.msk $0xffff, v2  }
0xec: {  	v11 =	vld [tilespmem:s28+$0x10]  }
0xed: {  	v1 =	vld [tilespmem:s28+$0xFFFFFFE0]  }
0xee: {  	v7 =	vld.idx.msk [tilespmem:v7+s17+$0x0], $0xffff  }
0xef: {  	v2 =	vld.idx.msk [tilespmem:v5+s17+$0x0], $0xffff  }
0xf0: {  	v5 =	vld.idx.msk [tilespmem:v9+s17+$0x0], $0xffff  }
.Ltmp5:
0xf1: {  	v3 =	vld.idx.msk [tilespmem:v6+s17+$0x0], $0xffff;
	(pc) =	sbr.rel @p0 .LBB2_12-.Ltmp5, $4  }
0xf2: {  	v4 =	vld [tilespmem:s28+$0xFFFFFFF0]  }
0xf3: {  	v6 =	vld [tilespmem:s28+$0x0]  }
0xf4: {  	[tilespmem:v11+s23+$0x0] =	vst.idx.add.f32.msk $0xffff, v7  }
0xf5: {  	s30 =	sadd.s32 $0x40, s30;
	[tilespmem:v10+s23+$0x0] =	vst.idx.add.f32.msk $0xffff, v8  }
0xf6: {  	_ =	sdelay $0x3  }
0xf7: {  	[tilespmem:v1+s23+$0x0] =	vst.idx.add.f32.msk $0xffff, v3;
	s26 =	sadd.s32 $0x1, s26  }
0xf8: {  	[tilespmem:v4+s23+$0x0] =	vst.idx.add.f32.msk $0xffff, v2;
	p0 =	sne.s32 s26, s15  }
.Ltmp6:
0xf9: {  	[tilespmem:v6+s23+$0x0] =	vst.idx.add.f32.msk $0xffff, v5;
	(pc) =	sbr.rel @p0 .LBB2_1-.Ltmp6, $4  }
0xfa: {  	[hbm4b:s14+s2] =	stream.linear.scatter [tilespmem:s23], [sflag:$0x5], $0x2800, $0x38;
	[tilespmem:$0xCD00] =	vst v63  }
0xfb: {  	_ =	swait.ge [sflag:s18], $0x2800  }
0xfc: {  	[sflag:s18] =	ssyncset.done $0x0  }
0xfd: {  	[sflag:s18] =	ssyncadd.s32 $0xFFFFD800  }
0xfe: {  	_ =	sfence.sel $0x180000  }
0xff: {  	[bflag:$0x0] =	sbarrier.arrive $0xFFFF  }
0x100: {  	p0 =	sne.s32 s1, $0x0;
	_ =	strace $0x9000004A  }
0x101: {  	s0 =	sadd.s32 @!p0 $0x100000, s0;
	[bflag:$0x2] =	sbarrier.arrive $0xFFFF  }
0x102: {  	[sflag:s0] =	ssyncadd.tile.s32 @!p0 $0x1;
	_ =	shalt  }
.Lfunc_end2:
_tile_overlayer_lowered:
.L_overlay_start_2:
0x103: {  	(tag) =	ssettag $0x2  }
0x104: {  	s0 =	rddreg [dreg:$0x0];
	s2 =	stileid.u32  }
0x105: {  	s1 =	rddreg [dreg:$0x1];
	p0 =	sne.s32 s2, $0x0  }
0x106: {  	s3 =	rddreg [dreg:$0x2];
	[bflag:$0x3] =	sbarrier.arrive $0xFFFF;
	s2 =	simm.s32 @!p0 $0x1C05  }
0x107: {  	[timem:s3], [sflag:s2] =	dma.local @!p0 [hbm:s0], s1  }
0x108: {  	s0 =	simm.s32 @!p0 $0x5  }
0x109: {  	_ =	swait.ge @!p0 [sflag:s0], s1  }
0x10a: {  	s1 =	ssub.s32 @!p0 $0x0, s1;
	[sflag:s0] =	ssyncset.done @!p0 $0x0  }
0x10b: {  	[sflag:s0] =	ssyncadd.s32 @!p0 s1  }
0x10c: {  	[bflag:$0x3] =	sbarrier.arrive $0xFFFF  }
0x10d: {  	_ =	shalt  }

// kernel: kernel.7.cloned.1.call-start
scs
__scs_entry_jumppad:
0x0: {  	(pc) =	sbr.rel $0x88, $3  }
0x1: {  	(tag) =	ssettag $0x0;
	lr =	simm.s32 $0x1  }
0x2: {  	[smem:$0x3F9B] =	sst lr;
	_ =	strace $0xD0000000  }
0x3: {  	_ = 	snop  }
0x4: {  	_ = 	snop  }
0x5: {  	_ = 	snop  }
0x6: {  	_ = 	snop  }
0x7: {  	_ = 	snop  }
__scs_overlays_trampoline_lowered:
0x8: {  	[smem:$0x3FAA] =	sst s0  }
0x9: {  	[smem:$0x3FAB] =	sst s1  }
0xa: {  	[smem:$0x3FAC] =	sst s2  }
0xb: {  	[smem:$0x3FAD] =	sst s3  }
0xc: {  	[smem:$0x3FAE] =	sst s4  }
0xd: {  	[smem:$0x3FAF] =	sst s5  }
0xe: {  	[smem:$0x3FB0] =	sst s6  }
0xf: {  	[smem:$0x3FB1] =	sst s7  }
0x10: {  	[smem:$0x3FB2] =	sst s8  }
0x11: {  	[smem:$0x3FB3] =	sst s9;
	s0 =	simm.s32 @!p0 $0x0  }
0x12: {  	s1 =	sld [smem:$0x3F99];
	s0 =	simm.s32 @p0 $0x1  }
0x13: {  	[smem:$0x3FB4] =	sst s0;
	s0 =	simm.s32 @!p1 $0x0  }
0x14: {  	s2 =	sld [smem:$0x3F98];
	s0 =	simm.s32 @p1 $0x1  }
0x15: {  	[smem:$0x3FB5] =	sst s0;
	s0 =	simm.s32 @!p2 $0x0  }
0x16: {  	s3 =	sld [smem:$0x3FDB];
	s0 =	simm.s32 @p2 $0x1  }
0x17: {  	s4 =	simm.s32 $0x1BF5;
	[smem:$0x3FB7] =	sst s0  }
0x18: {  	s0 =	sld [smem:$0x3F9A];
	_ =	swait.ge [sflag:s4], $0x0  }
0x19: {  	s7 =	sld [smem:$0x3F9B]  }
0x1a: {  	s8 =	sadd.s32 $0xFFFFE003, lr  }
0x1b: {  	s9 =	sadd.s32 $0xFFFFFEF7, lr;
	s5 =	simm.s32 $0xFFFFFFFF;
	p2 =	slt.u32 s8, $0xFFFFF086  }
0x1c: {  	p1 =	slt.u32 s9, $0xF7A;
	s5 =	simm.s32 @!p2 $0x0  }
0x1d: {  	s5 =	simm.s32 @p1 $0x1;
	p0 =	seq.s32 s7, s2  }
0x1e: {  	s7 =	smul.u32 @!p0 $0xF7A, s2;
	p2 =	seq.s32 @!p0 s5, $0x0  }
0x1f: {  	s9 =	smul.u32 $0xF7A, s1;
	s8 =	simm.s32 @!p0 $0x1BF5;
	p2 =	por !p2, p0  }
0x20: {  	[sflag:s8] =	ssyncset.s32 @!p0 $0xFFFFF086;
	s6 =	sadd.s32 @!p0 s3, s7;
	s7 =	simm.s32 @!p0 $0x108  }
0x21: {  	s3 =	sadd.s32 s3, s9;
	s6 =	sadd.s32 @!p0 $0x88, s6;
	s7 =	simm.s32 @p2 $0x1082  }
0x22: {  	[simem:s7], [sflag:s8] =	dma.local @!p0 [hbm:s6], $0xF7A  }
0x23: {  	s9 =	sor.u32 $0xD0000000, s2;
	s6 =	simm.s32 $0x108;
	_ =	swait.ge @!p0 [sflag:s8], $0x0  }
0x24: {  	s3 =	sadd.s32 $0x88, s3;
	s6 =	simm.s32 @!p1 $0x1082;
	[sflag:s4] =	ssyncset.s32 $0xFFFFF086  }
0x25: {  	[simem:s6], [sflag:s4] =	dma.local [hbm:s3], $0xF7A  }
0x26: {  	[smem:$0x3F9B] =	sst s1;
	(tag) =	ssettag s2;
	_ =	strace s9  }
0x27: {  	s1 =	sld [smem:$0x3FAB]  }
0x28: {  	s2 =	sld [smem:$0x3FAC]  }
0x29: {  	s4 =	sld [smem:$0x3FAE]  }
0x2a: {  	p0 =	seq.s32 s5, $0x0;
	s5 =	sld [smem:$0x3FAF]  }
0x2b: {  	s6 =	sld [smem:$0x3FB0]  }
0x2c: {  	s7 =	sld [smem:$0x3FB1]  }
0x2d: {  	s3 =	simm.s32 $0x108;
	s8 =	sld [smem:$0x3FB2]  }
0x2e: {  	s3 =	simm.s32 @!p0 $0x1082;
	s9 =	sld [smem:$0x3FB3]  }
0x2f: {  	lr =	sadd.s32 s0, s3;
	s0 =	sld [smem:$0x3FAA]  }
0x30: {  	s3 =	sld [smem:$0x3FAD]  }
0x31: {  	[smem:$0x3FB6] =	sst s10  }
0x32: {  	s10 =	sld [smem:$0x3FB4];
	_ =	sdelay $0x3  }
0x33: {  	p0 =	seq.s32 s10, $0x1;
	s10 =	sld [smem:$0x3FB6];
	_ =	sdelay $0x3  }
0x34: {  	[smem:$0x3FB6] =	sst s10  }
0x35: {  	s10 =	sld [smem:$0x3FB5];
	_ =	sdelay $0x3  }
0x36: {  	p1 =	seq.s32 s10, $0x1;
	s10 =	sld [smem:$0x3FB6];
	_ =	sdelay $0x3  }
0x37: {  	[smem:$0x3FB6] =	sst s10  }
0x38: {  	s10 =	sld [smem:$0x3FB7]  }
0x39: {  	_ = 	snop;
	(pc) =	sbr.ind lr, $3  }
0x3a: {  	_ = 	snop  }
0x3b: {  	_ = 	snop  }
0x3c: {  	p2 =	seq.s32 s10, $0x1;
	s10 =	sld [smem:$0x3FB6]  }
0x3d: {  	_ =	shalt  }
0x3e: {  	_ =	shalt  }
0x3f: {  	_ =	shalt  }
0x40: {  	_ =	shalt  }
0x41: {  	_ =	shalt  }
0x42: {  	_ =	shalt  }
0x43: {  	_ =	shalt  }
0x44: {  	_ =	shalt  }
0x45: {  	_ =	shalt  }
0x46: {  	_ =	shalt  }
0x47: {  	_ =	shalt  }
0x48: {  	_ =	shalt  }
0x49: {  	_ =	shalt  }
0x4a: {  	_ =	shalt  }
0x4b: {  	_ =	shalt  }
0x4c: {  	_ =	shalt  }
0x4d: {  	_ =	shalt  }
0x4e: {  	_ =	shalt  }
0x4f: {  	_ =	shalt  }
0x50: {  	_ =	shalt  }
0x51: {  	_ =	shalt  }
0x52: {  	_ =	shalt  }
0x53: {  	_ =	shalt  }
0x54: {  	_ =	shalt  }
0x55: {  	_ =	shalt  }
0x56: {  	_ =	shalt  }
0x57: {  	_ =	shalt  }
0x58: {  	_ =	shalt  }
0x59: {  	_ =	shalt  }
0x5a: {  	_ =	shalt  }
0x5b: {  	_ =	shalt  }
0x5c: {  	_ =	shalt  }
0x5d: {  	_ =	shalt  }
0x5e: {  	_ =	shalt  }
0x5f: {  	_ =	shalt  }
0x60: {  	_ =	shalt  }
0x61: {  	_ =	shalt  }
0x62: {  	_ =	shalt  }
0x63: {  	_ =	shalt  }
0x64: {  	_ =	shalt  }
0x65: {  	_ =	shalt  }
0x66: {  	_ =	shalt  }
0x67: {  	_ =	shalt  }
0x68: {  	_ =	shalt  }
0x69: {  	_ =	shalt  }
0x6a: {  	_ =	shalt  }
0x6b: {  	_ =	shalt  }
0x6c: {  	_ =	shalt  }
0x6d: {  	_ =	shalt  }
0x6e: {  	_ =	shalt  }
0x6f: {  	_ =	shalt  }
0x70: {  	_ =	shalt  }
0x71: {  	_ =	shalt  }
0x72: {  	_ =	shalt  }
0x73: {  	_ =	shalt  }
0x74: {  	_ =	shalt  }
0x75: {  	_ =	shalt  }
0x76: {  	_ =	shalt  }
0x77: {  	_ =	shalt  }
0x78: {  	_ =	shalt  }
0x79: {  	_ =	shalt  }
0x7a: {  	_ =	shalt  }
0x7b: {  	_ =	shalt  }
0x7c: {  	_ =	shalt  }
0x7d: {  	_ =	shalt  }
0x7e: {  	_ =	shalt  }
0x7f: {  	_ =	shalt  }
0x80: {  	_ =	shalt  }
0x81: {  	_ =	shalt  }
0x82: {  	_ =	shalt  }
0x83: {  	_ =	shalt  }
0x84: {  	_ =	shalt  }
0x85: {  	_ =	shalt  }
0x86: {  	_ =	shalt  }
0x87: {  	_ =	shalt  }
.Lfunc_end0:
.L_simem_size_0:
called_computation_lowered:
.L_overlay_start_0:
0x88: {  	s2 =	sld [smem:$0x3FD9]  }
0x89: {  	s3 =	sld [smem:$0x3FFE];
	_ =	sdelay $0x1  }
0x8a: {  	s1 =	srdreg.scid  }
0x8b: {  	s0 =	sand.u32 $0x1, s1  }
0x8c: {  	s17 =	sshll.u32 s0, $0xA;
	s2 =	sadd.s32 s3, s2  }
0x8d: {  	s2 =	sadd.s32 s2, s17  }
0x8e: {  	[smem:$0x3FC2] =	sst s2  }
0x8f: {  	_ = 	snop  }
0x90: {  	s2 =	sld [smem:$0x3FD0];
	(tm) =	ssettm $0x1  }
0x91: {  	s18 =	sld [smem:$0x3FFB];
	_ =	sdelay $0x3  }
0x92: {  	_ =	strace s18  }
0x93: {  	s3 =	sld [smem:$0x3FFC];
	_ =	sdelay $0x3  }
0x94: {  	_ =	strace s3  }
0x95: {  	s3 =	sld [smem:$0x3FFD];
	_ =	sdelay $0x3  }
0x96: {  	_ =	strace s3  }
0x97: {  	_ =	strace $0x8FFFFFFF  }
0x98: {  	s19 =	sld [smem:$0x3FDB];
	_ =	sdelay $0x1  }
0x99: {  	s4 =	simm.s32 $_scs_section_size  }
0x9a: {  	s5 =	simm.s32 $_size__tile_overlayer_lowered;
	s6 =	simm.s32 $_tile_overlayer_lowered  }
0x9b: {  	s22 =	simm.s32 $0x1BFF;
	s21 =	sshll.u32 s6, $0x1;
	s3 =	sadd.s32 s4, s19  }
0x9c: {  	s7 =	simm.s32 $0x0;
	s20 =	sshll.u32 s5, $0x1;
	s5 =	sadd.s32 s21, s3  }
0x9d: {  	[timem:s7], [sflag:s22] =	dma.local [hbm:s5], s20  }
0x9e: {  	_ =	swait.ge [sflag:s22], s20  }
0x9f: {  	s4 =	ssub.s32 $0x0, s20;
	[sflag:s22] =	ssyncset.done $0x0  }
0xa0: {  	[sflag:s22] =	ssyncadd.s32 s4;
	_ =	sdelay $0x1  }
0xa1: {  	s23 =	simm.s32 $0x1B8B  }
0xa2: {  	_ =	swait.ge [sflag:s23], $0x1  }
0xa3: {  	[sflag:s23] =	ssyncset.done $0x0  }
0xa4: {  	s25 =	simm.s32 $0x1B8E;
	s24 =	sld [smem:$0x3FFE];
	[sflag:s23] =	ssyncadd.s32 $0xFFFFFFFF  }
0xa5: {  	s26 =	simm.s32 $execute0_lowered;
	[smem:$0x3FD2] =	sst s25  }
0xa6: {  	s5 =	sshll.u32 s26, $0x1;
	_ =	strace $0x80000046;
	[dreg:$0x1] =	wrdreg $0xFFFFFFFF  }
0xa7: {  	s28 =	simm.s32 $_size_execute0_lowered;
	s3 =	sadd.s32 s3, s5;
	[dreg:$0x0] =	wrdreg $0x0  }
0xa8: {  	s5 =	sshll.u32 s28, $0x1;
	[dreg:$0x2] =	wrdreg s3  }
0xa9: {  	[dreg:$0x3] =	wrdreg s5  }
0xaa: {  	[dreg:$0x4] =	wrdreg $0xC0  }
0xab: {  	_ =	task [dreg:s7], $0x5FFFF  }
0xac: {  	[dreg:$0x1] =	wrdreg $0xFFFFFFFF  }
0xad: {  	[dreg:$0x0] =	wrdreg $0x60  }
0xae: {  	[dreg:$0x2] =	wrdreg s24  }
0xaf: {  	[dreg:$0x3] =	wrdreg s2  }
0xb0: {  	[dreg:$0x4] =	wrdreg $0x16C100  }
0xb1: {  	[dreg:$0x5] =	wrdreg $0x194100  }
0xb2: {  	[dreg:$0x6] =	wrdreg $0x9  }
0xb3: {  	_ =	task.clear_ibuf [dreg:s7], $0x7FFFF;
	_ =	strace $0x90000046  }
0xb4: {  	s29 =	simm.s32 $0x9;
	_ =	strace $0x80000048  }
0xb5: {  	_ =	swait.ge [sflag:s29], $0x1  }
0xb6: {  	[sflag:s29] =	ssyncadd.s32 $0xFFFFFFFF  }
0xb7: {  	_ =	strace $0x90000048  }
0xb8: {  	_ =	sfence  }
0xb9: {  	s30 =	sld [smem:$0x0];
	_ =	sdelay $0x2  }
0xba: {  	s31 =	sshll.u32 s1, $0xD;
	s1 =	sshrl.u32 s1, $0x2  }
0xbb: {  	s3 =	sand.u32 $0x4000, s31;
	s1 =	sadd.s32 s1, s30  }
0xbc: {  	s0 =	sor.u32 s3, s0;
	s1 =	sshll.u32 s1, $0x11  }
0xbd: {  	s0 =	sor.u32 s1, s0  }
0xbe: {  	s0 =	sadd.s32 $0x8F2B, s0  }
0xbf: {  	[sflag:s0] =	ssyncadd.remote.s32 $0x1  }
0xc0: {  	_ =	sfence.sel $0xFFFF  }
0xc1: {  	[dreg:$0x0] =	wrdreg $0xFFFFFFFF;
	(pc) =	sbr.abs _section_cstart, $3  }
0xc2: {  	[dreg:$0x1] =	wrdreg $0xFFFFFFFF  }
0xc3: {  	_ =	task.clear_ibuf [dreg:s7], $0x2FFFF;
	_ =	strace $0x9FFFFFFF  }
0xc4: {  	(tm) =	ssettm $0x7FFFFFFF  }
0xc5: {  	_ =	shalt  }
tec
execute0_lowered:
.L_overlay_start_1:
0x0: {  	(tag) =	ssettag $0x1  }
0x1: {  	s14 =	stileid.u32;
	s4 =	srdreg.scid  }
0x2: {  	s2 =	rddreg [dreg:$0x0];
	s0 =	smul.u32 $0x2800, s14;
	s4 =	sand.u32 $0x1, s4  }
0x3: {  	s3 =	rddreg [dreg:$0x1];
	s7 =	sshrl.u32 s14, $0x3;
	s6 =	smul.u32 $0x28000, s4  }
0x4: {  	s1 =	simm.s32 $0x0;
	s9 =	sand.u32 $0x7, s14;
	s7 =	smul.u32 $0x13880, s7  }
0x5: {  	[smem:$0x7FF] =	sst s1;
	s8 =	sadd.s32 $0xB000, s2;
	s9 =	smul.u32 $0x2710, s9  }
0x6: {  	s10 =	sadd.s32 $0x6000, s2;
	s11 =	ssub.s32 $0x2, s4;
	s12 =	smul.u32 $0x13880, s4  }
0x7: {  	s5 =	sshrl.u32 s0, $0x3;
	s13 =	sshrl.u32 s11, $0x1;
	s7 =	sadd.s32 s9, s7  }
0x8: {  	s6 =	sadd.s32 s0, s6;
	s9 =	smul.u32 $0x280, s14;
	s7 =	sshrl.u32 s7, $0x3  }
0x9: {  	s5 =	sadd.s32 s5, s2;
	s6 =	sshrl.u32 s6, $0x3;
	s7 =	sadd.s32 s10, s7  }
0xa: {  	s23 =	sshrl.u32 s9, $0x3;
	[dreg:$0x5] =	wrdreg s7;
	s7 =	sshrl.u32 s12, $0x3  }
0xb: {  	s2 =	sadd.s32 s6, s2;
	s3 =	sadd.s32 s3, s23;
	s24 =	sadd.s32 $0x3E8, s7  }
0xc: {  	[dreg:$0x6] =	wrdreg s3;
	s15 =	sadd.s32 $0xFA0, s7;
	s26 =	sadd.s32 s8, s24  }
0xd: {  	s17 =	sadd.s32 s8, s15;
	s18 =	sadd.s32 s10, s15;
	s15 =	rddreg [dreg:$0x2]  }
0xe: {  	s25 =	sadd.s32 $0x7D0, s7;
	s3 =	sadd.s32 s10, s24;
	[dreg:$0x7] =	wrdreg s26  }
0xf: {  	s6 =	ssub.s32 s11, s13;
	s12 =	sadd.s32 s8, s25;
	[dreg:$0x8] =	wrdreg s3  }
0x10: {  	s14 =	sadd.s32 $0xBB8, s7;
	s13 =	sadd.s32 s10, s25;
	[dreg:$0x9] =	wrdreg s12  }
0x11: {  	s16 =	sadd.s32 s8, s14;
	[dreg:$0xa] =	wrdreg s13  }
0x12: {  	[dreg:$0xb] =	wrdreg s16  }
0x13: {  	s19 =	sadd.s32 $0x1388, s7;
	[dreg:$0xd] =	wrdreg s17  }
0x14: {  	s20 =	sadd.s32 $0x1770, s7;
	s21 =	sadd.s32 s8, s19;
	[dreg:$0xe] =	wrdreg s18  }
0x15: {  	s28 =	simm.s32 $0x14410;
	s22 =	sadd.s32 s8, s20;
	[dreg:$0xf] =	wrdreg s21  }
0x16: {  	s30 =	simm.s32 $0x2;
	s23 =	sadd.s32 s10, s20;
	[dreg:$0x11] =	wrdreg s22  }
0x17: {  	s31 =	simm.s32 $0x4;
	p0 =	sne.s32 s4, $0x0;
	[dreg:$0x12] =	wrdreg s23  }
0x18: {  	s24 =	sadd.s32 $0x1B58, s7;
	s3 =	sadd.s32 s10, s14;
	s18 =	rddreg [dreg:$0x3]  }
0x19: {  	s25 =	sadd.s32 $0x1F40, s7;
	s26 =	sadd.s32 s8, s24;
	[dreg:$0xc] =	wrdreg s3  }
0x1a: {  	s13 =	sadd.s32 s8, s25;
	s14 =	sadd.s32 s10, s25;
	[dreg:$0x13] =	wrdreg s26  }
0x1b: {  	s16 =	sadd.s32 s8, s7;
	s17 =	sadd.s32 s10, s7;
	[dreg:$0x15] =	wrdreg s13  }
0x1c: {  	s7 =	sadd.s32 $0x2328, s7;
	s0 =	sadd.s32 s0, s15;
	[dreg:$0x16] =	wrdreg s14  }
0x1d: {  	s29 =	sadd.s32 s9, s15;
	s21 =	sadd.s32 $0x10000, s2;
	[dreg:$0x17] =	wrdreg s16  }
0x1e: {  	s22 =	smax.u32 s6, $0x1;
	s3 =	sadd.s32 s10, s19;
	[dreg:$0x18] =	wrdreg s17  }
0x1f: {  	s15 =	simm.s32 $0x11C10;
	s8 =	sadd.s32 s8, s7;
	[dreg:$0x10] =	wrdreg s3  }
0x20: {  	s7 =	sadd.s32 s10, s7;
	s19 =	sadd.s32 $0x1000, s5;
	[dreg:$0x19] =	wrdreg s8  }
0x21: {  	s20 =	sadd.s32 s9, s18;
	s3 =	sadd.s32 s10, s24;
	[dreg:$0x1a] =	wrdreg s7  }
0x22: {  	s23 =	sadd.s32 $0x2800, s29;
	s25 =	sadd.s32 $0x7800, s29;
	[dreg:$0x14] =	wrdreg s3  }
0x23: {  	s26 =	sadd.s32 $0xA000, s29;
	_ =	strace $0x80000047;
	[dreg:$0x1b] =	wrdreg s19  }
0x24: {  	s4 =	sadd.s32 $0xC800, s29;
	s5 =	sadd.s32 $0xF000, s29;
	[dreg:$0x1c] =	wrdreg s0  }
0x25: {  	s6 =	sadd.s32 $0x11800, s29;
	s9 =	sadd.s32 $0x19000, s29;
	[dreg:$0x1d] =	wrdreg s20  }
0x26: {  	s11 =	sadd.s32 $0x1E000, s29;
	s12 =	sadd.s32 $0x20800, s29;
	[dreg:$0x1e] =	wrdreg s21  }
0x27: {  	s13 =	sadd.s32 $0x23000, s29;
	s14 =	sadd.s32 $0x25800, s29;
	[dreg:$0x1f] =	wrdreg s22  }
0x28: {  	s16 =	simm.s32 $0x3E80;
	s24 =	sadd.s32 $0x5000, s29;
	[smem:$0x7FA] =	sst s23  }
0x29: {  	s17 =	simm.s32 $0x5;
	s18 =	simm.s32 $0xA410;
	[smem:$0x7FB] =	sst s24  }
0x2a: {  	s7 =	sadd.s32 $0x14000, s29;
	s8 =	sadd.s32 $0x16800, s29;
	[smem:$0x7FC] =	sst s25  }
0x2b: {  	s10 =	sadd.s32 $0x1B800, s29;
	[smem:$0x7FD] =	sst s26;
	s19 =	simm.s32 $0x7  }
0x2c: {  	s21 =	simm.s32 $0x6;
	s22 =	simm.s32 $0x1F40;
	s24 =	simm.s32 $0x5DC0  }
0x2d: {  	v0 =	vimm.f32 $0.0e+00;
	v1 =	vimm.f32 $1.000000000e+00;
	s25 =	simm.s32 $0x1;
	s26 =	simm.s32 $0x3;
	s20 =	simm.s32 $0x0  }
.LBB2_1:
0x2e: {  	s0 =	rddreg [dreg:$0x5];
	s2 =	simm.s32 $0x7D00  }
0x2f: {  	[tilespmem:s2], [sflag:$0x5] =	stream.linear.gather [hbm4b:s0+s1], $0x2710, $0x38;
	[tilespmem:$0x19690] =	vst v63  }
0x30: {  	s2 =	rddreg [dreg:$0x1b]  }
0x31: {  	[tilespmem:s15], [sflag:$0x6] =	stream.linear.gather [hbm4b:s2+s1], $0x2800, $0x38;
	[tilespmem:$0x19690] =	vst v63  }
0x32: {  	s3 =	rddreg [dreg:$0x17]  }
0x33: {  	[tilespmem:s1], [sflag:$0x1] =	stream.linear.gather [hbm4b:s3+s1], $0x1F40, $0x38;
	[tilespmem:$0x19690] =	vst v63  }
0x34: {  	s23 =	rddreg [dreg:$0x18];
	s0 =	simm.s32 $0xA430  }
0x35: {  	[tilespmem:s16], [sflag:$0x3] =	stream.linear.gather [hbm4b:s23+s1], $0x1F40, $0x38;
	[tilespmem:$0x19690] =	vst v63  }
0x36: {  	[tilespmem:s0+$0xFFFFFFF0] =	vst v0  }
0x37: {  	[tilespmem:s0+$0xFFFFFFE0] =	vst v0  }
0x38: {  	[tilespmem:s0+$0x0] =	vst v0  }
0x39: {  	s2 =	simm.s32 $0x14430;
	[tilespmem:s0+$0x10] =	vst v0  }
0x3a: {  	[tilespmem:s2+$0xFFFFFFE0] =	vst v0  }
0x3b: {  	[tilespmem:s2+$0x10] =	vst v0  }
0x3c: {  	s3 =	simm.s32 $0x0;
	[tilespmem:s2+$0x0] =	vst v0  }
.LBB2_2:
0x3d: {  	s3 =	sadd.s32 $0x4, s3;
	[tilespmem:s2+$0xFFFFFFF0] =	vst v0;
	s0 =	sadd.s32 $0x40, s0;
	s2 =	sadd.s32 $0x40, s2  }
0x3e: {  	[tilespmem:s0+$0xFFFFFFF0] =	vst v0;
	p1 =	slt.u32 s3, $0x27C  }
0x3f: {  	[tilespmem:s0+$0xFFFFFFE0] =	vst v0  }
.Ltmp0:
0x40: {  	[tilespmem:s2+$0xFFFFFFE0] =	vst v0;
	(pc) =	sbr.rel @p1 .LBB2_2-.Ltmp0, $4  }
0x41: {  	[tilespmem:s0+$0x0] =	vst v0  }
0x42: {  	[tilespmem:s0+$0x10] =	vst v0  }
0x43: {  	[tilespmem:s2+$0x10] =	vst v0  }
0x44: {  	[tilespmem:s2+$0x0] =	vst v0  }
0x45: {  	[tilespmem:s2+$0xFFFFFFF0] =	vst v0  }
0x46: {  	_ =	swait.ge [sflag:s17], $0x2710  }
0x47: {  	[sflag:s17] =	ssyncset.done $0x0  }
0x48: {  	s0 =	simm.s32 $0x7D20;
	[sflag:s17] =	ssyncadd.s32 $0xFFFFD8F0  }
0x49: {  	v5 =	vld [tilespmem:s0+$0x10];
	_ =	sdelay $0x4  }
0x4a: {  	v4 =	vld [tilespmem:s0+$0xFFFFFFE0]  }
0x4b: {  	v2 =	vld [tilespmem:s0+$0xFFFFFFF0]  }
0x4c: {  	v3 =	vld [tilespmem:s0+$0x0]  }
0x4d: {  	s2 =	simm.s32 $0x7D60;
	s0 =	simm.s32 $0x0;
	[tilespmem:v5+s18+$0x0] =	vst.idx.add.f32.msk $0xffff, v1  }
.LBB2_4:
0x4e: {  	v5 =	vld [tilespmem:s2+$0x10];
	s0 =	sadd.s32 $0x4, s0  }
0x4f: {  	v6 =	vld [tilespmem:s2+$0xFFFFFFF0];
	p1 =	slt.u32 s0, $0x26C  }
0x50: {  	v7 =	vld [tilespmem:s2+$0x0]  }
0x51: {  	v8 =	vld [tilespmem:s2+$0xFFFFFFE0]  }
.Ltmp1:
0x52: {  	[tilespmem:v4+s18+$0x0] =	vst.idx.add.f32.msk $0xffff, v1;
	(pc) =	sbr.rel @p1 .LBB2_4-.Ltmp1, $4  }
0x53: {  	[tilespmem:v2+s18+$0x0] =	vst.idx.add.f32.msk $0xffff, v1  }
0x54: {  	[tilespmem:v3+s18+$0x0] =	vst.idx.add.f32.msk $0xffff, v1;
	v2 =	vmov v6  }
0x55: {  	v3 =	vmov v7  }
0x56: {  	s2 =	sadd.s32 $0x40, s2;
	[tilespmem:v5+s18+$0x0] =	vst.idx.add.f32.msk $0xffff, v1;
	v4 =	vmov v8  }
0x57: {  	_ =	sdelay $0x3  }
0x58: {  	[tilespmem:v4+s18+$0x0] =	vst.idx.add.f32.msk $0xffff, v1  }
0x59: {  	[tilespmem:v2+s18+$0x0] =	vst.idx.add.f32.msk $0xffff, v1  }
0x5a: {  	[tilespmem:v3+s18+$0x0] =	vst.idx.add.f32.msk $0xffff, v1  }
0x5b: {  	v2 =	vld [tilespmem:$0xA400];
	_ =	sdelay $0x7  }
0x5c: {  	s0 =	rddreg [dreg:$0x1c];
	[tilespmem:v2+s18+$0x0] =	vst.idx.add.f32.msk $0xffff, v1  }
0x5d: {  	[spmem:s0] =	stream.linear.scatter [tilespmem:s18], [sflag:$0x7], $0x2800, $0x38;
	[tilespmem:$0x19690] =	vst v63  }
0x5e: {  	_ =	swait.ge [sflag:s19], $0x2800  }
0x5f: {  	[sflag:s19] =	ssyncset.done $0x0  }
0x60: {  	[sflag:s19] =	ssyncadd.s32 $0xFFFFD800  }
0x61: {  	[bflag:$0x0] =	sbarrier.arrive $0xFFFF  }
0x62: {  	s3 =	simm.s32 $0xCC10;
	s23 =	sld [smem:$0x7FA]  }
0x63: {  	[tilespmem:s3], [sflag:$0x5] =	stream.linear.gather [spmem:s29], $0x280, $0x38;
	[tilespmem:$0x19690] =	vst v63  }
0x64: {  	s2 =	simm.s32 $0xCE90;
	s3 =	sld [smem:$0x7FB]  }
0x65: {  	[tilespmem:s2], [sflag:$0x5] =	stream.linear.gather [spmem:s23], $0x280, $0x38;
	[tilespmem:$0x19690] =	vst v63  }
0x66: {  	s23 =	simm.s32 $0xD110  }
0x67: {  	[tilespmem:s23], [sflag:$0x5] =	stream.linear.gather [spmem:s3], $0x280, $0x38;
	[tilespmem:$0x19690] =	vst v63  }
0x68: {  	s3 =	sld [smem:$0x7FC];
	_ =	sdelay $0x1  }
0x69: {  	s2 =	sld [smem:$0x7FD];
	s23 =	simm.s32 $0xD390  }
0x6a: {  	[tilespmem:s23], [sflag:$0x5] =	stream.linear.gather [spmem:s3], $0x280, $0x38;
	[tilespmem:$0x19690] =	vst v63  }
0x6b: {  	s3 =	simm.s32 $0xD610  }
0x6c: {  	[tilespmem:s3], [sflag:$0x5] =	stream.linear.gather [spmem:s2], $0x280, $0x38;
	[tilespmem:$0x19690] =	vst v63  }
0x6d: {  	s23 =	simm.s32 $0xD890  }
0x6e: {  	[tilespmem:s23], [sflag:$0x5] =	stream.linear.gather [spmem:s4], $0x280, $0x38;
	[tilespmem:$0x19690] =	vst v63  }
0x6f: {  	s2 =	simm.s32 $0xDB10  }
0x70: {  	[tilespmem:s2], [sflag:$0x5] =	stream.linear.gather [spmem:s5], $0x280, $0x38;
	[tilespmem:$0x19690] =	vst v63  }
0x71: {  	s3 =	simm.s32 $0xDD90  }
0x72: {  	[tilespmem:s3], [sflag:$0x5] =	stream.linear.gather [spmem:s6], $0x280, $0x38;
	[tilespmem:$0x19690] =	vst v63  }
0x73: {  	s0 =	simm.s32 $0xE010  }
0x74: {  	[tilespmem:s0], [sflag:$0x5] =	stream.linear.gather [spmem:s7], $0x280, $0x38;
	[tilespmem:$0x19690] =	vst v63  }
0x75: {  	s23 =	simm.s32 $0xE290  }
0x76: {  	[tilespmem:s23], [sflag:$0x5] =	stream.linear.gather [spmem:s8], $0x280, $0x38;
	[tilespmem:$0x19690] =	vst v63  }
0x77: {  	s3 =	simm.s32 $0xE510  }
0x78: {  	[tilespmem:s3], [sflag:$0x5] =	stream.linear.gather [spmem:s9], $0x280, $0x38;
	[tilespmem:$0x19690] =	vst v63  }
0x79: {  	s23 =	simm.s32 $0xE790  }
0x7a: {  	[tilespmem:s23], [sflag:$0x5] =	stream.linear.gather [spmem:s10], $0x280, $0x38;
	[tilespmem:$0x19690] =	vst v63  }
0x7b: {  	s3 =	simm.s32 $0xEA10  }
0x7c: {  	[tilespmem:s3], [sflag:$0x5] =	stream.linear.gather [spmem:s11], $0x280, $0x38;
	[tilespmem:$0x19690] =	vst v63  }
0x7d: {  	s23 =	simm.s32 $0xEC90  }
0x7e: {  	[tilespmem:s23], [sflag:$0x5] =	stream.linear.gather [spmem:s12], $0x280, $0x38;
	[tilespmem:$0x19690] =	vst v63  }
0x7f: {  	s3 =	simm.s32 $0xEF10  }
0x80: {  	[tilespmem:s3], [sflag:$0x5] =	stream.linear.gather [spmem:s13], $0x280, $0x38;
	[tilespmem:$0x19690] =	vst v63  }
0x81: {  	s23 =	simm.s32 $0xF190  }
0x82: {  	[tilespmem:s23], [sflag:$0x5] =	stream.linear.gather [spmem:s14], $0x280, $0x38;
	[tilespmem:$0x19690] =	vst v63  }
0x83: {  	_ =	swait.ge [sflag:s17], $0x280  }
0x84: {  	[sflag:s17] =	ssyncset.done $0x0  }
0x85: {  	[sflag:s17] =	ssyncadd.s32 $0xFFFFFD80  }
0x86: {  	_ =	swait.ge [sflag:s17], $0x280  }
0x87: {  	[sflag:s17] =	ssyncset.done $0x0  }
0x88: {  	[sflag:s17] =	ssyncadd.s32 $0xFFFFFD80  }
0x89: {  	_ =	swait.ge [sflag:s17], $0x280  }
0x8a: {  	[sflag:s17] =	ssyncset.done $0x0  }
0x8b: {  	[sflag:s17] =	ssyncadd.s32 $0xFFFFFD80  }
0x8c: {  	_ =	swait.ge [sflag:s17], $0x280  }
0x8d: {  	[sflag:s17] =	ssyncset.done $0x0  }
0x8e: {  	[sflag:s17] =	ssyncadd.s32 $0xFFFFFD80  }
0x8f: {  	_ =	swait.ge [sflag:s17], $0x280  }
0x90: {  	[sflag:s17] =	ssyncset.done $0x0  }
0x91: {  	[sflag:s17] =	ssyncadd.s32 $0xFFFFFD80  }
0x92: {  	_ =	swait.ge [sflag:s17], $0x280  }
0x93: {  	[sflag:s17] =	ssyncset.done $0x0  }
0x94: {  	[sflag:s17] =	ssyncadd.s32 $0xFFFFFD80  }
0x95: {  	_ =	swait.ge [sflag:s17], $0x280  }
0x96: {  	[sflag:s17] =	ssyncset.done $0x0  }
0x97: {  	[sflag:s17] =	ssyncadd.s32 $0xFFFFFD80  }
0x98: {  	_ =	swait.ge [sflag:s17], $0x280  }
0x99: {  	[sflag:s17] =	ssyncset.done $0x0  }
0x9a: {  	[sflag:s17] =	ssyncadd.s32 $0xFFFFFD80  }
0x9b: {  	_ =	swait.ge [sflag:s17], $0x280  }
0x9c: {  	[sflag:s17] =	ssyncset.done $0x0  }
0x9d: {  	[sflag:s17] =	ssyncadd.s32 $0xFFFFFD80  }
0x9e: {  	_ =	swait.ge [sflag:s17], $0x280  }
0x9f: {  	[sflag:s17] =	ssyncset.done $0x0  }
0xa0: {  	[sflag:s17] =	ssyncadd.s32 $0xFFFFFD80  }
0xa1: {  	_ =	swait.ge [sflag:s17], $0x280  }
0xa2: {  	[sflag:s17] =	ssyncset.done $0x0  }
0xa3: {  	[sflag:s17] =	ssyncadd.s32 $0xFFFFFD80  }
0xa4: {  	_ =	swait.ge [sflag:s17], $0x280  }
0xa5: {  	[sflag:s17] =	ssyncset.done $0x0  }
0xa6: {  	[sflag:s17] =	ssyncadd.s32 $0xFFFFFD80  }
0xa7: {  	_ =	swait.ge [sflag:s17], $0x280  }
0xa8: {  	[sflag:s17] =	ssyncset.done $0x0  }
0xa9: {  	[sflag:s17] =	ssyncadd.s32 $0xFFFFFD80  }
0xaa: {  	_ =	swait.ge [sflag:s17], $0x280  }
0xab: {  	[sflag:s17] =	ssyncset.done $0x0  }
0xac: {  	[sflag:s17] =	ssyncadd.s32 $0xFFFFFD80  }
0xad: {  	_ =	swait.ge [sflag:s17], $0x280  }
0xae: {  	[sflag:s17] =	ssyncset.done $0x0  }
0xaf: {  	[sflag:s17] =	ssyncadd.s32 $0xFFFFFD80  }
0xb0: {  	_ =	swait.ge [sflag:s17], $0x280  }
0xb1: {  	[sflag:s17] =	ssyncset.done $0x0  }
0xb2: {  	[sflag:s17] =	ssyncadd.s32 $0xFFFFFD80  }
0xb3: {  	v2 =	vld [tilespmem:s0+$0xFFFFEC10]  }
0xb4: {  	v3 =	vld [tilespmem:s0+$0xFFFFEE90]  }
0xb5: {  	v4 =	vld [tilespmem:s0+$0xFFFFEE80]  }
0xb6: {  	v5 =	vld [tilespmem:s0+$0xFFFFF110]  }
0xb7: {  	v6 =	vld [tilespmem:s0+$0xFFFFEC00]  }
0xb8: {  	v7 =	vld [tilespmem:s0+$0xFFFFF390]  }
0xb9: {  	v8 =	vld [tilespmem:s0+$0xFFFFF100];
	v2 =	vadd.f32 v3, v2  }
0xba: {  	v3 =	vld [tilespmem:s0+$0xFFFFF610]  }
0xbb: {  	v9 =	vld [tilespmem:s0+$0xFFFFF380];
	v2 =	vadd.f32 v5, v2  }
0xbc: {  	v4 =	vadd.f32 v4, v6;
	v5 =	vld [tilespmem:s0+$0xFFFFF890]  }
0xbd: {  	v6 =	vld [tilespmem:s0+$0xFFFFF600];
	v2 =	vadd.f32 v7, v2  }
0xbe: {  	v4 =	vadd.f32 v8, v4;
	v7 =	vld [tilespmem:s0+$0xFFFFFB10]  }
0xbf: {  	v8 =	vld [tilespmem:s0+$0xFFFFF880];
	v2 =	vadd.f32 v3, v2  }
0xc0: {  	v3 =	vadd.f32 v9, v4;
	v4 =	vld [tilespmem:s0+$0xFFFFFD90]  }
0xc1: {  	v9 =	vld [tilespmem:s0+$0xFFFFFB00];
	v2 =	vadd.f32 v5, v2  }
0xc2: {  	v3 =	vadd.f32 v6, v3;
	v5 =	vld [tilespmem:s0+$0x10]  }
0xc3: {  	v6 =	vld [tilespmem:s0+$0xFFFFFD80];
	v2 =	vadd.f32 v7, v2  }
0xc4: {  	v3 =	vadd.f32 v8, v3;
	v7 =	vld [tilespmem:s0+$0x290]  }
0xc5: {  	v8 =	vld [tilespmem:s0+$0x0];
	v2 =	vadd.f32 v4, v2  }
0xc6: {  	v3 =	vadd.f32 v9, v3;
	v4 =	vld [tilespmem:s0+$0x510]  }
0xc7: {  	v9 =	vld [tilespmem:s0+$0x280];
	v2 =	vadd.f32 v5, v2  }
0xc8: {  	v3 =	vadd.f32 v6, v3;
	v5 =	vld [tilespmem:s0+$0x790]  }
0xc9: {  	v6 =	vld [tilespmem:s0+$0x500];
	v2 =	vadd.f32 v7, v2  }
0xca: {  	v3 =	vadd.f32 v8, v3;
	v7 =	vld [tilespmem:s0+$0xA10]  }
0xcb: {  	v8 =	vld [tilespmem:s0+$0x780];
	v2 =	vadd.f32 v4, v2  }
0xcc: {  	v3 =	vadd.f32 v9, v3;
	v4 =	vld [tilespmem:s0+$0xC90]  }
0xcd: {  	v9 =	vld [tilespmem:s0+$0xA00];
	v2 =	vadd.f32 v5, v2  }
0xce: {  	v3 =	vadd.f32 v6, v3;
	v5 =	vld [tilespmem:s0+$0xF10]  }
0xcf: {  	v6 =	vld [tilespmem:s0+$0xC80];
	v2 =	vadd.f32 v7, v2  }
0xd0: {  	v3 =	vadd.f32 v8, v3;
	v7 =	vld [tilespmem:s0+$0x1190]  }
0xd1: {  	v8 =	vld [tilespmem:s0+$0xF00];
	v2 =	vadd.f32 v4, v2  }
0xd2: {  	s3 =	simm.s32 $0xE030;
	v3 =	vadd.f32 v9, v3;
	v4 =	vld [tilespmem:s0+$0x1180]  }
0xd3: {  	v9 =	vld [tilespmem:s3+$0xFFFFEC10];
	v2 =	vadd.f32 v5, v2  }
0xd4: {  	v5 =	vld [tilespmem:s3+$0xFFFFEE90];
	v3 =	vadd.f32 v6, v3  }
0xd5: {  	v6 =	vld [tilespmem:s3+$0xFFFFEE80];
	v2 =	vadd.f32 v7, v2  }
0xd6: {  	v7 =	vld [tilespmem:s3+$0xFFFFF110];
	v3 =	vadd.f32 v8, v3  }
0xd7: {  	v8 =	vld [tilespmem:s3+$0xFFFFEC00];
	v2 =	vadd.f32 $1.000000000e+00, v2  }
0xd8: {  	v10 =	vld [tilespmem:s3+$0xFFFFF390];
	v3 =	vadd.f32 v4, v3  }
0xd9: {  	v4 =	vld [tilespmem:s3+$0xFFFFF100];
	v5 =	vadd.f32 v5, v9;
	v9 =	vshra.s32 v2, $0x1;
	v2 =	vmul.f32 $5.000000000e-01, v2  }
0xda: {  	v11 =	vld [tilespmem:s3+$0xFFFFF610];
	v3 =	vadd.f32 $1.000000000e+00, v3;
	v9 =	vsub.s32 $0x5F3759DF, v9  }
0xdb: {  	v12 =	vld [tilespmem:s3+$0xFFFFF380];
	v5 =	vadd.f32 v7, v5;
	v7 =	vmul.f32 v9, v2  }
0xdc: {  	v6 =	vadd.f32 v6, v8;
	v8 =	vld [tilespmem:s3+$0xFFFFF890];
	v13 =	vshra.s32 v3, $0x1;
	v3 =	vmul.f32 $5.000000000e-01, v3  }
0xdd: {  	v14 =	vld [tilespmem:s3+$0xFFFFF600];
	v5 =	vadd.f32 v10, v5;
	v10 =	vsub.s32 $0x5F3759DF, v13;
	v7 =	vmul.f32 v9, v7  }
0xde: {  	v4 =	vadd.f32 v4, v6;
	v6 =	vld [tilespmem:s3+$0xFFFFFB10];
	v13 =	vmul.f32 v10, v3  }
0xdf: {  	v15 =	vld [tilespmem:s3+$0xFFFFF880];
	v5 =	vadd.f32 v11, v5;
	v7 =	vsub.f32 $1.500000000e+00, v7  }
0xe0: {  	v4 =	vadd.f32 v12, v4;
	v11 =	vld [tilespmem:s3+$0xFFFFFD90];
	v52 =	vmul.f32 v10, v13  }
0xe1: {  	v53 =	vld [tilespmem:s3+$0xFFFFFB00];
	v5 =	vadd.f32 v8, v5;
	v7 =	vmul.f32 v9, v7  }
0xe2: {  	v4 =	vadd.f32 v14, v4;
	v8 =	vld [tilespmem:s3+$0x10];
	v9 =	vsub.f32 $1.500000000e+00, v52  }
0xe3: {  	v54 =	vld [tilespmem:s3+$0xFFFFFD80];
	v5 =	vadd.f32 v6, v5;
	v6 =	vmul.f32 v7, v2  }
0xe4: {  	v55 =	vld [tilespmem:s3+$0x290];
	v4 =	vadd.f32 v15, v4;
	v9 =	vmul.f32 v10, v9  }
0xe5: {  	v10 =	vld [tilespmem:s3+$0x0];
	v5 =	vadd.f32 v11, v5;
	v6 =	vmul.f32 v6, v7  }
0xe6: {  	v4 =	vadd.f32 v53, v4;
	v11 =	vld [tilespmem:s3+$0x510];
	v56 =	vmul.f32 v9, v3  }
0xe7: {  	v57 =	vld [tilespmem:s3+$0x280];
	v5 =	vadd.f32 v8, v5;
	v6 =	vsub.f32 $1.500000000e+00, v6  }
0xe8: {  	v4 =	vadd.f32 v54, v4;
	v8 =	vld [tilespmem:s3+$0x790];
	v58 =	vmul.f32 v56, v9  }
0xe9: {  	v59 =	vld [tilespmem:s3+$0x500];
	v5 =	vadd.f32 v55, v5;
	v60 =	vmul.f32 v6, v7  }
0xea: {  	v4 =	vadd.f32 v10, v4;
	v7 =	vld [tilespmem:s3+$0xA10];
	v6 =	vsub.f32 $1.500000000e+00, v58  }
0xeb: {  	v10 =	vld [tilespmem:s3+$0x780];
	v5 =	vadd.f32 v11, v5;
	v11 =	vmul.f32 v60, v2  }
0xec: {  	v61 =	vld [tilespmem:s3+$0xC90];
	v4 =	vadd.f32 v57, v4;
	v2 =	vmul.f32 v6, v9  }
0xed: {  	v9 =	vld [tilespmem:s3+$0xA00];
	v8 =	vadd.f32 v8, v5;
	v11 =	vmul.f32 v11, v60  }
0xee: {  	v4 =	vadd.f32 v59, v4;
	v5 =	vld [tilespmem:s3+$0xF10];
	v3 =	vmul.f32 v2, v3  }
0xef: {  	v6 =	vld [tilespmem:s3+$0xC80];
	v62 =	vadd.f32 v7, v8;
	v11 =	vsub.f32 $1.500000000e+00, v11  }
0xf0: {  	v4 =	vadd.f32 v10, v4;
	v7 =	vld [tilespmem:s3+$0x1190];
	v63 =	vmul.f32 v3, v2  }
0xf1: {  	v8 =	vld [tilespmem:s3+$0xF00];
	v10 =	vadd.f32 v61, v62;
	v3 =	vmul.f32 v11, v60  }
0xf2: {  	s2 =	simm.s32 $0xE050;
	s23 =	simm.s32 $0x2;
	s0 =	simm.s32 $0xA420;
	v11 =	vadd.f32 v9, v4;
	v9 =	vld [tilespmem:s3+$0x1180];
	v4 =	vsub.f32 $1.500000000e+00, v63  }
.LBB2_6:
0xf3: {  	v12 =	vld [tilespmem:s2+$0xFFFFEC10];
	v5 =	vadd.f32 v5, v10;
	[tilespmem:s0+$0x0] =	vst v3  }
0xf4: {  	s23 =	sadd.s32 $0x2, s23;
	v3 =	vld [tilespmem:s2+$0xFFFFEE90];
	v6 =	vadd.f32 v6, v11;
	v2 =	vmul.f32 v4, v2  }
0xf5: {  	p1 =	slt.u32 s23, $0x26;
	v4 =	vld [tilespmem:s2+$0xFFFFEE80];
	v5 =	vadd.f32 v7, v5  }
0xf6: {  	v7 =	vld [tilespmem:s2+$0xFFFFF110];
	v6 =	vadd.f32 v8, v6;
	[tilespmem:s0+$0xFFFFFFF0] =	vst v2  }
0xf7: {  	v2 =	vld [tilespmem:s2+$0xFFFFEC00];
	v5 =	vadd.f32 $1.000000000e+00, v5  }
0xf8: {  	v8 =	vld [tilespmem:s2+$0xFFFFF390];
	v6 =	vadd.f32 v9, v6  }
0xf9: {  	v9 =	vld [tilespmem:s2+$0xFFFFF100];
	v3 =	vadd.f32 v3, v12;
	v10 =	vshra.s32 v5, $0x1;
	v5 =	vmul.f32 $5.000000000e-01, v5  }
0xfa: {  	v11 =	vld [tilespmem:s2+$0xFFFFF610];
	v6 =	vadd.f32 $1.000000000e+00, v6;
	v10 =	vsub.s32 $0x5F3759DF, v10  }
0xfb: {  	v12 =	vld [tilespmem:s2+$0xFFFFF380];
	v3 =	vadd.f32 v7, v3;
	v7 =	vmul.f32 v10, v5  }
0xfc: {  	v2 =	vadd.f32 v4, v2;
	v4 =	vld [tilespmem:s2+$0xFFFFF890];
	v13 =	vshra.s32 v6, $0x1;
	v6 =	vmul.f32 $5.000000000e-01, v6  }
0xfd: {  	v14 =	vld [tilespmem:s2+$0xFFFFF600];
	v3 =	vadd.f32 v8, v3;
	v8 =	vsub.s32 $0x5F3759DF, v13;
	v7 =	vmul.f32 v10, v7  }
0xfe: {  	v2 =	vadd.f32 v9, v2;
	v9 =	vld [tilespmem:s2+$0xFFFFFB10];
	v13 =	vmul.f32 v8, v6  }
0xff: {  	v15 =	vld [tilespmem:s2+$0xFFFFF880];
	v3 =	vadd.f32 v11, v3;
	v7 =	vsub.f32 $1.500000000e+00, v7  }
0x100: {  	v2 =	vadd.f32 v12, v2;
	v11 =	vld [tilespmem:s2+$0xFFFFFD90];
	v12 =	vmul.f32 v8, v13  }
0x101: {  	v13 =	vld [tilespmem:s2+$0xFFFFFB00];
	v3 =	vadd.f32 v4, v3;
	v4 =	vmul.f32 v10, v7  }
0x102: {  	v2 =	vadd.f32 v14, v2;
	v7 =	vld [tilespmem:s2+$0x10];
	v10 =	vsub.f32 $1.500000000e+00, v12  }
0x103: {  	v12 =	vld [tilespmem:s2+$0xFFFFFD80];
	v3 =	vadd.f32 v9, v3;
	v9 =	vmul.f32 v4, v5  }
0x104: {  	v2 =	vadd.f32 v15, v2;
	v14 =	vld [tilespmem:s2+$0x290];
	v8 =	vmul.f32 v8, v10  }
0x105: {  	v10 =	vld [tilespmem:s2+$0x0];
	v3 =	vadd.f32 v11, v3;
	v9 =	vmul.f32 v9, v4  }
0x106: {  	v2 =	vadd.f32 v13, v2;
	v11 =	vld [tilespmem:s2+$0x510];
	v13 =	vmul.f32 v8, v6  }
0x107: {  	v15 =	vld [tilespmem:s2+$0x280];
	v3 =	vadd.f32 v7, v3;
	v7 =	vsub.f32 $1.500000000e+00, v9  }
0x108: {  	v2 =	vadd.f32 v12, v2;
	v9 =	vld [tilespmem:s2+$0x790];
	v12 =	vmul.f32 v13, v8  }
0x109: {  	v13 =	vld [tilespmem:s2+$0x500];
	v3 =	vadd.f32 v14, v3;
	v4 =	vmul.f32 v7, v4  }
0x10a: {  	v2 =	vadd.f32 v10, v2;
	v7 =	vld [tilespmem:s2+$0xA10];
	v10 =	vsub.f32 $1.500000000e+00, v12  }
0x10b: {  	v12 =	vld [tilespmem:s2+$0x780];
	v3 =	vadd.f32 v11, v3;
	v5 =	vmul.f32 v4, v5  }
0x10c: {  	v11 =	vadd.f32 v15, v2;
	v14 =	vld [tilespmem:s2+$0xC90];
	v2 =	vmul.f32 v10, v8  }
0x10d: {  	v15 =	vld [tilespmem:s2+$0xA00];
	v3 =	vadd.f32 v9, v3;
	v8 =	vmul.f32 v5, v4  }
.Ltmp2:
0x10e: {  	v9 =	vadd.f32 v13, v11;
	v5 =	vld [tilespmem:s2+$0xF10];
	v10 =	vmul.f32 v2, v6;
	(pc) =	sbr.rel @p1 .LBB2_6-.Ltmp2, $4  }
0x10f: {  	v6 =	vld [tilespmem:s2+$0xC80];
	v3 =	vadd.f32 v7, v3;
	v11 =	vsub.f32 $1.500000000e+00, v8  }
0x110: {  	v9 =	vadd.f32 v12, v9;
	v7 =	vld [tilespmem:s2+$0x1190];
	v12 =	vmul.f32 v10, v2  }
0x111: {  	v8 =	vld [tilespmem:s2+$0xF00];
	v10 =	vadd.f32 v14, v3;
	v3 =	vmul.f32 v11, v4  }
0x112: {  	s0 =	sadd.s32 $0x20, s0;
	v11 =	vadd.f32 v15, v9;
	v9 =	vld [tilespmem:s2+$0x1180];
	s2 =	sadd.s32 $0x20, s2;
	v4 =	vsub.f32 $1.500000000e+00, v12  }
0x113: {  	_ = 	snop  }
0x114: {  	v6 =	vadd.f32 v6, v11  }
0x115: {  	v5 =	vadd.f32 v5, v10  }
0x116: {  	v6 =	vadd.f32 v8, v6  }
0x117: {  	v5 =	vadd.f32 v7, v5  }
0x118: {  	v6 =	vadd.f32 v9, v6  }
0x119: {  	v5 =	vadd.f32 $1.000000000e+00, v5  }
0x11a: {  	v6 =	vadd.f32 $1.000000000e+00, v6  }
0x11b: {  	v7 =	vshra.s32 v5, $0x1;
	v5 =	vmul.f32 $5.000000000e-01, v5  }
0x11c: {  	v7 =	vsub.s32 $0x5F3759DF, v7;
	v8 =	vshra.s32 v6, $0x1;
	v6 =	vmul.f32 $5.000000000e-01, v6  }
0x11d: {  	v9 =	vmul.f32 v7, v5;
	v8 =	vsub.s32 $0x5F3759DF, v8  }
0x11e: {  	v10 =	vmul.f32 v8, v6  }
0x11f: {  	v9 =	vmul.f32 v7, v9  }
0x120: {  	v10 =	vmul.f32 v8, v10  }
0x121: {  	v9 =	vsub.f32 $1.500000000e+00, v9  }
0x122: {  	v10 =	vsub.f32 $1.500000000e+00, v10  }
0x123: {  	v7 =	vmul.f32 v7, v9  }
0x124: {  	v8 =	vmul.f32 v8, v10  }
0x125: {  	v9 =	vmul.f32 v7, v5  }
0x126: {  	v10 =	vmul.f32 v8, v6  }
0x127: {  	v9 =	vmul.f32 v9, v7  }
0x128: {  	v10 =	vmul.f32 v10, v8  }
0x129: {  	v9 =	vsub.f32 $1.500000000e+00, v9  }
0x12a: {  	v10 =	vsub.f32 $1.500000000e+00, v10  }
0x12b: {  	v7 =	vmul.f32 v9, v7  }
0x12c: {  	v8 =	vmul.f32 v10, v8  }
0x12d: {  	v5 =	vmul.f32 v7, v5  }
0x12e: {  	v6 =	vmul.f32 v8, v6  }
0x12f: {  	v5 =	vmul.f32 v5, v7  }
0x130: {  	v6 =	vmul.f32 v6, v8  }
0x131: {  	v5 =	vsub.f32 $1.500000000e+00, v5  }
0x132: {  	v2 =	vmul.f32 v4, v2;
	v4 =	vsub.f32 $1.500000000e+00, v6  }
0x133: {  	[tilespmem:s0+$0x0] =	vst v3;
	v3 =	vmul.f32 v5, v7  }
0x134: {  	s2 =	sadd.s32 $0x20, s0;
	[tilespmem:s0+$0xFFFFFFF0] =	vst v2;
	v2 =	vmul.f32 v4, v8  }
0x135: {  	[tilespmem:s2+$0x0] =	vst v3  }
0x136: {  	[tilespmem:s2+$0xFFFFFFF0] =	vst v2  }
0x137: {  	s0 =	rddreg [dreg:$0x1d]  }
0x138: {  	[spmem:s0] =	stream.linear.scatter [tilespmem:s18], [sflag:$0x7], $0x280, $0x38;
	[tilespmem:$0x19690] =	vst v63  }
0x139: {  	_ =	swait.ge [sflag:s19], $0x280  }
0x13a: {  	s2 =	simm.s32 @!p0 $0xA410;
	[sflag:s19] =	ssyncset.done $0x0  }
0x13b: {  	s0 =	simm.s32 @!p0 $0x0;
	s3 =	rddreg [dreg:$0x6];
	[sflag:s19] =	ssyncadd.s32 $0xFFFFFD80  }
0x13c: {  	[hbm4b:s3+s0] =	stream.linear.scatter @!p0 [tilespmem:s2], [sflag:$0x7], $0x280, $0x38;
	[tilespmem:$0x19690] =	vst v63  }
0x13d: {  	s0 =	simm.s32 @!p0 $0x7  }
0x13e: {  	_ =	swait.ge @!p0 [sflag:s0], $0x280  }
0x13f: {  	[sflag:s0] =	ssyncset.done @!p0 $0x0  }
0x140: {  	[sflag:s0] =	ssyncadd.s32 @!p0 $0xFFFFFD80  }
0x141: {  	[bflag:$0x0] =	sbarrier.arrive $0xFFFF  }
0x142: {  	s23 =	simm.s32 $0xF410;
	s3 =	rddreg [dreg:$0x3]  }
0x143: {  	[tilespmem:s23], [sflag:$0x7] =	stream.linear.gather [spmem:s3], $0x2800, $0x38;
	[tilespmem:$0x19690] =	vst v63  }
0x144: {  	_ =	swait.ge [sflag:s19], $0x2800  }
0x145: {  	[sflag:s19] =	ssyncset.done $0x0  }
0x146: {  	[sflag:s19] =	ssyncadd.s32 $0xFFFFD800  }
0x147: {  	_ =	swait.ge [sflag:s21], $0x2800  }
0x148: {  	[sflag:s21] =	ssyncset.done $0x0  }
0x149: {  	s0 =	simm.s32 $0x11C30;
	[sflag:s21] =	ssyncadd.s32 $0xFFFFD800  }
0x14a: {  	s2 =	simm.s32 $0xF430;
	v7 =	vld [tilespmem:s0+$0x10]  }
0x14b: {  	v8 =	vld [tilespmem:s2+$0x10]  }
0x14c: {  	v4 =	vld [tilespmem:s2+$0xFFFFFFE0]  }
0x14d: {  	v2 =	vld [tilespmem:s0+$0xFFFFFFF0]  }
0x14e: {  	v6 =	vld [tilespmem:s2+$0xFFFFFFF0]  }
0x14f: {  	v3 =	vld [tilespmem:s0+$0x0]  }
0x150: {  	v5 =	vld [tilespmem:s2+$0x0];
	v8 =	vmul.f32 v8, v7  }
0x151: {  	s23 =	simm.s32 $0x0;
	s3 =	simm.s32 $0x11C70;
	v7 =	vld [tilespmem:s0+$0xFFFFFFE0]  }
.LBB2_8:
0x152: {  	v9 =	vld [tilespmem:s3+$0x10];
	[tilespmem:s0+$0x10] =	vst v8;
	s2 =	sadd.s32 $0x40, s2  }
0x153: {  	s23 =	sadd.s32 $0x4, s23;
	v8 =	vld [tilespmem:s2+$0x10];
	v6 =	vmul.f32 v6, v2  }
0x154: {  	p1 =	slt.u32 s23, $0x27C;
	v10 =	vld [tilespmem:s2+$0xFFFFFFE0]  }
.Ltmp3:
0x155: {  	v2 =	vld [tilespmem:s3+$0xFFFFFFF0];
	[tilespmem:s0+$0xFFFFFFF0] =	vst v6;
	v5 =	vmul.f32 v5, v3;
	(pc) =	sbr.rel @p1 .LBB2_8-.Ltmp3, $4  }
0x156: {  	v6 =	vld [tilespmem:s2+$0xFFFFFFF0];
	v11 =	vmul.f32 v4, v7  }
0x157: {  	v3 =	vld [tilespmem:s3+$0x0];
	[tilespmem:s0+$0x0] =	vst v5  }
0x158: {  	v5 =	vld [tilespmem:s2+$0x0];
	v8 =	vmul.f32 v8, v9;
	[tilespmem:s0+$0xFFFFFFE0] =	vst v11;
	s0 =	smov.u32 s3  }
0x159: {  	s3 =	sadd.s32 $0x40, s3;
	v7 =	vld [tilespmem:s0+$0xFFFFFFE0];
	v4 =	vmov v10  }
0x15a: {  	_ =	sdelay $0x1  }
0x15b: {  	v2 =	vmul.f32 v6, v2  }
0x15c: {  	[tilespmem:s0+$0x10] =	vst v8;
	v3 =	vmul.f32 v5, v3  }
0x15d: {  	[tilespmem:s0+$0xFFFFFFF0] =	vst v2;
	v2 =	vmul.f32 v4, v7  }
0x15e: {  	[tilespmem:s0+$0x0] =	vst v3  }
0x15f: {  	[tilespmem:s0+$0xFFFFFFE0] =	vst v2  }
0x160: {  	s0 =	rddreg [dreg:$0x7]  }
0x161: {  	[tilespmem:s22], [sflag:$0x2] =	stream.linear.gather [hbm4b:s0+s1], $0x1F40, $0x38;
	[tilespmem:$0x19690] =	vst v63  }
0x162: {  	s3 =	rddreg [dreg:$0x8]  }
0x163: {  	[tilespmem:s24], [sflag:$0x4] =	stream.linear.gather [hbm4b:s3+s1], $0x1F40, $0x38;
	[tilespmem:$0x19690] =	vst v63  }
0x164: {  	_ =	swait.ge [sflag:s25], $0x1F40  }
0x165: {  	[sflag:s25] =	ssyncset.done $0x0  }
0x166: {  	[sflag:s25] =	ssyncadd.s32 $0xFFFFE0C0  }
0x167: {  	_ =	swait.ge [sflag:s26], $0x1F40  }
0x168: {  	[sflag:s26] =	ssyncset.done $0x0  }
0x169: {  	s23 =	simm.s32 $0x20;
	[sflag:s26] =	ssyncadd.s32 $0xFFFFE0C0  }
0x16a: {  	v3 =	vld [tilespmem:s23+$0x10]  }
0x16b: {  	v4 =	vld [tilespmem:s23+$0xFFFFFFF0]  }
0x16c: {  	v5 =	vld [tilespmem:s23+$0x0]  }
0x16d: {  	v7 =	vld [tilespmem:s23+$0xFFFFFFE0];
	_ =	sdelay $0x1  }
0x16e: {  	s0 =	simm.s32 $0x3EA0  }
0x16f: {  	v8 =	vld [tilespmem:s0+$0x10]  }
0x170: {  	v2 =	vld [tilespmem:s0+$0xFFFFFFE0]  }
0x171: {  	v9 =	vld.idx.msk [tilespmem:v3+s15+$0x0], $0xffff  }
0x172: {  	v3 =	vld.idx.msk [tilespmem:v4+s15+$0x0], $0xffff  }
0x173: {  	v6 =	vld.idx.msk [tilespmem:v5+s15+$0x0], $0xffff  }
0x174: {  	v4 =	vld.idx.msk [tilespmem:v7+s15+$0x0], $0xffff  }
0x175: {  	v5 =	vld [tilespmem:s0+$0xFFFFFFF0]  }
0x176: {  	v7 =	vld [tilespmem:s0+$0x0];
	_ =	sdelay $0x1  }
0x177: {  	s2 =	simm.s32 $0x0;
	s23 =	simm.s32 $0x60;
	[tilespmem:v8+s28+$0x0] =	vst.idx.add.f32.msk $0xffff, v9  }
.LBB2_10:
0x178: {  	v8 =	vld [tilespmem:s23+$0x10];
	s2 =	sadd.s32 $0x4, s2;
	v9 =	vmov v6  }
0x179: {  	v6 =	vld [tilespmem:s23+$0xFFFFFFF0];
	p1 =	slt.u32 s2, $0x1F0  }
0x17a: {  	v10 =	vld [tilespmem:s23+$0x0];
	v11 =	vmov v7  }
0x17b: {  	v7 =	vld [tilespmem:s23+$0xFFFFFFE0]  }
0x17c: {  	[tilespmem:v2+s28+$0x0] =	vst.idx.add.f32.msk $0xffff, v4  }
0x17d: {  	s0 =	sadd.s32 $0x40, s0;
	[tilespmem:v5+s28+$0x0] =	vst.idx.add.f32.msk $0xffff, v3  }
0x17e: {  	v12 =	vld [tilespmem:s0+$0x10]  }
0x17f: {  	v2 =	vld [tilespmem:s0+$0xFFFFFFE0]  }
0x180: {  	v8 =	vld.idx.msk [tilespmem:v8+s15+$0x0], $0xffff  }
0x181: {  	v3 =	vld.idx.msk [tilespmem:v6+s15+$0x0], $0xffff  }
0x182: {  	v6 =	vld.idx.msk [tilespmem:v10+s15+$0x0], $0xffff  }
.Ltmp4:
0x183: {  	v4 =	vld.idx.msk [tilespmem:v7+s15+$0x0], $0xffff;
	(pc) =	sbr.rel @p1 .LBB2_10-.Ltmp4, $4  }
0x184: {  	v5 =	vld [tilespmem:s0+$0xFFFFFFF0]  }
0x185: {  	v7 =	vld [tilespmem:s0+$0x0]  }
0x186: {  	[tilespmem:v12+s28+$0x0] =	vst.idx.add.f32.msk $0xffff, v8  }
0x187: {  	s23 =	sadd.s32 $0x40, s23;
	[tilespmem:v11+s28+$0x0] =	vst.idx.add.f32.msk $0xffff, v9  }
0x188: {  	_ =	sdelay $0x3  }
0x189: {  	[tilespmem:v2+s28+$0x0] =	vst.idx.add.f32.msk $0xffff, v4  }
0x18a: {  	[tilespmem:v5+s28+$0x0] =	vst.idx.add.f32.msk $0xffff, v3  }
0x18b: {  	[tilespmem:v7+s28+$0x0] =	vst.idx.add.f32.msk $0xffff, v6  }
0x18c: {  	s0 =	rddreg [dreg:$0x9]  }
0x18d: {  	[tilespmem:s1], [sflag:$0x1] =	stream.linear.gather [hbm4b:s0+s1], $0x1F40, $0x38;
	[tilespmem:$0x19690] =	vst v63  }
0x18e: {  	s3 =	rddreg [dreg:$0xa]  }
0x18f: {  	[tilespmem:s16], [sflag:$0x3] =	stream.linear.gather [hbm4b:s3+s1], $0x1F40, $0x38;
	[tilespmem:$0x19690] =	vst v63  }
0x190: {  	_ =	swait.ge [sflag:s30], $0x1F40  }
0x191: {  	[sflag:s30] =	ssyncset.done $0x0  }
0x192: {  	[sflag:s30] =	ssyncadd.s32 $0xFFFFE0C0  }
0x193: {  	_ =	swait.ge [sflag:s31], $0x1F40  }
0x194: {  	[sflag:s31] =	ssyncset.done $0x0  }
0x195: {  	s23 =	simm.s32 $0x1F70;
	[sflag:s31] =	ssyncadd.s32 $0xFFFFE0C0  }
0x196: {  	v3 =	vld [tilespmem:s23+$0x0]  }
0x197: {  	v4 =	vld [tilespmem:s23+$0xFFFFFFE0]  }
0x198: {  	v5 =	vld [tilespmem:s23+$0xFFFFFFF0]  }
0x199: {  	v7 =	vld [tilespmem:s23+$0xFFFFFFD0];
	_ =	sdelay $0x1  }
0x19a: {  	s0 =	simm.s32 $0x5DF0  }
0x19b: {  	v8 =	vld [tilespmem:s0+$0x0]  }
0x19c: {  	v2 =	vld [tilespmem:s0+$0xFFFFFFD0]  }
0x19d: {  	v9 =	vld.idx.msk [tilespmem:v3+s15+$0x0], $0xffff  }
0x19e: {  	v3 =	vld.idx.msk [tilespmem:v4+s15+$0x0], $0xffff  }
0x19f: {  	v6 =	vld.idx.msk [tilespmem:v5+s15+$0x0], $0xffff  }
0x1a0: {  	v4 =	vld.idx.msk [tilespmem:v7+s15+$0x0], $0xffff  }
0x1a1: {  	v5 =	vld [tilespmem:s0+$0xFFFFFFE0]  }
0x1a2: {  	v7 =	vld [tilespmem:s0+$0xFFFFFFF0];
	_ =	sdelay $0x1  }
0x1a3: {  	s2 =	simm.s32 $0x0;
	s23 =	simm.s32 $0x1FB0;
	[tilespmem:v8+s28+$0x0] =	vst.idx.add.f32.msk $0xffff, v9  }
.LBB2_12:
0x1a4: {  	v8 =	vld [tilespmem:s23+$0x0];
	s2 =	sadd.s32 $0x4, s2;
	v9 =	vmov v6  }
0x1a5: {  	v6 =	vld [tilespmem:s23+$0xFFFFFFE0];
	p1 =	slt.u32 s2, $0x1F0  }
0x1a6: {  	v10 =	vld [tilespmem:s23+$0xFFFFFFF0];
	v11 =	vmov v7  }
0x1a7: {  	v7 =	vld [tilespmem:s23+$0xFFFFFFD0]  }
0x1a8: {  	[tilespmem:v2+s28+$0x0] =	vst.idx.add.f32.msk $0xffff, v4  }
0x1a9: {  	s0 =	sadd.s32 $0x40, s0;
	[tilespmem:v5+s28+$0x0] =	vst.idx.add.f32.msk $0xffff, v3  }
0x1aa: {  	v12 =	vld [tilespmem:s0+$0x0]  }
0x1ab: {  	v2 =	vld [tilespmem:s0+$0xFFFFFFD0]  }
0x1ac: {  	v8 =	vld.idx.msk [tilespmem:v8+s15+$0x0], $0xffff  }
0x1ad: {  	v3 =	vld.idx.msk [tilespmem:v6+s15+$0x0], $0xffff  }
0x1ae: {  	v6 =	vld.idx.msk [tilespmem:v10+s15+$0x0], $0xffff  }
.Ltmp5:
0x1af: {  	v4 =	vld.idx.msk [tilespmem:v7+s15+$0x0], $0xffff;
	(pc) =	sbr.rel @p1 .LBB2_12-.Ltmp5, $4  }
0x1b0: {  	v5 =	vld [tilespmem:s0+$0xFFFFFFE0]  }
0x1b1: {  	v7 =	vld [tilespmem:s0+$0xFFFFFFF0]  }
0x1b2: {  	[tilespmem:v12+s28+$0x0] =	vst.idx.add.f32.msk $0xffff, v8  }
0x1b3: {  	s23 =	sadd.s32 $0x40, s23;
	[tilespmem:v11+s28+$0x0] =	vst.idx.add.f32.msk $0xffff, v9  }
0x1b4: {  	_ =	sdelay $0x3  }
0x1b5: {  	[tilespmem:v2+s28+$0x0] =	vst.idx.add.f32.msk $0xffff, v4  }
0x1b6: {  	[tilespmem:v5+s28+$0x0] =	vst.idx.add.f32.msk $0xffff, v3  }
0x1b7: {  	[tilespmem:v7+s28+$0x0] =	vst.idx.add.f32.msk $0xffff, v6  }
0x1b8: {  	s0 =	rddreg [dreg:$0xb]  }
0x1b9: {  	[tilespmem:s22], [sflag:$0x2] =	stream.linear.gather [hbm4b:s0+s1], $0x1F40, $0x38;
	[tilespmem:$0x19690] =	vst v63  }
0x1ba: {  	s3 =	rddreg [dreg:$0xc]  }
0x1bb: {  	[tilespmem:s24], [sflag:$0x4] =	stream.linear.gather [hbm4b:s3+s1], $0x1F40, $0x38;
	[tilespmem:$0x19690] =	vst v63  }
0x1bc: {  	_ =	swait.ge [sflag:s25], $0x1F40  }
0x1bd: {  	[sflag:s25] =	ssyncset.done $0x0  }
0x1be: {  	[sflag:s25] =	ssyncadd.s32 $0xFFFFE0C0  }
0x1bf: {  	_ =	swait.ge [sflag:s26], $0x1F40  }
0x1c0: {  	[sflag:s26] =	ssyncset.done $0x0  }
0x1c1: {  	s23 =	simm.s32 $0x20;
	[sflag:s26] =	ssyncadd.s32 $0xFFFFE0C0  }
0x1c2: {  	v3 =	vld [tilespmem:s23+$0x10]  }
0x1c3: {  	v4 =	vld [tilespmem:s23+$0xFFFFFFF0]  }
0x1c4: {  	v5 =	vld [tilespmem:s23+$0x0]  }
0x1c5: {  	v7 =	vld [tilespmem:s23+$0xFFFFFFE0];
	_ =	sdelay $0x1  }
0x1c6: {  	s0 =	simm.s32 $0x3EA0  }
0x1c7: {  	v8 =	vld [tilespmem:s0+$0x10]  }
0x1c8: {  	v2 =	vld [tilespmem:s0+$0xFFFFFFE0]  }
0x1c9: {  	v9 =	vld.idx.msk [tilespmem:v3+s15+$0x0], $0xffff  }
0x1ca: {  	v3 =	vld.idx.msk [tilespmem:v4+s15+$0x0], $0xffff  }
0x1cb: {  	v6 =	vld.idx.msk [tilespmem:v5+s15+$0x0], $0xffff  }
0x1cc: {  	v4 =	vld.idx.msk [tilespmem:v7+s15+$0x0], $0xffff  }
0x1cd: {  	v5 =	vld [tilespmem:s0+$0xFFFFFFF0]  }
0x1ce: {  	v7 =	vld [tilespmem:s0+$0x0];
	_ =	sdelay $0x1  }
0x1cf: {  	s2 =	simm.s32 $0x0;
	s23 =	simm.s32 $0x60;
	[tilespmem:v8+s28+$0x0] =	vst.idx.add.f32.msk $0xffff, v9  }
.LBB2_14:
0x1d0: {  	v8 =	vld [tilespmem:s23+$0x10];
	s2 =	sadd.s32 $0x4, s2;
	v9 =	vmov v6  }
0x1d1: {  	v6 =	vld [tilespmem:s23+$0xFFFFFFF0];
	p1 =	slt.u32 s2, $0x1F0  }
0x1d2: {  	v10 =	vld [tilespmem:s23+$0x0];
	v11 =	vmov v7  }
0x1d3: {  	v7 =	vld [tilespmem:s23+$0xFFFFFFE0]  }
0x1d4: {  	[tilespmem:v2+s28+$0x0] =	vst.idx.add.f32.msk $0xffff, v4  }
0x1d5: {  	s0 =	sadd.s32 $0x40, s0;
	[tilespmem:v5+s28+$0x0] =	vst.idx.add.f32.msk $0xffff, v3  }
0x1d6: {  	v12 =	vld [tilespmem:s0+$0x10]  }
0x1d7: {  	v2 =	vld [tilespmem:s0+$0xFFFFFFE0]  }
0x1d8: {  	v8 =	vld.idx.msk [tilespmem:v8+s15+$0x0], $0xffff  }
0x1d9: {  	v3 =	vld.idx.msk [tilespmem:v6+s15+$0x0], $0xffff  }
0x1da: {  	v6 =	vld.idx.msk [tilespmem:v10+s15+$0x0], $0xffff  }
.Ltmp6:
0x1db: {  	v4 =	vld.idx.msk [tilespmem:v7+s15+$0x0], $0xffff;
	(pc) =	sbr.rel @p1 .LBB2_14-.Ltmp6, $4  }
0x1dc: {  	v5 =	vld [tilespmem:s0+$0xFFFFFFF0]  }
0x1dd: {  	v7 =	vld [tilespmem:s0+$0x0]  }
0x1de: {  	[tilespmem:v12+s28+$0x0] =	vst.idx.add.f32.msk $0xffff, v8  }
0x1df: {  	s23 =	sadd.s32 $0x40, s23;
	[tilespmem:v11+s28+$0x0] =	vst.idx.add.f32.msk $0xffff, v9  }
0x1e0: {  	_ =	sdelay $0x3  }
0x1e1: {  	[tilespmem:v2+s28+$0x0] =	vst.idx.add.f32.msk $0xffff, v4  }
0x1e2: {  	[tilespmem:v5+s28+$0x0] =	vst.idx.add.f32.msk $0xffff, v3  }
0x1e3: {  	[tilespmem:v7+s28+$0x0] =	vst.idx.add.f32.msk $0xffff, v6  }
0x1e4: {  	s0 =	rddreg [dreg:$0xd]  }
0x1e5: {  	[tilespmem:s1], [sflag:$0x1] =	stream.linear.gather [hbm4b:s0+s1], $0x1F40, $0x38;
	[tilespmem:$0x19690] =	vst v63  }
0x1e6: {  	s3 =	rddreg [dreg:$0xe]  }
0x1e7: {  	[tilespmem:s16], [sflag:$0x3] =	stream.linear.gather [hbm4b:s3+s1], $0x1F40, $0x38;
	[tilespmem:$0x19690] =	vst v63  }
0x1e8: {  	_ =	swait.ge [sflag:s30], $0x1F40  }
0x1e9: {  	[sflag:s30] =	ssyncset.done $0x0  }
0x1ea: {  	[sflag:s30] =	ssyncadd.s32 $0xFFFFE0C0  }
0x1eb: {  	_ =	swait.ge [sflag:s31], $0x1F40  }
0x1ec: {  	[sflag:s31] =	ssyncset.done $0x0  }
0x1ed: {  	s23 =	simm.s32 $0x1F70;
	[sflag:s31] =	ssyncadd.s32 $0xFFFFE0C0  }
0x1ee: {  	v3 =	vld [tilespmem:s23+$0x0]  }
0x1ef: {  	v4 =	vld [tilespmem:s23+$0xFFFFFFE0]  }
0x1f0: {  	v5 =	vld [tilespmem:s23+$0xFFFFFFF0]  }
0x1f1: {  	v7 =	vld [tilespmem:s23+$0xFFFFFFD0];
	_ =	sdelay $0x1  }
0x1f2: {  	s0 =	simm.s32 $0x5DF0  }
0x1f3: {  	v8 =	vld [tilespmem:s0+$0x0]  }
0x1f4: {  	v2 =	vld [tilespmem:s0+$0xFFFFFFD0]  }
0x1f5: {  	v9 =	vld.idx.msk [tilespmem:v3+s15+$0x0], $0xffff  }
0x1f6: {  	v3 =	vld.idx.msk [tilespmem:v4+s15+$0x0], $0xffff  }
0x1f7: {  	v6 =	vld.idx.msk [tilespmem:v5+s15+$0x0], $0xffff  }
0x1f8: {  	v4 =	vld.idx.msk [tilespmem:v7+s15+$0x0], $0xffff  }
0x1f9: {  	v5 =	vld [tilespmem:s0+$0xFFFFFFE0]  }
0x1fa: {  	v7 =	vld [tilespmem:s0+$0xFFFFFFF0];
	_ =	sdelay $0x1  }
0x1fb: {  	s2 =	simm.s32 $0x0;
	s23 =	simm.s32 $0x1FB0;
	[tilespmem:v8+s28+$0x0] =	vst.idx.add.f32.msk $0xffff, v9  }
.LBB2_16:
0x1fc: {  	v8 =	vld [tilespmem:s23+$0x0];
	s2 =	sadd.s32 $0x4, s2;
	v9 =	vmov v6  }
0x1fd: {  	v6 =	vld [tilespmem:s23+$0xFFFFFFE0];
	p1 =	slt.u32 s2, $0x1F0  }
0x1fe: {  	v10 =	vld [tilespmem:s23+$0xFFFFFFF0];
	v11 =	vmov v7  }
0x1ff: {  	v7 =	vld [tilespmem:s23+$0xFFFFFFD0]  }
0x200: {  	[tilespmem:v2+s28+$0x0] =	vst.idx.add.f32.msk $0xffff, v4  }
0x201: {  	s0 =	sadd.s32 $0x40, s0;
	[tilespmem:v5+s28+$0x0] =	vst.idx.add.f32.msk $0xffff, v3  }
0x202: {  	v12 =	vld [tilespmem:s0+$0x0]  }
0x203: {  	v2 =	vld [tilespmem:s0+$0xFFFFFFD0]  }
0x204: {  	v8 =	vld.idx.msk [tilespmem:v8+s15+$0x0], $0xffff  }
0x205: {  	v3 =	vld.idx.msk [tilespmem:v6+s15+$0x0], $0xffff  }
0x206: {  	v6 =	vld.idx.msk [tilespmem:v10+s15+$0x0], $0xffff  }
.Ltmp7:
0x207: {  	v4 =	vld.idx.msk [tilespmem:v7+s15+$0x0], $0xffff;
	(pc) =	sbr.rel @p1 .LBB2_16-.Ltmp7, $4  }
0x208: {  	v5 =	vld [tilespmem:s0+$0xFFFFFFE0]  }
0x209: {  	v7 =	vld [tilespmem:s0+$0xFFFFFFF0]  }
0x20a: {  	[tilespmem:v12+s28+$0x0] =	vst.idx.add.f32.msk $0xffff, v8  }
0x20b: {  	s23 =	sadd.s32 $0x40, s23;
	[tilespmem:v11+s28+$0x0] =	vst.idx.add.f32.msk $0xffff, v9  }
0x20c: {  	_ =	sdelay $0x3  }
0x20d: {  	[tilespmem:v2+s28+$0x0] =	vst.idx.add.f32.msk $0xffff, v4  }
0x20e: {  	[tilespmem:v5+s28+$0x0] =	vst.idx.add.f32.msk $0xffff, v3  }
0x20f: {  	[tilespmem:v7+s28+$0x0] =	vst.idx.add.f32.msk $0xffff, v6  }
0x210: {  	s0 =	rddreg [dreg:$0xf]  }
0x211: {  	[tilespmem:s22], [sflag:$0x2] =	stream.linear.gather [hbm4b:s0+s1], $0x1F40, $0x38;
	[tilespmem:$0x19690] =	vst v63  }
0x212: {  	s3 =	rddreg [dreg:$0x10]  }
0x213: {  	[tilespmem:s24], [sflag:$0x4] =	stream.linear.gather [hbm4b:s3+s1], $0x1F40, $0x38;
	[tilespmem:$0x19690] =	vst v63  }
0x214: {  	_ =	swait.ge [sflag:s25], $0x1F40  }
0x215: {  	[sflag:s25] =	ssyncset.done $0x0  }
0x216: {  	[sflag:s25] =	ssyncadd.s32 $0xFFFFE0C0  }
0x217: {  	_ =	swait.ge [sflag:s26], $0x1F40  }
0x218: {  	[sflag:s26] =	ssyncset.done $0x0  }
0x219: {  	s23 =	simm.s32 $0x20;
	[sflag:s26] =	ssyncadd.s32 $0xFFFFE0C0  }
0x21a: {  	v3 =	vld [tilespmem:s23+$0x10]  }
0x21b: {  	v4 =	vld [tilespmem:s23+$0xFFFFFFF0]  }
0x21c: {  	v5 =	vld [tilespmem:s23+$0x0]  }
0x21d: {  	v7 =	vld [tilespmem:s23+$0xFFFFFFE0];
	_ =	sdelay $0x1  }
0x21e: {  	s0 =	simm.s32 $0x3EA0  }
0x21f: {  	v8 =	vld [tilespmem:s0+$0x10]  }
0x220: {  	v2 =	vld [tilespmem:s0+$0xFFFFFFE0]  }
0x221: {  	v9 =	vld.idx.msk [tilespmem:v3+s15+$0x0], $0xffff  }
0x222: {  	v3 =	vld.idx.msk [tilespmem:v4+s15+$0x0], $0xffff  }
0x223: {  	v6 =	vld.idx.msk [tilespmem:v5+s15+$0x0], $0xffff  }
0x224: {  	v4 =	vld.idx.msk [tilespmem:v7+s15+$0x0], $0xffff  }
0x225: {  	v5 =	vld [tilespmem:s0+$0xFFFFFFF0]  }
0x226: {  	v7 =	vld [tilespmem:s0+$0x0];
	_ =	sdelay $0x1  }
0x227: {  	s2 =	simm.s32 $0x0;
	s23 =	simm.s32 $0x60;
	[tilespmem:v8+s28+$0x0] =	vst.idx.add.f32.msk $0xffff, v9  }
.LBB2_18:
0x228: {  	v8 =	vld [tilespmem:s23+$0x10];
	s2 =	sadd.s32 $0x4, s2;
	v9 =	vmov v6  }
0x229: {  	v6 =	vld [tilespmem:s23+$0xFFFFFFF0];
	p1 =	slt.u32 s2, $0x1F0  }
0x22a: {  	v10 =	vld [tilespmem:s23+$0x0];
	v11 =	vmov v7  }
0x22b: {  	v7 =	vld [tilespmem:s23+$0xFFFFFFE0]  }
0x22c: {  	[tilespmem:v2+s28+$0x0] =	vst.idx.add.f32.msk $0xffff, v4  }
0x22d: {  	s0 =	sadd.s32 $0x40, s0;
	[tilespmem:v5+s28+$0x0] =	vst.idx.add.f32.msk $0xffff, v3  }
0x22e: {  	v12 =	vld [tilespmem:s0+$0x10]  }
0x22f: {  	v2 =	vld [tilespmem:s0+$0xFFFFFFE0]  }
0x230: {  	v8 =	vld.idx.msk [tilespmem:v8+s15+$0x0], $0xffff  }
0x231: {  	v3 =	vld.idx.msk [tilespmem:v6+s15+$0x0], $0xffff  }
0x232: {  	v6 =	vld.idx.msk [tilespmem:v10+s15+$0x0], $0xffff  }
.Ltmp8:
0x233: {  	v4 =	vld.idx.msk [tilespmem:v7+s15+$0x0], $0xffff;
	(pc) =	sbr.rel @p1 .LBB2_18-.Ltmp8, $4  }
0x234: {  	v5 =	vld [tilespmem:s0+$0xFFFFFFF0]  }
0x235: {  	v7 =	vld [tilespmem:s0+$0x0]  }
0x236: {  	[tilespmem:v12+s28+$0x0] =	vst.idx.add.f32.msk $0xffff, v8  }
0x237: {  	s23 =	sadd.s32 $0x40, s23;
	[tilespmem:v11+s28+$0x0] =	vst.idx.add.f32.msk $0xffff, v9  }
0x238: {  	_ =	sdelay $0x3  }
0x239: {  	[tilespmem:v2+s28+$0x0] =	vst.idx.add.f32.msk $0xffff, v4  }
0x23a: {  	[tilespmem:v5+s28+$0x0] =	vst.idx.add.f32.msk $0xffff, v3  }
0x23b: {  	[tilespmem:v7+s28+$0x0] =	vst.idx.add.f32.msk $0xffff, v6  }
0x23c: {  	s0 =	rddreg [dreg:$0x11]  }
0x23d: {  	[tilespmem:s1], [sflag:$0x1] =	stream.linear.gather [hbm4b:s0+s1], $0x1F40, $0x38;
	[tilespmem:$0x19690] =	vst v63  }
0x23e: {  	s3 =	rddreg [dreg:$0x12]  }
0x23f: {  	[tilespmem:s16], [sflag:$0x3] =	stream.linear.gather [hbm4b:s3+s1], $0x1F40, $0x38;
	[tilespmem:$0x19690] =	vst v63  }
0x240: {  	_ =	swait.ge [sflag:s30], $0x1F40  }
0x241: {  	[sflag:s30] =	ssyncset.done $0x0  }
0x242: {  	[sflag:s30] =	ssyncadd.s32 $0xFFFFE0C0  }
0x243: {  	_ =	swait.ge [sflag:s31], $0x1F40  }
0x244: {  	[sflag:s31] =	ssyncset.done $0x0  }
0x245: {  	s23 =	simm.s32 $0x1F70;
	[sflag:s31] =	ssyncadd.s32 $0xFFFFE0C0  }
0x246: {  	v3 =	vld [tilespmem:s23+$0x0]  }
0x247: {  	v4 =	vld [tilespmem:s23+$0xFFFFFFE0]  }
0x248: {  	v5 =	vld [tilespmem:s23+$0xFFFFFFF0]  }
0x249: {  	v7 =	vld [tilespmem:s23+$0xFFFFFFD0];
	_ =	sdelay $0x1  }
0x24a: {  	s0 =	simm.s32 $0x5DF0  }
0x24b: {  	v8 =	vld [tilespmem:s0+$0x0]  }
0x24c: {  	v2 =	vld [tilespmem:s0+$0xFFFFFFD0]  }
0x24d: {  	v9 =	vld.idx.msk [tilespmem:v3+s15+$0x0], $0xffff  }
0x24e: {  	v3 =	vld.idx.msk [tilespmem:v4+s15+$0x0], $0xffff  }
0x24f: {  	v6 =	vld.idx.msk [tilespmem:v5+s15+$0x0], $0xffff  }
0x250: {  	v4 =	vld.idx.msk [tilespmem:v7+s15+$0x0], $0xffff  }
0x251: {  	v5 =	vld [tilespmem:s0+$0xFFFFFFE0]  }
0x252: {  	v7 =	vld [tilespmem:s0+$0xFFFFFFF0];
	_ =	sdelay $0x1  }
0x253: {  	s2 =	simm.s32 $0x0;
	s23 =	simm.s32 $0x1FB0;
	[tilespmem:v8+s28+$0x0] =	vst.idx.add.f32.msk $0xffff, v9  }
.LBB2_20:
0x254: {  	v8 =	vld [tilespmem:s23+$0x0];
	s2 =	sadd.s32 $0x4, s2;
	v9 =	vmov v6  }
0x255: {  	v6 =	vld [tilespmem:s23+$0xFFFFFFE0];
	p1 =	slt.u32 s2, $0x1F0  }
0x256: {  	v10 =	vld [tilespmem:s23+$0xFFFFFFF0];
	v11 =	vmov v7  }
0x257: {  	v7 =	vld [tilespmem:s23+$0xFFFFFFD0]  }
0x258: {  	[tilespmem:v2+s28+$0x0] =	vst.idx.add.f32.msk $0xffff, v4  }
0x259: {  	s0 =	sadd.s32 $0x40, s0;
	[tilespmem:v5+s28+$0x0] =	vst.idx.add.f32.msk $0xffff, v3  }
0x25a: {  	v12 =	vld [tilespmem:s0+$0x0]  }
0x25b: {  	v2 =	vld [tilespmem:s0+$0xFFFFFFD0]  }
0x25c: {  	v8 =	vld.idx.msk [tilespmem:v8+s15+$0x0], $0xffff  }
0x25d: {  	v3 =	vld.idx.msk [tilespmem:v6+s15+$0x0], $0xffff  }
0x25e: {  	v6 =	vld.idx.msk [tilespmem:v10+s15+$0x0], $0xffff  }
.Ltmp9:
0x25f: {  	v4 =	vld.idx.msk [tilespmem:v7+s15+$0x0], $0xffff;
	(pc) =	sbr.rel @p1 .LBB2_20-.Ltmp9, $4  }
0x260: {  	v5 =	vld [tilespmem:s0+$0xFFFFFFE0]  }
0x261: {  	v7 =	vld [tilespmem:s0+$0xFFFFFFF0]  }
0x262: {  	[tilespmem:v12+s28+$0x0] =	vst.idx.add.f32.msk $0xffff, v8  }
0x263: {  	s23 =	sadd.s32 $0x40, s23;
	[tilespmem:v11+s28+$0x0] =	vst.idx.add.f32.msk $0xffff, v9  }
0x264: {  	_ =	sdelay $0x3  }
0x265: {  	[tilespmem:v2+s28+$0x0] =	vst.idx.add.f32.msk $0xffff, v4  }
0x266: {  	[tilespmem:v5+s28+$0x0] =	vst.idx.add.f32.msk $0xffff, v3  }
0x267: {  	[tilespmem:v7+s28+$0x0] =	vst.idx.add.f32.msk $0xffff, v6  }
0x268: {  	s0 =	rddreg [dreg:$0x13]  }
0x269: {  	[tilespmem:s22], [sflag:$0x2] =	stream.linear.gather [hbm4b:s0+s1], $0x1F40, $0x38;
	[tilespmem:$0x19690] =	vst v63  }
0x26a: {  	s3 =	rddreg [dreg:$0x14]  }
0x26b: {  	[tilespmem:s24], [sflag:$0x4] =	stream.linear.gather [hbm4b:s3+s1], $0x1F40, $0x38;
	[tilespmem:$0x19690] =	vst v63  }
0x26c: {  	_ =	swait.ge [sflag:s25], $0x1F40  }
0x26d: {  	[sflag:s25] =	ssyncset.done $0x0  }
0x26e: {  	[sflag:s25] =	ssyncadd.s32 $0xFFFFE0C0  }
0x26f: {  	_ =	swait.ge [sflag:s26], $0x1F40  }
0x270: {  	[sflag:s26] =	ssyncset.done $0x0  }
0x271: {  	s23 =	simm.s32 $0x20;
	[sflag:s26] =	ssyncadd.s32 $0xFFFFE0C0  }
0x272: {  	v3 =	vld [tilespmem:s23+$0x10]  }
0x273: {  	v4 =	vld [tilespmem:s23+$0xFFFFFFF0]  }
0x274: {  	v5 =	vld [tilespmem:s23+$0x0]  }
0x275: {  	v7 =	vld [tilespmem:s23+$0xFFFFFFE0];
	_ =	sdelay $0x1  }
0x276: {  	s0 =	simm.s32 $0x3EA0  }
0x277: {  	v8 =	vld [tilespmem:s0+$0x10]  }
0x278: {  	v2 =	vld [tilespmem:s0+$0xFFFFFFE0]  }
0x279: {  	v9 =	vld.idx.msk [tilespmem:v3+s15+$0x0], $0xffff  }
0x27a: {  	v3 =	vld.idx.msk [tilespmem:v4+s15+$0x0], $0xffff  }
0x27b: {  	v6 =	vld.idx.msk [tilespmem:v5+s15+$0x0], $0xffff  }
0x27c: {  	v4 =	vld.idx.msk [tilespmem:v7+s15+$0x0], $0xffff  }
0x27d: {  	v5 =	vld [tilespmem:s0+$0xFFFFFFF0]  }
0x27e: {  	v7 =	vld [tilespmem:s0+$0x0];
	_ =	sdelay $0x1  }
0x27f: {  	s2 =	simm.s32 $0x0;
	s23 =	simm.s32 $0x60;
	[tilespmem:v8+s28+$0x0] =	vst.idx.add.f32.msk $0xffff, v9  }
.LBB2_22:
0x280: {  	v8 =	vld [tilespmem:s23+$0x10];
	s2 =	sadd.s32 $0x4, s2;
	v9 =	vmov v6  }
0x281: {  	v6 =	vld [tilespmem:s23+$0xFFFFFFF0];
	p1 =	slt.u32 s2, $0x1F0  }
0x282: {  	v10 =	vld [tilespmem:s23+$0x0];
	v11 =	vmov v7  }
0x283: {  	v7 =	vld [tilespmem:s23+$0xFFFFFFE0]  }
0x284: {  	[tilespmem:v2+s28+$0x0] =	vst.idx.add.f32.msk $0xffff, v4  }
0x285: {  	s0 =	sadd.s32 $0x40, s0;
	[tilespmem:v5+s28+$0x0] =	vst.idx.add.f32.msk $0xffff, v3  }
0x286: {  	v12 =	vld [tilespmem:s0+$0x10]  }
0x287: {  	v2 =	vld [tilespmem:s0+$0xFFFFFFE0]  }
0x288: {  	v8 =	vld.idx.msk [tilespmem:v8+s15+$0x0], $0xffff  }
0x289: {  	v3 =	vld.idx.msk [tilespmem:v6+s15+$0x0], $0xffff  }
0x28a: {  	v6 =	vld.idx.msk [tilespmem:v10+s15+$0x0], $0xffff  }
.Ltmp10:
0x28b: {  	v4 =	vld.idx.msk [tilespmem:v7+s15+$0x0], $0xffff;
	(pc) =	sbr.rel @p1 .LBB2_22-.Ltmp10, $4  }
0x28c: {  	v5 =	vld [tilespmem:s0+$0xFFFFFFF0]  }
0x28d: {  	v7 =	vld [tilespmem:s0+$0x0]  }
0x28e: {  	[tilespmem:v12+s28+$0x0] =	vst.idx.add.f32.msk $0xffff, v8  }
0x28f: {  	s23 =	sadd.s32 $0x40, s23;
	[tilespmem:v11+s28+$0x0] =	vst.idx.add.f32.msk $0xffff, v9  }
0x290: {  	_ =	sdelay $0x3  }
0x291: {  	[tilespmem:v2+s28+$0x0] =	vst.idx.add.f32.msk $0xffff, v4  }
0x292: {  	[tilespmem:v5+s28+$0x0] =	vst.idx.add.f32.msk $0xffff, v3  }
0x293: {  	[tilespmem:v7+s28+$0x0] =	vst.idx.add.f32.msk $0xffff, v6  }
0x294: {  	s0 =	rddreg [dreg:$0x15]  }
0x295: {  	[tilespmem:s1], [sflag:$0x1] =	stream.linear.gather [hbm4b:s0+s1], $0x1F40, $0x38;
	[tilespmem:$0x19690] =	vst v63  }
0x296: {  	s3 =	rddreg [dreg:$0x16]  }
0x297: {  	[tilespmem:s16], [sflag:$0x3] =	stream.linear.gather [hbm4b:s3+s1], $0x1F40, $0x38;
	[tilespmem:$0x19690] =	vst v63  }
0x298: {  	_ =	swait.ge [sflag:s30], $0x1F40  }
0x299: {  	[sflag:s30] =	ssyncset.done $0x0  }
0x29a: {  	[sflag:s30] =	ssyncadd.s32 $0xFFFFE0C0  }
0x29b: {  	_ =	swait.ge [sflag:s31], $0x1F40  }
0x29c: {  	[sflag:s31] =	ssyncset.done $0x0  }
0x29d: {  	s23 =	simm.s32 $0x1F70;
	[sflag:s31] =	ssyncadd.s32 $0xFFFFE0C0  }
0x29e: {  	v3 =	vld [tilespmem:s23+$0x0]  }
0x29f: {  	v4 =	vld [tilespmem:s23+$0xFFFFFFE0]  }
0x2a0: {  	v5 =	vld [tilespmem:s23+$0xFFFFFFF0]  }
0x2a1: {  	v7 =	vld [tilespmem:s23+$0xFFFFFFD0];
	_ =	sdelay $0x1  }
0x2a2: {  	s0 =	simm.s32 $0x5DF0  }
0x2a3: {  	v8 =	vld [tilespmem:s0+$0x0]  }
0x2a4: {  	v2 =	vld [tilespmem:s0+$0xFFFFFFD0]  }
0x2a5: {  	v9 =	vld.idx.msk [tilespmem:v3+s15+$0x0], $0xffff  }
0x2a6: {  	v3 =	vld.idx.msk [tilespmem:v4+s15+$0x0], $0xffff  }
0x2a7: {  	v6 =	vld.idx.msk [tilespmem:v5+s15+$0x0], $0xffff  }
0x2a8: {  	v4 =	vld.idx.msk [tilespmem:v7+s15+$0x0], $0xffff  }
0x2a9: {  	v5 =	vld [tilespmem:s0+$0xFFFFFFE0]  }
0x2aa: {  	v7 =	vld [tilespmem:s0+$0xFFFFFFF0];
	_ =	sdelay $0x1  }
0x2ab: {  	s2 =	simm.s32 $0x0;
	s23 =	simm.s32 $0x1FB0;
	[tilespmem:v8+s28+$0x0] =	vst.idx.add.f32.msk $0xffff, v9  }
.LBB2_24:
0x2ac: {  	v8 =	vld [tilespmem:s23+$0x0];
	s2 =	sadd.s32 $0x4, s2;
	v9 =	vmov v6  }
0x2ad: {  	v6 =	vld [tilespmem:s23+$0xFFFFFFE0];
	p1 =	slt.u32 s2, $0x1F0  }
0x2ae: {  	v10 =	vld [tilespmem:s23+$0xFFFFFFF0];
	v11 =	vmov v7  }
0x2af: {  	v7 =	vld [tilespmem:s23+$0xFFFFFFD0]  }
0x2b0: {  	[tilespmem:v2+s28+$0x0] =	vst.idx.add.f32.msk $0xffff, v4  }
0x2b1: {  	s0 =	sadd.s32 $0x40, s0;
	[tilespmem:v5+s28+$0x0] =	vst.idx.add.f32.msk $0xffff, v3  }
0x2b2: {  	v12 =	vld [tilespmem:s0+$0x0]  }
0x2b3: {  	v2 =	vld [tilespmem:s0+$0xFFFFFFD0]  }
0x2b4: {  	v8 =	vld.idx.msk [tilespmem:v8+s15+$0x0], $0xffff  }
0x2b5: {  	v3 =	vld.idx.msk [tilespmem:v6+s15+$0x0], $0xffff  }
0x2b6: {  	v6 =	vld.idx.msk [tilespmem:v10+s15+$0x0], $0xffff  }
.Ltmp11:
0x2b7: {  	v4 =	vld.idx.msk [tilespmem:v7+s15+$0x0], $0xffff;
	(pc) =	sbr.rel @p1 .LBB2_24-.Ltmp11, $4  }
0x2b8: {  	v5 =	vld [tilespmem:s0+$0xFFFFFFE0]  }
0x2b9: {  	v7 =	vld [tilespmem:s0+$0xFFFFFFF0]  }
0x2ba: {  	[tilespmem:v12+s28+$0x0] =	vst.idx.add.f32.msk $0xffff, v8  }
0x2bb: {  	s23 =	sadd.s32 $0x40, s23;
	[tilespmem:v11+s28+$0x0] =	vst.idx.add.f32.msk $0xffff, v9  }
0x2bc: {  	_ =	sdelay $0x3  }
0x2bd: {  	[tilespmem:v2+s28+$0x0] =	vst.idx.add.f32.msk $0xffff, v4  }
0x2be: {  	[tilespmem:v5+s28+$0x0] =	vst.idx.add.f32.msk $0xffff, v3  }
0x2bf: {  	[tilespmem:v7+s28+$0x0] =	vst.idx.add.f32.msk $0xffff, v6  }
0x2c0: {  	s0 =	rddreg [dreg:$0x19]  }
0x2c1: {  	[tilespmem:s22], [sflag:$0x2] =	stream.linear.gather [hbm4b:s0+s1], $0x1F40, $0x38;
	[tilespmem:$0x19690] =	vst v63  }
0x2c2: {  	s3 =	rddreg [dreg:$0x1a]  }
0x2c3: {  	[tilespmem:s24], [sflag:$0x4] =	stream.linear.gather [hbm4b:s3+s1], $0x1F40, $0x38;
	[tilespmem:$0x19690] =	vst v63  }
0x2c4: {  	_ =	swait.ge [sflag:s25], $0x1F40  }
0x2c5: {  	[sflag:s25] =	ssyncset.done $0x0  }
0x2c6: {  	[sflag:s25] =	ssyncadd.s32 $0xFFFFE0C0  }
0x2c7: {  	_ =	swait.ge [sflag:s26], $0x1F40  }
0x2c8: {  	[sflag:s26] =	ssyncset.done $0x0  }
0x2c9: {  	s23 =	simm.s32 $0x20;
	[sflag:s26] =	ssyncadd.s32 $0xFFFFE0C0  }
0x2ca: {  	v3 =	vld [tilespmem:s23+$0x10]  }
0x2cb: {  	v4 =	vld [tilespmem:s23+$0xFFFFFFF0]  }
0x2cc: {  	v5 =	vld [tilespmem:s23+$0x0]  }
0x2cd: {  	v7 =	vld [tilespmem:s23+$0xFFFFFFE0];
	_ =	sdelay $0x1  }
0x2ce: {  	s0 =	simm.s32 $0x3EA0  }
0x2cf: {  	v8 =	vld [tilespmem:s0+$0x10]  }
0x2d0: {  	v2 =	vld [tilespmem:s0+$0xFFFFFFE0]  }
0x2d1: {  	v9 =	vld.idx.msk [tilespmem:v3+s15+$0x0], $0xffff  }
0x2d2: {  	v3 =	vld.idx.msk [tilespmem:v4+s15+$0x0], $0xffff  }
0x2d3: {  	v6 =	vld.idx.msk [tilespmem:v5+s15+$0x0], $0xffff  }
0x2d4: {  	v4 =	vld.idx.msk [tilespmem:v7+s15+$0x0], $0xffff  }
0x2d5: {  	v5 =	vld [tilespmem:s0+$0xFFFFFFF0]  }
0x2d6: {  	v7 =	vld [tilespmem:s0+$0x0];
	_ =	sdelay $0x1  }
0x2d7: {  	s2 =	simm.s32 $0x0;
	s23 =	simm.s32 $0x60;
	[tilespmem:v8+s28+$0x0] =	vst.idx.add.f32.msk $0xffff, v9  }
.LBB2_26:
0x2d8: {  	v8 =	vld [tilespmem:s23+$0x10];
	s2 =	sadd.s32 $0x4, s2;
	v9 =	vmov v6  }
0x2d9: {  	v6 =	vld [tilespmem:s23+$0xFFFFFFF0];
	p1 =	slt.u32 s2, $0x1F0  }
0x2da: {  	v10 =	vld [tilespmem:s23+$0x0];
	v11 =	vmov v7  }
0x2db: {  	v7 =	vld [tilespmem:s23+$0xFFFFFFE0]  }
0x2dc: {  	[tilespmem:v2+s28+$0x0] =	vst.idx.add.f32.msk $0xffff, v4  }
0x2dd: {  	s0 =	sadd.s32 $0x40, s0;
	[tilespmem:v5+s28+$0x0] =	vst.idx.add.f32.msk $0xffff, v3  }
0x2de: {  	v12 =	vld [tilespmem:s0+$0x10]  }
0x2df: {  	v2 =	vld [tilespmem:s0+$0xFFFFFFE0]  }
0x2e0: {  	v8 =	vld.idx.msk [tilespmem:v8+s15+$0x0], $0xffff  }
0x2e1: {  	v3 =	vld.idx.msk [tilespmem:v6+s15+$0x0], $0xffff  }
0x2e2: {  	v6 =	vld.idx.msk [tilespmem:v10+s15+$0x0], $0xffff  }
.Ltmp12:
0x2e3: {  	v4 =	vld.idx.msk [tilespmem:v7+s15+$0x0], $0xffff;
	(pc) =	sbr.rel @p1 .LBB2_26-.Ltmp12, $4  }
0x2e4: {  	v5 =	vld [tilespmem:s0+$0xFFFFFFF0]  }
0x2e5: {  	v7 =	vld [tilespmem:s0+$0x0]  }
0x2e6: {  	[tilespmem:v12+s28+$0x0] =	vst.idx.add.f32.msk $0xffff, v8  }
0x2e7: {  	s23 =	sadd.s32 $0x40, s23;
	[tilespmem:v11+s28+$0x0] =	vst.idx.add.f32.msk $0xffff, v9  }
0x2e8: {  	_ =	sdelay $0x3  }
0x2e9: {  	[tilespmem:v2+s28+$0x0] =	vst.idx.add.f32.msk $0xffff, v4  }
0x2ea: {  	[tilespmem:v5+s28+$0x0] =	vst.idx.add.f32.msk $0xffff, v3  }
0x2eb: {  	[tilespmem:v7+s28+$0x0] =	vst.idx.add.f32.msk $0xffff, v6  }
0x2ec: {  	_ =	swait.ge [sflag:s30], $0x1F40  }
0x2ed: {  	[sflag:s30] =	ssyncset.done $0x0  }
0x2ee: {  	[sflag:s30] =	ssyncadd.s32 $0xFFFFE0C0  }
0x2ef: {  	_ =	swait.ge [sflag:s31], $0x1F40  }
0x2f0: {  	[sflag:s31] =	ssyncset.done $0x0  }
0x2f1: {  	s0 =	simm.s32 $0x1F70;
	[sflag:s31] =	ssyncadd.s32 $0xFFFFE0C0  }
0x2f2: {  	v3 =	vld [tilespmem:s0+$0x0]  }
0x2f3: {  	v4 =	vld [tilespmem:s0+$0xFFFFFFE0]  }
0x2f4: {  	v5 =	vld [tilespmem:s0+$0xFFFFFFF0]  }
0x2f5: {  	v7 =	vld [tilespmem:s0+$0xFFFFFFD0];
	_ =	sdelay $0x1  }
0x2f6: {  	s0 =	simm.s32 $0x5DF0  }
0x2f7: {  	v8 =	vld [tilespmem:s0+$0x0]  }
0x2f8: {  	v2 =	vld [tilespmem:s0+$0xFFFFFFD0]  }
0x2f9: {  	v9 =	vld.idx.msk [tilespmem:v3+s15+$0x0], $0xffff  }
0x2fa: {  	v3 =	vld.idx.msk [tilespmem:v4+s15+$0x0], $0xffff  }
0x2fb: {  	v6 =	vld.idx.msk [tilespmem:v5+s15+$0x0], $0xffff  }
0x2fc: {  	v4 =	vld.idx.msk [tilespmem:v7+s15+$0x0], $0xffff  }
0x2fd: {  	v5 =	vld [tilespmem:s0+$0xFFFFFFE0]  }
0x2fe: {  	v7 =	vld [tilespmem:s0+$0xFFFFFFF0];
	_ =	sdelay $0x1  }
0x2ff: {  	s2 =	simm.s32 $0x0;
	s23 =	simm.s32 $0x1FB0;
	[tilespmem:v8+s28+$0x0] =	vst.idx.add.f32.msk $0xffff, v9  }
.LBB2_28:
0x300: {  	v8 =	vld [tilespmem:s23+$0x0];
	s2 =	sadd.s32 $0x4, s2;
	v9 =	vmov v6  }
0x301: {  	v6 =	vld [tilespmem:s23+$0xFFFFFFE0];
	p1 =	slt.u32 s2, $0x1F0  }
0x302: {  	v10 =	vld [tilespmem:s23+$0xFFFFFFF0];
	v11 =	vmov v7  }
0x303: {  	v7 =	vld [tilespmem:s23+$0xFFFFFFD0]  }
0x304: {  	[tilespmem:v2+s28+$0x0] =	vst.idx.add.f32.msk $0xffff, v4  }
0x305: {  	s0 =	sadd.s32 $0x40, s0;
	[tilespmem:v5+s28+$0x0] =	vst.idx.add.f32.msk $0xffff, v3  }
0x306: {  	v12 =	vld [tilespmem:s0+$0x0]  }
0x307: {  	v2 =	vld [tilespmem:s0+$0xFFFFFFD0]  }
0x308: {  	v8 =	vld.idx.msk [tilespmem:v8+s15+$0x0], $0xffff  }
0x309: {  	v3 =	vld.idx.msk [tilespmem:v6+s15+$0x0], $0xffff  }
0x30a: {  	v6 =	vld.idx.msk [tilespmem:v10+s15+$0x0], $0xffff  }
.Ltmp13:
0x30b: {  	v4 =	vld.idx.msk [tilespmem:v7+s15+$0x0], $0xffff;
	(pc) =	sbr.rel @p1 .LBB2_28-.Ltmp13, $4  }
0x30c: {  	v5 =	vld [tilespmem:s0+$0xFFFFFFE0]  }
0x30d: {  	v7 =	vld [tilespmem:s0+$0xFFFFFFF0]  }
0x30e: {  	[tilespmem:v12+s28+$0x0] =	vst.idx.add.f32.msk $0xffff, v8  }
0x30f: {  	s23 =	sadd.s32 $0x40, s23;
	[tilespmem:v11+s28+$0x0] =	vst.idx.add.f32.msk $0xffff, v9  }
0x310: {  	_ =	sdelay $0x3  }
0x311: {  	[tilespmem:v2+s28+$0x0] =	vst.idx.add.f32.msk $0xffff, v4  }
0x312: {  	[tilespmem:v5+s28+$0x0] =	vst.idx.add.f32.msk $0xffff, v3  }
0x313: {  	[tilespmem:v7+s28+$0x0] =	vst.idx.add.f32.msk $0xffff, v6  }
0x314: {  	s0 =	rddreg [dreg:$0x1e]  }
0x315: {  	[hbm4b:s0+s1] =	stream.linear.scatter [tilespmem:s28], [sflag:$0x7], $0x2800, $0x38;
	[tilespmem:$0x19690] =	vst v63  }
0x316: {  	_ =	swait.ge [sflag:s19], $0x2800  }
0x317: {  	s20 =	sadd.s32 $0x1, s20;
	s23 =	rddreg [dreg:$0x1f]  }
0x318: {  	p1 =	sne.s32 s20, s23  }
.Ltmp14:
0x319: {  	_ = 	snop;
	(pc) =	sbr.rel @p1 .LBB2_1-.Ltmp14, $3  }
0x31a: {  	_ =	sdelay $0x1  }
0x31b: {  	[sflag:s19] =	ssyncset.done $0x0  }
0x31c: {  	[sflag:s19] =	ssyncadd.s32 $0xFFFFD800  }
0x31d: {  	_ =	sfence.sel $0x180000  }
0x31e: {  	[bflag:$0x0] =	sbarrier.arrive $0xFFFF  }
0x31f: {  	_ =	strace $0x90000047  }
0x320: {  	s0 =	stileid.u32;
	[bflag:$0x2] =	sbarrier.arrive $0xFFFF  }
0x321: {  	p0 =	sne.s32 s0, $0x0;
	s0 =	rddreg [dreg:$0x4]  }
0x322: {  	s0 =	sadd.s32 @!p0 $0x100000, s0  }
0x323: {  	[sflag:s0] =	ssyncadd.tile.s32 @!p0 $0x1;
	_ =	shalt  }
.Lfunc_end2:
_tile_overlayer_lowered:
.L_overlay_start_2:
0x324: {  	(tag) =	ssettag $0x2  }
0x325: {  	s0 =	rddreg [dreg:$0x0];
	s2 =	stileid.u32  }
0x326: {  	s1 =	rddreg [dreg:$0x1];
	p0 =	sne.s32 s2, $0x0  }
0x327: {  	s3 =	rddreg [dreg:$0x2];
	[bflag:$0x3] =	sbarrier.arrive $0xFFFF;
	s2 =	simm.s32 @!p0 $0x1C07  }
0x328: {  	[timem:s3], [sflag:s2] =	dma.local @!p0 [hbm:s0], s1  }
0x329: {  	s0 =	simm.s32 @!p0 $0x7  }
0x32a: {  	_ =	swait.ge @!p0 [sflag:s0], s1  }
0x32b: {  	s1 =	ssub.s32 @!p0 $0x0, s1;
	[sflag:s0] =	ssyncset.done @!p0 $0x0  }
0x32c: {  	[sflag:s0] =	ssyncadd.s32 @!p0 s1  }
0x32d: {  	[bflag:$0x3] =	sbarrier.arrive $0xFFFF  }
0x32e: {  	_ =	shalt  }

</sc_bundles>
